<compile_context>
chip_gen: v7x
topology: tpu7x:2x2x1
jax: 0.10.2.dev20260603
libtpu: 0.0.44.dev20260713+nightly
codegen_flags: <defaults>
</compile_context>

<pallas_src>
import functools

import jax
import jax.numpy as jnp
from jax import lax
from jax.experimental import pallas as pl
from jax.experimental.pallas import tpu as pltpu
from jax.experimental.pallas import tpu_sc as plsc

N = 10000
E = 320000
D = 128
S = 16

NC = 2
NS = 16
NW = NC * NS
EPT = E // NW
CH = 80
NCH = EPT // CH
NP = 10112
RPT = NP // NS
DH = D // 2

_MESH = dict(core_axis_name="c", subcore_axis_name="s", num_cores=NC,
             num_subcores=NS)
_SC_PARAMS = pltpu.CompilerParams(use_tc_tiling_on_sc=False)


def _make_deg_kernel():
    mesh = plsc.VectorSubcoreMesh(**_MESH)

    @functools.partial(
        pl.kernel,
        out_type=jax.ShapeDtypeStruct((NC, NP, 8), jnp.float32),
        mesh=mesh,
        compiler_params=_SC_PARAMS,
        scratch_types=[
            pltpu.VMEM((NCH, CH), jnp.int32),
            pltpu.VMEM((CH, 8), jnp.float32),
            pltpu.VMEM_SHARED((NP, 8), jnp.float32),
        ],
    )
    def deg_kernel(dst3, ones_h, z16, out, dstv, onesv, deg_sh):
        cid = lax.axis_index("c")
        sid = lax.axis_index("s")
        wid = sid * NC + cid
        pltpu.sync_copy(z16.at[pl.ds(sid * RPT, RPT)],
                        deg_sh.at[pl.ds(sid * RPT, RPT)])
        pltpu.sync_copy(dst3.at[wid], dstv)
        pltpu.sync_copy(ones_h, onesv)
        plsc.subcore_barrier()

        def body(ck, carry):
            pltpu.sync_copy(onesv, deg_sh.at[dstv.at[ck]], add=True)
            return carry

        lax.fori_loop(0, NCH, body, 0)
        plsc.subcore_barrier()
        pltpu.sync_copy(deg_sh.at[pl.ds(sid * RPT, RPT)],
                        out.at[cid].at[pl.ds(sid * RPT, RPT)])

    return deg_kernel


def _make_spmm_kernel():
    mesh = plsc.VectorSubcoreMesh(**_MESH)

    @functools.partial(
        pl.kernel,
        out_type=jax.ShapeDtypeStruct((NC, NP, D), jnp.float32),
        mesh=mesh,
        compiler_params=_SC_PARAMS,
        scratch_types=[
            pltpu.VMEM((NCH, CH), jnp.int32),
            pltpu.VMEM((NCH, CH), jnp.int32),
            pltpu.VMEM((NCH, CH), jnp.int32),
            [pltpu.VMEM((CH, DH), jnp.float32)] * 4,
            [pltpu.SemaphoreType.DMA] * 4,
            [pltpu.SemaphoreType.DMA] * 4,
            pltpu.VMEM_SHARED((NP, DH), jnp.float32),
        ],
    )
    def spmm_kernel(hs2n, src3, dst3, zh, out,
                    sva, svb, dstv, rb, gsem, ssem, acc_sh):
        cid = lax.axis_index("c")
        sid = lax.axis_index("s")
        wid = sid * NC + cid
        pltpu.sync_copy(src3.at[wid], sva)
        pltpu.sync_copy(dst3.at[wid], dstv)

        def dbl_body(r, carry):
            for j in range(CH // 16):
                v = sva[r, pl.ds(16 * j, 16)]
                sva[r, pl.ds(16 * j, 16)] = v + v
                svb[r, pl.ds(16 * j, 16)] = v + v + 1
            return carry

        lax.fori_loop(0, NCH, dbl_body, 0)

        for half, sv in ((0, sva), (1, svb)):
            pltpu.sync_copy(zh.at[pl.ds(sid * RPT, RPT)],
                            acc_sh.at[pl.ds(sid * RPT, RPT)])
            plsc.subcore_barrier()

            def start_g(ck, j):
                pltpu.async_copy(hs2n.at[sv.at[ck]], rb[j], gsem[j])

            def wait_g(ck, j):
                pltpu.make_async_copy(hs2n.at[sv.at[ck]], rb[j],
                                      gsem[j]).wait()

            def start_s(ck, j):
                pltpu.async_copy(rb[j], acc_sh.at[dstv.at[ck]], ssem[j],
                                 add=True)

            def wait_s(ck, j):
                pltpu.make_async_copy(rb[j], acc_sh.at[dstv.at[ck]],
                                      ssem[j]).wait()

            start_g(0, 0)
            for c in (1, 2, 3):
                start_g(c, c)
                wait_g(c - 1, c - 1)
                start_s(c - 1, c - 1)

            def body(i, carry):
                for j in range(4):
                    c = 4 * i + j
                    wait_s(c - 4, j)
                    start_g(c, j)
                    wait_g(c - 1, (j - 1) % 4)
                    start_s(c - 1, (j - 1) % 4)
                return carry

            lax.fori_loop(1, (NCH - 1) // 4, body, 0)
            c_last = NCH - 1
            wait_s(c_last - 4, 0)
            start_g(c_last, 0)
            wait_g(c_last - 1, 3)
            start_s(c_last - 1, 3)
            wait_g(c_last, 0)
            start_s(c_last, 0)
            wait_s(c_last - 3, 1)
            wait_s(c_last - 2, 2)
            wait_s(c_last - 1, 3)
            wait_s(c_last, 0)
            plsc.subcore_barrier()
            pltpu.sync_copy(
                acc_sh.at[pl.ds(sid * RPT, RPT)],
                out.at[cid].at[pl.ds(sid * RPT, RPT), pl.ds(half * DH, DH)])

    return spmm_kernel


_deg_call = _make_deg_kernel()
_spmm_call = _make_spmm_kernel()


RB = 2000


def _dinv_from_cnt(cnt_ref):
    deg = cnt_ref[0, :, 0:1] + cnt_ref[1, :, 0:1] + 2.0
    return lax.rsqrt(deg)


def _ln(m, g, b):
    mu = jnp.mean(m, axis=-1, keepdims=True)
    var = jnp.mean((m - mu) ** 2, axis=-1, keepdims=True)
    return (m - mu) * lax.rsqrt(var + 1e-5) * g + b


def _tc1_body(cnt_ref, x_ref, W1_ref, hs1_ref):
    dinv = _dinv_from_cnt(cnt_ref)
    h = jnp.dot(x_ref[...], W1_ref[...], preferred_element_type=jnp.float32)
    hs1_ref[...] = h * dinv


def _tc2_body(cnt_ref, acc_ref, hs1_ref, b1_ref, g1_ref, bt1_ref, W2_ref,
              hs2_ref):
    dinv = _dinv_from_cnt(cnt_ref)
    m = (acc_ref[0] + acc_ref[1] + 2.0 * hs1_ref[...]) * dinv + b1_ref[...]
    h1 = jax.nn.relu(_ln(m, g1_ref[...], bt1_ref[...]))
    h = jnp.dot(h1, W2_ref[...], preferred_element_type=jnp.float32)
    hs2_ref[...] = h * dinv


def _tc3_body(cnt_ref, acc_ref, hs2_ref, b2_ref, g2_ref, bt2_ref,
              sW_ref, sb_ref, eW_ref, eb_ref, x_ref, out_ref):
    dinv = _dinv_from_cnt(cnt_ref)
    m = (acc_ref[0] + acc_ref[1] + 2.0 * hs2_ref[...]) * dinv + b2_ref[...]
    h2 = _ln(m, g2_ref[...], bt2_ref[...])
    s = jax.nn.relu(
        jnp.dot(h2, sW_ref[...], preferred_element_type=jnp.float32)
        + sb_ref[...])
    w = jax.nn.sigmoid(
        jnp.dot(s, eW_ref[...], preferred_element_type=jnp.float32)
        + eb_ref[...])
    out_ref[...] = jax.nn.relu(h2 * w + x_ref[...])


_CNT_SPEC = pl.BlockSpec((NC, RB, 8), lambda i: (0, i, 0))
_ROW_SPEC = pl.BlockSpec((RB, D), lambda i: (i, 0))
_ACC_SPEC = pl.BlockSpec((NC, RB, D), lambda i: (0, i, 0))


def _full(shape):
    return pl.BlockSpec(shape, lambda i: tuple(0 for _ in shape))


def _tc1(cnt, x, W1):
    return pl.pallas_call(
        _tc1_body,
        grid=(N // RB,),
        in_specs=[_CNT_SPEC, _ROW_SPEC, _full((D, D))],
        out_specs=_ROW_SPEC,
        out_shape=jax.ShapeDtypeStruct((N, D), jnp.float32),
    )(cnt, x, W1)


def _tc2(cnt, acc1, hs1, b1, g1, bt1, W2):
    return pl.pallas_call(
        _tc2_body,
        grid=(N // RB,),
        in_specs=[_CNT_SPEC, _ACC_SPEC, _ROW_SPEC,
                  _full((1, D)), _full((1, D)), _full((1, D)), _full((D, D))],
        out_specs=_ROW_SPEC,
        out_shape=jax.ShapeDtypeStruct((N, D), jnp.float32),
    )(cnt, acc1, hs1, b1, g1, bt1, W2)


def _tc3(cnt, acc2, hs2, b2, g2, bt2, sW, sb, eW, eb, x):
    return pl.pallas_call(
        _tc3_body,
        grid=(N // RB,),
        in_specs=[_CNT_SPEC, _ACC_SPEC, _ROW_SPEC,
                  _full((1, D)), _full((1, D)), _full((1, D)),
                  _full((D, S)), _full((1, S)), _full((S, D)), _full((1, D)),
                  _ROW_SPEC],
        out_specs=_ROW_SPEC,
        out_shape=jax.ShapeDtypeStruct((N, D), jnp.float32),
    )(cnt, acc2, hs2, b2, g2, bt2, sW, sb, eW, eb, x)


def kernel(x, edge_index, W1, b1, W2, b2, ln1_g, ln1_b, ln2_g, ln2_b,
           se_sW, se_sb, se_eW, se_eb):
    ei = edge_index.astype(jnp.int32)
    src3 = ei[0].reshape(NW, NCH, CH)
    dst3 = ei[1].reshape(NW, NCH, CH)
    ones16 = jnp.ones((CH, 8), jnp.float32)
    z16 = jnp.zeros((NP, 8), jnp.float32)
    zh = jnp.zeros((NP, DH), jnp.float32)

    cnt = _deg_call(dst3, ones16, z16)
    hs1 = _tc1(cnt, x, W1)
    acc1 = _spmm_call(hs1.reshape(2 * N, DH), src3, dst3, zh)
    hs2 = _tc2(cnt, acc1, hs1, b1.reshape(1, D), ln1_g.reshape(1, D),
               ln1_b.reshape(1, D), W2)
    acc2 = _spmm_call(hs2.reshape(2 * N, DH), src3, dst3, zh)
    out = _tc3(cnt, acc2, hs2, b2.reshape(1, D), ln2_g.reshape(1, D),
               ln2_b.reshape(1, D), se_sW, se_sb.reshape(1, S), se_eW,
               se_eb.reshape(1, D), x)
    return out

# --- scband reference (transcript-rebuilt; emitter-appended) ---
"""Pipeline reference for scband-gcnblock-15109694947953 (READ-ONLY COPY).

The authoritative reference and input builder live on the scoring server;
editing this copy changes nothing except your own understanding.
"""

import jax, jax.numpy as jnp
import numpy as np

N = 10000
E = 320000
D = 128
S = 16  # int(128 * 0.125)


def layer_norm(x, g, b):
    mu = jnp.mean(x, axis=-1, keepdims=True)
    var = jnp.mean((x - mu) ** 2, axis=-1, keepdims=True)
    return (x - mu) / jnp.sqrt(var + 1e-5) * g + b


def gcn_conv(x, edge_index, W, b):
    # PyG GCNConv with improved=True: A_hat = A + 2I, sym norm D^-1/2 A_hat D^-1/2
    n = x.shape[0]
    src = edge_index[0]
    dst = edge_index[1]
    loop = jnp.arange(n, dtype=src.dtype)
    src_f = jnp.concatenate([src, loop])
    dst_f = jnp.concatenate([dst, loop])
    ew = jnp.concatenate([
        jnp.ones((src.shape[0],), dtype=x.dtype),
        jnp.full((n,), 2.0, dtype=x.dtype),  # improved -> self-loop weight 2
    ])
    deg = jax.ops.segment_sum(ew, dst_f, num_segments=n)
    dinv = jnp.where(deg > 0, 1.0 / jnp.sqrt(deg), 0.0)
    norm = dinv[src_f] * ew * dinv[dst_f]
    h = x @ W  # lin (no bias in PyG lin; conv bias added after aggregation)
    msg = jnp.take(h, src_f, axis=0) * norm[:, None]
    out = jax.ops.segment_sum(msg, dst_f, num_segments=n)
    return out + b


def setup_inputs(seed: int = 0) -> dict:
    key = jax.random.key(seed)
    ks = jax.random.split(key, 16)
    x = jax.random.normal(ks[0], (N, D), dtype=jnp.float32)
    edge_index = jax.random.randint(ks[1], (2, E), 0, N)
    s = 1.0 / np.sqrt(D)
    ss = 1.0 / np.sqrt(S)
    W1 = jax.random.normal(ks[2], (D, D), dtype=jnp.float32) * s
    b1 = jnp.zeros((D,), dtype=jnp.float32)
    W2 = jax.random.normal(ks[3], (D, D), dtype=jnp.float32) * s
    b2 = jnp.zeros((D,), dtype=jnp.float32)
    ln1_g = jnp.ones((D,), dtype=jnp.float32)
    ln1_b = jnp.zeros((D,), dtype=jnp.float32)
    ln2_g = jnp.ones((D,), dtype=jnp.float32)
    ln2_b = jnp.zeros((D,), dtype=jnp.float32)
    se_sW = jax.random.normal(ks[4], (D, S), dtype=jnp.float32) * s
    se_sb = jnp.zeros((S,), dtype=jnp.float32)
    se_eW = jax.random.normal(ks[5], (S, D), dtype=jnp.float32) * ss
    se_eb = jnp.zeros((D,), dtype=jnp.float32)
    return {
        "x": x, "edge_index": edge_index,
        "W1": W1, "b1": b1, "W2": W2, "b2": b2,
        "ln1_g": ln1_g, "ln1_b": ln1_b, "ln2_g": ln2_g, "ln2_b": ln2_b,
        "se_sW": se_sW, "se_sb": se_sb, "se_eW": se_eW, "se_eb": se_eb,
    }


def reference(x, edge_index, W1, b1, W2, b2, ln1_g, ln1_b, ln2_g, ln2_b,
              se_sW, se_sb, se_eW, se_eb):
    skip = x
    h = jax.nn.relu(layer_norm(gcn_conv(x, edge_index, W1, b1), ln1_g, ln1_b))
    h = layer_norm(gcn_conv(h, edge_index, W2, b2), ln2_g, ln2_b)
    # SE block
    s = jax.nn.relu(h @ se_sW + se_sb)
    w = jax.nn.sigmoid(s @ se_eW + se_eb)
    h = h * w
    return jax.nn.relu(h + skip)

if __name__ == "__main__":
    import jax
    _d = setup_inputs()
    print(jax.jit(kernel)(*tuple(_d.values())))

</pallas_src>

<mosaic_0001>
#map = affine_map<(d0, d1) -> (0, 0)>
#map1 = affine_map<(d0, d1) -> (0, 0, 0)>
module attributes {stable_mosaic.version = 14 : i64} {
  func.func @spmm_kernel(%arg0: i32, %arg1: i32, %arg2: memref<20000x64xf32, #tpu.memory_space<hbm>>, %arg3: memref<32x125x80xi32, #tpu.memory_space<hbm>>, %arg4: memref<32x125x80xi32, #tpu.memory_space<hbm>>, %arg5: memref<10112x64xf32, #tpu.memory_space<hbm>>, %arg6: memref<2x10112x128xf32, #tpu.memory_space<hbm>>, %arg7: memref<125x80xi32, #tpu.memory_space<vmem>>, %arg8: memref<125x80xi32, #tpu.memory_space<vmem>>, %arg9: memref<125x80xi32, #tpu.memory_space<vmem>>, %arg10: memref<80x64xf32, #tpu.memory_space<vmem>>, %arg11: memref<80x64xf32, #tpu.memory_space<vmem>>, %arg12: memref<80x64xf32, #tpu.memory_space<vmem>>, %arg13: memref<80x64xf32, #tpu.memory_space<vmem>>, %arg14: memref<!tpu.dma_semaphore, #tpu.memory_space<semaphore_mem>>, %arg15: memref<!tpu.dma_semaphore, #tpu.memory_space<semaphore_mem>>, %arg16: memref<!tpu.dma_semaphore, #tpu.memory_space<semaphore_mem>>, %arg17: memref<!tpu.dma_semaphore, #tpu.memory_space<semaphore_mem>>, %arg18: memref<!tpu.dma_semaphore, #tpu.memory_space<semaphore_mem>>, %arg19: memref<!tpu.dma_semaphore, #tpu.memory_space<semaphore_mem>>, %arg20: memref<!tpu.dma_semaphore, #tpu.memory_space<semaphore_mem>>, %arg21: memref<!tpu.dma_semaphore, #tpu.memory_space<semaphore_mem>>, %arg22: memref<10112x64xf32, #tpu.memory_space<vmem_shared>>) attributes {dimension_semantics = [#tpu.dimension_semantics<core_parallel>, #tpu.dimension_semantics<subcore_parallel>], iteration_bounds = array<i64: 2, 16>, scalar_prefetch = 0 : i64, scratch_operands = 16 : i64, tpu.core_type = #tpu.core_type<sc_vector_subcore>, window_params = [{transform_indices = #map}, {transform_indices = #map1}, {transform_indices = #map1}, {transform_indices = #map}, {transform_indices = #map1}]} {
    %mul3A = arith.constant 2 : i32
    %mul3A_0 = arith.muli %arg1, %mul3A : i32
    %add3A = arith.addi %mul3A_0, %arg0 : i32
    "tpu.region"() ({
      %run_scoped3A = tpu.sem_alloc : memref<!tpu.dma_semaphore, #tpu.memory_space<semaphore_mem>>
      %dma_start3A_315 = arith.constant 0 : i32
      %dma_start3A_316 = arith.constant 0 : i32
      %dma_start3A_317 = tpu.memref_slice %arg3[%add3A, %dma_start3A_315, %dma_start3A_316] : memref<32x125x80xi32, #tpu.memory_space<hbm>> -> memref<1x125x80xi32, #tpu.memory_space<hbm>>
      %dma_start3A_318 = tpu.memref_squeeze %dma_start3A_317 : memref<1x125x80xi32, #tpu.memory_space<hbm>> -> memref<125x80xi32, #tpu.memory_space<hbm>>
      %dma_start3A_319 = arith.constant 0 : i32
      %dma_start3A_320 = arith.constant 0 : i32
      %dma_start3A_321 = tpu.memref_slice %arg3[%add3A, %dma_start3A_319, %dma_start3A_320] : memref<32x125x80xi32, #tpu.memory_space<hbm>> -> memref<1x125x80xi32, #tpu.memory_space<hbm>>
      %dma_start3A_322 = tpu.memref_squeeze %dma_start3A_321 : memref<1x125x80xi32, #tpu.memory_space<hbm>> -> memref<125x80xi32, #tpu.memory_space<hbm>>
      tpu.enqueue_dma source(%dma_start3A_322 : memref<125x80xi32, #tpu.memory_space<hbm>>) target(%arg7 : memref<125x80xi32, #tpu.memory_space<vmem>>) target_semaphore(%run_scoped3A : memref<!tpu.dma_semaphore, #tpu.memory_space<semaphore_mem>>)
      %dma_wait3A_323 = arith.constant 0 : i32
      %dma_wait3A_324 = arith.constant 0 : i32
      %dma_wait3A_325 = tpu.memref_slice %arg3[%add3A, %dma_wait3A_323, %dma_wait3A_324] : memref<32x125x80xi32, #tpu.memory_space<hbm>> -> memref<1x125x80xi32, #tpu.memory_space<hbm>>
      %dma_wait3A_326 = tpu.memref_squeeze %dma_wait3A_325 : memref<1x125x80xi32, #tpu.memory_space<hbm>> -> memref<125x80xi32, #tpu.memory_space<hbm>>
      %dma_wait3A_327 = arith.constant 0 : i32
      %dma_wait3A_328 = arith.constant 0 : i32
      %dma_wait3A_329 = tpu.memref_slice %arg3[%add3A, %dma_wait3A_327, %dma_wait3A_328] : memref<32x125x80xi32, #tpu.memory_space<hbm>> -> memref<1x125x80xi32, #tpu.memory_space<hbm>>
      %dma_wait3A_330 = tpu.memref_squeeze %dma_wait3A_329 : memref<1x125x80xi32, #tpu.memory_space<hbm>> -> memref<125x80xi32, #tpu.memory_space<hbm>>
      tpu.wait_dma2 semaphore(%run_scoped3A : memref<!tpu.dma_semaphore, #tpu.memory_space<semaphore_mem>>) src(%dma_wait3A_330 : memref<125x80xi32, #tpu.memory_space<hbm>>) dst(%arg7 : memref<125x80xi32, #tpu.memory_space<vmem>>)
      tpu.yield
    }) : () -> ()
    "tpu.region"() ({
      %run_scoped3A = tpu.sem_alloc : memref<!tpu.dma_semaphore, #tpu.memory_space<semaphore_mem>>
      %dma_start3A_315 = arith.constant 0 : i32
      %dma_start3A_316 = arith.constant 0 : i32
      %dma_start3A_317 = tpu.memref_slice %arg4[%add3A, %dma_start3A_315, %dma_start3A_316] : memref<32x125x80xi32, #tpu.memory_space<hbm>> -> memref<1x125x80xi32, #tpu.memory_space<hbm>>
      %dma_start3A_318 = tpu.memref_squeeze %dma_start3A_317 : memref<1x125x80xi32, #tpu.memory_space<hbm>> -> memref<125x80xi32, #tpu.memory_space<hbm>>
      %dma_start3A_319 = arith.constant 0 : i32
      %dma_start3A_320 = arith.constant 0 : i32
      %dma_start3A_321 = tpu.memref_slice %arg4[%add3A, %dma_start3A_319, %dma_start3A_320] : memref<32x125x80xi32, #tpu.memory_space<hbm>> -> memref<1x125x80xi32, #tpu.memory_space<hbm>>
      %dma_start3A_322 = tpu.memref_squeeze %dma_start3A_321 : memref<1x125x80xi32, #tpu.memory_space<hbm>> -> memref<125x80xi32, #tpu.memory_space<hbm>>
      tpu.enqueue_dma source(%dma_start3A_322 : memref<125x80xi32, #tpu.memory_space<hbm>>) target(%arg9 : memref<125x80xi32, #tpu.memory_space<vmem>>) target_semaphore(%run_scoped3A : memref<!tpu.dma_semaphore, #tpu.memory_space<semaphore_mem>>)
      %dma_wait3A_323 = arith.constant 0 : i32
      %dma_wait3A_324 = arith.constant 0 : i32
      %dma_wait3A_325 = tpu.memref_slice %arg4[%add3A, %dma_wait3A_323, %dma_wait3A_324] : memref<32x125x80xi32, #tpu.memory_space<hbm>> -> memref<1x125x80xi32, #tpu.memory_space<hbm>>
      %dma_wait3A_326 = tpu.memref_squeeze %dma_wait3A_325 : memref<1x125x80xi32, #tpu.memory_space<hbm>> -> memref<125x80xi32, #tpu.memory_space<hbm>>
      %dma_wait3A_327 = arith.constant 0 : i32
      %dma_wait3A_328 = arith.constant 0 : i32
      %dma_wait3A_329 = tpu.memref_slice %arg4[%add3A, %dma_wait3A_327, %dma_wait3A_328] : memref<32x125x80xi32, #tpu.memory_space<hbm>> -> memref<1x125x80xi32, #tpu.memory_space<hbm>>
      %dma_wait3A_330 = tpu.memref_squeeze %dma_wait3A_329 : memref<1x125x80xi32, #tpu.memory_space<hbm>> -> memref<125x80xi32, #tpu.memory_space<hbm>>
      tpu.wait_dma2 semaphore(%run_scoped3A : memref<!tpu.dma_semaphore, #tpu.memory_space<semaphore_mem>>) src(%dma_wait3A_330 : memref<125x80xi32, #tpu.memory_space<hbm>>) dst(%arg9 : memref<125x80xi32, #tpu.memory_space<vmem>>)
      tpu.yield
    }) : () -> ()
    %scan3A = arith.constant 0 : i32
    %scan3A_1 = arith.constant 0 : i32
    %scan3A_2 = arith.constant 125 : i32
    %scan3A_3 = arith.addi %scan3A_1, %scan3A_2 : i32
    %scan3A_4 = arith.constant 1 : i32
    scf.for %scan3A_315 = %scan3A_1 to %scan3A_3 step %scan3A_4  : i32 {
      %get3A = arith.index_cast %scan3A_315 : i32 to index
      %get3A_316 = arith.constant 0 : index
      %get3A_317 = tpu.vector_load %arg7[%get3A, %get3A_316] {strides = array<i32>} : memref<125x80xi32, #tpu.memory_space<vmem>>, vector<1x16xi32>,
      %get3A_318 = vector.shape_cast %get3A_317 : vector<1x16xi32> to vector<16xi32>
      %add3A_319 = arith.addi %get3A_318, %get3A_318 : vector<16xi32>
      %swap3A = arith.index_cast %scan3A_315 : i32 to index
      %swap3A_320 = arith.constant 0 : index
      %swap3A_321 = tpu.vector_load %arg7[%swap3A, %swap3A_320] {strides = array<i32>} : memref<125x80xi32, #tpu.memory_space<vmem>>, vector<1x16xi32>,
      %swap3A_322 = vector.shape_cast %swap3A_321 : vector<1x16xi32> to vector<16xi32>
      %swap3A_323 = vector.shape_cast %add3A_319 : vector<16xi32> to vector<1x16xi32>
      tpu.vector_store %arg7[%swap3A, %swap3A_320], %swap3A_323 {strides = array<i32>} : memref<125x80xi32, #tpu.memory_space<vmem>>, vector<1x16xi32>,
      %add3A_324 = arith.addi %get3A_318, %get3A_318 : vector<16xi32>
      %add3A_325 = arith.constant 1 : i32
      %add3A_326 = vector.broadcast %add3A_325 : i32 to vector<16xi32>
      %add3A_327 = arith.addi %add3A_324, %add3A_326 : vector<16xi32>
      %swap3A_328 = arith.index_cast %scan3A_315 : i32 to index
      %swap3A_329 = arith.constant 0 : index
      %swap3A_330 = tpu.vector_load %arg8[%swap3A_328, %swap3A_329] {strides = array<i32>} : memref<125x80xi32, #tpu.memory_space<vmem>>, vector<1x16xi32>,
      %swap3A_331 = vector.shape_cast %swap3A_330 : vector<1x16xi32> to vector<16xi32>
      %swap3A_332 = vector.shape_cast %add3A_327 : vector<16xi32> to vector<1x16xi32>
      tpu.vector_store %arg8[%swap3A_328, %swap3A_329], %swap3A_332 {strides = array<i32>} : memref<125x80xi32, #tpu.memory_space<vmem>>, vector<1x16xi32>,
      %get3A_333 = arith.index_cast %scan3A_315 : i32 to index
      %get3A_334 = arith.constant 16 : index
      %get3A_335 = tpu.vector_load %arg7[%get3A_333, %get3A_334] {strides = array<i32>} : memref<125x80xi32, #tpu.memory_space<vmem>>, vector<1x16xi32>,
      %get3A_336 = vector.shape_cast %get3A_335 : vector<1x16xi32> to vector<16xi32>
      %add3A_337 = arith.addi %get3A_336, %get3A_336 : vector<16xi32>
      %swap3A_338 = arith.index_cast %scan3A_315 : i32 to index
      %swap3A_339 = arith.constant 16 : index
      %swap3A_340 = tpu.vector_load %arg7[%swap3A_338, %swap3A_339] {strides = array<i32>} : memref<125x80xi32, #tpu.memory_space<vmem>>, vector<1x16xi32>,
      %swap3A_341 = vector.shape_cast %swap3A_340 : vector<1x16xi32> to vector<16xi32>
      %swap3A_342 = vector.shape_cast %add3A_337 : vector<16xi32> to vector<1x16xi32>
      tpu.vector_store %arg7[%swap3A_338, %swap3A_339], %swap3A_342 {strides = array<i32>} : memref<125x80xi32, #tpu.memory_space<vmem>>, vector<1x16xi32>,
      %add3A_343 = arith.addi %get3A_336, %get3A_336 : vector<16xi32>
      %add3A_344 = arith.constant 1 : i32
      %add3A_345 = vector.broadcast %add3A_344 : i32 to vector<16xi32>
      %add3A_346 = arith.addi %add3A_343, %add3A_345 : vector<16xi32>
      %swap3A_347 = arith.index_cast %scan3A_315 : i32 to index
      %swap3A_348 = arith.constant 16 : index
      %swap3A_349 = tpu.vector_load %arg8[%swap3A_347, %swap3A_348] {strides = array<i32>} : memref<125x80xi32, #tpu.memory_space<vmem>>, vector<1x16xi32>,
      %swap3A_350 = vector.shape_cast %swap3A_349 : vector<1x16xi32> to vector<16xi32>
      %swap3A_351 = vector.shape_cast %add3A_346 : vector<16xi32> to vector<1x16xi32>
      tpu.vector_store %arg8[%swap3A_347, %swap3A_348], %swap3A_351 {strides = array<i32>} : memref<125x80xi32, #tpu.memory_space<vmem>>, vector<1x16xi32>,
      %get3A_352 = arith.index_cast %scan3A_315 : i32 to index
      %get3A_353 = arith.constant 32 : index
      %get3A_354 = tpu.vector_load %arg7[%get3A_352, %get3A_353] {strides = array<i32>} : memref<125x80xi32, #tpu.memory_space<vmem>>, vector<1x16xi32>,
      %get3A_355 = vector.shape_cast %get3A_354 : vector<1x16xi32> to vector<16xi32>
      %add3A_356 = arith.addi %get3A_355, %get3A_355 : vector<16xi32>
      %swap3A_357 = arith.index_cast %scan3A_315 : i32 to index
      %swap3A_358 = arith.constant 32 : index
      %swap3A_359 = tpu.vector_load %arg7[%swap3A_357, %swap3A_358] {strides = array<i32>} : memref<125x80xi32, #tpu.memory_space<vmem>>, vector<1x16xi32>,
      %swap3A_360 = vector.shape_cast %swap3A_359 : vector<1x16xi32> to vector<16xi32>
      %swap3A_361 = vector.shape_cast %add3A_356 : vector<16xi32> to vector<1x16xi32>
      tpu.vector_store %arg7[%swap3A_357, %swap3A_358], %swap3A_361 {strides = array<i32>} : memref<125x80xi32, #tpu.memory_space<vmem>>, vector<1x16xi32>,
      %add3A_362 = arith.addi %get3A_355, %get3A_355 : vector<16xi32>
      %add3A_363 = arith.constant 1 : i32
      %add3A_364 = vector.broadcast %add3A_363 : i32 to vector<16xi32>
      %add3A_365 = arith.addi %add3A_362, %add3A_364 : vector<16xi32>
      %swap3A_366 = arith.index_cast %scan3A_315 : i32 to index
      %swap3A_367 = arith.constant 32 : index
      %swap3A_368 = tpu.vector_load %arg8[%swap3A_366, %swap3A_367] {strides = array<i32>} : memref<125x80xi32, #tpu.memory_space<vmem>>, vector<1x16xi32>,
      %swap3A_369 = vector.shape_cast %swap3A_368 : vector<1x16xi32> to vector<16xi32>
      %swap3A_370 = vector.shape_cast %add3A_365 : vector<16xi32> to vector<1x16xi32>
      tpu.vector_store %arg8[%swap3A_366, %swap3A_367], %swap3A_370 {strides = array<i32>} : memref<125x80xi32, #tpu.memory_space<vmem>>, vector<1x16xi32>,
      %get3A_371 = arith.index_cast %scan3A_315 : i32 to index
      %get3A_372 = arith.constant 48 : index
      %get3A_373 = tpu.vector_load %arg7[%get3A_371, %get3A_372] {strides = array<i32>} : memref<125x80xi32, #tpu.memory_space<vmem>>, vector<1x16xi32>,
      %get3A_374 = vector.shape_cast %get3A_373 : vector<1x16xi32> to vector<16xi32>
      %add3A_375 = arith.addi %get3A_374, %get3A_374 : vector<16xi32>
      %swap3A_376 = arith.index_cast %scan3A_315 : i32 to index
      %swap3A_377 = arith.constant 48 : index
      %swap3A_378 = tpu.vector_load %arg7[%swap3A_376, %swap3A_377] {strides = array<i32>} : memref<125x80xi32, #tpu.memory_space<vmem>>, vector<1x16xi32>,
      %swap3A_379 = vector.shape_cast %swap3A_378 : vector<1x16xi32> to vector<16xi32>
      %swap3A_380 = vector.shape_cast %add3A_375 : vector<16xi32> to vector<1x16xi32>
      tpu.vector_store %arg7[%swap3A_376, %swap3A_377], %swap3A_380 {strides = array<i32>} : memref<125x80xi32, #tpu.memory_space<vmem>>, vector<1x16xi32>,
      %add3A_381 = arith.addi %get3A_374, %get3A_374 : vector<16xi32>
      %add3A_382 = arith.constant 1 : i32
      %add3A_383 = vector.broadcast %add3A_382 : i32 to vector<16xi32>
      %add3A_384 = arith.addi %add3A_381, %add3A_383 : vector<16xi32>
      %swap3A_385 = arith.index_cast %scan3A_315 : i32 to index
      %swap3A_386 = arith.constant 48 : index
      %swap3A_387 = tpu.vector_load %arg8[%swap3A_385, %swap3A_386] {strides = array<i32>} : memref<125x80xi32, #tpu.memory_space<vmem>>, vector<1x16xi32>,
      %swap3A_388 = vector.shape_cast %swap3A_387 : vector<1x16xi32> to vector<16xi32>
      %swap3A_389 = vector.shape_cast %add3A_384 : vector<16xi32> to vector<1x16xi32>
      tpu.vector_store %arg8[%swap3A_385, %swap3A_386], %swap3A_389 {strides = array<i32>} : memref<125x80xi32, #tpu.memory_space<vmem>>, vector<1x16xi32>,
      %get3A_390 = arith.index_cast %scan3A_315 : i32 to index
      %get3A_391 = arith.constant 64 : index
      %get3A_392 = tpu.vector_load %arg7[%get3A_390, %get3A_391] {strides = array<i32>} : memref<125x80xi32, #tpu.memory_space<vmem>>, vector<1x16xi32>,
      %get3A_393 = vector.shape_cast %get3A_392 : vector<1x16xi32> to vector<16xi32>
      %add3A_394 = arith.addi %get3A_393, %get3A_393 : vector<16xi32>
      %swap3A_395 = arith.index_cast %scan3A_315 : i32 to index
      %swap3A_396 = arith.constant 64 : index
      %swap3A_397 = tpu.vector_load %arg7[%swap3A_395, %swap3A_396] {strides = array<i32>} : memref<125x80xi32, #tpu.memory_space<vmem>>, vector<1x16xi32>,
      %swap3A_398 = vector.shape_cast %swap3A_397 : vector<1x16xi32> to vector<16xi32>
      %swap3A_399 = vector.shape_cast %add3A_394 : vector<16xi32> to vector<1x16xi32>
      tpu.vector_store %arg7[%swap3A_395, %swap3A_396], %swap3A_399 {strides = array<i32>} : memref<125x80xi32, #tpu.memory_space<vmem>>, vector<1x16xi32>,
      %add3A_400 = arith.addi %get3A_393, %get3A_393 : vector<16xi32>
      %add3A_401 = arith.constant 1 : i32
      %add3A_402 = vector.broadcast %add3A_401 : i32 to vector<16xi32>
      %add3A_403 = arith.addi %add3A_400, %add3A_402 : vector<16xi32>
      %swap3A_404 = arith.index_cast %scan3A_315 : i32 to index
      %swap3A_405 = arith.constant 64 : index
      %swap3A_406 = tpu.vector_load %arg8[%swap3A_404, %swap3A_405] {strides = array<i32>} : memref<125x80xi32, #tpu.memory_space<vmem>>, vector<1x16xi32>,
      %swap3A_407 = vector.shape_cast %swap3A_406 : vector<1x16xi32> to vector<16xi32>
      %swap3A_408 = vector.shape_cast %add3A_403 : vector<16xi32> to vector<1x16xi32>
      tpu.vector_store %arg8[%swap3A_404, %swap3A_405], %swap3A_408 {strides = array<i32>} : memref<125x80xi32, #tpu.memory_space<vmem>>, vector<1x16xi32>,
    }
    %scan3A_5 = arith.constant 125 : i32
    %mul3A_6 = arith.constant 632 : i32
    %mul3A_7 = arith.muli %arg1, %mul3A_6 : i32
    %mul3A_8 = arith.constant 632 : i32
    %mul3A_9 = arith.muli %arg1, %mul3A_8 : i32
    "tpu.region"() ({
      %run_scoped3A = tpu.sem_alloc : memref<!tpu.dma_semaphore, #tpu.memory_space<semaphore_mem>>
      %dma_start3A_315 = arith.constant 0 : i32
      %dma_start3A_316 = tpu.memref_slice %arg22[%mul3A_9, %dma_start3A_315] : memref<10112x64xf32, #tpu.memory_space<vmem_shared>> -> memref<632x64xf32, #tpu.memory_space<vmem_shared>>
      %dma_start3A_317 = arith.constant 0 : i32
      %dma_start3A_318 = tpu.memref_slice %arg5[%mul3A_7, %dma_start3A_317] : memref<10112x64xf32, #tpu.memory_space<hbm>> -> memref<632x64xf32, #tpu.memory_space<hbm>>
      tpu.enqueue_dma source(%dma_start3A_318 : memref<632x64xf32, #tpu.memory_space<hbm>>) target(%dma_start3A_316 : memref<632x64xf32, #tpu.memory_space<vmem_shared>>) target_semaphore(%run_scoped3A : memref<!tpu.dma_semaphore, #tpu.memory_space<semaphore_mem>>)
      %dma_wait3A_319 = arith.constant 0 : i32
      %dma_wait3A_320 = tpu.memref_slice %arg22[%mul3A_9, %dma_wait3A_319] : memref<10112x64xf32, #tpu.memory_space<vmem_shared>> -> memref<632x64xf32, #tpu.memory_space<vmem_shared>>
      %dma_wait3A_321 = arith.constant 0 : i32
      %dma_wait3A_322 = tpu.memref_slice %arg5[%mul3A_7, %dma_wait3A_321] : memref<10112x64xf32, #tpu.memory_space<hbm>> -> memref<632x64xf32, #tpu.memory_space<hbm>>
      tpu.wait_dma2 semaphore(%run_scoped3A : memref<!tpu.dma_semaphore, #tpu.memory_space<semaphore_mem>>) src(%dma_wait3A_322 : memref<632x64xf32, #tpu.memory_space<hbm>>) dst(%dma_wait3A_320 : memref<632x64xf32, #tpu.memory_space<vmem_shared>>)
      tpu.yield
    }) : () -> ()
    %barrier3A = arith.constant 0 : index
    tpu.barrier barrier_id(%barrier3A)
    %dma_start3A = arith.constant 0 : i32
    %dma_start3A_10 = arith.constant 0 : i32
    %dma_start3A_11 = tpu.memref_slice %arg7[%dma_start3A, %dma_start3A_10] : memref<125x80xi32, #tpu.memory_space<vmem>> -> memref<1x80xi32, #tpu.memory_space<vmem>>
    %dma_start3A_12 = tpu.memref_squeeze %dma_start3A_11 : memref<1x80xi32, #tpu.memory_space<vmem>> -> memref<80xi32, #tpu.memory_space<vmem>>
    %dma_start3A_13 = arith.constant 0 : i32
    %dma_start3A_14 = arith.constant 0 : i32
    %dma_start3A_15 = tpu.memref_slice %arg2[%dma_start3A_13, %dma_start3A_14] : memref<20000x64xf32, #tpu.memory_space<hbm>> -> memref<20000x64xf32, #tpu.memory_space<hbm>>
    tpu.enqueue_indirect_dma source(%dma_start3A_15 : memref<20000x64xf32, #tpu.memory_space<hbm>>) target(%arg10 : memref<80x64xf32, #tpu.memory_space<vmem>>) offsets(%dma_start3A_12 : memref<80xi32, #tpu.memory_space<vmem>>) semaphore(%arg14 : memref<!tpu.dma_semaphore, #tpu.memory_space<semaphore_mem>>)
    %dma_start3A_16 = arith.constant 1 : i32
    %dma_start3A_17 = arith.constant 0 : i32
    %dma_start3A_18 = tpu.memref_slice %arg7[%dma_start3A_16, %dma_start3A_17] : memref<125x80xi32, #tpu.memory_space<vmem>> -> memref<1x80xi32, #tpu.memory_space<vmem>>
    %dma_start3A_19 = tpu.memref_squeeze %dma_start3A_18 : memref<1x80xi32, #tpu.memory_space<vmem>> -> memref<80xi32, #tpu.memory_space<vmem>>
    %dma_start3A_20 = arith.constant 0 : i32
    %dma_start3A_21 = arith.constant 0 : i32
    %dma_start3A_22 = tpu.memref_slice %arg2[%dma_start3A_20, %dma_start3A_21] : memref<20000x64xf32, #tpu.memory_space<hbm>> -> memref<20000x64xf32, #tpu.memory_space<hbm>>
    tpu.enqueue_indirect_dma source(%dma_start3A_22 : memref<20000x64xf32, #tpu.memory_space<hbm>>) target(%arg11 : memref<80x64xf32, #tpu.memory_space<vmem>>) offsets(%dma_start3A_19 : memref<80xi32, #tpu.memory_space<vmem>>) semaphore(%arg15 : memref<!tpu.dma_semaphore, #tpu.memory_space<semaphore_mem>>)
    %dma_wait3A = arith.constant 0 : i32
    %dma_wait3A_23 = arith.constant 0 : i32
    %dma_wait3A_24 = tpu.memref_slice %arg7[%dma_wait3A, %dma_wait3A_23] : memref<125x80xi32, #tpu.memory_space<vmem>> -> memref<1x80xi32, #tpu.memory_space<vmem>>
    %dma_wait3A_25 = tpu.memref_squeeze %dma_wait3A_24 : memref<1x80xi32, #tpu.memory_space<vmem>> -> memref<80xi32, #tpu.memory_space<vmem>>
    %dma_wait3A_26 = arith.constant 0 : i32
    %dma_wait3A_27 = arith.constant 0 : i32
    %dma_wait3A_28 = tpu.memref_slice %arg2[%dma_wait3A_26, %dma_wait3A_27] : memref<20000x64xf32, #tpu.memory_space<hbm>> -> memref<20000x64xf32, #tpu.memory_space<hbm>>
    tpu.wait_indirect_dma semaphore(%arg14 : memref<!tpu.dma_semaphore, #tpu.memory_space<semaphore_mem>>) src(%dma_wait3A_28 : memref<20000x64xf32, #tpu.memory_space<hbm>>) dst(%arg10 : memref<80x64xf32, #tpu.memory_space<vmem>>)
    %dma_start3A_29 = arith.constant 0 : i32
    %dma_start3A_30 = arith.constant 0 : i32
    %dma_start3A_31 = tpu.memref_slice %arg9[%dma_start3A_29, %dma_start3A_30] : memref<125x80xi32, #tpu.memory_space<vmem>> -> memref<1x80xi32, #tpu.memory_space<vmem>>
    %dma_start3A_32 = tpu.memref_squeeze %dma_start3A_31 : memref<1x80xi32, #tpu.memory_space<vmem>> -> memref<80xi32, #tpu.memory_space<vmem>>
    %dma_start3A_33 = arith.constant 0 : i32
    %dma_start3A_34 = arith.constant 0 : i32
    %dma_start3A_35 = tpu.memref_slice %arg22[%dma_start3A_33, %dma_start3A_34] : memref<10112x64xf32, #tpu.memory_space<vmem_shared>> -> memref<10112x64xf32, #tpu.memory_space<vmem_shared>>
    tpu.enqueue_indirect_dma source(%arg10 : memref<80x64xf32, #tpu.memory_space<vmem>>) target(%dma_start3A_35 : memref<10112x64xf32, #tpu.memory_space<vmem_shared>>) offsets(%dma_start3A_32 : memref<80xi32, #tpu.memory_space<vmem>>) semaphore(%arg18 : memref<!tpu.dma_semaphore, #tpu.memory_space<semaphore_mem>>) {add = true}
    %dma_start3A_36 = arith.constant 2 : i32
    %dma_start3A_37 = arith.constant 0 : i32
    %dma_start3A_38 = tpu.memref_slice %arg7[%dma_start3A_36, %dma_start3A_37] : memref<125x80xi32, #tpu.memory_space<vmem>> -> memref<1x80xi32, #tpu.memory_space<vmem>>
    %dma_start3A_39 = tpu.memref_squeeze %dma_start3A_38 : memref<1x80xi32, #tpu.memory_space<vmem>> -> memref<80xi32, #tpu.memory_space<vmem>>
    %dma_start3A_40 = arith.constant 0 : i32
    %dma_start3A_41 = arith.constant 0 : i32
    %dma_start3A_42 = tpu.memref_slice %arg2[%dma_start3A_40, %dma_start3A_41] : memref<20000x64xf32, #tpu.memory_space<hbm>> -> memref<20000x64xf32, #tpu.memory_space<hbm>>
    tpu.enqueue_indirect_dma source(%dma_start3A_42 : memref<20000x64xf32, #tpu.memory_space<hbm>>) target(%arg12 : memref<80x64xf32, #tpu.memory_space<vmem>>) offsets(%dma_start3A_39 : memref<80xi32, #tpu.memory_space<vmem>>) semaphore(%arg16 : memref<!tpu.dma_semaphore, #tpu.memory_space<semaphore_mem>>)
    %dma_wait3A_43 = arith.constant 1 : i32
    %dma_wait3A_44 = arith.constant 0 : i32
    %dma_wait3A_45 = tpu.memref_slice %arg7[%dma_wait3A_43, %dma_wait3A_44] : memref<125x80xi32, #tpu.memory_space<vmem>> -> memref<1x80xi32, #tpu.memory_space<vmem>>
    %dma_wait3A_46 = tpu.memref_squeeze %dma_wait3A_45 : memref<1x80xi32, #tpu.memory_space<vmem>> -> memref<80xi32, #tpu.memory_space<vmem>>
    %dma_wait3A_47 = arith.constant 0 : i32
    %dma_wait3A_48 = arith.constant 0 : i32
    %dma_wait3A_49 = tpu.memref_slice %arg2[%dma_wait3A_47, %dma_wait3A_48] : memref<20000x64xf32, #tpu.memory_space<hbm>> -> memref<20000x64xf32, #tpu.memory_space<hbm>>
    tpu.wait_indirect_dma semaphore(%arg15 : memref<!tpu.dma_semaphore, #tpu.memory_space<semaphore_mem>>) src(%dma_wait3A_49 : memref<20000x64xf32, #tpu.memory_space<hbm>>) dst(%arg11 : memref<80x64xf32, #tpu.memory_space<vmem>>)
    %dma_start3A_50 = arith.constant 1 : i32
    %dma_start3A_51 = arith.constant 0 : i32
    %dma_start3A_52 = tpu.memref_slice %arg9[%dma_start3A_50, %dma_start3A_51] : memref<125x80xi32, #tpu.memory_space<vmem>> -> memref<1x80xi32, #tpu.memory_space<vmem>>
    %dma_start3A_53 = tpu.memref_squeeze %dma_start3A_52 : memref<1x80xi32, #tpu.memory_space<vmem>> -> memref<80xi32, #tpu.memory_space<vmem>>
    %dma_start3A_54 = arith.constant 0 : i32
    %dma_start3A_55 = arith.constant 0 : i32
    %dma_start3A_56 = tpu.memref_slice %arg22[%dma_start3A_54, %dma_start3A_55] : memref<10112x64xf32, #tpu.memory_space<vmem_shared>> -> memref<10112x64xf32, #tpu.memory_space<vmem_shared>>
    tpu.enqueue_indirect_dma source(%arg11 : memref<80x64xf32, #tpu.memory_space<vmem>>) target(%dma_start3A_56 : memref<10112x64xf32, #tpu.memory_space<vmem_shared>>) offsets(%dma_start3A_53 : memref<80xi32, #tpu.memory_space<vmem>>) semaphore(%arg19 : memref<!tpu.dma_semaphore, #tpu.memory_space<semaphore_mem>>) {add = true}
    %dma_start3A_57 = arith.constant 3 : i32
    %dma_start3A_58 = arith.constant 0 : i32
    %dma_start3A_59 = tpu.memref_slice %arg7[%dma_start3A_57, %dma_start3A_58] : memref<125x80xi32, #tpu.memory_space<vmem>> -> memref<1x80xi32, #tpu.memory_space<vmem>>
    %dma_start3A_60 = tpu.memref_squeeze %dma_start3A_59 : memref<1x80xi32, #tpu.memory_space<vmem>> -> memref<80xi32, #tpu.memory_space<vmem>>
    %dma_start3A_61 = arith.constant 0 : i32
    %dma_start3A_62 = arith.constant 0 : i32
    %dma_start3A_63 = tpu.memref_slice %arg2[%dma_start3A_61, %dma_start3A_62] : memref<20000x64xf32, #tpu.memory_space<hbm>> -> memref<20000x64xf32, #tpu.memory_space<hbm>>
    tpu.enqueue_indirect_dma source(%dma_start3A_63 : memref<20000x64xf32, #tpu.memory_space<hbm>>) target(%arg13 : memref<80x64xf32, #tpu.memory_space<vmem>>) offsets(%dma_start3A_60 : memref<80xi32, #tpu.memory_space<vmem>>) semaphore(%arg17 : memref<!tpu.dma_semaphore, #tpu.memory_space<semaphore_mem>>)
    %dma_wait3A_64 = arith.constant 2 : i32
    %dma_wait3A_65 = arith.constant 0 : i32
    %dma_wait3A_66 = tpu.memref_slice %arg7[%dma_wait3A_64, %dma_wait3A_65] : memref<125x80xi32, #tpu.memory_space<vmem>> -> memref<1x80xi32, #tpu.memory_space<vmem>>
    %dma_wait3A_67 = tpu.memref_squeeze %dma_wait3A_66 : memref<1x80xi32, #tpu.memory_space<vmem>> -> memref<80xi32, #tpu.memory_space<vmem>>
    %dma_wait3A_68 = arith.constant 0 : i32
    %dma_wait3A_69 = arith.constant 0 : i32
    %dma_wait3A_70 = tpu.memref_slice %arg2[%dma_wait3A_68, %dma_wait3A_69] : memref<20000x64xf32, #tpu.memory_space<hbm>> -> memref<20000x64xf32, #tpu.memory_space<hbm>>
    tpu.wait_indirect_dma semaphore(%arg16 : memref<!tpu.dma_semaphore, #tpu.memory_space<semaphore_mem>>) src(%dma_wait3A_70 : memref<20000x64xf32, #tpu.memory_space<hbm>>) dst(%arg12 : memref<80x64xf32, #tpu.memory_space<vmem>>)
    %dma_start3A_71 = arith.constant 2 : i32
    %dma_start3A_72 = arith.constant 0 : i32
    %dma_start3A_73 = tpu.memref_slice %arg9[%dma_start3A_71, %dma_start3A_72] : memref<125x80xi32, #tpu.memory_space<vmem>> -> memref<1x80xi32, #tpu.memory_space<vmem>>
    %dma_start3A_74 = tpu.memref_squeeze %dma_start3A_73 : memref<1x80xi32, #tpu.memory_space<vmem>> -> memref<80xi32, #tpu.memory_space<vmem>>
    %dma_start3A_75 = arith.constant 0 : i32
    %dma_start3A_76 = arith.constant 0 : i32
    %dma_start3A_77 = tpu.memref_slice %arg22[%dma_start3A_75, %dma_start3A_76] : memref<10112x64xf32, #tpu.memory_space<vmem_shared>> -> memref<10112x64xf32, #tpu.memory_space<vmem_shared>>
    tpu.enqueue_indirect_dma source(%arg12 : memref<80x64xf32, #tpu.memory_space<vmem>>) target(%dma_start3A_77 : memref<10112x64xf32, #tpu.memory_space<vmem_shared>>) offsets(%dma_start3A_74 : memref<80xi32, #tpu.memory_space<vmem>>) semaphore(%arg20 : memref<!tpu.dma_semaphore, #tpu.memory_space<semaphore_mem>>) {add = true}
    %scan3A_78 = arith.constant 0 : i32
    %scan3A_79 = arith.constant 1 : i32
    %scan3A_80 = arith.constant 30 : i32
    %scan3A_81 = arith.addi %scan3A_79, %scan3A_80 : i32
    %scan3A_82 = arith.constant 1 : i32
    scf.for %scan3A_315 = %scan3A_79 to %scan3A_81 step %scan3A_82  : i32 {
      %mul3A_316 = arith.constant 4 : i32
      %mul3A_317 = arith.muli %mul3A_316, %scan3A_315 : i32
      %add3A_318 = arith.constant 0 : i32
      %add3A_319 = arith.addi %mul3A_317, %add3A_318 : i32
      %sub3A = arith.constant 4 : i32
      %sub3A_320 = arith.subi %add3A_319, %sub3A : i32
      %dma_wait3A_321 = arith.constant 0 : i32
      %dma_wait3A_322 = tpu.memref_slice %arg9[%sub3A_320, %dma_wait3A_321] : memref<125x80xi32, #tpu.memory_space<vmem>> -> memref<1x80xi32, #tpu.memory_space<vmem>>
      %dma_wait3A_323 = tpu.memref_squeeze %dma_wait3A_322 : memref<1x80xi32, #tpu.memory_space<vmem>> -> memref<80xi32, #tpu.memory_space<vmem>>
      %dma_wait3A_324 = arith.constant 0 : i32
      %dma_wait3A_325 = arith.constant 0 : i32
      %dma_wait3A_326 = tpu.memref_slice %arg22[%dma_wait3A_324, %dma_wait3A_325] : memref<10112x64xf32, #tpu.memory_space<vmem_shared>> -> memref<10112x64xf32, #tpu.memory_space<vmem_shared>>
      tpu.wait_indirect_dma semaphore(%arg18 : memref<!tpu.dma_semaphore, #tpu.memory_space<semaphore_mem>>) src(%arg10 : memref<80x64xf32, #tpu.memory_space<vmem>>) dst(%dma_wait3A_326 : memref<10112x64xf32, #tpu.memory_space<vmem_shared>>)
      %dma_start3A_327 = arith.constant 0 : i32
      %dma_start3A_328 = tpu.memref_slice %arg7[%add3A_319, %dma_start3A_327] : memref<125x80xi32, #tpu.memory_space<vmem>> -> memref<1x80xi32, #tpu.memory_space<vmem>>
      %dma_start3A_329 = tpu.memref_squeeze %dma_start3A_328 : memref<1x80xi32, #tpu.memory_space<vmem>> -> memref<80xi32, #tpu.memory_space<vmem>>
      %dma_start3A_330 = arith.constant 0 : i32
      %dma_start3A_331 = arith.constant 0 : i32
      %dma_start3A_332 = tpu.memref_slice %arg2[%dma_start3A_330, %dma_start3A_331] : memref<20000x64xf32, #tpu.memory_space<hbm>> -> memref<20000x64xf32, #tpu.memory_space<hbm>>
      tpu.enqueue_indirect_dma source(%dma_start3A_332 : memref<20000x64xf32, #tpu.memory_space<hbm>>) target(%arg10 : memref<80x64xf32, #tpu.memory_space<vmem>>) offsets(%dma_start3A_329 : memref<80xi32, #tpu.memory_space<vmem>>) semaphore(%arg14 : memref<!tpu.dma_semaphore, #tpu.memory_space<semaphore_mem>>)
      %sub3A_333 = arith.constant 1 : i32
      %sub3A_334 = arith.subi %add3A_319, %sub3A_333 : i32
      %dma_wait3A_335 = arith.constant 0 : i32
      %dma_wait3A_336 = tpu.memref_slice %arg7[%sub3A_334, %dma_wait3A_335] : memref<125x80xi32, #tpu.memory_space<vmem>> -> memref<1x80xi32, #tpu.memory_space<vmem>>
      %dma_wait3A_337 = tpu.memref_squeeze %dma_wait3A_336 : memref<1x80xi32, #tpu.memory_space<vmem>> -> memref<80xi32, #tpu.memory_space<vmem>>
      %dma_wait3A_338 = arith.constant 0 : i32
      %dma_wait3A_339 = arith.constant 0 : i32
      %dma_wait3A_340 = tpu.memref_slice %arg2[%dma_wait3A_338, %dma_wait3A_339] : memref<20000x64xf32, #tpu.memory_space<hbm>> -> memref<20000x64xf32, #tpu.memory_space<hbm>>
      tpu.wait_indirect_dma semaphore(%arg17 : memref<!tpu.dma_semaphore, #tpu.memory_space<semaphore_mem>>) src(%dma_wait3A_340 : memref<20000x64xf32, #tpu.memory_space<hbm>>) dst(%arg13 : memref<80x64xf32, #tpu.memory_space<vmem>>)
      %sub3A_341 = arith.constant 1 : i32
      %sub3A_342 = arith.subi %add3A_319, %sub3A_341 : i32
      %dma_start3A_343 = arith.constant 0 : i32
      %dma_start3A_344 = tpu.memref_slice %arg9[%sub3A_342, %dma_start3A_343] : memref<125x80xi32, #tpu.memory_space<vmem>> -> memref<1x80xi32, #tpu.memory_space<vmem>>
      %dma_start3A_345 = tpu.memref_squeeze %dma_start3A_344 : memref<1x80xi32, #tpu.memory_space<vmem>> -> memref<80xi32, #tpu.memory_space<vmem>>
      %dma_start3A_346 = arith.constant 0 : i32
      %dma_start3A_347 = arith.constant 0 : i32
      %dma_start3A_348 = tpu.memref_slice %arg22[%dma_start3A_346, %dma_start3A_347] : memref<10112x64xf32, #tpu.memory_space<vmem_shared>> -> memref<10112x64xf32, #tpu.memory_space<vmem_shared>>
      tpu.enqueue_indirect_dma source(%arg13 : memref<80x64xf32, #tpu.memory_space<vmem>>) target(%dma_start3A_348 : memref<10112x64xf32, #tpu.memory_space<vmem_shared>>) offsets(%dma_start3A_345 : memref<80xi32, #tpu.memory_space<vmem>>) semaphore(%arg21 : memref<!tpu.dma_semaphore, #tpu.memory_space<semaphore_mem>>) {add = true}
      %mul3A_349 = arith.constant 4 : i32
      %mul3A_350 = arith.muli %mul3A_349, %scan3A_315 : i32
      %add3A_351 = arith.constant 1 : i32
      %add3A_352 = arith.addi %mul3A_350, %add3A_351 : i32
      %sub3A_353 = arith.constant 4 : i32
      %sub3A_354 = arith.subi %add3A_352, %sub3A_353 : i32
      %dma_wait3A_355 = arith.constant 0 : i32
      %dma_wait3A_356 = tpu.memref_slice %arg9[%sub3A_354, %dma_wait3A_355] : memref<125x80xi32, #tpu.memory_space<vmem>> -> memref<1x80xi32, #tpu.memory_space<vmem>>
      %dma_wait3A_357 = tpu.memref_squeeze %dma_wait3A_356 : memref<1x80xi32, #tpu.memory_space<vmem>> -> memref<80xi32, #tpu.memory_space<vmem>>
      %dma_wait3A_358 = arith.constant 0 : i32
      %dma_wait3A_359 = arith.constant 0 : i32
      %dma_wait3A_360 = tpu.memref_slice %arg22[%dma_wait3A_358, %dma_wait3A_359] : memref<10112x64xf32, #tpu.memory_space<vmem_shared>> -> memref<10112x64xf32, #tpu.memory_space<vmem_shared>>
      tpu.wait_indirect_dma semaphore(%arg19 : memref<!tpu.dma_semaphore, #tpu.memory_space<semaphore_mem>>) src(%arg11 : memref<80x64xf32, #tpu.memory_space<vmem>>) dst(%dma_wait3A_360 : memref<10112x64xf32, #tpu.memory_space<vmem_shared>>)
      %dma_start3A_361 = arith.constant 0 : i32
      %dma_start3A_362 = tpu.memref_slice %arg7[%add3A_352, %dma_start3A_361] : memref<125x80xi32, #tpu.memory_space<vmem>> -> memref<1x80xi32, #tpu.memory_space<vmem>>
      %dma_start3A_363 = tpu.memref_squeeze %dma_start3A_362 : memref<1x80xi32, #tpu.memory_space<vmem>> -> memref<80xi32, #tpu.memory_space<vmem>>
      %dma_start3A_364 = arith.constant 0 : i32
      %dma_start3A_365 = arith.constant 0 : i32
      %dma_start3A_366 = tpu.memref_slice %arg2[%dma_start3A_364, %dma_start3A_365] : memref<20000x64xf32, #tpu.memory_space<hbm>> -> memref<20000x64xf32, #tpu.memory_space<hbm>>
      tpu.enqueue_indirect_dma source(%dma_start3A_366 : memref<20000x64xf32, #tpu.memory_space<hbm>>) target(%arg11 : memref<80x64xf32, #tpu.memory_space<vmem>>) offsets(%dma_start3A_363 : memref<80xi32, #tpu.memory_space<vmem>>) semaphore(%arg15 : memref<!tpu.dma_semaphore, #tpu.memory_space<semaphore_mem>>)
      %sub3A_367 = arith.constant 1 : i32
      %sub3A_368 = arith.subi %add3A_352, %sub3A_367 : i32
      %dma_wait3A_369 = arith.constant 0 : i32
      %dma_wait3A_370 = tpu.memref_slice %arg7[%sub3A_368, %dma_wait3A_369] : memref<125x80xi32, #tpu.memory_space<vmem>> -> memref<1x80xi32, #tpu.memory_space<vmem>>
      %dma_wait3A_371 = tpu.memref_squeeze %dma_wait3A_370 : memref<1x80xi32, #tpu.memory_space<vmem>> -> memref<80xi32, #tpu.memory_space<vmem>>
      %dma_wait3A_372 = arith.constant 0 : i32
      %dma_wait3A_373 = arith.constant 0 : i32
      %dma_wait3A_374 = tpu.memref_slice %arg2[%dma_wait3A_372, %dma_wait3A_373] : memref<20000x64xf32, #tpu.memory_space<hbm>> -> memref<20000x64xf32, #tpu.memory_space<hbm>>
      tpu.wait_indirect_dma semaphore(%arg14 : memref<!tpu.dma_semaphore, #tpu.memory_space<semaphore_mem>>) src(%dma_wait3A_374 : memref<20000x64xf32, #tpu.memory_space<hbm>>) dst(%arg10 : memref<80x64xf32, #tpu.memory_space<vmem>>)
      %sub3A_375 = arith.constant 1 : i32
      %sub3A_376 = arith.subi %add3A_352, %sub3A_375 : i32
      %dma_start3A_377 = arith.constant 0 : i32
      %dma_start3A_378 = tpu.memref_slice %arg9[%sub3A_376, %dma_start3A_377] : memref<125x80xi32, #tpu.memory_space<vmem>> -> memref<1x80xi32, #tpu.memory_space<vmem>>
      %dma_start3A_379 = tpu.memref_squeeze %dma_start3A_378 : memref<1x80xi32, #tpu.memory_space<vmem>> -> memref<80xi32, #tpu.memory_space<vmem>>
      %dma_start3A_380 = arith.constant 0 : i32
      %dma_start3A_381 = arith.constant 0 : i32
      %dma_start3A_382 = tpu.memref_slice %arg22[%dma_start3A_380, %dma_start3A_381] : memref<10112x64xf32, #tpu.memory_space<vmem_shared>> -> memref<10112x64xf32, #tpu.memory_space<vmem_shared>>
      tpu.enqueue_indirect_dma source(%arg10 : memref<80x64xf32, #tpu.memory_space<vmem>>) target(%dma_start3A_382 : memref<10112x64xf32, #tpu.memory_space<vmem_shared>>) offsets(%dma_start3A_379 : memref<80xi32, #tpu.memory_space<vmem>>) semaphore(%arg18 : memref<!tpu.dma_semaphore, #tpu.memory_space<semaphore_mem>>) {add = true}
      %mul3A_383 = arith.constant 4 : i32
      %mul3A_384 = arith.muli %mul3A_383, %scan3A_315 : i32
      %add3A_385 = arith.constant 2 : i32
      %add3A_386 = arith.addi %mul3A_384, %add3A_385 : i32
      %sub3A_387 = arith.constant 4 : i32
      %sub3A_388 = arith.subi %add3A_386, %sub3A_387 : i32
      %dma_wait3A_389 = arith.constant 0 : i32
      %dma_wait3A_390 = tpu.memref_slice %arg9[%sub3A_388, %dma_wait3A_389] : memref<125x80xi32, #tpu.memory_space<vmem>> -> memref<1x80xi32, #tpu.memory_space<vmem>>
      %dma_wait3A_391 = tpu.memref_squeeze %dma_wait3A_390 : memref<1x80xi32, #tpu.memory_space<vmem>> -> memref<80xi32, #tpu.memory_space<vmem>>
      %dma_wait3A_392 = arith.constant 0 : i32
      %dma_wait3A_393 = arith.constant 0 : i32
      %dma_wait3A_394 = tpu.memref_slice %arg22[%dma_wait3A_392, %dma_wait3A_393] : memref<10112x64xf32, #tpu.memory_space<vmem_shared>> -> memref<10112x64xf32, #tpu.memory_space<vmem_shared>>
      tpu.wait_indirect_dma semaphore(%arg20 : memref<!tpu.dma_semaphore, #tpu.memory_space<semaphore_mem>>) src(%arg12 : memref<80x64xf32, #tpu.memory_space<vmem>>) dst(%dma_wait3A_394 : memref<10112x64xf32, #tpu.memory_space<vmem_shared>>)
      %dma_start3A_395 = arith.constant 0 : i32
      %dma_start3A_396 = tpu.memref_slice %arg7[%add3A_386, %dma_start3A_395] : memref<125x80xi32, #tpu.memory_space<vmem>> -> memref<1x80xi32, #tpu.memory_space<vmem>>
      %dma_start3A_397 = tpu.memref_squeeze %dma_start3A_396 : memref<1x80xi32, #tpu.memory_space<vmem>> -> memref<80xi32, #tpu.memory_space<vmem>>
      %dma_start3A_398 = arith.constant 0 : i32
      %dma_start3A_399 = arith.constant 0 : i32
      %dma_start3A_400 = tpu.memref_slice %arg2[%dma_start3A_398, %dma_start3A_399] : memref<20000x64xf32, #tpu.memory_space<hbm>> -> memref<20000x64xf32, #tpu.memory_space<hbm>>
      tpu.enqueue_indirect_dma source(%dma_start3A_400 : memref<20000x64xf32, #tpu.memory_space<hbm>>) target(%arg12 : memref<80x64xf32, #tpu.memory_space<vmem>>) offsets(%dma_start3A_397 : memref<80xi32, #tpu.memory_space<vmem>>) semaphore(%arg16 : memref<!tpu.dma_semaphore, #tpu.memory_space<semaphore_mem>>)
      %sub3A_401 = arith.constant 1 : i32
      %sub3A_402 = arith.subi %add3A_386, %sub3A_401 : i32
      %dma_wait3A_403 = arith.constant 0 : i32
      %dma_wait3A_404 = tpu.memref_slice %arg7[%sub3A_402, %dma_wait3A_403] : memref<125x80xi32, #tpu.memory_space<vmem>> -> memref<1x80xi32, #tpu.memory_space<vmem>>
      %dma_wait3A_405 = tpu.memref_squeeze %dma_wait3A_404 : memref<1x80xi32, #tpu.memory_space<vmem>> -> memref<80xi32, #tpu.memory_space<vmem>>
      %dma_wait3A_406 = arith.constant 0 : i32
      %dma_wait3A_407 = arith.constant 0 : i32
      %dma_wait3A_408 = tpu.memref_slice %arg2[%dma_wait3A_406, %dma_wait3A_407] : memref<20000x64xf32, #tpu.memory_space<hbm>> -> memref<20000x64xf32, #tpu.memory_space<hbm>>
      tpu.wait_indirect_dma semaphore(%arg15 : memref<!tpu.dma_semaphore, #tpu.memory_space<semaphore_mem>>) src(%dma_wait3A_408 : memref<20000x64xf32, #tpu.memory_space<hbm>>) dst(%arg11 : memref<80x64xf32, #tpu.memory_space<vmem>>)
      %sub3A_409 = arith.constant 1 : i32
      %sub3A_410 = arith.subi %add3A_386, %sub3A_409 : i32
      %dma_start3A_411 = arith.constant 0 : i32
      %dma_start3A_412 = tpu.memref_slice %arg9[%sub3A_410, %dma_start3A_411] : memref<125x80xi32, #tpu.memory_space<vmem>> -> memref<1x80xi32, #tpu.memory_space<vmem>>
      %dma_start3A_413 = tpu.memref_squeeze %dma_start3A_412 : memref<1x80xi32, #tpu.memory_space<vmem>> -> memref<80xi32, #tpu.memory_space<vmem>>
      %dma_start3A_414 = arith.constant 0 : i32
      %dma_start3A_415 = arith.constant 0 : i32
      %dma_start3A_416 = tpu.memref_slice %arg22[%dma_start3A_414, %dma_start3A_415] : memref<10112x64xf32, #tpu.memory_space<vmem_shared>> -> memref<10112x64xf32, #tpu.memory_space<vmem_shared>>
      tpu.enqueue_indirect_dma source(%arg11 : memref<80x64xf32, #tpu.memory_space<vmem>>) target(%dma_start3A_416 : memref<10112x64xf32, #tpu.memory_space<vmem_shared>>) offsets(%dma_start3A_413 : memref<80xi32, #tpu.memory_space<vmem>>) semaphore(%arg19 : memref<!tpu.dma_semaphore, #tpu.memory_space<semaphore_mem>>) {add = true}
      %mul3A_417 = arith.constant 4 : i32
      %mul3A_418 = arith.muli %mul3A_417, %scan3A_315 : i32
      %add3A_419 = arith.constant 3 : i32
      %add3A_420 = arith.addi %mul3A_418, %add3A_419 : i32
      %sub3A_421 = arith.constant 4 : i32
      %sub3A_422 = arith.subi %add3A_420, %sub3A_421 : i32
      %dma_wait3A_423 = arith.constant 0 : i32
      %dma_wait3A_424 = tpu.memref_slice %arg9[%sub3A_422, %dma_wait3A_423] : memref<125x80xi32, #tpu.memory_space<vmem>> -> memref<1x80xi32, #tpu.memory_space<vmem>>
      %dma_wait3A_425 = tpu.memref_squeeze %dma_wait3A_424 : memref<1x80xi32, #tpu.memory_space<vmem>> -> memref<80xi32, #tpu.memory_space<vmem>>
      %dma_wait3A_426 = arith.constant 0 : i32
      %dma_wait3A_427 = arith.constant 0 : i32
      %dma_wait3A_428 = tpu.memref_slice %arg22[%dma_wait3A_426, %dma_wait3A_427] : memref<10112x64xf32, #tpu.memory_space<vmem_shared>> -> memref<10112x64xf32, #tpu.memory_space<vmem_shared>>
      tpu.wait_indirect_dma semaphore(%arg21 : memref<!tpu.dma_semaphore, #tpu.memory_space<semaphore_mem>>) src(%arg13 : memref<80x64xf32, #tpu.memory_space<vmem>>) dst(%dma_wait3A_428 : memref<10112x64xf32, #tpu.memory_space<vmem_shared>>)
      %dma_start3A_429 = arith.constant 0 : i32
      %dma_start3A_430 = tpu.memref_slice %arg7[%add3A_420, %dma_start3A_429] : memref<125x80xi32, #tpu.memory_space<vmem>> -> memref<1x80xi32, #tpu.memory_space<vmem>>
      %dma_start3A_431 = tpu.memref_squeeze %dma_start3A_430 : memref<1x80xi32, #tpu.memory_space<vmem>> -> memref<80xi32, #tpu.memory_space<vmem>>
      %dma_start3A_432 = arith.constant 0 : i32
      %dma_start3A_433 = arith.constant 0 : i32
      %dma_start3A_434 = tpu.memref_slice %arg2[%dma_start3A_432, %dma_start3A_433] : memref<20000x64xf32, #tpu.memory_space<hbm>> -> memref<20000x64xf32, #tpu.memory_space<hbm>>
      tpu.enqueue_indirect_dma source(%dma_start3A_434 : memref<20000x64xf32, #tpu.memory_space<hbm>>) target(%arg13 : memref<80x64xf32, #tpu.memory_space<vmem>>) offsets(%dma_start3A_431 : memref<80xi32, #tpu.memory_space<vmem>>) semaphore(%arg17 : memref<!tpu.dma_semaphore, #tpu.memory_space<semaphore_mem>>)
      %sub3A_435 = arith.constant 1 : i32
      %sub3A_436 = arith.subi %add3A_420, %sub3A_435 : i32
      %dma_wait3A_437 = arith.constant 0 : i32
      %dma_wait3A_438 = tpu.memref_slice %arg7[%sub3A_436, %dma_wait3A_437] : memref<125x80xi32, #tpu.memory_space<vmem>> -> memref<1x80xi32, #tpu.memory_space<vmem>>
      %dma_wait3A_439 = tpu.memref_squeeze %dma_wait3A_438 : memref<1x80xi32, #tpu.memory_space<vmem>> -> memref<80xi32, #tpu.memory_space<vmem>>
      %dma_wait3A_440 = arith.constant 0 : i32
      %dma_wait3A_441 = arith.constant 0 : i32
      %dma_wait3A_442 = tpu.memref_slice %arg2[%dma_wait3A_440, %dma_wait3A_441] : memref<20000x64xf32, #tpu.memory_space<hbm>> -> memref<20000x64xf32, #tpu.memory_space<hbm>>
      tpu.wait_indirect_dma semaphore(%arg16 : memref<!tpu.dma_semaphore, #tpu.memory_space<semaphore_mem>>) src(%dma_wait3A_442 : memref<20000x64xf32, #tpu.memory_space<hbm>>) dst(%arg12 : memref<80x64xf32, #tpu.memory_space<vmem>>)
      %sub3A_443 = arith.constant 1 : i32
      %sub3A_444 = arith.subi %add3A_420, %sub3A_443 : i32
      %dma_start3A_445 = arith.constant 0 : i32
      %dma_start3A_446 = tpu.memref_slice %arg9[%sub3A_444, %dma_start3A_445] : memref<125x80xi32, #tpu.memory_space<vmem>> -> memref<1x80xi32, #tpu.memory_space<vmem>>
      %dma_start3A_447 = tpu.memref_squeeze %dma_start3A_446 : memref<1x80xi32, #tpu.memory_space<vmem>> -> memref<80xi32, #tpu.memory_space<vmem>>
      %dma_start3A_448 = arith.constant 0 : i32
      %dma_start3A_449 = arith.constant 0 : i32
      %dma_start3A_450 = tpu.memref_slice %arg22[%dma_start3A_448, %dma_start3A_449] : memref<10112x64xf32, #tpu.memory_space<vmem_shared>> -> memref<10112x64xf32, #tpu.memory_space<vmem_shared>>
      tpu.enqueue_indirect_dma source(%arg12 : memref<80x64xf32, #tpu.memory_space<vmem>>) target(%dma_start3A_450 : memref<10112x64xf32, #tpu.memory_space<vmem_shared>>) offsets(%dma_start3A_447 : memref<80xi32, #tpu.memory_space<vmem>>) semaphore(%arg20 : memref<!tpu.dma_semaphore, #tpu.memory_space<semaphore_mem>>) {add = true}
    }
    %scan3A_83 = arith.constant 30 : i32
    %dma_wait3A_84 = arith.constant 120 : i32
    %dma_wait3A_85 = arith.constant 0 : i32
    %dma_wait3A_86 = tpu.memref_slice %arg9[%dma_wait3A_84, %dma_wait3A_85] : memref<125x80xi32, #tpu.memory_space<vmem>> -> memref<1x80xi32, #tpu.memory_space<vmem>>
    %dma_wait3A_87 = tpu.memref_squeeze %dma_wait3A_86 : memref<1x80xi32, #tpu.memory_space<vmem>> -> memref<80xi32, #tpu.memory_space<vmem>>
    %dma_wait3A_88 = arith.constant 0 : i32
    %dma_wait3A_89 = arith.constant 0 : i32
    %dma_wait3A_90 = tpu.memref_slice %arg22[%dma_wait3A_88, %dma_wait3A_89] : memref<10112x64xf32, #tpu.memory_space<vmem_shared>> -> memref<10112x64xf32, #tpu.memory_space<vmem_shared>>
    tpu.wait_indirect_dma semaphore(%arg18 : memref<!tpu.dma_semaphore, #tpu.memory_space<semaphore_mem>>) src(%arg10 : memref<80x64xf32, #tpu.memory_space<vmem>>) dst(%dma_wait3A_90 : memref<10112x64xf32, #tpu.memory_space<vmem_shared>>)
    %dma_start3A_91 = arith.constant 124 : i32
    %dma_start3A_92 = arith.constant 0 : i32
    %dma_start3A_93 = tpu.memref_slice %arg7[%dma_start3A_91, %dma_start3A_92] : memref<125x80xi32, #tpu.memory_space<vmem>> -> memref<1x80xi32, #tpu.memory_space<vmem>>
    %dma_start3A_94 = tpu.memref_squeeze %dma_start3A_93 : memref<1x80xi32, #tpu.memory_space<vmem>> -> memref<80xi32, #tpu.memory_space<vmem>>
    %dma_start3A_95 = arith.constant 0 : i32
    %dma_start3A_96 = arith.constant 0 : i32
    %dma_start3A_97 = tpu.memref_slice %arg2[%dma_start3A_95, %dma_start3A_96] : memref<20000x64xf32, #tpu.memory_space<hbm>> -> memref<20000x64xf32, #tpu.memory_space<hbm>>
    tpu.enqueue_indirect_dma source(%dma_start3A_97 : memref<20000x64xf32, #tpu.memory_space<hbm>>) target(%arg10 : memref<80x64xf32, #tpu.memory_space<vmem>>) offsets(%dma_start3A_94 : memref<80xi32, #tpu.memory_space<vmem>>) semaphore(%arg14 : memref<!tpu.dma_semaphore, #tpu.memory_space<semaphore_mem>>)
    %dma_wait3A_98 = arith.constant 123 : i32
    %dma_wait3A_99 = arith.constant 0 : i32
    %dma_wait3A_100 = tpu.memref_slice %arg7[%dma_wait3A_98, %dma_wait3A_99] : memref<125x80xi32, #tpu.memory_space<vmem>> -> memref<1x80xi32, #tpu.memory_space<vmem>>
    %dma_wait3A_101 = tpu.memref_squeeze %dma_wait3A_100 : memref<1x80xi32, #tpu.memory_space<vmem>> -> memref<80xi32, #tpu.memory_space<vmem>>
    %dma_wait3A_102 = arith.constant 0 : i32
    %dma_wait3A_103 = arith.constant 0 : i32
    %dma_wait3A_104 = tpu.memref_slice %arg2[%dma_wait3A_102, %dma_wait3A_103] : memref<20000x64xf32, #tpu.memory_space<hbm>> -> memref<20000x64xf32, #tpu.memory_space<hbm>>
    tpu.wait_indirect_dma semaphore(%arg17 : memref<!tpu.dma_semaphore, #tpu.memory_space<semaphore_mem>>) src(%dma_wait3A_104 : memref<20000x64xf32, #tpu.memory_space<hbm>>) dst(%arg13 : memref<80x64xf32, #tpu.memory_space<vmem>>)
    %dma_start3A_105 = arith.constant 123 : i32
    %dma_start3A_106 = arith.constant 0 : i32
    %dma_start3A_107 = tpu.memref_slice %arg9[%dma_start3A_105, %dma_start3A_106] : memref<125x80xi32, #tpu.memory_space<vmem>> -> memref<1x80xi32, #tpu.memory_space<vmem>>
    %dma_start3A_108 = tpu.memref_squeeze %dma_start3A_107 : memref<1x80xi32, #tpu.memory_space<vmem>> -> memref<80xi32, #tpu.memory_space<vmem>>
    %dma_start3A_109 = arith.constant 0 : i32
    %dma_start3A_110 = arith.constant 0 : i32
    %dma_start3A_111 = tpu.memref_slice %arg22[%dma_start3A_109, %dma_start3A_110] : memref<10112x64xf32, #tpu.memory_space<vmem_shared>> -> memref<10112x64xf32, #tpu.memory_space<vmem_shared>>
    tpu.enqueue_indirect_dma source(%arg13 : memref<80x64xf32, #tpu.memory_space<vmem>>) target(%dma_start3A_111 : memref<10112x64xf32, #tpu.memory_space<vmem_shared>>) offsets(%dma_start3A_108 : memref<80xi32, #tpu.memory_space<vmem>>) semaphore(%arg21 : memref<!tpu.dma_semaphore, #tpu.memory_space<semaphore_mem>>) {add = true}
    %dma_wait3A_112 = arith.constant 124 : i32
    %dma_wait3A_113 = arith.constant 0 : i32
    %dma_wait3A_114 = tpu.memref_slice %arg7[%dma_wait3A_112, %dma_wait3A_113] : memref<125x80xi32, #tpu.memory_space<vmem>> -> memref<1x80xi32, #tpu.memory_space<vmem>>
    %dma_wait3A_115 = tpu.memref_squeeze %dma_wait3A_114 : memref<1x80xi32, #tpu.memory_space<vmem>> -> memref<80xi32, #tpu.memory_space<vmem>>
    %dma_wait3A_116 = arith.constant 0 : i32
    %dma_wait3A_117 = arith.constant 0 : i32
    %dma_wait3A_118 = tpu.memref_slice %arg2[%dma_wait3A_116, %dma_wait3A_117] : memref<20000x64xf32, #tpu.memory_space<hbm>> -> memref<20000x64xf32, #tpu.memory_space<hbm>>
    tpu.wait_indirect_dma semaphore(%arg14 : memref<!tpu.dma_semaphore, #tpu.memory_space<semaphore_mem>>) src(%dma_wait3A_118 : memref<20000x64xf32, #tpu.memory_space<hbm>>) dst(%arg10 : memref<80x64xf32, #tpu.memory_space<vmem>>)
    %dma_start3A_119 = arith.constant 124 : i32
    %dma_start3A_120 = arith.constant 0 : i32
    %dma_start3A_121 = tpu.memref_slice %arg9[%dma_start3A_119, %dma_start3A_120] : memref<125x80xi32, #tpu.memory_space<vmem>> -> memref<1x80xi32, #tpu.memory_space<vmem>>
    %dma_start3A_122 = tpu.memref_squeeze %dma_start3A_121 : memref<1x80xi32, #tpu.memory_space<vmem>> -> memref<80xi32, #tpu.memory_space<vmem>>
    %dma_start3A_123 = arith.constant 0 : i32
    %dma_start3A_124 = arith.constant 0 : i32
    %dma_start3A_125 = tpu.memref_slice %arg22[%dma_start3A_123, %dma_start3A_124] : memref<10112x64xf32, #tpu.memory_space<vmem_shared>> -> memref<10112x64xf32, #tpu.memory_space<vmem_shared>>
    tpu.enqueue_indirect_dma source(%arg10 : memref<80x64xf32, #tpu.memory_space<vmem>>) target(%dma_start3A_125 : memref<10112x64xf32, #tpu.memory_space<vmem_shared>>) offsets(%dma_start3A_122 : memref<80xi32, #tpu.memory_space<vmem>>) semaphore(%arg18 : memref<!tpu.dma_semaphore, #tpu.memory_space<semaphore_mem>>) {add = true}
    %dma_wait3A_126 = arith.constant 121 : i32
    %dma_wait3A_127 = arith.constant 0 : i32
    %dma_wait3A_128 = tpu.memref_slice %arg9[%dma_wait3A_126, %dma_wait3A_127] : memref<125x80xi32, #tpu.memory_space<vmem>> -> memref<1x80xi32, #tpu.memory_space<vmem>>
    %dma_wait3A_129 = tpu.memref_squeeze %dma_wait3A_128 : memref<1x80xi32, #tpu.memory_space<vmem>> -> memref<80xi32, #tpu.memory_space<vmem>>
    %dma_wait3A_130 = arith.constant 0 : i32
    %dma_wait3A_131 = arith.constant 0 : i32
    %dma_wait3A_132 = tpu.memref_slice %arg22[%dma_wait3A_130, %dma_wait3A_131] : memref<10112x64xf32, #tpu.memory_space<vmem_shared>> -> memref<10112x64xf32, #tpu.memory_space<vmem_shared>>
    tpu.wait_indirect_dma semaphore(%arg19 : memref<!tpu.dma_semaphore, #tpu.memory_space<semaphore_mem>>) src(%arg11 : memref<80x64xf32, #tpu.memory_space<vmem>>) dst(%dma_wait3A_132 : memref<10112x64xf32, #tpu.memory_space<vmem_shared>>)
    %dma_wait3A_133 = arith.constant 122 : i32
    %dma_wait3A_134 = arith.constant 0 : i32
    %dma_wait3A_135 = tpu.memref_slice %arg9[%dma_wait3A_133, %dma_wait3A_134] : memref<125x80xi32, #tpu.memory_space<vmem>> -> memref<1x80xi32, #tpu.memory_space<vmem>>
    %dma_wait3A_136 = tpu.memref_squeeze %dma_wait3A_135 : memref<1x80xi32, #tpu.memory_space<vmem>> -> memref<80xi32, #tpu.memory_space<vmem>>
    %dma_wait3A_137 = arith.constant 0 : i32
    %dma_wait3A_138 = arith.constant 0 : i32
    %dma_wait3A_139 = tpu.memref_slice %arg22[%dma_wait3A_137, %dma_wait3A_138] : memref<10112x64xf32, #tpu.memory_space<vmem_shared>> -> memref<10112x64xf32, #tpu.memory_space<vmem_shared>>
    tpu.wait_indirect_dma semaphore(%arg20 : memref<!tpu.dma_semaphore, #tpu.memory_space<semaphore_mem>>) src(%arg12 : memref<80x64xf32, #tpu.memory_space<vmem>>) dst(%dma_wait3A_139 : memref<10112x64xf32, #tpu.memory_space<vmem_shared>>)
    %dma_wait3A_140 = arith.constant 123 : i32
    %dma_wait3A_141 = arith.constant 0 : i32
    %dma_wait3A_142 = tpu.memref_slice %arg9[%dma_wait3A_140, %dma_wait3A_141] : memref<125x80xi32, #tpu.memory_space<vmem>> -> memref<1x80xi32, #tpu.memory_space<vmem>>
    %dma_wait3A_143 = tpu.memref_squeeze %dma_wait3A_142 : memref<1x80xi32, #tpu.memory_space<vmem>> -> memref<80xi32, #tpu.memory_space<vmem>>
    %dma_wait3A_144 = arith.constant 0 : i32
    %dma_wait3A_145 = arith.constant 0 : i32
    %dma_wait3A_146 = tpu.memref_slice %arg22[%dma_wait3A_144, %dma_wait3A_145] : memref<10112x64xf32, #tpu.memory_space<vmem_shared>> -> memref<10112x64xf32, #tpu.memory_space<vmem_shared>>
    tpu.wait_indirect_dma semaphore(%arg21 : memref<!tpu.dma_semaphore, #tpu.memory_space<semaphore_mem>>) src(%arg13 : memref<80x64xf32, #tpu.memory_space<vmem>>) dst(%dma_wait3A_146 : memref<10112x64xf32, #tpu.memory_space<vmem_shared>>)
    %dma_wait3A_147 = arith.constant 124 : i32
    %dma_wait3A_148 = arith.constant 0 : i32
    %dma_wait3A_149 = tpu.memref_slice %arg9[%dma_wait3A_147, %dma_wait3A_148] : memref<125x80xi32, #tpu.memory_space<vmem>> -> memref<1x80xi32, #tpu.memory_space<vmem>>
    %dma_wait3A_150 = tpu.memref_squeeze %dma_wait3A_149 : memref<1x80xi32, #tpu.memory_space<vmem>> -> memref<80xi32, #tpu.memory_space<vmem>>
    %dma_wait3A_151 = arith.constant 0 : i32
    %dma_wait3A_152 = arith.constant 0 : i32
    %dma_wait3A_153 = tpu.memref_slice %arg22[%dma_wait3A_151, %dma_wait3A_152] : memref<10112x64xf32, #tpu.memory_space<vmem_shared>> -> memref<10112x64xf32, #tpu.memory_space<vmem_shared>>
    tpu.wait_indirect_dma semaphore(%arg18 : memref<!tpu.dma_semaphore, #tpu.memory_space<semaphore_mem>>) src(%arg10 : memref<80x64xf32, #tpu.memory_space<vmem>>) dst(%dma_wait3A_153 : memref<10112x64xf32, #tpu.memory_space<vmem_shared>>)
    %barrier3A_154 = arith.constant 0 : index
    tpu.barrier barrier_id(%barrier3A_154)
    %mul3A_155 = arith.constant 632 : i32
    %mul3A_156 = arith.muli %arg1, %mul3A_155 : i32
    %mul3A_157 = arith.constant 632 : i32
    %mul3A_158 = arith.muli %arg1, %mul3A_157 : i32
    "tpu.region"() ({
      %run_scoped3A = tpu.sem_alloc : memref<!tpu.dma_semaphore, #tpu.memory_space<semaphore_mem>>
      %dma_start3A_315 = arith.constant 0 : i32
      %dma_start3A_316 = arith.constant 0 : i32
      %dma_start3A_317 = tpu.memref_slice %arg6[%arg0, %dma_start3A_315, %dma_start3A_316] : memref<2x10112x128xf32, #tpu.memory_space<hbm>> -> memref<1x10112x128xf32, #tpu.memory_space<hbm>>
      %dma_start3A_318 = tpu.memref_squeeze %dma_start3A_317 : memref<1x10112x128xf32, #tpu.memory_space<hbm>> -> memref<10112x128xf32, #tpu.memory_space<hbm>>
      %dma_start3A_319 = arith.constant 0 : i32
      %dma_start3A_320 = tpu.memref_slice %dma_start3A_318[%mul3A_158, %dma_start3A_319] : memref<10112x128xf32, #tpu.memory_space<hbm>> -> memref<632x64xf32, #tpu.memory_space<hbm>>
      %dma_start3A_321 = arith.constant 0 : i32
      %dma_start3A_322 = tpu.memref_slice %arg22[%mul3A_156, %dma_start3A_321] : memref<10112x64xf32, #tpu.memory_space<vmem_shared>> -> memref<632x64xf32, #tpu.memory_space<vmem_shared>>
      tpu.enqueue_dma source(%dma_start3A_322 : memref<632x64xf32, #tpu.memory_space<vmem_shared>>) target(%dma_start3A_320 : memref<632x64xf32, #tpu.memory_space<hbm>>) target_semaphore(%run_scoped3A : memref<!tpu.dma_semaphore, #tpu.memory_space<semaphore_mem>>)
      %dma_wait3A_323 = arith.constant 0 : i32
      %dma_wait3A_324 = arith.constant 0 : i32
      %dma_wait3A_325 = tpu.memref_slice %arg6[%arg0, %dma_wait3A_323, %dma_wait3A_324] : memref<2x10112x128xf32, #tpu.memory_space<hbm>> -> memref<1x10112x128xf32, #tpu.memory_space<hbm>>
      %dma_wait3A_326 = tpu.memref_squeeze %dma_wait3A_325 : memref<1x10112x128xf32, #tpu.memory_space<hbm>> -> memref<10112x128xf32, #tpu.memory_space<hbm>>
      %dma_wait3A_327 = arith.constant 0 : i32
      %dma_wait3A_328 = tpu.memref_slice %dma_wait3A_326[%mul3A_158, %dma_wait3A_327] : memref<10112x128xf32, #tpu.memory_space<hbm>> -> memref<632x64xf32, #tpu.memory_space<hbm>>
      %dma_wait3A_329 = arith.constant 0 : i32
      %dma_wait3A_330 = tpu.memref_slice %arg22[%mul3A_156, %dma_wait3A_329] : memref<10112x64xf32, #tpu.memory_space<vmem_shared>> -> memref<632x64xf32, #tpu.memory_space<vmem_shared>>
      tpu.wait_dma2 semaphore(%run_scoped3A : memref<!tpu.dma_semaphore, #tpu.memory_space<semaphore_mem>>) src(%dma_wait3A_330 : memref<632x64xf32, #tpu.memory_space<vmem_shared>>) dst(%dma_wait3A_328 : memref<632x64xf32, #tpu.memory_space<hbm>>)
      tpu.yield
    }) : () -> ()
    %mul3A_159 = arith.constant 632 : i32
    %mul3A_160 = arith.muli %arg1, %mul3A_159 : i32
    %mul3A_161 = arith.constant 632 : i32
    %mul3A_162 = arith.muli %arg1, %mul3A_161 : i32
    "tpu.region"() ({
      %run_scoped3A = tpu.sem_alloc : memref<!tpu.dma_semaphore, #tpu.memory_space<semaphore_mem>>
      %dma_start3A_315 = arith.constant 0 : i32
      %dma_start3A_316 = tpu.memref_slice %arg22[%mul3A_162, %dma_start3A_315] : memref<10112x64xf32, #tpu.memory_space<vmem_shared>> -> memref<632x64xf32, #tpu.memory_space<vmem_shared>>
      %dma_start3A_317 = arith.constant 0 : i32
      %dma_start3A_318 = tpu.memref_slice %arg5[%mul3A_160, %dma_start3A_317] : memref<10112x64xf32, #tpu.memory_space<hbm>> -> memref<632x64xf32, #tpu.memory_space<hbm>>
      tpu.enqueue_dma source(%dma_start3A_318 : memref<632x64xf32, #tpu.memory_space<hbm>>) target(%dma_start3A_316 : memref<632x64xf32, #tpu.memory_space<vmem_shared>>) target_semaphore(%run_scoped3A : memref<!tpu.dma_semaphore, #tpu.memory_space<semaphore_mem>>)
      %dma_wait3A_319 = arith.constant 0 : i32
      %dma_wait3A_320 = tpu.memref_slice %arg22[%mul3A_162, %dma_wait3A_319] : memref<10112x64xf32, #tpu.memory_space<vmem_shared>> -> memref<632x64xf32, #tpu.memory_space<vmem_shared>>
      %dma_wait3A_321 = arith.constant 0 : i32
      %dma_wait3A_322 = tpu.memref_slice %arg5[%mul3A_160, %dma_wait3A_321] : memref<10112x64xf32, #tpu.memory_space<hbm>> -> memref<632x64xf32, #tpu.memory_space<hbm>>
      tpu.wait_dma2 semaphore(%run_scoped3A : memref<!tpu.dma_semaphore, #tpu.memory_space<semaphore_mem>>) src(%dma_wait3A_322 : memref<632x64xf32, #tpu.memory_space<hbm>>) dst(%dma_wait3A_320 : memref<632x64xf32, #tpu.memory_space<vmem_shared>>)
      tpu.yield
    }) : () -> ()
    %barrier3A_163 = arith.constant 0 : index
    tpu.barrier barrier_id(%barrier3A_163)
    %dma_start3A_164 = arith.constant 0 : i32
    %dma_start3A_165 = arith.constant 0 : i32
    %dma_start3A_166 = tpu.memref_slice %arg8[%dma_start3A_164, %dma_start3A_165] : memref<125x80xi32, #tpu.memory_space<vmem>> -> memref<1x80xi32, #tpu.memory_space<vmem>>
    %dma_start3A_167 = tpu.memref_squeeze %dma_start3A_166 : memref<1x80xi32, #tpu.memory_space<vmem>> -> memref<80xi32, #tpu.memory_space<vmem>>
    %dma_start3A_168 = arith.constant 0 : i32
    %dma_start3A_169 = arith.constant 0 : i32
    %dma_start3A_170 = tpu.memref_slice %arg2[%dma_start3A_168, %dma_start3A_169] : memref<20000x64xf32, #tpu.memory_space<hbm>> -> memref<20000x64xf32, #tpu.memory_space<hbm>>
    tpu.enqueue_indirect_dma source(%dma_start3A_170 : memref<20000x64xf32, #tpu.memory_space<hbm>>) target(%arg10 : memref<80x64xf32, #tpu.memory_space<vmem>>) offsets(%dma_start3A_167 : memref<80xi32, #tpu.memory_space<vmem>>) semaphore(%arg14 : memref<!tpu.dma_semaphore, #tpu.memory_space<semaphore_mem>>)
    %dma_start3A_171 = arith.constant 1 : i32
    %dma_start3A_172 = arith.constant 0 : i32
    %dma_start3A_173 = tpu.memref_slice %arg8[%dma_start3A_171, %dma_start3A_172] : memref<125x80xi32, #tpu.memory_space<vmem>> -> memref<1x80xi32, #tpu.memory_space<vmem>>
    %dma_start3A_174 = tpu.memref_squeeze %dma_start3A_173 : memref<1x80xi32, #tpu.memory_space<vmem>> -> memref<80xi32, #tpu.memory_space<vmem>>
    %dma_start3A_175 = arith.constant 0 : i32
    %dma_start3A_176 = arith.constant 0 : i32
    %dma_start3A_177 = tpu.memref_slice %arg2[%dma_start3A_175, %dma_start3A_176] : memref<20000x64xf32, #tpu.memory_space<hbm>> -> memref<20000x64xf32, #tpu.memory_space<hbm>>
    tpu.enqueue_indirect_dma source(%dma_start3A_177 : memref<20000x64xf32, #tpu.memory_space<hbm>>) target(%arg11 : memref<80x64xf32, #tpu.memory_space<vmem>>) offsets(%dma_start3A_174 : memref<80xi32, #tpu.memory_space<vmem>>) semaphore(%arg15 : memref<!tpu.dma_semaphore, #tpu.memory_space<semaphore_mem>>)
    %dma_wait3A_178 = arith.constant 0 : i32
    %dma_wait3A_179 = arith.constant 0 : i32
    %dma_wait3A_180 = tpu.memref_slice %arg8[%dma_wait3A_178, %dma_wait3A_179] : memref<125x80xi32, #tpu.memory_space<vmem>> -> memref<1x80xi32, #tpu.memory_space<vmem>>
    %dma_wait3A_181 = tpu.memref_squeeze %dma_wait3A_180 : memref<1x80xi32, #tpu.memory_space<vmem>> -> memref<80xi32, #tpu.memory_space<vmem>>
    %dma_wait3A_182 = arith.constant 0 : i32
    %dma_wait3A_183 = arith.constant 0 : i32
    %dma_wait3A_184 = tpu.memref_slice %arg2[%dma_wait3A_182, %dma_wait3A_183] : memref<20000x64xf32, #tpu.memory_space<hbm>> -> memref<20000x64xf32, #tpu.memory_space<hbm>>
    tpu.wait_indirect_dma semaphore(%arg14 : memref<!tpu.dma_semaphore, #tpu.memory_space<semaphore_mem>>) src(%dma_wait3A_184 : memref<20000x64xf32, #tpu.memory_space<hbm>>) dst(%arg10 : memref<80x64xf32, #tpu.memory_space<vmem>>)
    %dma_start3A_185 = arith.constant 0 : i32
    %dma_start3A_186 = arith.constant 0 : i32
    %dma_start3A_187 = tpu.memref_slice %arg9[%dma_start3A_185, %dma_start3A_186] : memref<125x80xi32, #tpu.memory_space<vmem>> -> memref<1x80xi32, #tpu.memory_space<vmem>>
    %dma_start3A_188 = tpu.memref_squeeze %dma_start3A_187 : memref<1x80xi32, #tpu.memory_space<vmem>> -> memref<80xi32, #tpu.memory_space<vmem>>
    %dma_start3A_189 = arith.constant 0 : i32
    %dma_start3A_190 = arith.constant 0 : i32
    %dma_start3A_191 = tpu.memref_slice %arg22[%dma_start3A_189, %dma_start3A_190] : memref<10112x64xf32, #tpu.memory_space<vmem_shared>> -> memref<10112x64xf32, #tpu.memory_space<vmem_shared>>
    tpu.enqueue_indirect_dma source(%arg10 : memref<80x64xf32, #tpu.memory_space<vmem>>) target(%dma_start3A_191 : memref<10112x64xf32, #tpu.memory_space<vmem_shared>>) offsets(%dma_start3A_188 : memref<80xi32, #tpu.memory_space<vmem>>) semaphore(%arg18 : memref<!tpu.dma_semaphore, #tpu.memory_space<semaphore_mem>>) {add = true}
    %dma_start3A_192 = arith.constant 2 : i32
    %dma_start3A_193 = arith.constant 0 : i32
    %dma_start3A_194 = tpu.memref_slice %arg8[%dma_start3A_192, %dma_start3A_193] : memref<125x80xi32, #tpu.memory_space<vmem>> -> memref<1x80xi32, #tpu.memory_space<vmem>>
    %dma_start3A_195 = tpu.memref_squeeze %dma_start3A_194 : memref<1x80xi32, #tpu.memory_space<vmem>> -> memref<80xi32, #tpu.memory_space<vmem>>
    %dma_start3A_196 = arith.constant 0 : i32
    %dma_start3A_197 = arith.constant 0 : i32
    %dma_start3A_198 = tpu.memref_slice %arg2[%dma_start3A_196, %dma_start3A_197] : memref<20000x64xf32, #tpu.memory_space<hbm>> -> memref<20000x64xf32, #tpu.memory_space<hbm>>
    tpu.enqueue_indirect_dma source(%dma_start3A_198 : memref<20000x64xf32, #tpu.memory_space<hbm>>) target(%arg12 : memref<80x64xf32, #tpu.memory_space<vmem>>) offsets(%dma_start3A_195 : memref<80xi32, #tpu.memory_space<vmem>>) semaphore(%arg16 : memref<!tpu.dma_semaphore, #tpu.memory_space<semaphore_mem>>)
    %dma_wait3A_199 = arith.constant 1 : i32
    %dma_wait3A_200 = arith.constant 0 : i32
    %dma_wait3A_201 = tpu.memref_slice %arg8[%dma_wait3A_199, %dma_wait3A_200] : memref<125x80xi32, #tpu.memory_space<vmem>> -> memref<1x80xi32, #tpu.memory_space<vmem>>
    %dma_wait3A_202 = tpu.memref_squeeze %dma_wait3A_201 : memref<1x80xi32, #tpu.memory_space<vmem>> -> memref<80xi32, #tpu.memory_space<vmem>>
    %dma_wait3A_203 = arith.constant 0 : i32
    %dma_wait3A_204 = arith.constant 0 : i32
    %dma_wait3A_205 = tpu.memref_slice %arg2[%dma_wait3A_203, %dma_wait3A_204] : memref<20000x64xf32, #tpu.memory_space<hbm>> -> memref<20000x64xf32, #tpu.memory_space<hbm>>
    tpu.wait_indirect_dma semaphore(%arg15 : memref<!tpu.dma_semaphore, #tpu.memory_space<semaphore_mem>>) src(%dma_wait3A_205 : memref<20000x64xf32, #tpu.memory_space<hbm>>) dst(%arg11 : memref<80x64xf32, #tpu.memory_space<vmem>>)
    %dma_start3A_206 = arith.constant 1 : i32
    %dma_start3A_207 = arith.constant 0 : i32
    %dma_start3A_208 = tpu.memref_slice %arg9[%dma_start3A_206, %dma_start3A_207] : memref<125x80xi32, #tpu.memory_space<vmem>> -> memref<1x80xi32, #tpu.memory_space<vmem>>
    %dma_start3A_209 = tpu.memref_squeeze %dma_start3A_208 : memref<1x80xi32, #tpu.memory_space<vmem>> -> memref<80xi32, #tpu.memory_space<vmem>>
    %dma_start3A_210 = arith.constant 0 : i32
    %dma_start3A_211 = arith.constant 0 : i32
    %dma_start3A_212 = tpu.memref_slice %arg22[%dma_start3A_210, %dma_start3A_211] : memref<10112x64xf32, #tpu.memory_space<vmem_shared>> -> memref<10112x64xf32, #tpu.memory_space<vmem_shared>>
    tpu.enqueue_indirect_dma source(%arg11 : memref<80x64xf32, #tpu.memory_space<vmem>>) target(%dma_start3A_212 : memref<10112x64xf32, #tpu.memory_space<vmem_shared>>) offsets(%dma_start3A_209 : memref<80xi32, #tpu.memory_space<vmem>>) semaphore(%arg19 : memref<!tpu.dma_semaphore, #tpu.memory_space<semaphore_mem>>) {add = true}
    %dma_start3A_213 = arith.constant 3 : i32
    %dma_start3A_214 = arith.constant 0 : i32
    %dma_start3A_215 = tpu.memref_slice %arg8[%dma_start3A_213, %dma_start3A_214] : memref<125x80xi32, #tpu.memory_space<vmem>> -> memref<1x80xi32, #tpu.memory_space<vmem>>
    %dma_start3A_216 = tpu.memref_squeeze %dma_start3A_215 : memref<1x80xi32, #tpu.memory_space<vmem>> -> memref<80xi32, #tpu.memory_space<vmem>>
    %dma_start3A_217 = arith.constant 0 : i32
    %dma_start3A_218 = arith.constant 0 : i32
    %dma_start3A_219 = tpu.memref_slice %arg2[%dma_start3A_217, %dma_start3A_218] : memref<20000x64xf32, #tpu.memory_space<hbm>> -> memref<20000x64xf32, #tpu.memory_space<hbm>>
    tpu.enqueue_indirect_dma source(%dma_start3A_219 : memref<20000x64xf32, #tpu.memory_space<hbm>>) target(%arg13 : memref<80x64xf32, #tpu.memory_space<vmem>>) offsets(%dma_start3A_216 : memref<80xi32, #tpu.memory_space<vmem>>) semaphore(%arg17 : memref<!tpu.dma_semaphore, #tpu.memory_space<semaphore_mem>>)
    %dma_wait3A_220 = arith.constant 2 : i32
    %dma_wait3A_221 = arith.constant 0 : i32
    %dma_wait3A_222 = tpu.memref_slice %arg8[%dma_wait3A_220, %dma_wait3A_221] : memref<125x80xi32, #tpu.memory_space<vmem>> -> memref<1x80xi32, #tpu.memory_space<vmem>>
    %dma_wait3A_223 = tpu.memref_squeeze %dma_wait3A_222 : memref<1x80xi32, #tpu.memory_space<vmem>> -> memref<80xi32, #tpu.memory_space<vmem>>
    %dma_wait3A_224 = arith.constant 0 : i32
    %dma_wait3A_225 = arith.constant 0 : i32
    %dma_wait3A_226 = tpu.memref_slice %arg2[%dma_wait3A_224, %dma_wait3A_225] : memref<20000x64xf32, #tpu.memory_space<hbm>> -> memref<20000x64xf32, #tpu.memory_space<hbm>>
    tpu.wait_indirect_dma semaphore(%arg16 : memref<!tpu.dma_semaphore, #tpu.memory_space<semaphore_mem>>) src(%dma_wait3A_226 : memref<20000x64xf32, #tpu.memory_space<hbm>>) dst(%arg12 : memref<80x64xf32, #tpu.memory_space<vmem>>)
    %dma_start3A_227 = arith.constant 2 : i32
    %dma_start3A_228 = arith.constant 0 : i32
    %dma_start3A_229 = tpu.memref_slice %arg9[%dma_start3A_227, %dma_start3A_228] : memref<125x80xi32, #tpu.memory_space<vmem>> -> memref<1x80xi32, #tpu.memory_space<vmem>>
    %dma_start3A_230 = tpu.memref_squeeze %dma_start3A_229 : memref<1x80xi32, #tpu.memory_space<vmem>> -> memref<80xi32, #tpu.memory_space<vmem>>
    %dma_start3A_231 = arith.constant 0 : i32
    %dma_start3A_232 = arith.constant 0 : i32
    %dma_start3A_233 = tpu.memref_slice %arg22[%dma_start3A_231, %dma_start3A_232] : memref<10112x64xf32, #tpu.memory_space<vmem_shared>> -> memref<10112x64xf32, #tpu.memory_space<vmem_shared>>
    tpu.enqueue_indirect_dma source(%arg12 : memref<80x64xf32, #tpu.memory_space<vmem>>) target(%dma_start3A_233 : memref<10112x64xf32, #tpu.memory_space<vmem_shared>>) offsets(%dma_start3A_230 : memref<80xi32, #tpu.memory_space<vmem>>) semaphore(%arg20 : memref<!tpu.dma_semaphore, #tpu.memory_space<semaphore_mem>>) {add = true}
    %scan3A_234 = arith.constant 0 : i32
    %scan3A_235 = arith.constant 1 : i32
    %scan3A_236 = arith.constant 30 : i32
    %scan3A_237 = arith.addi %scan3A_235, %scan3A_236 : i32
    %scan3A_238 = arith.constant 1 : i32
    scf.for %scan3A_315 = %scan3A_235 to %scan3A_237 step %scan3A_238  : i32 {
      %mul3A_316 = arith.constant 4 : i32
      %mul3A_317 = arith.muli %mul3A_316, %scan3A_315 : i32
      %add3A_318 = arith.constant 0 : i32
      %add3A_319 = arith.addi %mul3A_317, %add3A_318 : i32
      %sub3A = arith.constant 4 : i32
      %sub3A_320 = arith.subi %add3A_319, %sub3A : i32
      %dma_wait3A_321 = arith.constant 0 : i32
      %dma_wait3A_322 = tpu.memref_slice %arg9[%sub3A_320, %dma_wait3A_321] : memref<125x80xi32, #tpu.memory_space<vmem>> -> memref<1x80xi32, #tpu.memory_space<vmem>>
      %dma_wait3A_323 = tpu.memref_squeeze %dma_wait3A_322 : memref<1x80xi32, #tpu.memory_space<vmem>> -> memref<80xi32, #tpu.memory_space<vmem>>
      %dma_wait3A_324 = arith.constant 0 : i32
      %dma_wait3A_325 = arith.constant 0 : i32
      %dma_wait3A_326 = tpu.memref_slice %arg22[%dma_wait3A_324, %dma_wait3A_325] : memref<10112x64xf32, #tpu.memory_space<vmem_shared>> -> memref<10112x64xf32, #tpu.memory_space<vmem_shared>>
      tpu.wait_indirect_dma semaphore(%arg18 : memref<!tpu.dma_semaphore, #tpu.memory_space<semaphore_mem>>) src(%arg10 : memref<80x64xf32, #tpu.memory_space<vmem>>) dst(%dma_wait3A_326 : memref<10112x64xf32, #tpu.memory_space<vmem_shared>>)
      %dma_start3A_327 = arith.constant 0 : i32
      %dma_start3A_328 = tpu.memref_slice %arg8[%add3A_319, %dma_start3A_327] : memref<125x80xi32, #tpu.memory_space<vmem>> -> memref<1x80xi32, #tpu.memory_space<vmem>>
      %dma_start3A_329 = tpu.memref_squeeze %dma_start3A_328 : memref<1x80xi32, #tpu.memory_space<vmem>> -> memref<80xi32, #tpu.memory_space<vmem>>
      %dma_start3A_330 = arith.constant 0 : i32
      %dma_start3A_331 = arith.constant 0 : i32
      %dma_start3A_332 = tpu.memref_slice %arg2[%dma_start3A_330, %dma_start3A_331] : memref<20000x64xf32, #tpu.memory_space<hbm>> -> memref<20000x64xf32, #tpu.memory_space<hbm>>
      tpu.enqueue_indirect_dma source(%dma_start3A_332 : memref<20000x64xf32, #tpu.memory_space<hbm>>) target(%arg10 : memref<80x64xf32, #tpu.memory_space<vmem>>) offsets(%dma_start3A_329 : memref<80xi32, #tpu.memory_space<vmem>>) semaphore(%arg14 : memref<!tpu.dma_semaphore, #tpu.memory_space<semaphore_mem>>)
      %sub3A_333 = arith.constant 1 : i32
      %sub3A_334 = arith.subi %add3A_319, %sub3A_333 : i32
      %dma_wait3A_335 = arith.constant 0 : i32
      %dma_wait3A_336 = tpu.memref_slice %arg8[%sub3A_334, %dma_wait3A_335] : memref<125x80xi32, #tpu.memory_space<vmem>> -> memref<1x80xi32, #tpu.memory_space<vmem>>
      %dma_wait3A_337 = tpu.memref_squeeze %dma_wait3A_336 : memref<1x80xi32, #tpu.memory_space<vmem>> -> memref<80xi32, #tpu.memory_space<vmem>>
      %dma_wait3A_338 = arith.constant 0 : i32
      %dma_wait3A_339 = arith.constant 0 : i32
      %dma_wait3A_340 = tpu.memref_slice %arg2[%dma_wait3A_338, %dma_wait3A_339] : memref<20000x64xf32, #tpu.memory_space<hbm>> -> memref<20000x64xf32, #tpu.memory_space<hbm>>
      tpu.wait_indirect_dma semaphore(%arg17 : memref<!tpu.dma_semaphore, #tpu.memory_space<semaphore_mem>>) src(%dma_wait3A_340 : memref<20000x64xf32, #tpu.memory_space<hbm>>) dst(%arg13 : memref<80x64xf32, #tpu.memory_space<vmem>>)
      %sub3A_341 = arith.constant 1 : i32
      %sub3A_342 = arith.subi %add3A_319, %sub3A_341 : i32
      %dma_start3A_343 = arith.constant 0 : i32
      %dma_start3A_344 = tpu.memref_slice %arg9[%sub3A_342, %dma_start3A_343] : memref<125x80xi32, #tpu.memory_space<vmem>> -> memref<1x80xi32, #tpu.memory_space<vmem>>
      %dma_start3A_345 = tpu.memref_squeeze %dma_start3A_344 : memref<1x80xi32, #tpu.memory_space<vmem>> -> memref<80xi32, #tpu.memory_space<vmem>>
      %dma_start3A_346 = arith.constant 0 : i32
      %dma_start3A_347 = arith.constant 0 : i32
      %dma_start3A_348 = tpu.memref_slice %arg22[%dma_start3A_346, %dma_start3A_347] : memref<10112x64xf32, #tpu.memory_space<vmem_shared>> -> memref<10112x64xf32, #tpu.memory_space<vmem_shared>>
      tpu.enqueue_indirect_dma source(%arg13 : memref<80x64xf32, #tpu.memory_space<vmem>>) target(%dma_start3A_348 : memref<10112x64xf32, #tpu.memory_space<vmem_shared>>) offsets(%dma_start3A_345 : memref<80xi32, #tpu.memory_space<vmem>>) semaphore(%arg21 : memref<!tpu.dma_semaphore, #tpu.memory_space<semaphore_mem>>) {add = true}
      %mul3A_349 = arith.constant 4 : i32
      %mul3A_350 = arith.muli %mul3A_349, %scan3A_315 : i32
      %add3A_351 = arith.constant 1 : i32
      %add3A_352 = arith.addi %mul3A_350, %add3A_351 : i32
      %sub3A_353 = arith.constant 4 : i32
      %sub3A_354 = arith.subi %add3A_352, %sub3A_353 : i32
      %dma_wait3A_355 = arith.constant 0 : i32
      %dma_wait3A_356 = tpu.memref_slice %arg9[%sub3A_354, %dma_wait3A_355] : memref<125x80xi32, #tpu.memory_space<vmem>> -> memref<1x80xi32, #tpu.memory_space<vmem>>
      %dma_wait3A_357 = tpu.memref_squeeze %dma_wait3A_356 : memref<1x80xi32, #tpu.memory_space<vmem>> -> memref<80xi32, #tpu.memory_space<vmem>>
      %dma_wait3A_358 = arith.constant 0 : i32
      %dma_wait3A_359 = arith.constant 0 : i32
      %dma_wait3A_360 = tpu.memref_slice %arg22[%dma_wait3A_358, %dma_wait3A_359] : memref<10112x64xf32, #tpu.memory_space<vmem_shared>> -> memref<10112x64xf32, #tpu.memory_space<vmem_shared>>
      tpu.wait_indirect_dma semaphore(%arg19 : memref<!tpu.dma_semaphore, #tpu.memory_space<semaphore_mem>>) src(%arg11 : memref<80x64xf32, #tpu.memory_space<vmem>>) dst(%dma_wait3A_360 : memref<10112x64xf32, #tpu.memory_space<vmem_shared>>)
      %dma_start3A_361 = arith.constant 0 : i32
      %dma_start3A_362 = tpu.memref_slice %arg8[%add3A_352, %dma_start3A_361] : memref<125x80xi32, #tpu.memory_space<vmem>> -> memref<1x80xi32, #tpu.memory_space<vmem>>
      %dma_start3A_363 = tpu.memref_squeeze %dma_start3A_362 : memref<1x80xi32, #tpu.memory_space<vmem>> -> memref<80xi32, #tpu.memory_space<vmem>>
      %dma_start3A_364 = arith.constant 0 : i32
      %dma_start3A_365 = arith.constant 0 : i32
      %dma_start3A_366 = tpu.memref_slice %arg2[%dma_start3A_364, %dma_start3A_365] : memref<20000x64xf32, #tpu.memory_space<hbm>> -> memref<20000x64xf32, #tpu.memory_space<hbm>>
      tpu.enqueue_indirect_dma source(%dma_start3A_366 : memref<20000x64xf32, #tpu.memory_space<hbm>>) target(%arg11 : memref<80x64xf32, #tpu.memory_space<vmem>>) offsets(%dma_start3A_363 : memref<80xi32, #tpu.memory_space<vmem>>) semaphore(%arg15 : memref<!tpu.dma_semaphore, #tpu.memory_space<semaphore_mem>>)
      %sub3A_367 = arith.constant 1 : i32
      %sub3A_368 = arith.subi %add3A_352, %sub3A_367 : i32
      %dma_wait3A_369 = arith.constant 0 : i32
      %dma_wait3A_370 = tpu.memref_slice %arg8[%sub3A_368, %dma_wait3A_369] : memref<125x80xi32, #tpu.memory_space<vmem>> -> memref<1x80xi32, #tpu.memory_space<vmem>>
      %dma_wait3A_371 = tpu.memref_squeeze %dma_wait3A_370 : memref<1x80xi32, #tpu.memory_space<vmem>> -> memref<80xi32, #tpu.memory_space<vmem>>
      %dma_wait3A_372 = arith.constant 0 : i32
      %dma_wait3A_373 = arith.constant 0 : i32
      %dma_wait3A_374 = tpu.memref_slice %arg2[%dma_wait3A_372, %dma_wait3A_373] : memref<20000x64xf32, #tpu.memory_space<hbm>> -> memref<20000x64xf32, #tpu.memory_space<hbm>>
      tpu.wait_indirect_dma semaphore(%arg14 : memref<!tpu.dma_semaphore, #tpu.memory_space<semaphore_mem>>) src(%dma_wait3A_374 : memref<20000x64xf32, #tpu.memory_space<hbm>>) dst(%arg10 : memref<80x64xf32, #tpu.memory_space<vmem>>)
      %sub3A_375 = arith.constant 1 : i32
      %sub3A_376 = arith.subi %add3A_352, %sub3A_375 : i32
      %dma_start3A_377 = arith.constant 0 : i32
      %dma_start3A_378 = tpu.memref_slice %arg9[%sub3A_376, %dma_start3A_377] : memref<125x80xi32, #tpu.memory_space<vmem>> -> memref<1x80xi32, #tpu.memory_space<vmem>>
      %dma_start3A_379 = tpu.memref_squeeze %dma_start3A_378 : memref<1x80xi32, #tpu.memory_space<vmem>> -> memref<80xi32, #tpu.memory_space<vmem>>
      %dma_start3A_380 = arith.constant 0 : i32
      %dma_start3A_381 = arith.constant 0 : i32
      %dma_start3A_382 = tpu.memref_slice %arg22[%dma_start3A_380, %dma_start3A_381] : memref<10112x64xf32, #tpu.memory_space<vmem_shared>> -> memref<10112x64xf32, #tpu.memory_space<vmem_shared>>
      tpu.enqueue_indirect_dma source(%arg10 : memref<80x64xf32, #tpu.memory_space<vmem>>) target(%dma_start3A_382 : memref<10112x64xf32, #tpu.memory_space<vmem_shared>>) offsets(%dma_start3A_379 : memref<80xi32, #tpu.memory_space<vmem>>) semaphore(%arg18 : memref<!tpu.dma_semaphore, #tpu.memory_space<semaphore_mem>>) {add = true}
      %mul3A_383 = arith.constant 4 : i32
      %mul3A_384 = arith.muli %mul3A_383, %scan3A_315 : i32
      %add3A_385 = arith.constant 2 : i32
      %add3A_386 = arith.addi %mul3A_384, %add3A_385 : i32
      %sub3A_387 = arith.constant 4 : i32
      %sub3A_388 = arith.subi %add3A_386, %sub3A_387 : i32
      %dma_wait3A_389 = arith.constant 0 : i32
      %dma_wait3A_390 = tpu.memref_slice %arg9[%sub3A_388, %dma_wait3A_389] : memref<125x80xi32, #tpu.memory_space<vmem>> -> memref<1x80xi32, #tpu.memory_space<vmem>>
      %dma_wait3A_391 = tpu.memref_squeeze %dma_wait3A_390 : memref<1x80xi32, #tpu.memory_space<vmem>> -> memref<80xi32, #tpu.memory_space<vmem>>
      %dma_wait3A_392 = arith.constant 0 : i32
      %dma_wait3A_393 = arith.constant 0 : i32
      %dma_wait3A_394 = tpu.memref_slice %arg22[%dma_wait3A_392, %dma_wait3A_393] : memref<10112x64xf32, #tpu.memory_space<vmem_shared>> -> memref<10112x64xf32, #tpu.memory_space<vmem_shared>>
      tpu.wait_indirect_dma semaphore(%arg20 : memref<!tpu.dma_semaphore, #tpu.memory_space<semaphore_mem>>) src(%arg12 : memref<80x64xf32, #tpu.memory_space<vmem>>) dst(%dma_wait3A_394 : memref<10112x64xf32, #tpu.memory_space<vmem_shared>>)
      %dma_start3A_395 = arith.constant 0 : i32
      %dma_start3A_396 = tpu.memref_slice %arg8[%add3A_386, %dma_start3A_395] : memref<125x80xi32, #tpu.memory_space<vmem>> -> memref<1x80xi32, #tpu.memory_space<vmem>>
      %dma_start3A_397 = tpu.memref_squeeze %dma_start3A_396 : memref<1x80xi32, #tpu.memory_space<vmem>> -> memref<80xi32, #tpu.memory_space<vmem>>
      %dma_start3A_398 = arith.constant 0 : i32
      %dma_start3A_399 = arith.constant 0 : i32
      %dma_start3A_400 = tpu.memref_slice %arg2[%dma_start3A_398, %dma_start3A_399] : memref<20000x64xf32, #tpu.memory_space<hbm>> -> memref<20000x64xf32, #tpu.memory_space<hbm>>
      tpu.enqueue_indirect_dma source(%dma_start3A_400 : memref<20000x64xf32, #tpu.memory_space<hbm>>) target(%arg12 : memref<80x64xf32, #tpu.memory_space<vmem>>) offsets(%dma_start3A_397 : memref<80xi32, #tpu.memory_space<vmem>>) semaphore(%arg16 : memref<!tpu.dma_semaphore, #tpu.memory_space<semaphore_mem>>)
      %sub3A_401 = arith.constant 1 : i32
      %sub3A_402 = arith.subi %add3A_386, %sub3A_401 : i32
      %dma_wait3A_403 = arith.constant 0 : i32
      %dma_wait3A_404 = tpu.memref_slice %arg8[%sub3A_402, %dma_wait3A_403] : memref<125x80xi32, #tpu.memory_space<vmem>> -> memref<1x80xi32, #tpu.memory_space<vmem>>
      %dma_wait3A_405 = tpu.memref_squeeze %dma_wait3A_404 : memref<1x80xi32, #tpu.memory_space<vmem>> -> memref<80xi32, #tpu.memory_space<vmem>>
      %dma_wait3A_406 = arith.constant 0 : i32
      %dma_wait3A_407 = arith.constant 0 : i32
      %dma_wait3A_408 = tpu.memref_slice %arg2[%dma_wait3A_406, %dma_wait3A_407] : memref<20000x64xf32, #tpu.memory_space<hbm>> -> memref<20000x64xf32, #tpu.memory_space<hbm>>
      tpu.wait_indirect_dma semaphore(%arg15 : memref<!tpu.dma_semaphore, #tpu.memory_space<semaphore_mem>>) src(%dma_wait3A_408 : memref<20000x64xf32, #tpu.memory_space<hbm>>) dst(%arg11 : memref<80x64xf32, #tpu.memory_space<vmem>>)
      %sub3A_409 = arith.constant 1 : i32
      %sub3A_410 = arith.subi %add3A_386, %sub3A_409 : i32
      %dma_start3A_411 = arith.constant 0 : i32
      %dma_start3A_412 = tpu.memref_slice %arg9[%sub3A_410, %dma_start3A_411] : memref<125x80xi32, #tpu.memory_space<vmem>> -> memref<1x80xi32, #tpu.memory_space<vmem>>
      %dma_start3A_413 = tpu.memref_squeeze %dma_start3A_412 : memref<1x80xi32, #tpu.memory_space<vmem>> -> memref<80xi32, #tpu.memory_space<vmem>>
      %dma_start3A_414 = arith.constant 0 : i32
      %dma_start3A_415 = arith.constant 0 : i32
      %dma_start3A_416 = tpu.memref_slice %arg22[%dma_start3A_414, %dma_start3A_415] : memref<10112x64xf32, #tpu.memory_space<vmem_shared>> -> memref<10112x64xf32, #tpu.memory_space<vmem_shared>>
      tpu.enqueue_indirect_dma source(%arg11 : memref<80x64xf32, #tpu.memory_space<vmem>>) target(%dma_start3A_416 : memref<10112x64xf32, #tpu.memory_space<vmem_shared>>) offsets(%dma_start3A_413 : memref<80xi32, #tpu.memory_space<vmem>>) semaphore(%arg19 : memref<!tpu.dma_semaphore, #tpu.memory_space<semaphore_mem>>) {add = true}
      %mul3A_417 = arith.constant 4 : i32
      %mul3A_418 = arith.muli %mul3A_417, %scan3A_315 : i32
      %add3A_419 = arith.constant 3 : i32
      %add3A_420 = arith.addi %mul3A_418, %add3A_419 : i32
      %sub3A_421 = arith.constant 4 : i32
      %sub3A_422 = arith.subi %add3A_420, %sub3A_421 : i32
      %dma_wait3A_423 = arith.constant 0 : i32
      %dma_wait3A_424 = tpu.memref_slice %arg9[%sub3A_422, %dma_wait3A_423] : memref<125x80xi32, #tpu.memory_space<vmem>> -> memref<1x80xi32, #tpu.memory_space<vmem>>
      %dma_wait3A_425 = tpu.memref_squeeze %dma_wait3A_424 : memref<1x80xi32, #tpu.memory_space<vmem>> -> memref<80xi32, #tpu.memory_space<vmem>>
      %dma_wait3A_426 = arith.constant 0 : i32
      %dma_wait3A_427 = arith.constant 0 : i32
      %dma_wait3A_428 = tpu.memref_slice %arg22[%dma_wait3A_426, %dma_wait3A_427] : memref<10112x64xf32, #tpu.memory_space<vmem_shared>> -> memref<10112x64xf32, #tpu.memory_space<vmem_shared>>
      tpu.wait_indirect_dma semaphore(%arg21 : memref<!tpu.dma_semaphore, #tpu.memory_space<semaphore_mem>>) src(%arg13 : memref<80x64xf32, #tpu.memory_space<vmem>>) dst(%dma_wait3A_428 : memref<10112x64xf32, #tpu.memory_space<vmem_shared>>)
      %dma_start3A_429 = arith.constant 0 : i32
      %dma_start3A_430 = tpu.memref_slice %arg8[%add3A_420, %dma_start3A_429] : memref<125x80xi32, #tpu.memory_space<vmem>> -> memref<1x80xi32, #tpu.memory_space<vmem>>
      %dma_start3A_431 = tpu.memref_squeeze %dma_start3A_430 : memref<1x80xi32, #tpu.memory_space<vmem>> -> memref<80xi32, #tpu.memory_space<vmem>>
      %dma_start3A_432 = arith.constant 0 : i32
      %dma_start3A_433 = arith.constant 0 : i32
      %dma_start3A_434 = tpu.memref_slice %arg2[%dma_start3A_432, %dma_start3A_433] : memref<20000x64xf32, #tpu.memory_space<hbm>> -> memref<20000x64xf32, #tpu.memory_space<hbm>>
      tpu.enqueue_indirect_dma source(%dma_start3A_434 : memref<20000x64xf32, #tpu.memory_space<hbm>>) target(%arg13 : memref<80x64xf32, #tpu.memory_space<vmem>>) offsets(%dma_start3A_431 : memref<80xi32, #tpu.memory_space<vmem>>) semaphore(%arg17 : memref<!tpu.dma_semaphore, #tpu.memory_space<semaphore_mem>>)
      %sub3A_435 = arith.constant 1 : i32
      %sub3A_436 = arith.subi %add3A_420, %sub3A_435 : i32
      %dma_wait3A_437 = arith.constant 0 : i32
      %dma_wait3A_438 = tpu.memref_slice %arg8[%sub3A_436, %dma_wait3A_437] : memref<125x80xi32, #tpu.memory_space<vmem>> -> memref<1x80xi32, #tpu.memory_space<vmem>>
      %dma_wait3A_439 = tpu.memref_squeeze %dma_wait3A_438 : memref<1x80xi32, #tpu.memory_space<vmem>> -> memref<80xi32, #tpu.memory_space<vmem>>
      %dma_wait3A_440 = arith.constant 0 : i32
      %dma_wait3A_441 = arith.constant 0 : i32
      %dma_wait3A_442 = tpu.memref_slice %arg2[%dma_wait3A_440, %dma_wait3A_441] : memref<20000x64xf32, #tpu.memory_space<hbm>> -> memref<20000x64xf32, #tpu.memory_space<hbm>>
      tpu.wait_indirect_dma semaphore(%arg16 : memref<!tpu.dma_semaphore, #tpu.memory_space<semaphore_mem>>) src(%dma_wait3A_442 : memref<20000x64xf32, #tpu.memory_space<hbm>>) dst(%arg12 : memref<80x64xf32, #tpu.memory_space<vmem>>)
      %sub3A_443 = arith.constant 1 : i32
      %sub3A_444 = arith.subi %add3A_420, %sub3A_443 : i32
      %dma_start3A_445 = arith.constant 0 : i32
      %dma_start3A_446 = tpu.memref_slice %arg9[%sub3A_444, %dma_start3A_445] : memref<125x80xi32, #tpu.memory_space<vmem>> -> memref<1x80xi32, #tpu.memory_space<vmem>>
      %dma_start3A_447 = tpu.memref_squeeze %dma_start3A_446 : memref<1x80xi32, #tpu.memory_space<vmem>> -> memref<80xi32, #tpu.memory_space<vmem>>
      %dma_start3A_448 = arith.constant 0 : i32
      %dma_start3A_449 = arith.constant 0 : i32
      %dma_start3A_450 = tpu.memref_slice %arg22[%dma_start3A_448, %dma_start3A_449] : memref<10112x64xf32, #tpu.memory_space<vmem_shared>> -> memref<10112x64xf32, #tpu.memory_space<vmem_shared>>
      tpu.enqueue_indirect_dma source(%arg12 : memref<80x64xf32, #tpu.memory_space<vmem>>) target(%dma_start3A_450 : memref<10112x64xf32, #tpu.memory_space<vmem_shared>>) offsets(%dma_start3A_447 : memref<80xi32, #tpu.memory_space<vmem>>) semaphore(%arg20 : memref<!tpu.dma_semaphore, #tpu.memory_space<semaphore_mem>>) {add = true}
    }
    %scan3A_239 = arith.constant 30 : i32
    %dma_wait3A_240 = arith.constant 120 : i32
    %dma_wait3A_241 = arith.constant 0 : i32
    %dma_wait3A_242 = tpu.memref_slice %arg9[%dma_wait3A_240, %dma_wait3A_241] : memref<125x80xi32, #tpu.memory_space<vmem>> -> memref<1x80xi32, #tpu.memory_space<vmem>>
    %dma_wait3A_243 = tpu.memref_squeeze %dma_wait3A_242 : memref<1x80xi32, #tpu.memory_space<vmem>> -> memref<80xi32, #tpu.memory_space<vmem>>
    %dma_wait3A_244 = arith.constant 0 : i32
    %dma_wait3A_245 = arith.constant 0 : i32
    %dma_wait3A_246 = tpu.memref_slice %arg22[%dma_wait3A_244, %dma_wait3A_245] : memref<10112x64xf32, #tpu.memory_space<vmem_shared>> -> memref<10112x64xf32, #tpu.memory_space<vmem_shared>>
    tpu.wait_indirect_dma semaphore(%arg18 : memref<!tpu.dma_semaphore, #tpu.memory_space<semaphore_mem>>) src(%arg10 : memref<80x64xf32, #tpu.memory_space<vmem>>) dst(%dma_wait3A_246 : memref<10112x64xf32, #tpu.memory_space<vmem_shared>>)
    %dma_start3A_247 = arith.constant 124 : i32
    %dma_start3A_248 = arith.constant 0 : i32
    %dma_start3A_249 = tpu.memref_slice %arg8[%dma_start3A_247, %dma_start3A_248] : memref<125x80xi32, #tpu.memory_space<vmem>> -> memref<1x80xi32, #tpu.memory_space<vmem>>
    %dma_start3A_250 = tpu.memref_squeeze %dma_start3A_249 : memref<1x80xi32, #tpu.memory_space<vmem>> -> memref<80xi32, #tpu.memory_space<vmem>>
    %dma_start3A_251 = arith.constant 0 : i32
    %dma_start3A_252 = arith.constant 0 : i32
    %dma_start3A_253 = tpu.memref_slice %arg2[%dma_start3A_251, %dma_start3A_252] : memref<20000x64xf32, #tpu.memory_space<hbm>> -> memref<20000x64xf32, #tpu.memory_space<hbm>>
    tpu.enqueue_indirect_dma source(%dma_start3A_253 : memref<20000x64xf32, #tpu.memory_space<hbm>>) target(%arg10 : memref<80x64xf32, #tpu.memory_space<vmem>>) offsets(%dma_start3A_250 : memref<80xi32, #tpu.memory_space<vmem>>) semaphore(%arg14 : memref<!tpu.dma_semaphore, #tpu.memory_space<semaphore_mem>>)
    %dma_wait3A_254 = arith.constant 123 : i32
    %dma_wait3A_255 = arith.constant 0 : i32
    %dma_wait3A_256 = tpu.memref_slice %arg8[%dma_wait3A_254, %dma_wait3A_255] : memref<125x80xi32, #tpu.memory_space<vmem>> -> memref<1x80xi32, #tpu.memory_space<vmem>>
    %dma_wait3A_257 = tpu.memref_squeeze %dma_wait3A_256 : memref<1x80xi32, #tpu.memory_space<vmem>> -> memref<80xi32, #tpu.memory_space<vmem>>
    %dma_wait3A_258 = arith.constant 0 : i32
    %dma_wait3A_259 = arith.constant 0 : i32
    %dma_wait3A_260 = tpu.memref_slice %arg2[%dma_wait3A_258, %dma_wait3A_259] : memref<20000x64xf32, #tpu.memory_space<hbm>> -> memref<20000x64xf32, #tpu.memory_space<hbm>>
    tpu.wait_indirect_dma semaphore(%arg17 : memref<!tpu.dma_semaphore, #tpu.memory_space<semaphore_mem>>) src(%dma_wait3A_260 : memref<20000x64xf32, #tpu.memory_space<hbm>>) dst(%arg13 : memref<80x64xf32, #tpu.memory_space<vmem>>)
    %dma_start3A_261 = arith.constant 123 : i32
    %dma_start3A_262 = arith.constant 0 : i32
    %dma_start3A_263 = tpu.memref_slice %arg9[%dma_start3A_261, %dma_start3A_262] : memref<125x80xi32, #tpu.memory_space<vmem>> -> memref<1x80xi32, #tpu.memory_space<vmem>>
    %dma_start3A_264 = tpu.memref_squeeze %dma_start3A_263 : memref<1x80xi32, #tpu.memory_space<vmem>> -> memref<80xi32, #tpu.memory_space<vmem>>
    %dma_start3A_265 = arith.constant 0 : i32
    %dma_start3A_266 = arith.constant 0 : i32
    %dma_start3A_267 = tpu.memref_slice %arg22[%dma_start3A_265, %dma_start3A_266] : memref<10112x64xf32, #tpu.memory_space<vmem_shared>> -> memref<10112x64xf32, #tpu.memory_space<vmem_shared>>
    tpu.enqueue_indirect_dma source(%arg13 : memref<80x64xf32, #tpu.memory_space<vmem>>) target(%dma_start3A_267 : memref<10112x64xf32, #tpu.memory_space<vmem_shared>>) offsets(%dma_start3A_264 : memref<80xi32, #tpu.memory_space<vmem>>) semaphore(%arg21 : memref<!tpu.dma_semaphore, #tpu.memory_space<semaphore_mem>>) {add = true}
    %dma_wait3A_268 = arith.constant 124 : i32
    %dma_wait3A_269 = arith.constant 0 : i32
    %dma_wait3A_270 = tpu.memref_slice %arg8[%dma_wait3A_268, %dma_wait3A_269] : memref<125x80xi32, #tpu.memory_space<vmem>> -> memref<1x80xi32, #tpu.memory_space<vmem>>
    %dma_wait3A_271 = tpu.memref_squeeze %dma_wait3A_270 : memref<1x80xi32, #tpu.memory_space<vmem>> -> memref<80xi32, #tpu.memory_space<vmem>>
    %dma_wait3A_272 = arith.constant 0 : i32
    %dma_wait3A_273 = arith.constant 0 : i32
    %dma_wait3A_274 = tpu.memref_slice %arg2[%dma_wait3A_272, %dma_wait3A_273] : memref<20000x64xf32, #tpu.memory_space<hbm>> -> memref<20000x64xf32, #tpu.memory_space<hbm>>
    tpu.wait_indirect_dma semaphore(%arg14 : memref<!tpu.dma_semaphore, #tpu.memory_space<semaphore_mem>>) src(%dma_wait3A_274 : memref<20000x64xf32, #tpu.memory_space<hbm>>) dst(%arg10 : memref<80x64xf32, #tpu.memory_space<vmem>>)
    %dma_start3A_275 = arith.constant 124 : i32
    %dma_start3A_276 = arith.constant 0 : i32
    %dma_start3A_277 = tpu.memref_slice %arg9[%dma_start3A_275, %dma_start3A_276] : memref<125x80xi32, #tpu.memory_space<vmem>> -> memref<1x80xi32, #tpu.memory_space<vmem>>
    %dma_start3A_278 = tpu.memref_squeeze %dma_start3A_277 : memref<1x80xi32, #tpu.memory_space<vmem>> -> memref<80xi32, #tpu.memory_space<vmem>>
    %dma_start3A_279 = arith.constant 0 : i32
    %dma_start3A_280 = arith.constant 0 : i32
    %dma_start3A_281 = tpu.memref_slice %arg22[%dma_start3A_279, %dma_start3A_280] : memref<10112x64xf32, #tpu.memory_space<vmem_shared>> -> memref<10112x64xf32, #tpu.memory_space<vmem_shared>>
    tpu.enqueue_indirect_dma source(%arg10 : memref<80x64xf32, #tpu.memory_space<vmem>>) target(%dma_start3A_281 : memref<10112x64xf32, #tpu.memory_space<vmem_shared>>) offsets(%dma_start3A_278 : memref<80xi32, #tpu.memory_space<vmem>>) semaphore(%arg18 : memref<!tpu.dma_semaphore, #tpu.memory_space<semaphore_mem>>) {add = true}
    %dma_wait3A_282 = arith.constant 121 : i32
    %dma_wait3A_283 = arith.constant 0 : i32
    %dma_wait3A_284 = tpu.memref_slice %arg9[%dma_wait3A_282, %dma_wait3A_283] : memref<125x80xi32, #tpu.memory_space<vmem>> -> memref<1x80xi32, #tpu.memory_space<vmem>>
    %dma_wait3A_285 = tpu.memref_squeeze %dma_wait3A_284 : memref<1x80xi32, #tpu.memory_space<vmem>> -> memref<80xi32, #tpu.memory_space<vmem>>
    %dma_wait3A_286 = arith.constant 0 : i32
    %dma_wait3A_287 = arith.constant 0 : i32
    %dma_wait3A_288 = tpu.memref_slice %arg22[%dma_wait3A_286, %dma_wait3A_287] : memref<10112x64xf32, #tpu.memory_space<vmem_shared>> -> memref<10112x64xf32, #tpu.memory_space<vmem_shared>>
    tpu.wait_indirect_dma semaphore(%arg19 : memref<!tpu.dma_semaphore, #tpu.memory_space<semaphore_mem>>) src(%arg11 : memref<80x64xf32, #tpu.memory_space<vmem>>) dst(%dma_wait3A_288 : memref<10112x64xf32, #tpu.memory_space<vmem_shared>>)
    %dma_wait3A_289 = arith.constant 122 : i32
    %dma_wait3A_290 = arith.constant 0 : i32
    %dma_wait3A_291 = tpu.memref_slice %arg9[%dma_wait3A_289, %dma_wait3A_290] : memref<125x80xi32, #tpu.memory_space<vmem>> -> memref<1x80xi32, #tpu.memory_space<vmem>>
    %dma_wait3A_292 = tpu.memref_squeeze %dma_wait3A_291 : memref<1x80xi32, #tpu.memory_space<vmem>> -> memref<80xi32, #tpu.memory_space<vmem>>
    %dma_wait3A_293 = arith.constant 0 : i32
    %dma_wait3A_294 = arith.constant 0 : i32
    %dma_wait3A_295 = tpu.memref_slice %arg22[%dma_wait3A_293, %dma_wait3A_294] : memref<10112x64xf32, #tpu.memory_space<vmem_shared>> -> memref<10112x64xf32, #tpu.memory_space<vmem_shared>>
    tpu.wait_indirect_dma semaphore(%arg20 : memref<!tpu.dma_semaphore, #tpu.memory_space<semaphore_mem>>) src(%arg12 : memref<80x64xf32, #tpu.memory_space<vmem>>) dst(%dma_wait3A_295 : memref<10112x64xf32, #tpu.memory_space<vmem_shared>>)
    %dma_wait3A_296 = arith.constant 123 : i32
    %dma_wait3A_297 = arith.constant 0 : i32
    %dma_wait3A_298 = tpu.memref_slice %arg9[%dma_wait3A_296, %dma_wait3A_297] : memref<125x80xi32, #tpu.memory_space<vmem>> -> memref<1x80xi32, #tpu.memory_space<vmem>>
    %dma_wait3A_299 = tpu.memref_squeeze %dma_wait3A_298 : memref<1x80xi32, #tpu.memory_space<vmem>> -> memref<80xi32, #tpu.memory_space<vmem>>
    %dma_wait3A_300 = arith.constant 0 : i32
    %dma_wait3A_301 = arith.constant 0 : i32
    %dma_wait3A_302 = tpu.memref_slice %arg22[%dma_wait3A_300, %dma_wait3A_301] : memref<10112x64xf32, #tpu.memory_space<vmem_shared>> -> memref<10112x64xf32, #tpu.memory_space<vmem_shared>>
    tpu.wait_indirect_dma semaphore(%arg21 : memref<!tpu.dma_semaphore, #tpu.memory_space<semaphore_mem>>) src(%arg13 : memref<80x64xf32, #tpu.memory_space<vmem>>) dst(%dma_wait3A_302 : memref<10112x64xf32, #tpu.memory_space<vmem_shared>>)
    %dma_wait3A_303 = arith.constant 124 : i32
    %dma_wait3A_304 = arith.constant 0 : i32
    %dma_wait3A_305 = tpu.memref_slice %arg9[%dma_wait3A_303, %dma_wait3A_304] : memref<125x80xi32, #tpu.memory_space<vmem>> -> memref<1x80xi32, #tpu.memory_space<vmem>>
    %dma_wait3A_306 = tpu.memref_squeeze %dma_wait3A_305 : memref<1x80xi32, #tpu.memory_space<vmem>> -> memref<80xi32, #tpu.memory_space<vmem>>
    %dma_wait3A_307 = arith.constant 0 : i32
    %dma_wait3A_308 = arith.constant 0 : i32
    %dma_wait3A_309 = tpu.memref_slice %arg22[%dma_wait3A_307, %dma_wait3A_308] : memref<10112x64xf32, #tpu.memory_space<vmem_shared>> -> memref<10112x64xf32, #tpu.memory_space<vmem_shared>>
    tpu.wait_indirect_dma semaphore(%arg18 : memref<!tpu.dma_semaphore, #tpu.memory_space<semaphore_mem>>) src(%arg10 : memref<80x64xf32, #tpu.memory_space<vmem>>) dst(%dma_wait3A_309 : memref<10112x64xf32, #tpu.memory_space<vmem_shared>>)
    %barrier3A_310 = arith.constant 0 : index
    tpu.barrier barrier_id(%barrier3A_310)
    %mul3A_311 = arith.constant 632 : i32
    %mul3A_312 = arith.muli %arg1, %mul3A_311 : i32
    %mul3A_313 = arith.constant 632 : i32
    %mul3A_314 = arith.muli %arg1, %mul3A_313 : i32
    "tpu.region"() ({
      %run_scoped3A = tpu.sem_alloc : memref<!tpu.dma_semaphore, #tpu.memory_space<semaphore_mem>>
      %dma_start3A_315 = arith.constant 0 : i32
      %dma_start3A_316 = arith.constant 0 : i32
      %dma_start3A_317 = tpu.memref_slice %arg6[%arg0, %dma_start3A_315, %dma_start3A_316] : memref<2x10112x128xf32, #tpu.memory_space<hbm>> -> memref<1x10112x128xf32, #tpu.memory_space<hbm>>
      %dma_start3A_318 = tpu.memref_squeeze %dma_start3A_317 : memref<1x10112x128xf32, #tpu.memory_space<hbm>> -> memref<10112x128xf32, #tpu.memory_space<hbm>>
      %dma_start3A_319 = arith.constant 64 : i32
      %dma_start3A_320 = tpu.memref_slice %dma_start3A_318[%mul3A_314, %dma_start3A_319] : memref<10112x128xf32, #tpu.memory_space<hbm>> -> memref<632x64xf32, #tpu.memory_space<hbm>>
      %dma_start3A_321 = arith.constant 0 : i32
      %dma_start3A_322 = tpu.memref_slice %arg22[%mul3A_312, %dma_start3A_321] : memref<10112x64xf32, #tpu.memory_space<vmem_shared>> -> memref<632x64xf32, #tpu.memory_space<vmem_shared>>
      tpu.enqueue_dma source(%dma_start3A_322 : memref<632x64xf32, #tpu.memory_space<vmem_shared>>) target(%dma_start3A_320 : memref<632x64xf32, #tpu.memory_space<hbm>>) target_semaphore(%run_scoped3A : memref<!tpu.dma_semaphore, #tpu.memory_space<semaphore_mem>>)
      %dma_wait3A_323 = arith.constant 0 : i32
      %dma_wait3A_324 = arith.constant 0 : i32
      %dma_wait3A_325 = tpu.memref_slice %arg6[%arg0, %dma_wait3A_323, %dma_wait3A_324] : memref<2x10112x128xf32, #tpu.memory_space<hbm>> -> memref<1x10112x128xf32, #tpu.memory_space<hbm>>
      %dma_wait3A_326 = tpu.memref_squeeze %dma_wait3A_325 : memref<1x10112x128xf32, #tpu.memory_space<hbm>> -> memref<10112x128xf32, #tpu.memory_space<hbm>>
      %dma_wait3A_327 = arith.constant 64 : i32
      %dma_wait3A_328 = tpu.memref_slice %dma_wait3A_326[%mul3A_314, %dma_wait3A_327] : memref<10112x128xf32, #tpu.memory_space<hbm>> -> memref<632x64xf32, #tpu.memory_space<hbm>>
      %dma_wait3A_329 = arith.constant 0 : i32
      %dma_wait3A_330 = tpu.memref_slice %arg22[%mul3A_312, %dma_wait3A_329] : memref<10112x64xf32, #tpu.memory_space<vmem_shared>> -> memref<632x64xf32, #tpu.memory_space<vmem_shared>>
      tpu.wait_dma2 semaphore(%run_scoped3A : memref<!tpu.dma_semaphore, #tpu.memory_space<semaphore_mem>>) src(%dma_wait3A_330 : memref<632x64xf32, #tpu.memory_space<vmem_shared>>) dst(%dma_wait3A_328 : memref<632x64xf32, #tpu.memory_space<hbm>>)
      tpu.yield
    }) : () -> ()
    return
  }
}

#map = affine_map<(d0, d1) -> (0, 0, 0)>
#map1 = affine_map<(d0, d1) -> (0, 0)>
module attributes {stable_mosaic.version = 14 : i64} {
  func.func @deg_kernel(%arg0: i32, %arg1: i32, %arg2: memref<32x125x80xi32, #tpu.memory_space<hbm>>, %arg3: memref<80x8xf32, #tpu.memory_space<hbm>>, %arg4: memref<10112x8xf32, #tpu.memory_space<hbm>>, %arg5: memref<2x10112x8xf32, #tpu.memory_space<hbm>>, %arg6: memref<125x80xi32, #tpu.memory_space<vmem>>, %arg7: memref<80x8xf32, #tpu.memory_space<vmem>>, %arg8: memref<10112x8xf32, #tpu.memory_space<vmem_shared>>) attributes {dimension_semantics = [#tpu.dimension_semantics<core_parallel>, #tpu.dimension_semantics<subcore_parallel>], iteration_bounds = array<i64: 2, 16>, scalar_prefetch = 0 : i64, scratch_operands = 3 : i64, tpu.core_type = #tpu.core_type<sc_vector_subcore>, window_params = [{transform_indices = #map}, {transform_indices = #map1}, {transform_indices = #map1}, {transform_indices = #map}]} {
    %mul3A = arith.constant 2 : i32
    %mul3A_0 = arith.muli %arg1, %mul3A : i32
    %add3A = arith.addi %mul3A_0, %arg0 : i32
    %mul3A_1 = arith.constant 632 : i32
    %mul3A_2 = arith.muli %arg1, %mul3A_1 : i32
    %mul3A_3 = arith.constant 632 : i32
    %mul3A_4 = arith.muli %arg1, %mul3A_3 : i32
    "tpu.region"() ({
      %run_scoped3A = tpu.sem_alloc : memref<!tpu.dma_semaphore, #tpu.memory_space<semaphore_mem>>
      %dma_start3A = arith.constant 0 : i32
      %dma_start3A_15 = tpu.memref_slice %arg8[%mul3A_4, %dma_start3A] : memref<10112x8xf32, #tpu.memory_space<vmem_shared>> -> memref<632x8xf32, #tpu.memory_space<vmem_shared>>
      %dma_start3A_16 = arith.constant 0 : i32
      %dma_start3A_17 = tpu.memref_slice %arg4[%mul3A_2, %dma_start3A_16] : memref<10112x8xf32, #tpu.memory_space<hbm>> -> memref<632x8xf32, #tpu.memory_space<hbm>>
      tpu.enqueue_dma source(%dma_start3A_17 : memref<632x8xf32, #tpu.memory_space<hbm>>) target(%dma_start3A_15 : memref<632x8xf32, #tpu.memory_space<vmem_shared>>) target_semaphore(%run_scoped3A : memref<!tpu.dma_semaphore, #tpu.memory_space<semaphore_mem>>)
      %dma_wait3A = arith.constant 0 : i32
      %dma_wait3A_18 = tpu.memref_slice %arg8[%mul3A_4, %dma_wait3A] : memref<10112x8xf32, #tpu.memory_space<vmem_shared>> -> memref<632x8xf32, #tpu.memory_space<vmem_shared>>
      %dma_wait3A_19 = arith.constant 0 : i32
      %dma_wait3A_20 = tpu.memref_slice %arg4[%mul3A_2, %dma_wait3A_19] : memref<10112x8xf32, #tpu.memory_space<hbm>> -> memref<632x8xf32, #tpu.memory_space<hbm>>
      tpu.wait_dma2 semaphore(%run_scoped3A : memref<!tpu.dma_semaphore, #tpu.memory_space<semaphore_mem>>) src(%dma_wait3A_20 : memref<632x8xf32, #tpu.memory_space<hbm>>) dst(%dma_wait3A_18 : memref<632x8xf32, #tpu.memory_space<vmem_shared>>)
      tpu.yield
    }) : () -> ()
    "tpu.region"() ({
      %run_scoped3A = tpu.sem_alloc : memref<!tpu.dma_semaphore, #tpu.memory_space<semaphore_mem>>
      %dma_start3A = arith.constant 0 : i32
      %dma_start3A_15 = arith.constant 0 : i32
      %dma_start3A_16 = tpu.memref_slice %arg2[%add3A, %dma_start3A, %dma_start3A_15] : memref<32x125x80xi32, #tpu.memory_space<hbm>> -> memref<1x125x80xi32, #tpu.memory_space<hbm>>
      %dma_start3A_17 = tpu.memref_squeeze %dma_start3A_16 : memref<1x125x80xi32, #tpu.memory_space<hbm>> -> memref<125x80xi32, #tpu.memory_space<hbm>>
      %dma_start3A_18 = arith.constant 0 : i32
      %dma_start3A_19 = arith.constant 0 : i32
      %dma_start3A_20 = tpu.memref_slice %arg2[%add3A, %dma_start3A_18, %dma_start3A_19] : memref<32x125x80xi32, #tpu.memory_space<hbm>> -> memref<1x125x80xi32, #tpu.memory_space<hbm>>
      %dma_start3A_21 = tpu.memref_squeeze %dma_start3A_20 : memref<1x125x80xi32, #tpu.memory_space<hbm>> -> memref<125x80xi32, #tpu.memory_space<hbm>>
      tpu.enqueue_dma source(%dma_start3A_21 : memref<125x80xi32, #tpu.memory_space<hbm>>) target(%arg6 : memref<125x80xi32, #tpu.memory_space<vmem>>) target_semaphore(%run_scoped3A : memref<!tpu.dma_semaphore, #tpu.memory_space<semaphore_mem>>)
      %dma_wait3A = arith.constant 0 : i32
      %dma_wait3A_22 = arith.constant 0 : i32
      %dma_wait3A_23 = tpu.memref_slice %arg2[%add3A, %dma_wait3A, %dma_wait3A_22] : memref<32x125x80xi32, #tpu.memory_space<hbm>> -> memref<1x125x80xi32, #tpu.memory_space<hbm>>
      %dma_wait3A_24 = tpu.memref_squeeze %dma_wait3A_23 : memref<1x125x80xi32, #tpu.memory_space<hbm>> -> memref<125x80xi32, #tpu.memory_space<hbm>>
      %dma_wait3A_25 = arith.constant 0 : i32
      %dma_wait3A_26 = arith.constant 0 : i32
      %dma_wait3A_27 = tpu.memref_slice %arg2[%add3A, %dma_wait3A_25, %dma_wait3A_26] : memref<32x125x80xi32, #tpu.memory_space<hbm>> -> memref<1x125x80xi32, #tpu.memory_space<hbm>>
      %dma_wait3A_28 = tpu.memref_squeeze %dma_wait3A_27 : memref<1x125x80xi32, #tpu.memory_space<hbm>> -> memref<125x80xi32, #tpu.memory_space<hbm>>
      tpu.wait_dma2 semaphore(%run_scoped3A : memref<!tpu.dma_semaphore, #tpu.memory_space<semaphore_mem>>) src(%dma_wait3A_28 : memref<125x80xi32, #tpu.memory_space<hbm>>) dst(%arg6 : memref<125x80xi32, #tpu.memory_space<vmem>>)
      tpu.yield
    }) : () -> ()
    "tpu.region"() ({
      %run_scoped3A = tpu.sem_alloc : memref<!tpu.dma_semaphore, #tpu.memory_space<semaphore_mem>>
      tpu.enqueue_dma source(%arg3 : memref<80x8xf32, #tpu.memory_space<hbm>>) target(%arg7 : memref<80x8xf32, #tpu.memory_space<vmem>>) target_semaphore(%run_scoped3A : memref<!tpu.dma_semaphore, #tpu.memory_space<semaphore_mem>>)
      tpu.wait_dma2 semaphore(%run_scoped3A : memref<!tpu.dma_semaphore, #tpu.memory_space<semaphore_mem>>) src(%arg3 : memref<80x8xf32, #tpu.memory_space<hbm>>) dst(%arg7 : memref<80x8xf32, #tpu.memory_space<vmem>>)
      tpu.yield
    }) : () -> ()
    %barrier3A = arith.constant 0 : index
    tpu.barrier barrier_id(%barrier3A)
    %scan3A = arith.constant 0 : i32
    %scan3A_5 = arith.constant 0 : i32
    %scan3A_6 = arith.constant 125 : i32
    %scan3A_7 = arith.addi %scan3A_5, %scan3A_6 : i32
    %scan3A_8 = arith.constant 1 : i32
    scf.for %scan3A_15 = %scan3A_5 to %scan3A_7 step %scan3A_8  : i32 {
      "tpu.region"() ({
        %run_scoped3A = tpu.sem_alloc : memref<!tpu.dma_semaphore, #tpu.memory_space<semaphore_mem>>
        %dma_start3A = arith.constant 0 : i32
        %dma_start3A_16 = tpu.memref_slice %arg6[%scan3A_15, %dma_start3A] : memref<125x80xi32, #tpu.memory_space<vmem>> -> memref<1x80xi32, #tpu.memory_space<vmem>>
        %dma_start3A_17 = tpu.memref_squeeze %dma_start3A_16 : memref<1x80xi32, #tpu.memory_space<vmem>> -> memref<80xi32, #tpu.memory_space<vmem>>
        %dma_start3A_18 = arith.constant 0 : i32
        %dma_start3A_19 = arith.constant 0 : i32
        %dma_start3A_20 = tpu.memref_slice %arg8[%dma_start3A_18, %dma_start3A_19] : memref<10112x8xf32, #tpu.memory_space<vmem_shared>> -> memref<10112x8xf32, #tpu.memory_space<vmem_shared>>
        tpu.enqueue_indirect_dma source(%arg7 : memref<80x8xf32, #tpu.memory_space<vmem>>) target(%dma_start3A_20 : memref<10112x8xf32, #tpu.memory_space<vmem_shared>>) offsets(%dma_start3A_17 : memref<80xi32, #tpu.memory_space<vmem>>) semaphore(%run_scoped3A : memref<!tpu.dma_semaphore, #tpu.memory_space<semaphore_mem>>) {add = true}
        %dma_wait3A = arith.constant 0 : i32
        %dma_wait3A_21 = tpu.memref_slice %arg6[%scan3A_15, %dma_wait3A] : memref<125x80xi32, #tpu.memory_space<vmem>> -> memref<1x80xi32, #tpu.memory_space<vmem>>
        %dma_wait3A_22 = tpu.memref_squeeze %dma_wait3A_21 : memref<1x80xi32, #tpu.memory_space<vmem>> -> memref<80xi32, #tpu.memory_space<vmem>>
        %dma_wait3A_23 = arith.constant 0 : i32
        %dma_wait3A_24 = arith.constant 0 : i32
        %dma_wait3A_25 = tpu.memref_slice %arg8[%dma_wait3A_23, %dma_wait3A_24] : memref<10112x8xf32, #tpu.memory_space<vmem_shared>> -> memref<10112x8xf32, #tpu.memory_space<vmem_shared>>
        tpu.wait_indirect_dma semaphore(%run_scoped3A : memref<!tpu.dma_semaphore, #tpu.memory_space<semaphore_mem>>) src(%arg7 : memref<80x8xf32, #tpu.memory_space<vmem>>) dst(%dma_wait3A_25 : memref<10112x8xf32, #tpu.memory_space<vmem_shared>>)
        tpu.yield
      }) : () -> ()
    }
    %scan3A_9 = arith.constant 125 : i32
    %barrier3A_10 = arith.constant 0 : index
    tpu.barrier barrier_id(%barrier3A_10)
    %mul3A_11 = arith.constant 632 : i32
    %mul3A_12 = arith.muli %arg1, %mul3A_11 : i32
    %mul3A_13 = arith.constant 632 : i32
    %mul3A_14 = arith.muli %arg1, %mul3A_13 : i32
    "tpu.region"() ({
      %run_scoped3A = tpu.sem_alloc : memref<!tpu.dma_semaphore, #tpu.memory_space<semaphore_mem>>
      %dma_start3A = arith.constant 0 : i32
      %dma_start3A_15 = arith.constant 0 : i32
      %dma_start3A_16 = tpu.memref_slice %arg5[%arg0, %dma_start3A, %dma_start3A_15] : memref<2x10112x8xf32, #tpu.memory_space<hbm>> -> memref<1x10112x8xf32, #tpu.memory_space<hbm>>
      %dma_start3A_17 = tpu.memref_squeeze %dma_start3A_16 : memref<1x10112x8xf32, #tpu.memory_space<hbm>> -> memref<10112x8xf32, #tpu.memory_space<hbm>>
      %dma_start3A_18 = arith.constant 0 : i32
      %dma_start3A_19 = tpu.memref_slice %dma_start3A_17[%mul3A_14, %dma_start3A_18] : memref<10112x8xf32, #tpu.memory_space<hbm>> -> memref<632x8xf32, #tpu.memory_space<hbm>>
      %dma_start3A_20 = arith.constant 0 : i32
      %dma_start3A_21 = tpu.memref_slice %arg8[%mul3A_12, %dma_start3A_20] : memref<10112x8xf32, #tpu.memory_space<vmem_shared>> -> memref<632x8xf32, #tpu.memory_space<vmem_shared>>
      tpu.enqueue_dma source(%dma_start3A_21 : memref<632x8xf32, #tpu.memory_space<vmem_shared>>) target(%dma_start3A_19 : memref<632x8xf32, #tpu.memory_space<hbm>>) target_semaphore(%run_scoped3A : memref<!tpu.dma_semaphore, #tpu.memory_space<semaphore_mem>>)
      %dma_wait3A = arith.constant 0 : i32
      %dma_wait3A_22 = arith.constant 0 : i32
      %dma_wait3A_23 = tpu.memref_slice %arg5[%arg0, %dma_wait3A, %dma_wait3A_22] : memref<2x10112x8xf32, #tpu.memory_space<hbm>> -> memref<1x10112x8xf32, #tpu.memory_space<hbm>>
      %dma_wait3A_24 = tpu.memref_squeeze %dma_wait3A_23 : memref<1x10112x8xf32, #tpu.memory_space<hbm>> -> memref<10112x8xf32, #tpu.memory_space<hbm>>
      %dma_wait3A_25 = arith.constant 0 : i32
      %dma_wait3A_26 = tpu.memref_slice %dma_wait3A_24[%mul3A_14, %dma_wait3A_25] : memref<10112x8xf32, #tpu.memory_space<hbm>> -> memref<632x8xf32, #tpu.memory_space<hbm>>
      %dma_wait3A_27 = arith.constant 0 : i32
      %dma_wait3A_28 = tpu.memref_slice %arg8[%mul3A_12, %dma_wait3A_27] : memref<10112x8xf32, #tpu.memory_space<vmem_shared>> -> memref<632x8xf32, #tpu.memory_space<vmem_shared>>
      tpu.wait_dma2 semaphore(%run_scoped3A : memref<!tpu.dma_semaphore, #tpu.memory_space<semaphore_mem>>) src(%dma_wait3A_28 : memref<632x8xf32, #tpu.memory_space<vmem_shared>>) dst(%dma_wait3A_26 : memref<632x8xf32, #tpu.memory_space<hbm>>)
      tpu.yield
    }) : () -> ()
    return
  }
}

#map = affine_map<(d0, d1) -> (0, 0)>
#map1 = affine_map<(d0, d1) -> (0, 0, 0)>
module attributes {stable_mosaic.version = 14 : i64} {
  func.func @spmm_kernel(%arg0: i32, %arg1: i32, %arg2: memref<20000x64xf32, #tpu.memory_space<hbm>>, %arg3: memref<32x125x80xi32, #tpu.memory_space<hbm>>, %arg4: memref<32x125x80xi32, #tpu.memory_space<hbm>>, %arg5: memref<10112x64xf32, #tpu.memory_space<hbm>>, %arg6: memref<2x10112x128xf32, #tpu.memory_space<hbm>>, %arg7: memref<125x80xi32, #tpu.memory_space<vmem>>, %arg8: memref<125x80xi32, #tpu.memory_space<vmem>>, %arg9: memref<125x80xi32, #tpu.memory_space<vmem>>, %arg10: memref<80x64xf32, #tpu.memory_space<vmem>>, %arg11: memref<80x64xf32, #tpu.memory_space<vmem>>, %arg12: memref<80x64xf32, #tpu.memory_space<vmem>>, %arg13: memref<80x64xf32, #tpu.memory_space<vmem>>, %arg14: memref<!tpu.dma_semaphore, #tpu.memory_space<semaphore_mem>>, %arg15: memref<!tpu.dma_semaphore, #tpu.memory_space<semaphore_mem>>, %arg16: memref<!tpu.dma_semaphore, #tpu.memory_space<semaphore_mem>>, %arg17: memref<!tpu.dma_semaphore, #tpu.memory_space<semaphore_mem>>, %arg18: memref<!tpu.dma_semaphore, #tpu.memory_space<semaphore_mem>>, %arg19: memref<!tpu.dma_semaphore, #tpu.memory_space<semaphore_mem>>, %arg20: memref<!tpu.dma_semaphore, #tpu.memory_space<semaphore_mem>>, %arg21: memref<!tpu.dma_semaphore, #tpu.memory_space<semaphore_mem>>, %arg22: memref<10112x64xf32, #tpu.memory_space<vmem_shared>>) attributes {dimension_semantics = [#tpu.dimension_semantics<core_parallel>, #tpu.dimension_semantics<subcore_parallel>], iteration_bounds = array<i64: 2, 16>, scalar_prefetch = 0 : i64, scratch_operands = 16 : i64, tpu.core_type = #tpu.core_type<sc_vector_subcore>, window_params = [{transform_indices = #map}, {transform_indices = #map1}, {transform_indices = #map1}, {transform_indices = #map}, {transform_indices = #map1}]} {
    %mul3A = arith.constant 2 : i32
    %mul3A_0 = arith.muli %arg1, %mul3A : i32
    %add3A = arith.addi %mul3A_0, %arg0 : i32
    "tpu.region"() ({
      %run_scoped3A = tpu.sem_alloc : memref<!tpu.dma_semaphore, #tpu.memory_space<semaphore_mem>>
      %dma_start3A_315 = arith.constant 0 : i32
      %dma_start3A_316 = arith.constant 0 : i32
      %dma_start3A_317 = tpu.memref_slice %arg3[%add3A, %dma_start3A_315, %dma_start3A_316] : memref<32x125x80xi32, #tpu.memory_space<hbm>> -> memref<1x125x80xi32, #tpu.memory_space<hbm>>
      %dma_start3A_318 = tpu.memref_squeeze %dma_start3A_317 : memref<1x125x80xi32, #tpu.memory_space<hbm>> -> memref<125x80xi32, #tpu.memory_space<hbm>>
      %dma_start3A_319 = arith.constant 0 : i32
      %dma_start3A_320 = arith.constant 0 : i32
      %dma_start3A_321 = tpu.memref_slice %arg3[%add3A, %dma_start3A_319, %dma_start3A_320] : memref<32x125x80xi32, #tpu.memory_space<hbm>> -> memref<1x125x80xi32, #tpu.memory_space<hbm>>
      %dma_start3A_322 = tpu.memref_squeeze %dma_start3A_321 : memref<1x125x80xi32, #tpu.memory_space<hbm>> -> memref<125x80xi32, #tpu.memory_space<hbm>>
      tpu.enqueue_dma source(%dma_start3A_322 : memref<125x80xi32, #tpu.memory_space<hbm>>) target(%arg7 : memref<125x80xi32, #tpu.memory_space<vmem>>) target_semaphore(%run_scoped3A : memref<!tpu.dma_semaphore, #tpu.memory_space<semaphore_mem>>)
      %dma_wait3A_323 = arith.constant 0 : i32
      %dma_wait3A_324 = arith.constant 0 : i32
      %dma_wait3A_325 = tpu.memref_slice %arg3[%add3A, %dma_wait3A_323, %dma_wait3A_324] : memref<32x125x80xi32, #tpu.memory_space<hbm>> -> memref<1x125x80xi32, #tpu.memory_space<hbm>>
      %dma_wait3A_326 = tpu.memref_squeeze %dma_wait3A_325 : memref<1x125x80xi32, #tpu.memory_space<hbm>> -> memref<125x80xi32, #tpu.memory_space<hbm>>
      %dma_wait3A_327 = arith.constant 0 : i32
      %dma_wait3A_328 = arith.constant 0 : i32
      %dma_wait3A_329 = tpu.memref_slice %arg3[%add3A, %dma_wait3A_327, %dma_wait3A_328] : memref<32x125x80xi32, #tpu.memory_space<hbm>> -> memref<1x125x80xi32, #tpu.memory_space<hbm>>
      %dma_wait3A_330 = tpu.memref_squeeze %dma_wait3A_329 : memref<1x125x80xi32, #tpu.memory_space<hbm>> -> memref<125x80xi32, #tpu.memory_space<hbm>>
      tpu.wait_dma2 semaphore(%run_scoped3A : memref<!tpu.dma_semaphore, #tpu.memory_space<semaphore_mem>>) src(%dma_wait3A_330 : memref<125x80xi32, #tpu.memory_space<hbm>>) dst(%arg7 : memref<125x80xi32, #tpu.memory_space<vmem>>)
      tpu.yield
    }) : () -> ()
    "tpu.region"() ({
      %run_scoped3A = tpu.sem_alloc : memref<!tpu.dma_semaphore, #tpu.memory_space<semaphore_mem>>
      %dma_start3A_315 = arith.constant 0 : i32
      %dma_start3A_316 = arith.constant 0 : i32
      %dma_start3A_317 = tpu.memref_slice %arg4[%add3A, %dma_start3A_315, %dma_start3A_316] : memref<32x125x80xi32, #tpu.memory_space<hbm>> -> memref<1x125x80xi32, #tpu.memory_space<hbm>>
      %dma_start3A_318 = tpu.memref_squeeze %dma_start3A_317 : memref<1x125x80xi32, #tpu.memory_space<hbm>> -> memref<125x80xi32, #tpu.memory_space<hbm>>
      %dma_start3A_319 = arith.constant 0 : i32
      %dma_start3A_320 = arith.constant 0 : i32
      %dma_start3A_321 = tpu.memref_slice %arg4[%add3A, %dma_start3A_319, %dma_start3A_320] : memref<32x125x80xi32, #tpu.memory_space<hbm>> -> memref<1x125x80xi32, #tpu.memory_space<hbm>>
      %dma_start3A_322 = tpu.memref_squeeze %dma_start3A_321 : memref<1x125x80xi32, #tpu.memory_space<hbm>> -> memref<125x80xi32, #tpu.memory_space<hbm>>
      tpu.enqueue_dma source(%dma_start3A_322 : memref<125x80xi32, #tpu.memory_space<hbm>>) target(%arg9 : memref<125x80xi32, #tpu.memory_space<vmem>>) target_semaphore(%run_scoped3A : memref<!tpu.dma_semaphore, #tpu.memory_space<semaphore_mem>>)
      %dma_wait3A_323 = arith.constant 0 : i32
      %dma_wait3A_324 = arith.constant 0 : i32
      %dma_wait3A_325 = tpu.memref_slice %arg4[%add3A, %dma_wait3A_323, %dma_wait3A_324] : memref<32x125x80xi32, #tpu.memory_space<hbm>> -> memref<1x125x80xi32, #tpu.memory_space<hbm>>
      %dma_wait3A_326 = tpu.memref_squeeze %dma_wait3A_325 : memref<1x125x80xi32, #tpu.memory_space<hbm>> -> memref<125x80xi32, #tpu.memory_space<hbm>>
      %dma_wait3A_327 = arith.constant 0 : i32
      %dma_wait3A_328 = arith.constant 0 : i32
      %dma_wait3A_329 = tpu.memref_slice %arg4[%add3A, %dma_wait3A_327, %dma_wait3A_328] : memref<32x125x80xi32, #tpu.memory_space<hbm>> -> memref<1x125x80xi32, #tpu.memory_space<hbm>>
      %dma_wait3A_330 = tpu.memref_squeeze %dma_wait3A_329 : memref<1x125x80xi32, #tpu.memory_space<hbm>> -> memref<125x80xi32, #tpu.memory_space<hbm>>
      tpu.wait_dma2 semaphore(%run_scoped3A : memref<!tpu.dma_semaphore, #tpu.memory_space<semaphore_mem>>) src(%dma_wait3A_330 : memref<125x80xi32, #tpu.memory_space<hbm>>) dst(%arg9 : memref<125x80xi32, #tpu.memory_space<vmem>>)
      tpu.yield
    }) : () -> ()
    %scan3A = arith.constant 0 : i32
    %scan3A_1 = arith.constant 0 : i32
    %scan3A_2 = arith.constant 125 : i32
    %scan3A_3 = arith.addi %scan3A_1, %scan3A_2 : i32
    %scan3A_4 = arith.constant 1 : i32
    scf.for %scan3A_315 = %scan3A_1 to %scan3A_3 step %scan3A_4  : i32 {
      %get3A = arith.index_cast %scan3A_315 : i32 to index
      %get3A_316 = arith.constant 0 : index
      %get3A_317 = tpu.vector_load %arg7[%get3A, %get3A_316] {strides = array<i32>} : memref<125x80xi32, #tpu.memory_space<vmem>>, vector<1x16xi32>,
      %get3A_318 = vector.shape_cast %get3A_317 : vector<1x16xi32> to vector<16xi32>
      %add3A_319 = arith.addi %get3A_318, %get3A_318 : vector<16xi32>
      %swap3A = arith.index_cast %scan3A_315 : i32 to index
      %swap3A_320 = arith.constant 0 : index
      %swap3A_321 = tpu.vector_load %arg7[%swap3A, %swap3A_320] {strides = array<i32>} : memref<125x80xi32, #tpu.memory_space<vmem>>, vector<1x16xi32>,
      %swap3A_322 = vector.shape_cast %swap3A_321 : vector<1x16xi32> to vector<16xi32>
      %swap3A_323 = vector.shape_cast %add3A_319 : vector<16xi32> to vector<1x16xi32>
      tpu.vector_store %arg7[%swap3A, %swap3A_320], %swap3A_323 {strides = array<i32>} : memref<125x80xi32, #tpu.memory_space<vmem>>, vector<1x16xi32>,
      %add3A_324 = arith.addi %get3A_318, %get3A_318 : vector<16xi32>
      %add3A_325 = arith.constant 1 : i32
      %add3A_326 = vector.broadcast %add3A_325 : i32 to vector<16xi32>
      %add3A_327 = arith.addi %add3A_324, %add3A_326 : vector<16xi32>
      %swap3A_328 = arith.index_cast %scan3A_315 : i32 to index
      %swap3A_329 = arith.constant 0 : index
      %swap3A_330 = tpu.vector_load %arg8[%swap3A_328, %swap3A_329] {strides = array<i32>} : memref<125x80xi32, #tpu.memory_space<vmem>>, vector<1x16xi32>,
      %swap3A_331 = vector.shape_cast %swap3A_330 : vector<1x16xi32> to vector<16xi32>
      %swap3A_332 = vector.shape_cast %add3A_327 : vector<16xi32> to vector<1x16xi32>
      tpu.vector_store %arg8[%swap3A_328, %swap3A_329], %swap3A_332 {strides = array<i32>} : memref<125x80xi32, #tpu.memory_space<vmem>>, vector<1x16xi32>,
      %get3A_333 = arith.index_cast %scan3A_315 : i32 to index
      %get3A_334 = arith.constant 16 : index
      %get3A_335 = tpu.vector_load %arg7[%get3A_333, %get3A_334] {strides = array<i32>} : memref<125x80xi32, #tpu.memory_space<vmem>>, vector<1x16xi32>,
      %get3A_336 = vector.shape_cast %get3A_335 : vector<1x16xi32> to vector<16xi32>
      %add3A_337 = arith.addi %get3A_336, %get3A_336 : vector<16xi32>
      %swap3A_338 = arith.index_cast %scan3A_315 : i32 to index
      %swap3A_339 = arith.constant 16 : index
      %swap3A_340 = tpu.vector_load %arg7[%swap3A_338, %swap3A_339] {strides = array<i32>} : memref<125x80xi32, #tpu.memory_space<vmem>>, vector<1x16xi32>,
      %swap3A_341 = vector.shape_cast %swap3A_340 : vector<1x16xi32> to vector<16xi32>
      %swap3A_342 = vector.shape_cast %add3A_337 : vector<16xi32> to vector<1x16xi32>
      tpu.vector_store %arg7[%swap3A_338, %swap3A_339], %swap3A_342 {strides = array<i32>} : memref<125x80xi32, #tpu.memory_space<vmem>>, vector<1x16xi32>,
      %add3A_343 = arith.addi %get3A_336, %get3A_336 : vector<16xi32>
      %add3A_344 = arith.constant 1 : i32
      %add3A_345 = vector.broadcast %add3A_344 : i32 to vector<16xi32>
      %add3A_346 = arith.addi %add3A_343, %add3A_345 : vector<16xi32>
      %swap3A_347 = arith.index_cast %scan3A_315 : i32 to index
      %swap3A_348 = arith.constant 16 : index
      %swap3A_349 = tpu.vector_load %arg8[%swap3A_347, %swap3A_348] {strides = array<i32>} : memref<125x80xi32, #tpu.memory_space<vmem>>, vector<1x16xi32>,
      %swap3A_350 = vector.shape_cast %swap3A_349 : vector<1x16xi32> to vector<16xi32>
      %swap3A_351 = vector.shape_cast %add3A_346 : vector<16xi32> to vector<1x16xi32>
      tpu.vector_store %arg8[%swap3A_347, %swap3A_348], %swap3A_351 {strides = array<i32>} : memref<125x80xi32, #tpu.memory_space<vmem>>, vector<1x16xi32>,
      %get3A_352 = arith.index_cast %scan3A_315 : i32 to index
      %get3A_353 = arith.constant 32 : index
      %get3A_354 = tpu.vector_load %arg7[%get3A_352, %get3A_353] {strides = array<i32>} : memref<125x80xi32, #tpu.memory_space<vmem>>, vector<1x16xi32>,
      %get3A_355 = vector.shape_cast %get3A_354 : vector<1x16xi32> to vector<16xi32>
      %add3A_356 = arith.addi %get3A_355, %get3A_355 : vector<16xi32>
      %swap3A_357 = arith.index_cast %scan3A_315 : i32 to index
      %swap3A_358 = arith.constant 32 : index
      %swap3A_359 = tpu.vector_load %arg7[%swap3A_357, %swap3A_358] {strides = array<i32>} : memref<125x80xi32, #tpu.memory_space<vmem>>, vector<1x16xi32>,
      %swap3A_360 = vector.shape_cast %swap3A_359 : vector<1x16xi32> to vector<16xi32>
      %swap3A_361 = vector.shape_cast %add3A_356 : vector<16xi32> to vector<1x16xi32>
      tpu.vector_store %arg7[%swap3A_357, %swap3A_358], %swap3A_361 {strides = array<i32>} : memref<125x80xi32, #tpu.memory_space<vmem>>, vector<1x16xi32>,
      %add3A_362 = arith.addi %get3A_355, %get3A_355 : vector<16xi32>
      %add3A_363 = arith.constant 1 : i32
      %add3A_364 = vector.broadcast %add3A_363 : i32 to vector<16xi32>
      %add3A_365 = arith.addi %add3A_362, %add3A_364 : vector<16xi32>
      %swap3A_366 = arith.index_cast %scan3A_315 : i32 to index
      %swap3A_367 = arith.constant 32 : index
      %swap3A_368 = tpu.vector_load %arg8[%swap3A_366, %swap3A_367] {strides = array<i32>} : memref<125x80xi32, #tpu.memory_space<vmem>>, vector<1x16xi32>,
      %swap3A_369 = vector.shape_cast %swap3A_368 : vector<1x16xi32> to vector<16xi32>
      %swap3A_370 = vector.shape_cast %add3A_365 : vector<16xi32> to vector<1x16xi32>
      tpu.vector_store %arg8[%swap3A_366, %swap3A_367], %swap3A_370 {strides = array<i32>} : memref<125x80xi32, #tpu.memory_space<vmem>>, vector<1x16xi32>,
      %get3A_371 = arith.index_cast %scan3A_315 : i32 to index
      %get3A_372 = arith.constant 48 : index
      %get3A_373 = tpu.vector_load %arg7[%get3A_371, %get3A_372] {strides = array<i32>} : memref<125x80xi32, #tpu.memory_space<vmem>>, vector<1x16xi32>,
      %get3A_374 = vector.shape_cast %get3A_373 : vector<1x16xi32> to vector<16xi32>
      %add3A_375 = arith.addi %get3A_374, %get3A_374 : vector<16xi32>
      %swap3A_376 = arith.index_cast %scan3A_315 : i32 to index
      %swap3A_377 = arith.constant 48 : index
      %swap3A_378 = tpu.vector_load %arg7[%swap3A_376, %swap3A_377] {strides = array<i32>} : memref<125x80xi32, #tpu.memory_space<vmem>>, vector<1x16xi32>,
      %swap3A_379 = vector.shape_cast %swap3A_378 : vector<1x16xi32> to vector<16xi32>
      %swap3A_380 = vector.shape_cast %add3A_375 : vector<16xi32> to vector<1x16xi32>
      tpu.vector_store %arg7[%swap3A_376, %swap3A_377], %swap3A_380 {strides = array<i32>} : memref<125x80xi32, #tpu.memory_space<vmem>>, vector<1x16xi32>,
      %add3A_381 = arith.addi %get3A_374, %get3A_374 : vector<16xi32>
      %add3A_382 = arith.constant 1 : i32
      %add3A_383 = vector.broadcast %add3A_382 : i32 to vector<16xi32>
      %add3A_384 = arith.addi %add3A_381, %add3A_383 : vector<16xi32>
      %swap3A_385 = arith.index_cast %scan3A_315 : i32 to index
      %swap3A_386 = arith.constant 48 : index
      %swap3A_387 = tpu.vector_load %arg8[%swap3A_385, %swap3A_386] {strides = array<i32>} : memref<125x80xi32, #tpu.memory_space<vmem>>, vector<1x16xi32>,
      %swap3A_388 = vector.shape_cast %swap3A_387 : vector<1x16xi32> to vector<16xi32>
      %swap3A_389 = vector.shape_cast %add3A_384 : vector<16xi32> to vector<1x16xi32>
      tpu.vector_store %arg8[%swap3A_385, %swap3A_386], %swap3A_389 {strides = array<i32>} : memref<125x80xi32, #tpu.memory_space<vmem>>, vector<1x16xi32>,
      %get3A_390 = arith.index_cast %scan3A_315 : i32 to index
      %get3A_391 = arith.constant 64 : index
      %get3A_392 = tpu.vector_load %arg7[%get3A_390, %get3A_391] {strides = array<i32>} : memref<125x80xi32, #tpu.memory_space<vmem>>, vector<1x16xi32>,
      %get3A_393 = vector.shape_cast %get3A_392 : vector<1x16xi32> to vector<16xi32>
      %add3A_394 = arith.addi %get3A_393, %get3A_393 : vector<16xi32>
      %swap3A_395 = arith.index_cast %scan3A_315 : i32 to index
      %swap3A_396 = arith.constant 64 : index
      %swap3A_397 = tpu.vector_load %arg7[%swap3A_395, %swap3A_396] {strides = array<i32>} : memref<125x80xi32, #tpu.memory_space<vmem>>, vector<1x16xi32>,
      %swap3A_398 = vector.shape_cast %swap3A_397 : vector<1x16xi32> to vector<16xi32>
      %swap3A_399 = vector.shape_cast %add3A_394 : vector<16xi32> to vector<1x16xi32>
      tpu.vector_store %arg7[%swap3A_395, %swap3A_396], %swap3A_399 {strides = array<i32>} : memref<125x80xi32, #tpu.memory_space<vmem>>, vector<1x16xi32>,
      %add3A_400 = arith.addi %get3A_393, %get3A_393 : vector<16xi32>
      %add3A_401 = arith.constant 1 : i32
      %add3A_402 = vector.broadcast %add3A_401 : i32 to vector<16xi32>
      %add3A_403 = arith.addi %add3A_400, %add3A_402 : vector<16xi32>
      %swap3A_404 = arith.index_cast %scan3A_315 : i32 to index
      %swap3A_405 = arith.constant 64 : index
      %swap3A_406 = tpu.vector_load %arg8[%swap3A_404, %swap3A_405] {strides = array<i32>} : memref<125x80xi32, #tpu.memory_space<vmem>>, vector<1x16xi32>,
      %swap3A_407 = vector.shape_cast %swap3A_406 : vector<1x16xi32> to vector<16xi32>
      %swap3A_408 = vector.shape_cast %add3A_403 : vector<16xi32> to vector<1x16xi32>
      tpu.vector_store %arg8[%swap3A_404, %swap3A_405], %swap3A_408 {strides = array<i32>} : memref<125x80xi32, #tpu.memory_space<vmem>>, vector<1x16xi32>,
    }
    %scan3A_5 = arith.constant 125 : i32
    %mul3A_6 = arith.constant 632 : i32
    %mul3A_7 = arith.muli %arg1, %mul3A_6 : i32
    %mul3A_8 = arith.constant 632 : i32
    %mul3A_9 = arith.muli %arg1, %mul3A_8 : i32
    "tpu.region"() ({
      %run_scoped3A = tpu.sem_alloc : memref<!tpu.dma_semaphore, #tpu.memory_space<semaphore_mem>>
      %dma_start3A_315 = arith.constant 0 : i32
      %dma_start3A_316 = tpu.memref_slice %arg22[%mul3A_9, %dma_start3A_315] : memref<10112x64xf32, #tpu.memory_space<vmem_shared>> -> memref<632x64xf32, #tpu.memory_space<vmem_shared>>
      %dma_start3A_317 = arith.constant 0 : i32
      %dma_start3A_318 = tpu.memref_slice %arg5[%mul3A_7, %dma_start3A_317] : memref<10112x64xf32, #tpu.memory_space<hbm>> -> memref<632x64xf32, #tpu.memory_space<hbm>>
      tpu.enqueue_dma source(%dma_start3A_318 : memref<632x64xf32, #tpu.memory_space<hbm>>) target(%dma_start3A_316 : memref<632x64xf32, #tpu.memory_space<vmem_shared>>) target_semaphore(%run_scoped3A : memref<!tpu.dma_semaphore, #tpu.memory_space<semaphore_mem>>)
      %dma_wait3A_319 = arith.constant 0 : i32
      %dma_wait3A_320 = tpu.memref_slice %arg22[%mul3A_9, %dma_wait3A_319] : memref<10112x64xf32, #tpu.memory_space<vmem_shared>> -> memref<632x64xf32, #tpu.memory_space<vmem_shared>>
      %dma_wait3A_321 = arith.constant 0 : i32
      %dma_wait3A_322 = tpu.memref_slice %arg5[%mul3A_7, %dma_wait3A_321] : memref<10112x64xf32, #tpu.memory_space<hbm>> -> memref<632x64xf32, #tpu.memory_space<hbm>>
      tpu.wait_dma2 semaphore(%run_scoped3A : memref<!tpu.dma_semaphore, #tpu.memory_space<semaphore_mem>>) src(%dma_wait3A_322 : memref<632x64xf32, #tpu.memory_space<hbm>>) dst(%dma_wait3A_320 : memref<632x64xf32, #tpu.memory_space<vmem_shared>>)
      tpu.yield
    }) : () -> ()
    %barrier3A = arith.constant 0 : index
    tpu.barrier barrier_id(%barrier3A)
    %dma_start3A = arith.constant 0 : i32
    %dma_start3A_10 = arith.constant 0 : i32
    %dma_start3A_11 = tpu.memref_slice %arg7[%dma_start3A, %dma_start3A_10] : memref<125x80xi32, #tpu.memory_space<vmem>> -> memref<1x80xi32, #tpu.memory_space<vmem>>
    %dma_start3A_12 = tpu.memref_squeeze %dma_start3A_11 : memref<1x80xi32, #tpu.memory_space<vmem>> -> memref<80xi32, #tpu.memory_space<vmem>>
    %dma_start3A_13 = arith.constant 0 : i32
    %dma_start3A_14 = arith.constant 0 : i32
    %dma_start3A_15 = tpu.memref_slice %arg2[%dma_start3A_13, %dma_start3A_14] : memref<20000x64xf32, #tpu.memory_space<hbm>> -> memref<20000x64xf32, #tpu.memory_space<hbm>>
    tpu.enqueue_indirect_dma source(%dma_start3A_15 : memref<20000x64xf32, #tpu.memory_space<hbm>>) target(%arg10 : memref<80x64xf32, #tpu.memory_space<vmem>>) offsets(%dma_start3A_12 : memref<80xi32, #tpu.memory_space<vmem>>) semaphore(%arg14 : memref<!tpu.dma_semaphore, #tpu.memory_space<semaphore_mem>>)
    %dma_start3A_16 = arith.constant 1 : i32
    %dma_start3A_17 = arith.constant 0 : i32
    %dma_start3A_18 = tpu.memref_slice %arg7[%dma_start3A_16, %dma_start3A_17] : memref<125x80xi32, #tpu.memory_space<vmem>> -> memref<1x80xi32, #tpu.memory_space<vmem>>
    %dma_start3A_19 = tpu.memref_squeeze %dma_start3A_18 : memref<1x80xi32, #tpu.memory_space<vmem>> -> memref<80xi32, #tpu.memory_space<vmem>>
    %dma_start3A_20 = arith.constant 0 : i32
    %dma_start3A_21 = arith.constant 0 : i32
    %dma_start3A_22 = tpu.memref_slice %arg2[%dma_start3A_20, %dma_start3A_21] : memref<20000x64xf32, #tpu.memory_space<hbm>> -> memref<20000x64xf32, #tpu.memory_space<hbm>>
    tpu.enqueue_indirect_dma source(%dma_start3A_22 : memref<20000x64xf32, #tpu.memory_space<hbm>>) target(%arg11 : memref<80x64xf32, #tpu.memory_space<vmem>>) offsets(%dma_start3A_19 : memref<80xi32, #tpu.memory_space<vmem>>) semaphore(%arg15 : memref<!tpu.dma_semaphore, #tpu.memory_space<semaphore_mem>>)
    %dma_wait3A = arith.constant 0 : i32
    %dma_wait3A_23 = arith.constant 0 : i32
    %dma_wait3A_24 = tpu.memref_slice %arg7[%dma_wait3A, %dma_wait3A_23] : memref<125x80xi32, #tpu.memory_space<vmem>> -> memref<1x80xi32, #tpu.memory_space<vmem>>
    %dma_wait3A_25 = tpu.memref_squeeze %dma_wait3A_24 : memref<1x80xi32, #tpu.memory_space<vmem>> -> memref<80xi32, #tpu.memory_space<vmem>>
    %dma_wait3A_26 = arith.constant 0 : i32
    %dma_wait3A_27 = arith.constant 0 : i32
    %dma_wait3A_28 = tpu.memref_slice %arg2[%dma_wait3A_26, %dma_wait3A_27] : memref<20000x64xf32, #tpu.memory_space<hbm>> -> memref<20000x64xf32, #tpu.memory_space<hbm>>
    tpu.wait_indirect_dma semaphore(%arg14 : memref<!tpu.dma_semaphore, #tpu.memory_space<semaphore_mem>>) src(%dma_wait3A_28 : memref<20000x64xf32, #tpu.memory_space<hbm>>) dst(%arg10 : memref<80x64xf32, #tpu.memory_space<vmem>>)
    %dma_start3A_29 = arith.constant 0 : i32
    %dma_start3A_30 = arith.constant 0 : i32
    %dma_start3A_31 = tpu.memref_slice %arg9[%dma_start3A_29, %dma_start3A_30] : memref<125x80xi32, #tpu.memory_space<vmem>> -> memref<1x80xi32, #tpu.memory_space<vmem>>
    %dma_start3A_32 = tpu.memref_squeeze %dma_start3A_31 : memref<1x80xi32, #tpu.memory_space<vmem>> -> memref<80xi32, #tpu.memory_space<vmem>>
    %dma_start3A_33 = arith.constant 0 : i32
    %dma_start3A_34 = arith.constant 0 : i32
    %dma_start3A_35 = tpu.memref_slice %arg22[%dma_start3A_33, %dma_start3A_34] : memref<10112x64xf32, #tpu.memory_space<vmem_shared>> -> memref<10112x64xf32, #tpu.memory_space<vmem_shared>>
    tpu.enqueue_indirect_dma source(%arg10 : memref<80x64xf32, #tpu.memory_space<vmem>>) target(%dma_start3A_35 : memref<10112x64xf32, #tpu.memory_space<vmem_shared>>) offsets(%dma_start3A_32 : memref<80xi32, #tpu.memory_space<vmem>>) semaphore(%arg18 : memref<!tpu.dma_semaphore, #tpu.memory_space<semaphore_mem>>) {add = true}
    %dma_start3A_36 = arith.constant 2 : i32
    %dma_start3A_37 = arith.constant 0 : i32
    %dma_start3A_38 = tpu.memref_slice %arg7[%dma_start3A_36, %dma_start3A_37] : memref<125x80xi32, #tpu.memory_space<vmem>> -> memref<1x80xi32, #tpu.memory_space<vmem>>
    %dma_start3A_39 = tpu.memref_squeeze %dma_start3A_38 : memref<1x80xi32, #tpu.memory_space<vmem>> -> memref<80xi32, #tpu.memory_space<vmem>>
    %dma_start3A_40 = arith.constant 0 : i32
    %dma_start3A_41 = arith.constant 0 : i32
    %dma_start3A_42 = tpu.memref_slice %arg2[%dma_start3A_40, %dma_start3A_41] : memref<20000x64xf32, #tpu.memory_space<hbm>> -> memref<20000x64xf32, #tpu.memory_space<hbm>>
    tpu.enqueue_indirect_dma source(%dma_start3A_42 : memref<20000x64xf32, #tpu.memory_space<hbm>>) target(%arg12 : memref<80x64xf32, #tpu.memory_space<vmem>>) offsets(%dma_start3A_39 : memref<80xi32, #tpu.memory_space<vmem>>) semaphore(%arg16 : memref<!tpu.dma_semaphore, #tpu.memory_space<semaphore_mem>>)
    %dma_wait3A_43 = arith.constant 1 : i32
    %dma_wait3A_44 = arith.constant 0 : i32
    %dma_wait3A_45 = tpu.memref_slice %arg7[%dma_wait3A_43, %dma_wait3A_44] : memref<125x80xi32, #tpu.memory_space<vmem>> -> memref<1x80xi32, #tpu.memory_space<vmem>>
    %dma_wait3A_46 = tpu.memref_squeeze %dma_wait3A_45 : memref<1x80xi32, #tpu.memory_space<vmem>> -> memref<80xi32, #tpu.memory_space<vmem>>
    %dma_wait3A_47 = arith.constant 0 : i32
    %dma_wait3A_48 = arith.constant 0 : i32
    %dma_wait3A_49 = tpu.memref_slice %arg2[%dma_wait3A_47, %dma_wait3A_48] : memref<20000x64xf32, #tpu.memory_space<hbm>> -> memref<20000x64xf32, #tpu.memory_space<hbm>>
    tpu.wait_indirect_dma semaphore(%arg15 : memref<!tpu.dma_semaphore, #tpu.memory_space<semaphore_mem>>) src(%dma_wait3A_49 : memref<20000x64xf32, #tpu.memory_space<hbm>>) dst(%arg11 : memref<80x64xf32, #tpu.memory_space<vmem>>)
    %dma_start3A_50 = arith.constant 1 : i32
    %dma_start3A_51 = arith.constant 0 : i32
    %dma_start3A_52 = tpu.memref_slice %arg9[%dma_start3A_50, %dma_start3A_51] : memref<125x80xi32, #tpu.memory_space<vmem>> -> memref<1x80xi32, #tpu.memory_space<vmem>>
    %dma_start3A_53 = tpu.memref_squeeze %dma_start3A_52 : memref<1x80xi32, #tpu.memory_space<vmem>> -> memref<80xi32, #tpu.memory_space<vmem>>
    %dma_start3A_54 = arith.constant 0 : i32
    %dma_start3A_55 = arith.constant 0 : i32
    %dma_start3A_56 = tpu.memref_slice %arg22[%dma_start3A_54, %dma_start3A_55] : memref<10112x64xf32, #tpu.memory_space<vmem_shared>> -> memref<10112x64xf32, #tpu.memory_space<vmem_shared>>
    tpu.enqueue_indirect_dma source(%arg11 : memref<80x64xf32, #tpu.memory_space<vmem>>) target(%dma_start3A_56 : memref<10112x64xf32, #tpu.memory_space<vmem_shared>>) offsets(%dma_start3A_53 : memref<80xi32, #tpu.memory_space<vmem>>) semaphore(%arg19 : memref<!tpu.dma_semaphore, #tpu.memory_space<semaphore_mem>>) {add = true}
    %dma_start3A_57 = arith.constant 3 : i32
    %dma_start3A_58 = arith.constant 0 : i32
    %dma_start3A_59 = tpu.memref_slice %arg7[%dma_start3A_57, %dma_start3A_58] : memref<125x80xi32, #tpu.memory_space<vmem>> -> memref<1x80xi32, #tpu.memory_space<vmem>>
    %dma_start3A_60 = tpu.memref_squeeze %dma_start3A_59 : memref<1x80xi32, #tpu.memory_space<vmem>> -> memref<80xi32, #tpu.memory_space<vmem>>
    %dma_start3A_61 = arith.constant 0 : i32
    %dma_start3A_62 = arith.constant 0 : i32
    %dma_start3A_63 = tpu.memref_slice %arg2[%dma_start3A_61, %dma_start3A_62] : memref<20000x64xf32, #tpu.memory_space<hbm>> -> memref<20000x64xf32, #tpu.memory_space<hbm>>
    tpu.enqueue_indirect_dma source(%dma_start3A_63 : memref<20000x64xf32, #tpu.memory_space<hbm>>) target(%arg13 : memref<80x64xf32, #tpu.memory_space<vmem>>) offsets(%dma_start3A_60 : memref<80xi32, #tpu.memory_space<vmem>>) semaphore(%arg17 : memref<!tpu.dma_semaphore, #tpu.memory_space<semaphore_mem>>)
    %dma_wait3A_64 = arith.constant 2 : i32
    %dma_wait3A_65 = arith.constant 0 : i32
    %dma_wait3A_66 = tpu.memref_slice %arg7[%dma_wait3A_64, %dma_wait3A_65] : memref<125x80xi32, #tpu.memory_space<vmem>> -> memref<1x80xi32, #tpu.memory_space<vmem>>
    %dma_wait3A_67 = tpu.memref_squeeze %dma_wait3A_66 : memref<1x80xi32, #tpu.memory_space<vmem>> -> memref<80xi32, #tpu.memory_space<vmem>>
    %dma_wait3A_68 = arith.constant 0 : i32
    %dma_wait3A_69 = arith.constant 0 : i32
    %dma_wait3A_70 = tpu.memref_slice %arg2[%dma_wait3A_68, %dma_wait3A_69] : memref<20000x64xf32, #tpu.memory_space<hbm>> -> memref<20000x64xf32, #tpu.memory_space<hbm>>
    tpu.wait_indirect_dma semaphore(%arg16 : memref<!tpu.dma_semaphore, #tpu.memory_space<semaphore_mem>>) src(%dma_wait3A_70 : memref<20000x64xf32, #tpu.memory_space<hbm>>) dst(%arg12 : memref<80x64xf32, #tpu.memory_space<vmem>>)
    %dma_start3A_71 = arith.constant 2 : i32
    %dma_start3A_72 = arith.constant 0 : i32
    %dma_start3A_73 = tpu.memref_slice %arg9[%dma_start3A_71, %dma_start3A_72] : memref<125x80xi32, #tpu.memory_space<vmem>> -> memref<1x80xi32, #tpu.memory_space<vmem>>
    %dma_start3A_74 = tpu.memref_squeeze %dma_start3A_73 : memref<1x80xi32, #tpu.memory_space<vmem>> -> memref<80xi32, #tpu.memory_space<vmem>>
    %dma_start3A_75 = arith.constant 0 : i32
    %dma_start3A_76 = arith.constant 0 : i32
    %dma_start3A_77 = tpu.memref_slice %arg22[%dma_start3A_75, %dma_start3A_76] : memref<10112x64xf32, #tpu.memory_space<vmem_shared>> -> memref<10112x64xf32, #tpu.memory_space<vmem_shared>>
    tpu.enqueue_indirect_dma source(%arg12 : memref<80x64xf32, #tpu.memory_space<vmem>>) target(%dma_start3A_77 : memref<10112x64xf32, #tpu.memory_space<vmem_shared>>) offsets(%dma_start3A_74 : memref<80xi32, #tpu.memory_space<vmem>>) semaphore(%arg20 : memref<!tpu.dma_semaphore, #tpu.memory_space<semaphore_mem>>) {add = true}
    %scan3A_78 = arith.constant 0 : i32
    %scan3A_79 = arith.constant 1 : i32
    %scan3A_80 = arith.constant 30 : i32
    %scan3A_81 = arith.addi %scan3A_79, %scan3A_80 : i32
    %scan3A_82 = arith.constant 1 : i32
    scf.for %scan3A_315 = %scan3A_79 to %scan3A_81 step %scan3A_82  : i32 {
      %mul3A_316 = arith.constant 4 : i32
      %mul3A_317 = arith.muli %mul3A_316, %scan3A_315 : i32
      %add3A_318 = arith.constant 0 : i32
      %add3A_319 = arith.addi %mul3A_317, %add3A_318 : i32
      %sub3A = arith.constant 4 : i32
      %sub3A_320 = arith.subi %add3A_319, %sub3A : i32
      %dma_wait3A_321 = arith.constant 0 : i32
      %dma_wait3A_322 = tpu.memref_slice %arg9[%sub3A_320, %dma_wait3A_321] : memref<125x80xi32, #tpu.memory_space<vmem>> -> memref<1x80xi32, #tpu.memory_space<vmem>>
      %dma_wait3A_323 = tpu.memref_squeeze %dma_wait3A_322 : memref<1x80xi32, #tpu.memory_space<vmem>> -> memref<80xi32, #tpu.memory_space<vmem>>
      %dma_wait3A_324 = arith.constant 0 : i32
      %dma_wait3A_325 = arith.constant 0 : i32
      %dma_wait3A_326 = tpu.memref_slice %arg22[%dma_wait3A_324, %dma_wait3A_325] : memref<10112x64xf32, #tpu.memory_space<vmem_shared>> -> memref<10112x64xf32, #tpu.memory_space<vmem_shared>>
      tpu.wait_indirect_dma semaphore(%arg18 : memref<!tpu.dma_semaphore, #tpu.memory_space<semaphore_mem>>) src(%arg10 : memref<80x64xf32, #tpu.memory_space<vmem>>) dst(%dma_wait3A_326 : memref<10112x64xf32, #tpu.memory_space<vmem_shared>>)
      %dma_start3A_327 = arith.constant 0 : i32
      %dma_start3A_328 = tpu.memref_slice %arg7[%add3A_319, %dma_start3A_327] : memref<125x80xi32, #tpu.memory_space<vmem>> -> memref<1x80xi32, #tpu.memory_space<vmem>>
      %dma_start3A_329 = tpu.memref_squeeze %dma_start3A_328 : memref<1x80xi32, #tpu.memory_space<vmem>> -> memref<80xi32, #tpu.memory_space<vmem>>
      %dma_start3A_330 = arith.constant 0 : i32
      %dma_start3A_331 = arith.constant 0 : i32
      %dma_start3A_332 = tpu.memref_slice %arg2[%dma_start3A_330, %dma_start3A_331] : memref<20000x64xf32, #tpu.memory_space<hbm>> -> memref<20000x64xf32, #tpu.memory_space<hbm>>
      tpu.enqueue_indirect_dma source(%dma_start3A_332 : memref<20000x64xf32, #tpu.memory_space<hbm>>) target(%arg10 : memref<80x64xf32, #tpu.memory_space<vmem>>) offsets(%dma_start3A_329 : memref<80xi32, #tpu.memory_space<vmem>>) semaphore(%arg14 : memref<!tpu.dma_semaphore, #tpu.memory_space<semaphore_mem>>)
      %sub3A_333 = arith.constant 1 : i32
      %sub3A_334 = arith.subi %add3A_319, %sub3A_333 : i32
      %dma_wait3A_335 = arith.constant 0 : i32
      %dma_wait3A_336 = tpu.memref_slice %arg7[%sub3A_334, %dma_wait3A_335] : memref<125x80xi32, #tpu.memory_space<vmem>> -> memref<1x80xi32, #tpu.memory_space<vmem>>
      %dma_wait3A_337 = tpu.memref_squeeze %dma_wait3A_336 : memref<1x80xi32, #tpu.memory_space<vmem>> -> memref<80xi32, #tpu.memory_space<vmem>>
      %dma_wait3A_338 = arith.constant 0 : i32
      %dma_wait3A_339 = arith.constant 0 : i32
      %dma_wait3A_340 = tpu.memref_slice %arg2[%dma_wait3A_338, %dma_wait3A_339] : memref<20000x64xf32, #tpu.memory_space<hbm>> -> memref<20000x64xf32, #tpu.memory_space<hbm>>
      tpu.wait_indirect_dma semaphore(%arg17 : memref<!tpu.dma_semaphore, #tpu.memory_space<semaphore_mem>>) src(%dma_wait3A_340 : memref<20000x64xf32, #tpu.memory_space<hbm>>) dst(%arg13 : memref<80x64xf32, #tpu.memory_space<vmem>>)
      %sub3A_341 = arith.constant 1 : i32
      %sub3A_342 = arith.subi %add3A_319, %sub3A_341 : i32
      %dma_start3A_343 = arith.constant 0 : i32
      %dma_start3A_344 = tpu.memref_slice %arg9[%sub3A_342, %dma_start3A_343] : memref<125x80xi32, #tpu.memory_space<vmem>> -> memref<1x80xi32, #tpu.memory_space<vmem>>
      %dma_start3A_345 = tpu.memref_squeeze %dma_start3A_344 : memref<1x80xi32, #tpu.memory_space<vmem>> -> memref<80xi32, #tpu.memory_space<vmem>>
      %dma_start3A_346 = arith.constant 0 : i32
      %dma_start3A_347 = arith.constant 0 : i32
      %dma_start3A_348 = tpu.memref_slice %arg22[%dma_start3A_346, %dma_start3A_347] : memref<10112x64xf32, #tpu.memory_space<vmem_shared>> -> memref<10112x64xf32, #tpu.memory_space<vmem_shared>>
      tpu.enqueue_indirect_dma source(%arg13 : memref<80x64xf32, #tpu.memory_space<vmem>>) target(%dma_start3A_348 : memref<10112x64xf32, #tpu.memory_space<vmem_shared>>) offsets(%dma_start3A_345 : memref<80xi32, #tpu.memory_space<vmem>>) semaphore(%arg21 : memref<!tpu.dma_semaphore, #tpu.memory_space<semaphore_mem>>) {add = true}
      %mul3A_349 = arith.constant 4 : i32
      %mul3A_350 = arith.muli %mul3A_349, %scan3A_315 : i32
      %add3A_351 = arith.constant 1 : i32
      %add3A_352 = arith.addi %mul3A_350, %add3A_351 : i32
      %sub3A_353 = arith.constant 4 : i32
      %sub3A_354 = arith.subi %add3A_352, %sub3A_353 : i32
      %dma_wait3A_355 = arith.constant 0 : i32
      %dma_wait3A_356 = tpu.memref_slice %arg9[%sub3A_354, %dma_wait3A_355] : memref<125x80xi32, #tpu.memory_space<vmem>> -> memref<1x80xi32, #tpu.memory_space<vmem>>
      %dma_wait3A_357 = tpu.memref_squeeze %dma_wait3A_356 : memref<1x80xi32, #tpu.memory_space<vmem>> -> memref<80xi32, #tpu.memory_space<vmem>>
      %dma_wait3A_358 = arith.constant 0 : i32
      %dma_wait3A_359 = arith.constant 0 : i32
      %dma_wait3A_360 = tpu.memref_slice %arg22[%dma_wait3A_358, %dma_wait3A_359] : memref<10112x64xf32, #tpu.memory_space<vmem_shared>> -> memref<10112x64xf32, #tpu.memory_space<vmem_shared>>
      tpu.wait_indirect_dma semaphore(%arg19 : memref<!tpu.dma_semaphore, #tpu.memory_space<semaphore_mem>>) src(%arg11 : memref<80x64xf32, #tpu.memory_space<vmem>>) dst(%dma_wait3A_360 : memref<10112x64xf32, #tpu.memory_space<vmem_shared>>)
      %dma_start3A_361 = arith.constant 0 : i32
      %dma_start3A_362 = tpu.memref_slice %arg7[%add3A_352, %dma_start3A_361] : memref<125x80xi32, #tpu.memory_space<vmem>> -> memref<1x80xi32, #tpu.memory_space<vmem>>
      %dma_start3A_363 = tpu.memref_squeeze %dma_start3A_362 : memref<1x80xi32, #tpu.memory_space<vmem>> -> memref<80xi32, #tpu.memory_space<vmem>>
      %dma_start3A_364 = arith.constant 0 : i32
      %dma_start3A_365 = arith.constant 0 : i32
      %dma_start3A_366 = tpu.memref_slice %arg2[%dma_start3A_364, %dma_start3A_365] : memref<20000x64xf32, #tpu.memory_space<hbm>> -> memref<20000x64xf32, #tpu.memory_space<hbm>>
      tpu.enqueue_indirect_dma source(%dma_start3A_366 : memref<20000x64xf32, #tpu.memory_space<hbm>>) target(%arg11 : memref<80x64xf32, #tpu.memory_space<vmem>>) offsets(%dma_start3A_363 : memref<80xi32, #tpu.memory_space<vmem>>) semaphore(%arg15 : memref<!tpu.dma_semaphore, #tpu.memory_space<semaphore_mem>>)
      %sub3A_367 = arith.constant 1 : i32
      %sub3A_368 = arith.subi %add3A_352, %sub3A_367 : i32
      %dma_wait3A_369 = arith.constant 0 : i32
      %dma_wait3A_370 = tpu.memref_slice %arg7[%sub3A_368, %dma_wait3A_369] : memref<125x80xi32, #tpu.memory_space<vmem>> -> memref<1x80xi32, #tpu.memory_space<vmem>>
      %dma_wait3A_371 = tpu.memref_squeeze %dma_wait3A_370 : memref<1x80xi32, #tpu.memory_space<vmem>> -> memref<80xi32, #tpu.memory_space<vmem>>
      %dma_wait3A_372 = arith.constant 0 : i32
      %dma_wait3A_373 = arith.constant 0 : i32
      %dma_wait3A_374 = tpu.memref_slice %arg2[%dma_wait3A_372, %dma_wait3A_373] : memref<20000x64xf32, #tpu.memory_space<hbm>> -> memref<20000x64xf32, #tpu.memory_space<hbm>>
      tpu.wait_indirect_dma semaphore(%arg14 : memref<!tpu.dma_semaphore, #tpu.memory_space<semaphore_mem>>) src(%dma_wait3A_374 : memref<20000x64xf32, #tpu.memory_space<hbm>>) dst(%arg10 : memref<80x64xf32, #tpu.memory_space<vmem>>)
      %sub3A_375 = arith.constant 1 : i32
      %sub3A_376 = arith.subi %add3A_352, %sub3A_375 : i32
      %dma_start3A_377 = arith.constant 0 : i32
      %dma_start3A_378 = tpu.memref_slice %arg9[%sub3A_376, %dma_start3A_377] : memref<125x80xi32, #tpu.memory_space<vmem>> -> memref<1x80xi32, #tpu.memory_space<vmem>>
      %dma_start3A_379 = tpu.memref_squeeze %dma_start3A_378 : memref<1x80xi32, #tpu.memory_space<vmem>> -> memref<80xi32, #tpu.memory_space<vmem>>
      %dma_start3A_380 = arith.constant 0 : i32
      %dma_start3A_381 = arith.constant 0 : i32
      %dma_start3A_382 = tpu.memref_slice %arg22[%dma_start3A_380, %dma_start3A_381] : memref<10112x64xf32, #tpu.memory_space<vmem_shared>> -> memref<10112x64xf32, #tpu.memory_space<vmem_shared>>
      tpu.enqueue_indirect_dma source(%arg10 : memref<80x64xf32, #tpu.memory_space<vmem>>) target(%dma_start3A_382 : memref<10112x64xf32, #tpu.memory_space<vmem_shared>>) offsets(%dma_start3A_379 : memref<80xi32, #tpu.memory_space<vmem>>) semaphore(%arg18 : memref<!tpu.dma_semaphore, #tpu.memory_space<semaphore_mem>>) {add = true}
      %mul3A_383 = arith.constant 4 : i32
      %mul3A_384 = arith.muli %mul3A_383, %scan3A_315 : i32
      %add3A_385 = arith.constant 2 : i32
      %add3A_386 = arith.addi %mul3A_384, %add3A_385 : i32
      %sub3A_387 = arith.constant 4 : i32
      %sub3A_388 = arith.subi %add3A_386, %sub3A_387 : i32
      %dma_wait3A_389 = arith.constant 0 : i32
      %dma_wait3A_390 = tpu.memref_slice %arg9[%sub3A_388, %dma_wait3A_389] : memref<125x80xi32, #tpu.memory_space<vmem>> -> memref<1x80xi32, #tpu.memory_space<vmem>>
      %dma_wait3A_391 = tpu.memref_squeeze %dma_wait3A_390 : memref<1x80xi32, #tpu.memory_space<vmem>> -> memref<80xi32, #tpu.memory_space<vmem>>
      %dma_wait3A_392 = arith.constant 0 : i32
      %dma_wait3A_393 = arith.constant 0 : i32
      %dma_wait3A_394 = tpu.memref_slice %arg22[%dma_wait3A_392, %dma_wait3A_393] : memref<10112x64xf32, #tpu.memory_space<vmem_shared>> -> memref<10112x64xf32, #tpu.memory_space<vmem_shared>>
      tpu.wait_indirect_dma semaphore(%arg20 : memref<!tpu.dma_semaphore, #tpu.memory_space<semaphore_mem>>) src(%arg12 : memref<80x64xf32, #tpu.memory_space<vmem>>) dst(%dma_wait3A_394 : memref<10112x64xf32, #tpu.memory_space<vmem_shared>>)
      %dma_start3A_395 = arith.constant 0 : i32
      %dma_start3A_396 = tpu.memref_slice %arg7[%add3A_386, %dma_start3A_395] : memref<125x80xi32, #tpu.memory_space<vmem>> -> memref<1x80xi32, #tpu.memory_space<vmem>>
      %dma_start3A_397 = tpu.memref_squeeze %dma_start3A_396 : memref<1x80xi32, #tpu.memory_space<vmem>> -> memref<80xi32, #tpu.memory_space<vmem>>
      %dma_start3A_398 = arith.constant 0 : i32
      %dma_start3A_399 = arith.constant 0 : i32
      %dma_start3A_400 = tpu.memref_slice %arg2[%dma_start3A_398, %dma_start3A_399] : memref<20000x64xf32, #tpu.memory_space<hbm>> -> memref<20000x64xf32, #tpu.memory_space<hbm>>
      tpu.enqueue_indirect_dma source(%dma_start3A_400 : memref<20000x64xf32, #tpu.memory_space<hbm>>) target(%arg12 : memref<80x64xf32, #tpu.memory_space<vmem>>) offsets(%dma_start3A_397 : memref<80xi32, #tpu.memory_space<vmem>>) semaphore(%arg16 : memref<!tpu.dma_semaphore, #tpu.memory_space<semaphore_mem>>)
      %sub3A_401 = arith.constant 1 : i32
      %sub3A_402 = arith.subi %add3A_386, %sub3A_401 : i32
      %dma_wait3A_403 = arith.constant 0 : i32
      %dma_wait3A_404 = tpu.memref_slice %arg7[%sub3A_402, %dma_wait3A_403] : memref<125x80xi32, #tpu.memory_space<vmem>> -> memref<1x80xi32, #tpu.memory_space<vmem>>
      %dma_wait3A_405 = tpu.memref_squeeze %dma_wait3A_404 : memref<1x80xi32, #tpu.memory_space<vmem>> -> memref<80xi32, #tpu.memory_space<vmem>>
      %dma_wait3A_406 = arith.constant 0 : i32
      %dma_wait3A_407 = arith.constant 0 : i32
      %dma_wait3A_408 = tpu.memref_slice %arg2[%dma_wait3A_406, %dma_wait3A_407] : memref<20000x64xf32, #tpu.memory_space<hbm>> -> memref<20000x64xf32, #tpu.memory_space<hbm>>
      tpu.wait_indirect_dma semaphore(%arg15 : memref<!tpu.dma_semaphore, #tpu.memory_space<semaphore_mem>>) src(%dma_wait3A_408 : memref<20000x64xf32, #tpu.memory_space<hbm>>) dst(%arg11 : memref<80x64xf32, #tpu.memory_space<vmem>>)
      %sub3A_409 = arith.constant 1 : i32
      %sub3A_410 = arith.subi %add3A_386, %sub3A_409 : i32
      %dma_start3A_411 = arith.constant 0 : i32
      %dma_start3A_412 = tpu.memref_slice %arg9[%sub3A_410, %dma_start3A_411] : memref<125x80xi32, #tpu.memory_space<vmem>> -> memref<1x80xi32, #tpu.memory_space<vmem>>
      %dma_start3A_413 = tpu.memref_squeeze %dma_start3A_412 : memref<1x80xi32, #tpu.memory_space<vmem>> -> memref<80xi32, #tpu.memory_space<vmem>>
      %dma_start3A_414 = arith.constant 0 : i32
      %dma_start3A_415 = arith.constant 0 : i32
      %dma_start3A_416 = tpu.memref_slice %arg22[%dma_start3A_414, %dma_start3A_415] : memref<10112x64xf32, #tpu.memory_space<vmem_shared>> -> memref<10112x64xf32, #tpu.memory_space<vmem_shared>>
      tpu.enqueue_indirect_dma source(%arg11 : memref<80x64xf32, #tpu.memory_space<vmem>>) target(%dma_start3A_416 : memref<10112x64xf32, #tpu.memory_space<vmem_shared>>) offsets(%dma_start3A_413 : memref<80xi32, #tpu.memory_space<vmem>>) semaphore(%arg19 : memref<!tpu.dma_semaphore, #tpu.memory_space<semaphore_mem>>) {add = true}
      %mul3A_417 = arith.constant 4 : i32
      %mul3A_418 = arith.muli %mul3A_417, %scan3A_315 : i32
      %add3A_419 = arith.constant 3 : i32
      %add3A_420 = arith.addi %mul3A_418, %add3A_419 : i32
      %sub3A_421 = arith.constant 4 : i32
      %sub3A_422 = arith.subi %add3A_420, %sub3A_421 : i32
      %dma_wait3A_423 = arith.constant 0 : i32
      %dma_wait3A_424 = tpu.memref_slice %arg9[%sub3A_422, %dma_wait3A_423] : memref<125x80xi32, #tpu.memory_space<vmem>> -> memref<1x80xi32, #tpu.memory_space<vmem>>
      %dma_wait3A_425 = tpu.memref_squeeze %dma_wait3A_424 : memref<1x80xi32, #tpu.memory_space<vmem>> -> memref<80xi32, #tpu.memory_space<vmem>>
      %dma_wait3A_426 = arith.constant 0 : i32
      %dma_wait3A_427 = arith.constant 0 : i32
      %dma_wait3A_428 = tpu.memref_slice %arg22[%dma_wait3A_426, %dma_wait3A_427] : memref<10112x64xf32, #tpu.memory_space<vmem_shared>> -> memref<10112x64xf32, #tpu.memory_space<vmem_shared>>
      tpu.wait_indirect_dma semaphore(%arg21 : memref<!tpu.dma_semaphore, #tpu.memory_space<semaphore_mem>>) src(%arg13 : memref<80x64xf32, #tpu.memory_space<vmem>>) dst(%dma_wait3A_428 : memref<10112x64xf32, #tpu.memory_space<vmem_shared>>)
      %dma_start3A_429 = arith.constant 0 : i32
      %dma_start3A_430 = tpu.memref_slice %arg7[%add3A_420, %dma_start3A_429] : memref<125x80xi32, #tpu.memory_space<vmem>> -> memref<1x80xi32, #tpu.memory_space<vmem>>
      %dma_start3A_431 = tpu.memref_squeeze %dma_start3A_430 : memref<1x80xi32, #tpu.memory_space<vmem>> -> memref<80xi32, #tpu.memory_space<vmem>>
      %dma_start3A_432 = arith.constant 0 : i32
      %dma_start3A_433 = arith.constant 0 : i32
      %dma_start3A_434 = tpu.memref_slice %arg2[%dma_start3A_432, %dma_start3A_433] : memref<20000x64xf32, #tpu.memory_space<hbm>> -> memref<20000x64xf32, #tpu.memory_space<hbm>>
      tpu.enqueue_indirect_dma source(%dma_start3A_434 : memref<20000x64xf32, #tpu.memory_space<hbm>>) target(%arg13 : memref<80x64xf32, #tpu.memory_space<vmem>>) offsets(%dma_start3A_431 : memref<80xi32, #tpu.memory_space<vmem>>) semaphore(%arg17 : memref<!tpu.dma_semaphore, #tpu.memory_space<semaphore_mem>>)
      %sub3A_435 = arith.constant 1 : i32
      %sub3A_436 = arith.subi %add3A_420, %sub3A_435 : i32
      %dma_wait3A_437 = arith.constant 0 : i32
      %dma_wait3A_438 = tpu.memref_slice %arg7[%sub3A_436, %dma_wait3A_437] : memref<125x80xi32, #tpu.memory_space<vmem>> -> memref<1x80xi32, #tpu.memory_space<vmem>>
      %dma_wait3A_439 = tpu.memref_squeeze %dma_wait3A_438 : memref<1x80xi32, #tpu.memory_space<vmem>> -> memref<80xi32, #tpu.memory_space<vmem>>
      %dma_wait3A_440 = arith.constant 0 : i32
      %dma_wait3A_441 = arith.constant 0 : i32
      %dma_wait3A_442 = tpu.memref_slice %arg2[%dma_wait3A_440, %dma_wait3A_441] : memref<20000x64xf32, #tpu.memory_space<hbm>> -> memref<20000x64xf32, #tpu.memory_space<hbm>>
      tpu.wait_indirect_dma semaphore(%arg16 : memref<!tpu.dma_semaphore, #tpu.memory_space<semaphore_mem>>) src(%dma_wait3A_442 : memref<20000x64xf32, #tpu.memory_space<hbm>>) dst(%arg12 : memref<80x64xf32, #tpu.memory_space<vmem>>)
      %sub3A_443 = arith.constant 1 : i32
      %sub3A_444 = arith.subi %add3A_420, %sub3A_443 : i32
      %dma_start3A_445 = arith.constant 0 : i32
      %dma_start3A_446 = tpu.memref_slice %arg9[%sub3A_444, %dma_start3A_445] : memref<125x80xi32, #tpu.memory_space<vmem>> -> memref<1x80xi32, #tpu.memory_space<vmem>>
      %dma_start3A_447 = tpu.memref_squeeze %dma_start3A_446 : memref<1x80xi32, #tpu.memory_space<vmem>> -> memref<80xi32, #tpu.memory_space<vmem>>
      %dma_start3A_448 = arith.constant 0 : i32
      %dma_start3A_449 = arith.constant 0 : i32
      %dma_start3A_450 = tpu.memref_slice %arg22[%dma_start3A_448, %dma_start3A_449] : memref<10112x64xf32, #tpu.memory_space<vmem_shared>> -> memref<10112x64xf32, #tpu.memory_space<vmem_shared>>
      tpu.enqueue_indirect_dma source(%arg12 : memref<80x64xf32, #tpu.memory_space<vmem>>) target(%dma_start3A_450 : memref<10112x64xf32, #tpu.memory_space<vmem_shared>>) offsets(%dma_start3A_447 : memref<80xi32, #tpu.memory_space<vmem>>) semaphore(%arg20 : memref<!tpu.dma_semaphore, #tpu.memory_space<semaphore_mem>>) {add = true}
    }
    %scan3A_83 = arith.constant 30 : i32
    %dma_wait3A_84 = arith.constant 120 : i32
    %dma_wait3A_85 = arith.constant 0 : i32
    %dma_wait3A_86 = tpu.memref_slice %arg9[%dma_wait3A_84, %dma_wait3A_85] : memref<125x80xi32, #tpu.memory_space<vmem>> -> memref<1x80xi32, #tpu.memory_space<vmem>>
    %dma_wait3A_87 = tpu.memref_squeeze %dma_wait3A_86 : memref<1x80xi32, #tpu.memory_space<vmem>> -> memref<80xi32, #tpu.memory_space<vmem>>
    %dma_wait3A_88 = arith.constant 0 : i32
    %dma_wait3A_89 = arith.constant 0 : i32
    %dma_wait3A_90 = tpu.memref_slice %arg22[%dma_wait3A_88, %dma_wait3A_89] : memref<10112x64xf32, #tpu.memory_space<vmem_shared>> -> memref<10112x64xf32, #tpu.memory_space<vmem_shared>>
    tpu.wait_indirect_dma semaphore(%arg18 : memref<!tpu.dma_semaphore, #tpu.memory_space<semaphore_mem>>) src(%arg10 : memref<80x64xf32, #tpu.memory_space<vmem>>) dst(%dma_wait3A_90 : memref<10112x64xf32, #tpu.memory_space<vmem_shared>>)
    %dma_start3A_91 = arith.constant 124 : i32
    %dma_start3A_92 = arith.constant 0 : i32
    %dma_start3A_93 = tpu.memref_slice %arg7[%dma_start3A_91, %dma_start3A_92] : memref<125x80xi32, #tpu.memory_space<vmem>> -> memref<1x80xi32, #tpu.memory_space<vmem>>
    %dma_start3A_94 = tpu.memref_squeeze %dma_start3A_93 : memref<1x80xi32, #tpu.memory_space<vmem>> -> memref<80xi32, #tpu.memory_space<vmem>>
    %dma_start3A_95 = arith.constant 0 : i32
    %dma_start3A_96 = arith.constant 0 : i32
    %dma_start3A_97 = tpu.memref_slice %arg2[%dma_start3A_95, %dma_start3A_96] : memref<20000x64xf32, #tpu.memory_space<hbm>> -> memref<20000x64xf32, #tpu.memory_space<hbm>>
    tpu.enqueue_indirect_dma source(%dma_start3A_97 : memref<20000x64xf32, #tpu.memory_space<hbm>>) target(%arg10 : memref<80x64xf32, #tpu.memory_space<vmem>>) offsets(%dma_start3A_94 : memref<80xi32, #tpu.memory_space<vmem>>) semaphore(%arg14 : memref<!tpu.dma_semaphore, #tpu.memory_space<semaphore_mem>>)
    %dma_wait3A_98 = arith.constant 123 : i32
    %dma_wait3A_99 = arith.constant 0 : i32
    %dma_wait3A_100 = tpu.memref_slice %arg7[%dma_wait3A_98, %dma_wait3A_99] : memref<125x80xi32, #tpu.memory_space<vmem>> -> memref<1x80xi32, #tpu.memory_space<vmem>>
    %dma_wait3A_101 = tpu.memref_squeeze %dma_wait3A_100 : memref<1x80xi32, #tpu.memory_space<vmem>> -> memref<80xi32, #tpu.memory_space<vmem>>
    %dma_wait3A_102 = arith.constant 0 : i32
    %dma_wait3A_103 = arith.constant 0 : i32
    %dma_wait3A_104 = tpu.memref_slice %arg2[%dma_wait3A_102, %dma_wait3A_103] : memref<20000x64xf32, #tpu.memory_space<hbm>> -> memref<20000x64xf32, #tpu.memory_space<hbm>>
    tpu.wait_indirect_dma semaphore(%arg17 : memref<!tpu.dma_semaphore, #tpu.memory_space<semaphore_mem>>) src(%dma_wait3A_104 : memref<20000x64xf32, #tpu.memory_space<hbm>>) dst(%arg13 : memref<80x64xf32, #tpu.memory_space<vmem>>)
    %dma_start3A_105 = arith.constant 123 : i32
    %dma_start3A_106 = arith.constant 0 : i32
    %dma_start3A_107 = tpu.memref_slice %arg9[%dma_start3A_105, %dma_start3A_106] : memref<125x80xi32, #tpu.memory_space<vmem>> -> memref<1x80xi32, #tpu.memory_space<vmem>>
    %dma_start3A_108 = tpu.memref_squeeze %dma_start3A_107 : memref<1x80xi32, #tpu.memory_space<vmem>> -> memref<80xi32, #tpu.memory_space<vmem>>
    %dma_start3A_109 = arith.constant 0 : i32
    %dma_start3A_110 = arith.constant 0 : i32
    %dma_start3A_111 = tpu.memref_slice %arg22[%dma_start3A_109, %dma_start3A_110] : memref<10112x64xf32, #tpu.memory_space<vmem_shared>> -> memref<10112x64xf32, #tpu.memory_space<vmem_shared>>
    tpu.enqueue_indirect_dma source(%arg13 : memref<80x64xf32, #tpu.memory_space<vmem>>) target(%dma_start3A_111 : memref<10112x64xf32, #tpu.memory_space<vmem_shared>>) offsets(%dma_start3A_108 : memref<80xi32, #tpu.memory_space<vmem>>) semaphore(%arg21 : memref<!tpu.dma_semaphore, #tpu.memory_space<semaphore_mem>>) {add = true}
    %dma_wait3A_112 = arith.constant 124 : i32
    %dma_wait3A_113 = arith.constant 0 : i32
    %dma_wait3A_114 = tpu.memref_slice %arg7[%dma_wait3A_112, %dma_wait3A_113] : memref<125x80xi32, #tpu.memory_space<vmem>> -> memref<1x80xi32, #tpu.memory_space<vmem>>
    %dma_wait3A_115 = tpu.memref_squeeze %dma_wait3A_114 : memref<1x80xi32, #tpu.memory_space<vmem>> -> memref<80xi32, #tpu.memory_space<vmem>>
    %dma_wait3A_116 = arith.constant 0 : i32
    %dma_wait3A_117 = arith.constant 0 : i32
    %dma_wait3A_118 = tpu.memref_slice %arg2[%dma_wait3A_116, %dma_wait3A_117] : memref<20000x64xf32, #tpu.memory_space<hbm>> -> memref<20000x64xf32, #tpu.memory_space<hbm>>
    tpu.wait_indirect_dma semaphore(%arg14 : memref<!tpu.dma_semaphore, #tpu.memory_space<semaphore_mem>>) src(%dma_wait3A_118 : memref<20000x64xf32, #tpu.memory_space<hbm>>) dst(%arg10 : memref<80x64xf32, #tpu.memory_space<vmem>>)
    %dma_start3A_119 = arith.constant 124 : i32
    %dma_start3A_120 = arith.constant 0 : i32
    %dma_start3A_121 = tpu.memref_slice %arg9[%dma_start3A_119, %dma_start3A_120] : memref<125x80xi32, #tpu.memory_space<vmem>> -> memref<1x80xi32, #tpu.memory_space<vmem>>
    %dma_start3A_122 = tpu.memref_squeeze %dma_start3A_121 : memref<1x80xi32, #tpu.memory_space<vmem>> -> memref<80xi32, #tpu.memory_space<vmem>>
    %dma_start3A_123 = arith.constant 0 : i32
    %dma_start3A_124 = arith.constant 0 : i32
    %dma_start3A_125 = tpu.memref_slice %arg22[%dma_start3A_123, %dma_start3A_124] : memref<10112x64xf32, #tpu.memory_space<vmem_shared>> -> memref<10112x64xf32, #tpu.memory_space<vmem_shared>>
    tpu.enqueue_indirect_dma source(%arg10 : memref<80x64xf32, #tpu.memory_space<vmem>>) target(%dma_start3A_125 : memref<10112x64xf32, #tpu.memory_space<vmem_shared>>) offsets(%dma_start3A_122 : memref<80xi32, #tpu.memory_space<vmem>>) semaphore(%arg18 : memref<!tpu.dma_semaphore, #tpu.memory_space<semaphore_mem>>) {add = true}
    %dma_wait3A_126 = arith.constant 121 : i32
    %dma_wait3A_127 = arith.constant 0 : i32
    %dma_wait3A_128 = tpu.memref_slice %arg9[%dma_wait3A_126, %dma_wait3A_127] : memref<125x80xi32, #tpu.memory_space<vmem>> -> memref<1x80xi32, #tpu.memory_space<vmem>>
    %dma_wait3A_129 = tpu.memref_squeeze %dma_wait3A_128 : memref<1x80xi32, #tpu.memory_space<vmem>> -> memref<80xi32, #tpu.memory_space<vmem>>
    %dma_wait3A_130 = arith.constant 0 : i32
    %dma_wait3A_131 = arith.constant 0 : i32
    %dma_wait3A_132 = tpu.memref_slice %arg22[%dma_wait3A_130, %dma_wait3A_131] : memref<10112x64xf32, #tpu.memory_space<vmem_shared>> -> memref<10112x64xf32, #tpu.memory_space<vmem_shared>>
    tpu.wait_indirect_dma semaphore(%arg19 : memref<!tpu.dma_semaphore, #tpu.memory_space<semaphore_mem>>) src(%arg11 : memref<80x64xf32, #tpu.memory_space<vmem>>) dst(%dma_wait3A_132 : memref<10112x64xf32, #tpu.memory_space<vmem_shared>>)
    %dma_wait3A_133 = arith.constant 122 : i32
    %dma_wait3A_134 = arith.constant 0 : i32
    %dma_wait3A_135 = tpu.memref_slice %arg9[%dma_wait3A_133, %dma_wait3A_134] : memref<125x80xi32, #tpu.memory_space<vmem>> -> memref<1x80xi32, #tpu.memory_space<vmem>>
    %dma_wait3A_136 = tpu.memref_squeeze %dma_wait3A_135 : memref<1x80xi32, #tpu.memory_space<vmem>> -> memref<80xi32, #tpu.memory_space<vmem>>
    %dma_wait3A_137 = arith.constant 0 : i32
    %dma_wait3A_138 = arith.constant 0 : i32
    %dma_wait3A_139 = tpu.memref_slice %arg22[%dma_wait3A_137, %dma_wait3A_138] : memref<10112x64xf32, #tpu.memory_space<vmem_shared>> -> memref<10112x64xf32, #tpu.memory_space<vmem_shared>>
    tpu.wait_indirect_dma semaphore(%arg20 : memref<!tpu.dma_semaphore, #tpu.memory_space<semaphore_mem>>) src(%arg12 : memref<80x64xf32, #tpu.memory_space<vmem>>) dst(%dma_wait3A_139 : memref<10112x64xf32, #tpu.memory_space<vmem_shared>>)
    %dma_wait3A_140 = arith.constant 123 : i32
    %dma_wait3A_141 = arith.constant 0 : i32
    %dma_wait3A_142 = tpu.memref_slice %arg9[%dma_wait3A_140, %dma_wait3A_141] : memref<125x80xi32, #tpu.memory_space<vmem>> -> memref<1x80xi32, #tpu.memory_space<vmem>>
    %dma_wait3A_143 = tpu.memref_squeeze %dma_wait3A_142 : memref<1x80xi32, #tpu.memory_space<vmem>> -> memref<80xi32, #tpu.memory_space<vmem>>
    %dma_wait3A_144 = arith.constant 0 : i32
    %dma_wait3A_145 = arith.constant 0 : i32
    %dma_wait3A_146 = tpu.memref_slice %arg22[%dma_wait3A_144, %dma_wait3A_145] : memref<10112x64xf32, #tpu.memory_space<vmem_shared>> -> memref<10112x64xf32, #tpu.memory_space<vmem_shared>>
    tpu.wait_indirect_dma semaphore(%arg21 : memref<!tpu.dma_semaphore, #tpu.memory_space<semaphore_mem>>) src(%arg13 : memref<80x64xf32, #tpu.memory_space<vmem>>) dst(%dma_wait3A_146 : memref<10112x64xf32, #tpu.memory_space<vmem_shared>>)
    %dma_wait3A_147 = arith.constant 124 : i32
    %dma_wait3A_148 = arith.constant 0 : i32
    %dma_wait3A_149 = tpu.memref_slice %arg9[%dma_wait3A_147, %dma_wait3A_148] : memref<125x80xi32, #tpu.memory_space<vmem>> -> memref<1x80xi32, #tpu.memory_space<vmem>>
    %dma_wait3A_150 = tpu.memref_squeeze %dma_wait3A_149 : memref<1x80xi32, #tpu.memory_space<vmem>> -> memref<80xi32, #tpu.memory_space<vmem>>
    %dma_wait3A_151 = arith.constant 0 : i32
    %dma_wait3A_152 = arith.constant 0 : i32
    %dma_wait3A_153 = tpu.memref_slice %arg22[%dma_wait3A_151, %dma_wait3A_152] : memref<10112x64xf32, #tpu.memory_space<vmem_shared>> -> memref<10112x64xf32, #tpu.memory_space<vmem_shared>>
    tpu.wait_indirect_dma semaphore(%arg18 : memref<!tpu.dma_semaphore, #tpu.memory_space<semaphore_mem>>) src(%arg10 : memref<80x64xf32, #tpu.memory_space<vmem>>) dst(%dma_wait3A_153 : memref<10112x64xf32, #tpu.memory_space<vmem_shared>>)
    %barrier3A_154 = arith.constant 0 : index
    tpu.barrier barrier_id(%barrier3A_154)
    %mul3A_155 = arith.constant 632 : i32
    %mul3A_156 = arith.muli %arg1, %mul3A_155 : i32
    %mul3A_157 = arith.constant 632 : i32
    %mul3A_158 = arith.muli %arg1, %mul3A_157 : i32
    "tpu.region"() ({
      %run_scoped3A = tpu.sem_alloc : memref<!tpu.dma_semaphore, #tpu.memory_space<semaphore_mem>>
      %dma_start3A_315 = arith.constant 0 : i32
      %dma_start3A_316 = arith.constant 0 : i32
      %dma_start3A_317 = tpu.memref_slice %arg6[%arg0, %dma_start3A_315, %dma_start3A_316] : memref<2x10112x128xf32, #tpu.memory_space<hbm>> -> memref<1x10112x128xf32, #tpu.memory_space<hbm>>
      %dma_start3A_318 = tpu.memref_squeeze %dma_start3A_317 : memref<1x10112x128xf32, #tpu.memory_space<hbm>> -> memref<10112x128xf32, #tpu.memory_space<hbm>>
      %dma_start3A_319 = arith.constant 0 : i32
      %dma_start3A_320 = tpu.memref_slice %dma_start3A_318[%mul3A_158, %dma_start3A_319] : memref<10112x128xf32, #tpu.memory_space<hbm>> -> memref<632x64xf32, #tpu.memory_space<hbm>>
      %dma_start3A_321 = arith.constant 0 : i32
      %dma_start3A_322 = tpu.memref_slice %arg22[%mul3A_156, %dma_start3A_321] : memref<10112x64xf32, #tpu.memory_space<vmem_shared>> -> memref<632x64xf32, #tpu.memory_space<vmem_shared>>
      tpu.enqueue_dma source(%dma_start3A_322 : memref<632x64xf32, #tpu.memory_space<vmem_shared>>) target(%dma_start3A_320 : memref<632x64xf32, #tpu.memory_space<hbm>>) target_semaphore(%run_scoped3A : memref<!tpu.dma_semaphore, #tpu.memory_space<semaphore_mem>>)
      %dma_wait3A_323 = arith.constant 0 : i32
      %dma_wait3A_324 = arith.constant 0 : i32
      %dma_wait3A_325 = tpu.memref_slice %arg6[%arg0, %dma_wait3A_323, %dma_wait3A_324] : memref<2x10112x128xf32, #tpu.memory_space<hbm>> -> memref<1x10112x128xf32, #tpu.memory_space<hbm>>
      %dma_wait3A_326 = tpu.memref_squeeze %dma_wait3A_325 : memref<1x10112x128xf32, #tpu.memory_space<hbm>> -> memref<10112x128xf32, #tpu.memory_space<hbm>>
      %dma_wait3A_327 = arith.constant 0 : i32
      %dma_wait3A_328 = tpu.memref_slice %dma_wait3A_326[%mul3A_158, %dma_wait3A_327] : memref<10112x128xf32, #tpu.memory_space<hbm>> -> memref<632x64xf32, #tpu.memory_space<hbm>>
      %dma_wait3A_329 = arith.constant 0 : i32
      %dma_wait3A_330 = tpu.memref_slice %arg22[%mul3A_156, %dma_wait3A_329] : memref<10112x64xf32, #tpu.memory_space<vmem_shared>> -> memref<632x64xf32, #tpu.memory_space<vmem_shared>>
      tpu.wait_dma2 semaphore(%run_scoped3A : memref<!tpu.dma_semaphore, #tpu.memory_space<semaphore_mem>>) src(%dma_wait3A_330 : memref<632x64xf32, #tpu.memory_space<vmem_shared>>) dst(%dma_wait3A_328 : memref<632x64xf32, #tpu.memory_space<hbm>>)
      tpu.yield
    }) : () -> ()
    %mul3A_159 = arith.constant 632 : i32
    %mul3A_160 = arith.muli %arg1, %mul3A_159 : i32
    %mul3A_161 = arith.constant 632 : i32
    %mul3A_162 = arith.muli %arg1, %mul3A_161 : i32
    "tpu.region"() ({
      %run_scoped3A = tpu.sem_alloc : memref<!tpu.dma_semaphore, #tpu.memory_space<semaphore_mem>>
      %dma_start3A_315 = arith.constant 0 : i32
      %dma_start3A_316 = tpu.memref_slice %arg22[%mul3A_162, %dma_start3A_315] : memref<10112x64xf32, #tpu.memory_space<vmem_shared>> -> memref<632x64xf32, #tpu.memory_space<vmem_shared>>
      %dma_start3A_317 = arith.constant 0 : i32
      %dma_start3A_318 = tpu.memref_slice %arg5[%mul3A_160, %dma_start3A_317] : memref<10112x64xf32, #tpu.memory_space<hbm>> -> memref<632x64xf32, #tpu.memory_space<hbm>>
      tpu.enqueue_dma source(%dma_start3A_318 : memref<632x64xf32, #tpu.memory_space<hbm>>) target(%dma_start3A_316 : memref<632x64xf32, #tpu.memory_space<vmem_shared>>) target_semaphore(%run_scoped3A : memref<!tpu.dma_semaphore, #tpu.memory_space<semaphore_mem>>)
      %dma_wait3A_319 = arith.constant 0 : i32
      %dma_wait3A_320 = tpu.memref_slice %arg22[%mul3A_162, %dma_wait3A_319] : memref<10112x64xf32, #tpu.memory_space<vmem_shared>> -> memref<632x64xf32, #tpu.memory_space<vmem_shared>>
      %dma_wait3A_321 = arith.constant 0 : i32
      %dma_wait3A_322 = tpu.memref_slice %arg5[%mul3A_160, %dma_wait3A_321] : memref<10112x64xf32, #tpu.memory_space<hbm>> -> memref<632x64xf32, #tpu.memory_space<hbm>>
      tpu.wait_dma2 semaphore(%run_scoped3A : memref<!tpu.dma_semaphore, #tpu.memory_space<semaphore_mem>>) src(%dma_wait3A_322 : memref<632x64xf32, #tpu.memory_space<hbm>>) dst(%dma_wait3A_320 : memref<632x64xf32, #tpu.memory_space<vmem_shared>>)
      tpu.yield
    }) : () -> ()
    %barrier3A_163 = arith.constant 0 : index
    tpu.barrier barrier_id(%barrier3A_163)
    %dma_start3A_164 = arith.constant 0 : i32
    %dma_start3A_165 = arith.constant 0 : i32
    %dma_start3A_166 = tpu.memref_slice %arg8[%dma_start3A_164, %dma_start3A_165] : memref<125x80xi32, #tpu.memory_space<vmem>> -> memref<1x80xi32, #tpu.memory_space<vmem>>
    %dma_start3A_167 = tpu.memref_squeeze %dma_start3A_166 : memref<1x80xi32, #tpu.memory_space<vmem>> -> memref<80xi32, #tpu.memory_space<vmem>>
    %dma_start3A_168 = arith.constant 0 : i32
    %dma_start3A_169 = arith.constant 0 : i32
    %dma_start3A_170 = tpu.memref_slice %arg2[%dma_start3A_168, %dma_start3A_169] : memref<20000x64xf32, #tpu.memory_space<hbm>> -> memref<20000x64xf32, #tpu.memory_space<hbm>>
    tpu.enqueue_indirect_dma source(%dma_start3A_170 : memref<20000x64xf32, #tpu.memory_space<hbm>>) target(%arg10 : memref<80x64xf32, #tpu.memory_space<vmem>>) offsets(%dma_start3A_167 : memref<80xi32, #tpu.memory_space<vmem>>) semaphore(%arg14 : memref<!tpu.dma_semaphore, #tpu.memory_space<semaphore_mem>>)
    %dma_start3A_171 = arith.constant 1 : i32
    %dma_start3A_172 = arith.constant 0 : i32
    %dma_start3A_173 = tpu.memref_slice %arg8[%dma_start3A_171, %dma_start3A_172] : memref<125x80xi32, #tpu.memory_space<vmem>> -> memref<1x80xi32, #tpu.memory_space<vmem>>
    %dma_start3A_174 = tpu.memref_squeeze %dma_start3A_173 : memref<1x80xi32, #tpu.memory_space<vmem>> -> memref<80xi32, #tpu.memory_space<vmem>>
    %dma_start3A_175 = arith.constant 0 : i32
    %dma_start3A_176 = arith.constant 0 : i32
    %dma_start3A_177 = tpu.memref_slice %arg2[%dma_start3A_175, %dma_start3A_176] : memref<20000x64xf32, #tpu.memory_space<hbm>> -> memref<20000x64xf32, #tpu.memory_space<hbm>>
    tpu.enqueue_indirect_dma source(%dma_start3A_177 : memref<20000x64xf32, #tpu.memory_space<hbm>>) target(%arg11 : memref<80x64xf32, #tpu.memory_space<vmem>>) offsets(%dma_start3A_174 : memref<80xi32, #tpu.memory_space<vmem>>) semaphore(%arg15 : memref<!tpu.dma_semaphore, #tpu.memory_space<semaphore_mem>>)
    %dma_wait3A_178 = arith.constant 0 : i32
    %dma_wait3A_179 = arith.constant 0 : i32
    %dma_wait3A_180 = tpu.memref_slice %arg8[%dma_wait3A_178, %dma_wait3A_179] : memref<125x80xi32, #tpu.memory_space<vmem>> -> memref<1x80xi32, #tpu.memory_space<vmem>>
    %dma_wait3A_181 = tpu.memref_squeeze %dma_wait3A_180 : memref<1x80xi32, #tpu.memory_space<vmem>> -> memref<80xi32, #tpu.memory_space<vmem>>
    %dma_wait3A_182 = arith.constant 0 : i32
    %dma_wait3A_183 = arith.constant 0 : i32
    %dma_wait3A_184 = tpu.memref_slice %arg2[%dma_wait3A_182, %dma_wait3A_183] : memref<20000x64xf32, #tpu.memory_space<hbm>> -> memref<20000x64xf32, #tpu.memory_space<hbm>>
    tpu.wait_indirect_dma semaphore(%arg14 : memref<!tpu.dma_semaphore, #tpu.memory_space<semaphore_mem>>) src(%dma_wait3A_184 : memref<20000x64xf32, #tpu.memory_space<hbm>>) dst(%arg10 : memref<80x64xf32, #tpu.memory_space<vmem>>)
    %dma_start3A_185 = arith.constant 0 : i32
    %dma_start3A_186 = arith.constant 0 : i32
    %dma_start3A_187 = tpu.memref_slice %arg9[%dma_start3A_185, %dma_start3A_186] : memref<125x80xi32, #tpu.memory_space<vmem>> -> memref<1x80xi32, #tpu.memory_space<vmem>>
    %dma_start3A_188 = tpu.memref_squeeze %dma_start3A_187 : memref<1x80xi32, #tpu.memory_space<vmem>> -> memref<80xi32, #tpu.memory_space<vmem>>
    %dma_start3A_189 = arith.constant 0 : i32
    %dma_start3A_190 = arith.constant 0 : i32
    %dma_start3A_191 = tpu.memref_slice %arg22[%dma_start3A_189, %dma_start3A_190] : memref<10112x64xf32, #tpu.memory_space<vmem_shared>> -> memref<10112x64xf32, #tpu.memory_space<vmem_shared>>
    tpu.enqueue_indirect_dma source(%arg10 : memref<80x64xf32, #tpu.memory_space<vmem>>) target(%dma_start3A_191 : memref<10112x64xf32, #tpu.memory_space<vmem_shared>>) offsets(%dma_start3A_188 : memref<80xi32, #tpu.memory_space<vmem>>) semaphore(%arg18 : memref<!tpu.dma_semaphore, #tpu.memory_space<semaphore_mem>>) {add = true}
    %dma_start3A_192 = arith.constant 2 : i32
    %dma_start3A_193 = arith.constant 0 : i32
    %dma_start3A_194 = tpu.memref_slice %arg8[%dma_start3A_192, %dma_start3A_193] : memref<125x80xi32, #tpu.memory_space<vmem>> -> memref<1x80xi32, #tpu.memory_space<vmem>>
    %dma_start3A_195 = tpu.memref_squeeze %dma_start3A_194 : memref<1x80xi32, #tpu.memory_space<vmem>> -> memref<80xi32, #tpu.memory_space<vmem>>
    %dma_start3A_196 = arith.constant 0 : i32
    %dma_start3A_197 = arith.constant 0 : i32
    %dma_start3A_198 = tpu.memref_slice %arg2[%dma_start3A_196, %dma_start3A_197] : memref<20000x64xf32, #tpu.memory_space<hbm>> -> memref<20000x64xf32, #tpu.memory_space<hbm>>
    tpu.enqueue_indirect_dma source(%dma_start3A_198 : memref<20000x64xf32, #tpu.memory_space<hbm>>) target(%arg12 : memref<80x64xf32, #tpu.memory_space<vmem>>) offsets(%dma_start3A_195 : memref<80xi32, #tpu.memory_space<vmem>>) semaphore(%arg16 : memref<!tpu.dma_semaphore, #tpu.memory_space<semaphore_mem>>)
    %dma_wait3A_199 = arith.constant 1 : i32
    %dma_wait3A_200 = arith.constant 0 : i32
    %dma_wait3A_201 = tpu.memref_slice %arg8[%dma_wait3A_199, %dma_wait3A_200] : memref<125x80xi32, #tpu.memory_space<vmem>> -> memref<1x80xi32, #tpu.memory_space<vmem>>
    %dma_wait3A_202 = tpu.memref_squeeze %dma_wait3A_201 : memref<1x80xi32, #tpu.memory_space<vmem>> -> memref<80xi32, #tpu.memory_space<vmem>>
    %dma_wait3A_203 = arith.constant 0 : i32
    %dma_wait3A_204 = arith.constant 0 : i32
    %dma_wait3A_205 = tpu.memref_slice %arg2[%dma_wait3A_203, %dma_wait3A_204] : memref<20000x64xf32, #tpu.memory_space<hbm>> -> memref<20000x64xf32, #tpu.memory_space<hbm>>
    tpu.wait_indirect_dma semaphore(%arg15 : memref<!tpu.dma_semaphore, #tpu.memory_space<semaphore_mem>>) src(%dma_wait3A_205 : memref<20000x64xf32, #tpu.memory_space<hbm>>) dst(%arg11 : memref<80x64xf32, #tpu.memory_space<vmem>>)
    %dma_start3A_206 = arith.constant 1 : i32
    %dma_start3A_207 = arith.constant 0 : i32
    %dma_start3A_208 = tpu.memref_slice %arg9[%dma_start3A_206, %dma_start3A_207] : memref<125x80xi32, #tpu.memory_space<vmem>> -> memref<1x80xi32, #tpu.memory_space<vmem>>
    %dma_start3A_209 = tpu.memref_squeeze %dma_start3A_208 : memref<1x80xi32, #tpu.memory_space<vmem>> -> memref<80xi32, #tpu.memory_space<vmem>>
    %dma_start3A_210 = arith.constant 0 : i32
    %dma_start3A_211 = arith.constant 0 : i32
    %dma_start3A_212 = tpu.memref_slice %arg22[%dma_start3A_210, %dma_start3A_211] : memref<10112x64xf32, #tpu.memory_space<vmem_shared>> -> memref<10112x64xf32, #tpu.memory_space<vmem_shared>>
    tpu.enqueue_indirect_dma source(%arg11 : memref<80x64xf32, #tpu.memory_space<vmem>>) target(%dma_start3A_212 : memref<10112x64xf32, #tpu.memory_space<vmem_shared>>) offsets(%dma_start3A_209 : memref<80xi32, #tpu.memory_space<vmem>>) semaphore(%arg19 : memref<!tpu.dma_semaphore, #tpu.memory_space<semaphore_mem>>) {add = true}
    %dma_start3A_213 = arith.constant 3 : i32
    %dma_start3A_214 = arith.constant 0 : i32
    %dma_start3A_215 = tpu.memref_slice %arg8[%dma_start3A_213, %dma_start3A_214] : memref<125x80xi32, #tpu.memory_space<vmem>> -> memref<1x80xi32, #tpu.memory_space<vmem>>
    %dma_start3A_216 = tpu.memref_squeeze %dma_start3A_215 : memref<1x80xi32, #tpu.memory_space<vmem>> -> memref<80xi32, #tpu.memory_space<vmem>>
    %dma_start3A_217 = arith.constant 0 : i32
    %dma_start3A_218 = arith.constant 0 : i32
    %dma_start3A_219 = tpu.memref_slice %arg2[%dma_start3A_217, %dma_start3A_218] : memref<20000x64xf32, #tpu.memory_space<hbm>> -> memref<20000x64xf32, #tpu.memory_space<hbm>>
    tpu.enqueue_indirect_dma source(%dma_start3A_219 : memref<20000x64xf32, #tpu.memory_space<hbm>>) target(%arg13 : memref<80x64xf32, #tpu.memory_space<vmem>>) offsets(%dma_start3A_216 : memref<80xi32, #tpu.memory_space<vmem>>) semaphore(%arg17 : memref<!tpu.dma_semaphore, #tpu.memory_space<semaphore_mem>>)
    %dma_wait3A_220 = arith.constant 2 : i32
    %dma_wait3A_221 = arith.constant 0 : i32
    %dma_wait3A_222 = tpu.memref_slice %arg8[%dma_wait3A_220, %dma_wait3A_221] : memref<125x80xi32, #tpu.memory_space<vmem>> -> memref<1x80xi32, #tpu.memory_space<vmem>>
    %dma_wait3A_223 = tpu.memref_squeeze %dma_wait3A_222 : memref<1x80xi32, #tpu.memory_space<vmem>> -> memref<80xi32, #tpu.memory_space<vmem>>
    %dma_wait3A_224 = arith.constant 0 : i32
    %dma_wait3A_225 = arith.constant 0 : i32
    %dma_wait3A_226 = tpu.memref_slice %arg2[%dma_wait3A_224, %dma_wait3A_225] : memref<20000x64xf32, #tpu.memory_space<hbm>> -> memref<20000x64xf32, #tpu.memory_space<hbm>>
    tpu.wait_indirect_dma semaphore(%arg16 : memref<!tpu.dma_semaphore, #tpu.memory_space<semaphore_mem>>) src(%dma_wait3A_226 : memref<20000x64xf32, #tpu.memory_space<hbm>>) dst(%arg12 : memref<80x64xf32, #tpu.memory_space<vmem>>)
    %dma_start3A_227 = arith.constant 2 : i32
    %dma_start3A_228 = arith.constant 0 : i32
    %dma_start3A_229 = tpu.memref_slice %arg9[%dma_start3A_227, %dma_start3A_228] : memref<125x80xi32, #tpu.memory_space<vmem>> -> memref<1x80xi32, #tpu.memory_space<vmem>>
    %dma_start3A_230 = tpu.memref_squeeze %dma_start3A_229 : memref<1x80xi32, #tpu.memory_space<vmem>> -> memref<80xi32, #tpu.memory_space<vmem>>
    %dma_start3A_231 = arith.constant 0 : i32
    %dma_start3A_232 = arith.constant 0 : i32
    %dma_start3A_233 = tpu.memref_slice %arg22[%dma_start3A_231, %dma_start3A_232] : memref<10112x64xf32, #tpu.memory_space<vmem_shared>> -> memref<10112x64xf32, #tpu.memory_space<vmem_shared>>
    tpu.enqueue_indirect_dma source(%arg12 : memref<80x64xf32, #tpu.memory_space<vmem>>) target(%dma_start3A_233 : memref<10112x64xf32, #tpu.memory_space<vmem_shared>>) offsets(%dma_start3A_230 : memref<80xi32, #tpu.memory_space<vmem>>) semaphore(%arg20 : memref<!tpu.dma_semaphore, #tpu.memory_space<semaphore_mem>>) {add = true}
    %scan3A_234 = arith.constant 0 : i32
    %scan3A_235 = arith.constant 1 : i32
    %scan3A_236 = arith.constant 30 : i32
    %scan3A_237 = arith.addi %scan3A_235, %scan3A_236 : i32
    %scan3A_238 = arith.constant 1 : i32
    scf.for %scan3A_315 = %scan3A_235 to %scan3A_237 step %scan3A_238  : i32 {
      %mul3A_316 = arith.constant 4 : i32
      %mul3A_317 = arith.muli %mul3A_316, %scan3A_315 : i32
      %add3A_318 = arith.constant 0 : i32
      %add3A_319 = arith.addi %mul3A_317, %add3A_318 : i32
      %sub3A = arith.constant 4 : i32
      %sub3A_320 = arith.subi %add3A_319, %sub3A : i32
      %dma_wait3A_321 = arith.constant 0 : i32
      %dma_wait3A_322 = tpu.memref_slice %arg9[%sub3A_320, %dma_wait3A_321] : memref<125x80xi32, #tpu.memory_space<vmem>> -> memref<1x80xi32, #tpu.memory_space<vmem>>
      %dma_wait3A_323 = tpu.memref_squeeze %dma_wait3A_322 : memref<1x80xi32, #tpu.memory_space<vmem>> -> memref<80xi32, #tpu.memory_space<vmem>>
      %dma_wait3A_324 = arith.constant 0 : i32
      %dma_wait3A_325 = arith.constant 0 : i32
      %dma_wait3A_326 = tpu.memref_slice %arg22[%dma_wait3A_324, %dma_wait3A_325] : memref<10112x64xf32, #tpu.memory_space<vmem_shared>> -> memref<10112x64xf32, #tpu.memory_space<vmem_shared>>
      tpu.wait_indirect_dma semaphore(%arg18 : memref<!tpu.dma_semaphore, #tpu.memory_space<semaphore_mem>>) src(%arg10 : memref<80x64xf32, #tpu.memory_space<vmem>>) dst(%dma_wait3A_326 : memref<10112x64xf32, #tpu.memory_space<vmem_shared>>)
      %dma_start3A_327 = arith.constant 0 : i32
      %dma_start3A_328 = tpu.memref_slice %arg8[%add3A_319, %dma_start3A_327] : memref<125x80xi32, #tpu.memory_space<vmem>> -> memref<1x80xi32, #tpu.memory_space<vmem>>
      %dma_start3A_329 = tpu.memref_squeeze %dma_start3A_328 : memref<1x80xi32, #tpu.memory_space<vmem>> -> memref<80xi32, #tpu.memory_space<vmem>>
      %dma_start3A_330 = arith.constant 0 : i32
      %dma_start3A_331 = arith.constant 0 : i32
      %dma_start3A_332 = tpu.memref_slice %arg2[%dma_start3A_330, %dma_start3A_331] : memref<20000x64xf32, #tpu.memory_space<hbm>> -> memref<20000x64xf32, #tpu.memory_space<hbm>>
      tpu.enqueue_indirect_dma source(%dma_start3A_332 : memref<20000x64xf32, #tpu.memory_space<hbm>>) target(%arg10 : memref<80x64xf32, #tpu.memory_space<vmem>>) offsets(%dma_start3A_329 : memref<80xi32, #tpu.memory_space<vmem>>) semaphore(%arg14 : memref<!tpu.dma_semaphore, #tpu.memory_space<semaphore_mem>>)
      %sub3A_333 = arith.constant 1 : i32
      %sub3A_334 = arith.subi %add3A_319, %sub3A_333 : i32
      %dma_wait3A_335 = arith.constant 0 : i32
      %dma_wait3A_336 = tpu.memref_slice %arg8[%sub3A_334, %dma_wait3A_335] : memref<125x80xi32, #tpu.memory_space<vmem>> -> memref<1x80xi32, #tpu.memory_space<vmem>>
      %dma_wait3A_337 = tpu.memref_squeeze %dma_wait3A_336 : memref<1x80xi32, #tpu.memory_space<vmem>> -> memref<80xi32, #tpu.memory_space<vmem>>
      %dma_wait3A_338 = arith.constant 0 : i32
      %dma_wait3A_339 = arith.constant 0 : i32
      %dma_wait3A_340 = tpu.memref_slice %arg2[%dma_wait3A_338, %dma_wait3A_339] : memref<20000x64xf32, #tpu.memory_space<hbm>> -> memref<20000x64xf32, #tpu.memory_space<hbm>>
      tpu.wait_indirect_dma semaphore(%arg17 : memref<!tpu.dma_semaphore, #tpu.memory_space<semaphore_mem>>) src(%dma_wait3A_340 : memref<20000x64xf32, #tpu.memory_space<hbm>>) dst(%arg13 : memref<80x64xf32, #tpu.memory_space<vmem>>)
      %sub3A_341 = arith.constant 1 : i32
      %sub3A_342 = arith.subi %add3A_319, %sub3A_341 : i32
      %dma_start3A_343 = arith.constant 0 : i32
      %dma_start3A_344 = tpu.memref_slice %arg9[%sub3A_342, %dma_start3A_343] : memref<125x80xi32, #tpu.memory_space<vmem>> -> memref<1x80xi32, #tpu.memory_space<vmem>>
      %dma_start3A_345 = tpu.memref_squeeze %dma_start3A_344 : memref<1x80xi32, #tpu.memory_space<vmem>> -> memref<80xi32, #tpu.memory_space<vmem>>
      %dma_start3A_346 = arith.constant 0 : i32
      %dma_start3A_347 = arith.constant 0 : i32
      %dma_start3A_348 = tpu.memref_slice %arg22[%dma_start3A_346, %dma_start3A_347] : memref<10112x64xf32, #tpu.memory_space<vmem_shared>> -> memref<10112x64xf32, #tpu.memory_space<vmem_shared>>
      tpu.enqueue_indirect_dma source(%arg13 : memref<80x64xf32, #tpu.memory_space<vmem>>) target(%dma_start3A_348 : memref<10112x64xf32, #tpu.memory_space<vmem_shared>>) offsets(%dma_start3A_345 : memref<80xi32, #tpu.memory_space<vmem>>) semaphore(%arg21 : memref<!tpu.dma_semaphore, #tpu.memory_space<semaphore_mem>>) {add = true}
      %mul3A_349 = arith.constant 4 : i32
      %mul3A_350 = arith.muli %mul3A_349, %scan3A_315 : i32
      %add3A_351 = arith.constant 1 : i32
      %add3A_352 = arith.addi %mul3A_350, %add3A_351 : i32
      %sub3A_353 = arith.constant 4 : i32
      %sub3A_354 = arith.subi %add3A_352, %sub3A_353 : i32
      %dma_wait3A_355 = arith.constant 0 : i32
      %dma_wait3A_356 = tpu.memref_slice %arg9[%sub3A_354, %dma_wait3A_355] : memref<125x80xi32, #tpu.memory_space<vmem>> -> memref<1x80xi32, #tpu.memory_space<vmem>>
      %dma_wait3A_357 = tpu.memref_squeeze %dma_wait3A_356 : memref<1x80xi32, #tpu.memory_space<vmem>> -> memref<80xi32, #tpu.memory_space<vmem>>
      %dma_wait3A_358 = arith.constant 0 : i32
      %dma_wait3A_359 = arith.constant 0 : i32
      %dma_wait3A_360 = tpu.memref_slice %arg22[%dma_wait3A_358, %dma_wait3A_359] : memref<10112x64xf32, #tpu.memory_space<vmem_shared>> -> memref<10112x64xf32, #tpu.memory_space<vmem_shared>>
      tpu.wait_indirect_dma semaphore(%arg19 : memref<!tpu.dma_semaphore, #tpu.memory_space<semaphore_mem>>) src(%arg11 : memref<80x64xf32, #tpu.memory_space<vmem>>) dst(%dma_wait3A_360 : memref<10112x64xf32, #tpu.memory_space<vmem_shared>>)
      %dma_start3A_361 = arith.constant 0 : i32
      %dma_start3A_362 = tpu.memref_slice %arg8[%add3A_352, %dma_start3A_361] : memref<125x80xi32, #tpu.memory_space<vmem>> -> memref<1x80xi32, #tpu.memory_space<vmem>>
      %dma_start3A_363 = tpu.memref_squeeze %dma_start3A_362 : memref<1x80xi32, #tpu.memory_space<vmem>> -> memref<80xi32, #tpu.memory_space<vmem>>
      %dma_start3A_364 = arith.constant 0 : i32
      %dma_start3A_365 = arith.constant 0 : i32
      %dma_start3A_366 = tpu.memref_slice %arg2[%dma_start3A_364, %dma_start3A_365] : memref<20000x64xf32, #tpu.memory_space<hbm>> -> memref<20000x64xf32, #tpu.memory_space<hbm>>
      tpu.enqueue_indirect_dma source(%dma_start3A_366 : memref<20000x64xf32, #tpu.memory_space<hbm>>) target(%arg11 : memref<80x64xf32, #tpu.memory_space<vmem>>) offsets(%dma_start3A_363 : memref<80xi32, #tpu.memory_space<vmem>>) semaphore(%arg15 : memref<!tpu.dma_semaphore, #tpu.memory_space<semaphore_mem>>)
      %sub3A_367 = arith.constant 1 : i32
      %sub3A_368 = arith.subi %add3A_352, %sub3A_367 : i32
      %dma_wait3A_369 = arith.constant 0 : i32
      %dma_wait3A_370 = tpu.memref_slice %arg8[%sub3A_368, %dma_wait3A_369] : memref<125x80xi32, #tpu.memory_space<vmem>> -> memref<1x80xi32, #tpu.memory_space<vmem>>
      %dma_wait3A_371 = tpu.memref_squeeze %dma_wait3A_370 : memref<1x80xi32, #tpu.memory_space<vmem>> -> memref<80xi32, #tpu.memory_space<vmem>>
      %dma_wait3A_372 = arith.constant 0 : i32
      %dma_wait3A_373 = arith.constant 0 : i32
      %dma_wait3A_374 = tpu.memref_slice %arg2[%dma_wait3A_372, %dma_wait3A_373] : memref<20000x64xf32, #tpu.memory_space<hbm>> -> memref<20000x64xf32, #tpu.memory_space<hbm>>
      tpu.wait_indirect_dma semaphore(%arg14 : memref<!tpu.dma_semaphore, #tpu.memory_space<semaphore_mem>>) src(%dma_wait3A_374 : memref<20000x64xf32, #tpu.memory_space<hbm>>) dst(%arg10 : memref<80x64xf32, #tpu.memory_space<vmem>>)
      %sub3A_375 = arith.constant 1 : i32
      %sub3A_376 = arith.subi %add3A_352, %sub3A_375 : i32
      %dma_start3A_377 = arith.constant 0 : i32
      %dma_start3A_378 = tpu.memref_slice %arg9[%sub3A_376, %dma_start3A_377] : memref<125x80xi32, #tpu.memory_space<vmem>> -> memref<1x80xi32, #tpu.memory_space<vmem>>
      %dma_start3A_379 = tpu.memref_squeeze %dma_start3A_378 : memref<1x80xi32, #tpu.memory_space<vmem>> -> memref<80xi32, #tpu.memory_space<vmem>>
      %dma_start3A_380 = arith.constant 0 : i32
      %dma_start3A_381 = arith.constant 0 : i32
      %dma_start3A_382 = tpu.memref_slice %arg22[%dma_start3A_380, %dma_start3A_381] : memref<10112x64xf32, #tpu.memory_space<vmem_shared>> -> memref<10112x64xf32, #tpu.memory_space<vmem_shared>>
      tpu.enqueue_indirect_dma source(%arg10 : memref<80x64xf32, #tpu.memory_space<vmem>>) target(%dma_start3A_382 : memref<10112x64xf32, #tpu.memory_space<vmem_shared>>) offsets(%dma_start3A_379 : memref<80xi32, #tpu.memory_space<vmem>>) semaphore(%arg18 : memref<!tpu.dma_semaphore, #tpu.memory_space<semaphore_mem>>) {add = true}
      %mul3A_383 = arith.constant 4 : i32
      %mul3A_384 = arith.muli %mul3A_383, %scan3A_315 : i32
      %add3A_385 = arith.constant 2 : i32
      %add3A_386 = arith.addi %mul3A_384, %add3A_385 : i32
      %sub3A_387 = arith.constant 4 : i32
      %sub3A_388 = arith.subi %add3A_386, %sub3A_387 : i32
      %dma_wait3A_389 = arith.constant 0 : i32
      %dma_wait3A_390 = tpu.memref_slice %arg9[%sub3A_388, %dma_wait3A_389] : memref<125x80xi32, #tpu.memory_space<vmem>> -> memref<1x80xi32, #tpu.memory_space<vmem>>
      %dma_wait3A_391 = tpu.memref_squeeze %dma_wait3A_390 : memref<1x80xi32, #tpu.memory_space<vmem>> -> memref<80xi32, #tpu.memory_space<vmem>>
      %dma_wait3A_392 = arith.constant 0 : i32
      %dma_wait3A_393 = arith.constant 0 : i32
      %dma_wait3A_394 = tpu.memref_slice %arg22[%dma_wait3A_392, %dma_wait3A_393] : memref<10112x64xf32, #tpu.memory_space<vmem_shared>> -> memref<10112x64xf32, #tpu.memory_space<vmem_shared>>
      tpu.wait_indirect_dma semaphore(%arg20 : memref<!tpu.dma_semaphore, #tpu.memory_space<semaphore_mem>>) src(%arg12 : memref<80x64xf32, #tpu.memory_space<vmem>>) dst(%dma_wait3A_394 : memref<10112x64xf32, #tpu.memory_space<vmem_shared>>)
      %dma_start3A_395 = arith.constant 0 : i32
      %dma_start3A_396 = tpu.memref_slice %arg8[%add3A_386, %dma_start3A_395] : memref<125x80xi32, #tpu.memory_space<vmem>> -> memref<1x80xi32, #tpu.memory_space<vmem>>
      %dma_start3A_397 = tpu.memref_squeeze %dma_start3A_396 : memref<1x80xi32, #tpu.memory_space<vmem>> -> memref<80xi32, #tpu.memory_space<vmem>>
      %dma_start3A_398 = arith.constant 0 : i32
      %dma_start3A_399 = arith.constant 0 : i32
      %dma_start3A_400 = tpu.memref_slice %arg2[%dma_start3A_398, %dma_start3A_399] : memref<20000x64xf32, #tpu.memory_space<hbm>> -> memref<20000x64xf32, #tpu.memory_space<hbm>>
      tpu.enqueue_indirect_dma source(%dma_start3A_400 : memref<20000x64xf32, #tpu.memory_space<hbm>>) target(%arg12 : memref<80x64xf32, #tpu.memory_space<vmem>>) offsets(%dma_start3A_397 : memref<80xi32, #tpu.memory_space<vmem>>) semaphore(%arg16 : memref<!tpu.dma_semaphore, #tpu.memory_space<semaphore_mem>>)
      %sub3A_401 = arith.constant 1 : i32
      %sub3A_402 = arith.subi %add3A_386, %sub3A_401 : i32
      %dma_wait3A_403 = arith.constant 0 : i32
      %dma_wait3A_404 = tpu.memref_slice %arg8[%sub3A_402, %dma_wait3A_403] : memref<125x80xi32, #tpu.memory_space<vmem>> -> memref<1x80xi32, #tpu.memory_space<vmem>>
      %dma_wait3A_405 = tpu.memref_squeeze %dma_wait3A_404 : memref<1x80xi32, #tpu.memory_space<vmem>> -> memref<80xi32, #tpu.memory_space<vmem>>
      %dma_wait3A_406 = arith.constant 0 : i32
      %dma_wait3A_407 = arith.constant 0 : i32
      %dma_wait3A_408 = tpu.memref_slice %arg2[%dma_wait3A_406, %dma_wait3A_407] : memref<20000x64xf32, #tpu.memory_space<hbm>> -> memref<20000x64xf32, #tpu.memory_space<hbm>>
      tpu.wait_indirect_dma semaphore(%arg15 : memref<!tpu.dma_semaphore, #tpu.memory_space<semaphore_mem>>) src(%dma_wait3A_408 : memref<20000x64xf32, #tpu.memory_space<hbm>>) dst(%arg11 : memref<80x64xf32, #tpu.memory_space<vmem>>)
      %sub3A_409 = arith.constant 1 : i32
      %sub3A_410 = arith.subi %add3A_386, %sub3A_409 : i32
      %dma_start3A_411 = arith.constant 0 : i32
      %dma_start3A_412 = tpu.memref_slice %arg9[%sub3A_410, %dma_start3A_411] : memref<125x80xi32, #tpu.memory_space<vmem>> -> memref<1x80xi32, #tpu.memory_space<vmem>>
      %dma_start3A_413 = tpu.memref_squeeze %dma_start3A_412 : memref<1x80xi32, #tpu.memory_space<vmem>> -> memref<80xi32, #tpu.memory_space<vmem>>
      %dma_start3A_414 = arith.constant 0 : i32
      %dma_start3A_415 = arith.constant 0 : i32
      %dma_start3A_416 = tpu.memref_slice %arg22[%dma_start3A_414, %dma_start3A_415] : memref<10112x64xf32, #tpu.memory_space<vmem_shared>> -> memref<10112x64xf32, #tpu.memory_space<vmem_shared>>
      tpu.enqueue_indirect_dma source(%arg11 : memref<80x64xf32, #tpu.memory_space<vmem>>) target(%dma_start3A_416 : memref<10112x64xf32, #tpu.memory_space<vmem_shared>>) offsets(%dma_start3A_413 : memref<80xi32, #tpu.memory_space<vmem>>) semaphore(%arg19 : memref<!tpu.dma_semaphore, #tpu.memory_space<semaphore_mem>>) {add = true}
      %mul3A_417 = arith.constant 4 : i32
      %mul3A_418 = arith.muli %mul3A_417, %scan3A_315 : i32
      %add3A_419 = arith.constant 3 : i32
      %add3A_420 = arith.addi %mul3A_418, %add3A_419 : i32
      %sub3A_421 = arith.constant 4 : i32
      %sub3A_422 = arith.subi %add3A_420, %sub3A_421 : i32
      %dma_wait3A_423 = arith.constant 0 : i32
      %dma_wait3A_424 = tpu.memref_slice %arg9[%sub3A_422, %dma_wait3A_423] : memref<125x80xi32, #tpu.memory_space<vmem>> -> memref<1x80xi32, #tpu.memory_space<vmem>>
      %dma_wait3A_425 = tpu.memref_squeeze %dma_wait3A_424 : memref<1x80xi32, #tpu.memory_space<vmem>> -> memref<80xi32, #tpu.memory_space<vmem>>
      %dma_wait3A_426 = arith.constant 0 : i32
      %dma_wait3A_427 = arith.constant 0 : i32
      %dma_wait3A_428 = tpu.memref_slice %arg22[%dma_wait3A_426, %dma_wait3A_427] : memref<10112x64xf32, #tpu.memory_space<vmem_shared>> -> memref<10112x64xf32, #tpu.memory_space<vmem_shared>>
      tpu.wait_indirect_dma semaphore(%arg21 : memref<!tpu.dma_semaphore, #tpu.memory_space<semaphore_mem>>) src(%arg13 : memref<80x64xf32, #tpu.memory_space<vmem>>) dst(%dma_wait3A_428 : memref<10112x64xf32, #tpu.memory_space<vmem_shared>>)
      %dma_start3A_429 = arith.constant 0 : i32
      %dma_start3A_430 = tpu.memref_slice %arg8[%add3A_420, %dma_start3A_429] : memref<125x80xi32, #tpu.memory_space<vmem>> -> memref<1x80xi32, #tpu.memory_space<vmem>>
      %dma_start3A_431 = tpu.memref_squeeze %dma_start3A_430 : memref<1x80xi32, #tpu.memory_space<vmem>> -> memref<80xi32, #tpu.memory_space<vmem>>
      %dma_start3A_432 = arith.constant 0 : i32
      %dma_start3A_433 = arith.constant 0 : i32
      %dma_start3A_434 = tpu.memref_slice %arg2[%dma_start3A_432, %dma_start3A_433] : memref<20000x64xf32, #tpu.memory_space<hbm>> -> memref<20000x64xf32, #tpu.memory_space<hbm>>
      tpu.enqueue_indirect_dma source(%dma_start3A_434 : memref<20000x64xf32, #tpu.memory_space<hbm>>) target(%arg13 : memref<80x64xf32, #tpu.memory_space<vmem>>) offsets(%dma_start3A_431 : memref<80xi32, #tpu.memory_space<vmem>>) semaphore(%arg17 : memref<!tpu.dma_semaphore, #tpu.memory_space<semaphore_mem>>)
      %sub3A_435 = arith.constant 1 : i32
      %sub3A_436 = arith.subi %add3A_420, %sub3A_435 : i32
      %dma_wait3A_437 = arith.constant 0 : i32
      %dma_wait3A_438 = tpu.memref_slice %arg8[%sub3A_436, %dma_wait3A_437] : memref<125x80xi32, #tpu.memory_space<vmem>> -> memref<1x80xi32, #tpu.memory_space<vmem>>
      %dma_wait3A_439 = tpu.memref_squeeze %dma_wait3A_438 : memref<1x80xi32, #tpu.memory_space<vmem>> -> memref<80xi32, #tpu.memory_space<vmem>>
      %dma_wait3A_440 = arith.constant 0 : i32
      %dma_wait3A_441 = arith.constant 0 : i32
      %dma_wait3A_442 = tpu.memref_slice %arg2[%dma_wait3A_440, %dma_wait3A_441] : memref<20000x64xf32, #tpu.memory_space<hbm>> -> memref<20000x64xf32, #tpu.memory_space<hbm>>
      tpu.wait_indirect_dma semaphore(%arg16 : memref<!tpu.dma_semaphore, #tpu.memory_space<semaphore_mem>>) src(%dma_wait3A_442 : memref<20000x64xf32, #tpu.memory_space<hbm>>) dst(%arg12 : memref<80x64xf32, #tpu.memory_space<vmem>>)
      %sub3A_443 = arith.constant 1 : i32
      %sub3A_444 = arith.subi %add3A_420, %sub3A_443 : i32
      %dma_start3A_445 = arith.constant 0 : i32
      %dma_start3A_446 = tpu.memref_slice %arg9[%sub3A_444, %dma_start3A_445] : memref<125x80xi32, #tpu.memory_space<vmem>> -> memref<1x80xi32, #tpu.memory_space<vmem>>
      %dma_start3A_447 = tpu.memref_squeeze %dma_start3A_446 : memref<1x80xi32, #tpu.memory_space<vmem>> -> memref<80xi32, #tpu.memory_space<vmem>>
      %dma_start3A_448 = arith.constant 0 : i32
      %dma_start3A_449 = arith.constant 0 : i32
      %dma_start3A_450 = tpu.memref_slice %arg22[%dma_start3A_448, %dma_start3A_449] : memref<10112x64xf32, #tpu.memory_space<vmem_shared>> -> memref<10112x64xf32, #tpu.memory_space<vmem_shared>>
      tpu.enqueue_indirect_dma source(%arg12 : memref<80x64xf32, #tpu.memory_space<vmem>>) target(%dma_start3A_450 : memref<10112x64xf32, #tpu.memory_space<vmem_shared>>) offsets(%dma_start3A_447 : memref<80xi32, #tpu.memory_space<vmem>>) semaphore(%arg20 : memref<!tpu.dma_semaphore, #tpu.memory_space<semaphore_mem>>) {add = true}
    }
    %scan3A_239 = arith.constant 30 : i32
    %dma_wait3A_240 = arith.constant 120 : i32
    %dma_wait3A_241 = arith.constant 0 : i32
    %dma_wait3A_242 = tpu.memref_slice %arg9[%dma_wait3A_240, %dma_wait3A_241] : memref<125x80xi32, #tpu.memory_space<vmem>> -> memref<1x80xi32, #tpu.memory_space<vmem>>
    %dma_wait3A_243 = tpu.memref_squeeze %dma_wait3A_242 : memref<1x80xi32, #tpu.memory_space<vmem>> -> memref<80xi32, #tpu.memory_space<vmem>>
    %dma_wait3A_244 = arith.constant 0 : i32
    %dma_wait3A_245 = arith.constant 0 : i32
    %dma_wait3A_246 = tpu.memref_slice %arg22[%dma_wait3A_244, %dma_wait3A_245] : memref<10112x64xf32, #tpu.memory_space<vmem_shared>> -> memref<10112x64xf32, #tpu.memory_space<vmem_shared>>
    tpu.wait_indirect_dma semaphore(%arg18 : memref<!tpu.dma_semaphore, #tpu.memory_space<semaphore_mem>>) src(%arg10 : memref<80x64xf32, #tpu.memory_space<vmem>>) dst(%dma_wait3A_246 : memref<10112x64xf32, #tpu.memory_space<vmem_shared>>)
    %dma_start3A_247 = arith.constant 124 : i32
    %dma_start3A_248 = arith.constant 0 : i32
    %dma_start3A_249 = tpu.memref_slice %arg8[%dma_start3A_247, %dma_start3A_248] : memref<125x80xi32, #tpu.memory_space<vmem>> -> memref<1x80xi32, #tpu.memory_space<vmem>>
    %dma_start3A_250 = tpu.memref_squeeze %dma_start3A_249 : memref<1x80xi32, #tpu.memory_space<vmem>> -> memref<80xi32, #tpu.memory_space<vmem>>
    %dma_start3A_251 = arith.constant 0 : i32
    %dma_start3A_252 = arith.constant 0 : i32
    %dma_start3A_253 = tpu.memref_slice %arg2[%dma_start3A_251, %dma_start3A_252] : memref<20000x64xf32, #tpu.memory_space<hbm>> -> memref<20000x64xf32, #tpu.memory_space<hbm>>
    tpu.enqueue_indirect_dma source(%dma_start3A_253 : memref<20000x64xf32, #tpu.memory_space<hbm>>) target(%arg10 : memref<80x64xf32, #tpu.memory_space<vmem>>) offsets(%dma_start3A_250 : memref<80xi32, #tpu.memory_space<vmem>>) semaphore(%arg14 : memref<!tpu.dma_semaphore, #tpu.memory_space<semaphore_mem>>)
    %dma_wait3A_254 = arith.constant 123 : i32
    %dma_wait3A_255 = arith.constant 0 : i32
    %dma_wait3A_256 = tpu.memref_slice %arg8[%dma_wait3A_254, %dma_wait3A_255] : memref<125x80xi32, #tpu.memory_space<vmem>> -> memref<1x80xi32, #tpu.memory_space<vmem>>
    %dma_wait3A_257 = tpu.memref_squeeze %dma_wait3A_256 : memref<1x80xi32, #tpu.memory_space<vmem>> -> memref<80xi32, #tpu.memory_space<vmem>>
    %dma_wait3A_258 = arith.constant 0 : i32
    %dma_wait3A_259 = arith.constant 0 : i32
    %dma_wait3A_260 = tpu.memref_slice %arg2[%dma_wait3A_258, %dma_wait3A_259] : memref<20000x64xf32, #tpu.memory_space<hbm>> -> memref<20000x64xf32, #tpu.memory_space<hbm>>
    tpu.wait_indirect_dma semaphore(%arg17 : memref<!tpu.dma_semaphore, #tpu.memory_space<semaphore_mem>>) src(%dma_wait3A_260 : memref<20000x64xf32, #tpu.memory_space<hbm>>) dst(%arg13 : memref<80x64xf32, #tpu.memory_space<vmem>>)
    %dma_start3A_261 = arith.constant 123 : i32
    %dma_start3A_262 = arith.constant 0 : i32
    %dma_start3A_263 = tpu.memref_slice %arg9[%dma_start3A_261, %dma_start3A_262] : memref<125x80xi32, #tpu.memory_space<vmem>> -> memref<1x80xi32, #tpu.memory_space<vmem>>
    %dma_start3A_264 = tpu.memref_squeeze %dma_start3A_263 : memref<1x80xi32, #tpu.memory_space<vmem>> -> memref<80xi32, #tpu.memory_space<vmem>>
    %dma_start3A_265 = arith.constant 0 : i32
    %dma_start3A_266 = arith.constant 0 : i32
    %dma_start3A_267 = tpu.memref_slice %arg22[%dma_start3A_265, %dma_start3A_266] : memref<10112x64xf32, #tpu.memory_space<vmem_shared>> -> memref<10112x64xf32, #tpu.memory_space<vmem_shared>>
    tpu.enqueue_indirect_dma source(%arg13 : memref<80x64xf32, #tpu.memory_space<vmem>>) target(%dma_start3A_267 : memref<10112x64xf32, #tpu.memory_space<vmem_shared>>) offsets(%dma_start3A_264 : memref<80xi32, #tpu.memory_space<vmem>>) semaphore(%arg21 : memref<!tpu.dma_semaphore, #tpu.memory_space<semaphore_mem>>) {add = true}
    %dma_wait3A_268 = arith.constant 124 : i32
    %dma_wait3A_269 = arith.constant 0 : i32
    %dma_wait3A_270 = tpu.memref_slice %arg8[%dma_wait3A_268, %dma_wait3A_269] : memref<125x80xi32, #tpu.memory_space<vmem>> -> memref<1x80xi32, #tpu.memory_space<vmem>>
    %dma_wait3A_271 = tpu.memref_squeeze %dma_wait3A_270 : memref<1x80xi32, #tpu.memory_space<vmem>> -> memref<80xi32, #tpu.memory_space<vmem>>
    %dma_wait3A_272 = arith.constant 0 : i32
    %dma_wait3A_273 = arith.constant 0 : i32
    %dma_wait3A_274 = tpu.memref_slice %arg2[%dma_wait3A_272, %dma_wait3A_273] : memref<20000x64xf32, #tpu.memory_space<hbm>> -> memref<20000x64xf32, #tpu.memory_space<hbm>>
    tpu.wait_indirect_dma semaphore(%arg14 : memref<!tpu.dma_semaphore, #tpu.memory_space<semaphore_mem>>) src(%dma_wait3A_274 : memref<20000x64xf32, #tpu.memory_space<hbm>>) dst(%arg10 : memref<80x64xf32, #tpu.memory_space<vmem>>)
    %dma_start3A_275 = arith.constant 124 : i32
    %dma_start3A_276 = arith.constant 0 : i32
    %dma_start3A_277 = tpu.memref_slice %arg9[%dma_start3A_275, %dma_start3A_276] : memref<125x80xi32, #tpu.memory_space<vmem>> -> memref<1x80xi32, #tpu.memory_space<vmem>>
    %dma_start3A_278 = tpu.memref_squeeze %dma_start3A_277 : memref<1x80xi32, #tpu.memory_space<vmem>> -> memref<80xi32, #tpu.memory_space<vmem>>
    %dma_start3A_279 = arith.constant 0 : i32
    %dma_start3A_280 = arith.constant 0 : i32
    %dma_start3A_281 = tpu.memref_slice %arg22[%dma_start3A_279, %dma_start3A_280] : memref<10112x64xf32, #tpu.memory_space<vmem_shared>> -> memref<10112x64xf32, #tpu.memory_space<vmem_shared>>
    tpu.enqueue_indirect_dma source(%arg10 : memref<80x64xf32, #tpu.memory_space<vmem>>) target(%dma_start3A_281 : memref<10112x64xf32, #tpu.memory_space<vmem_shared>>) offsets(%dma_start3A_278 : memref<80xi32, #tpu.memory_space<vmem>>) semaphore(%arg18 : memref<!tpu.dma_semaphore, #tpu.memory_space<semaphore_mem>>) {add = true}
    %dma_wait3A_282 = arith.constant 121 : i32
    %dma_wait3A_283 = arith.constant 0 : i32
    %dma_wait3A_284 = tpu.memref_slice %arg9[%dma_wait3A_282, %dma_wait3A_283] : memref<125x80xi32, #tpu.memory_space<vmem>> -> memref<1x80xi32, #tpu.memory_space<vmem>>
    %dma_wait3A_285 = tpu.memref_squeeze %dma_wait3A_284 : memref<1x80xi32, #tpu.memory_space<vmem>> -> memref<80xi32, #tpu.memory_space<vmem>>
    %dma_wait3A_286 = arith.constant 0 : i32
    %dma_wait3A_287 = arith.constant 0 : i32
    %dma_wait3A_288 = tpu.memref_slice %arg22[%dma_wait3A_286, %dma_wait3A_287] : memref<10112x64xf32, #tpu.memory_space<vmem_shared>> -> memref<10112x64xf32, #tpu.memory_space<vmem_shared>>
    tpu.wait_indirect_dma semaphore(%arg19 : memref<!tpu.dma_semaphore, #tpu.memory_space<semaphore_mem>>) src(%arg11 : memref<80x64xf32, #tpu.memory_space<vmem>>) dst(%dma_wait3A_288 : memref<10112x64xf32, #tpu.memory_space<vmem_shared>>)
    %dma_wait3A_289 = arith.constant 122 : i32
    %dma_wait3A_290 = arith.constant 0 : i32
    %dma_wait3A_291 = tpu.memref_slice %arg9[%dma_wait3A_289, %dma_wait3A_290] : memref<125x80xi32, #tpu.memory_space<vmem>> -> memref<1x80xi32, #tpu.memory_space<vmem>>
    %dma_wait3A_292 = tpu.memref_squeeze %dma_wait3A_291 : memref<1x80xi32, #tpu.memory_space<vmem>> -> memref<80xi32, #tpu.memory_space<vmem>>
    %dma_wait3A_293 = arith.constant 0 : i32
    %dma_wait3A_294 = arith.constant 0 : i32
    %dma_wait3A_295 = tpu.memref_slice %arg22[%dma_wait3A_293, %dma_wait3A_294] : memref<10112x64xf32, #tpu.memory_space<vmem_shared>> -> memref<10112x64xf32, #tpu.memory_space<vmem_shared>>
    tpu.wait_indirect_dma semaphore(%arg20 : memref<!tpu.dma_semaphore, #tpu.memory_space<semaphore_mem>>) src(%arg12 : memref<80x64xf32, #tpu.memory_space<vmem>>) dst(%dma_wait3A_295 : memref<10112x64xf32, #tpu.memory_space<vmem_shared>>)
    %dma_wait3A_296 = arith.constant 123 : i32
    %dma_wait3A_297 = arith.constant 0 : i32
    %dma_wait3A_298 = tpu.memref_slice %arg9[%dma_wait3A_296, %dma_wait3A_297] : memref<125x80xi32, #tpu.memory_space<vmem>> -> memref<1x80xi32, #tpu.memory_space<vmem>>
    %dma_wait3A_299 = tpu.memref_squeeze %dma_wait3A_298 : memref<1x80xi32, #tpu.memory_space<vmem>> -> memref<80xi32, #tpu.memory_space<vmem>>
    %dma_wait3A_300 = arith.constant 0 : i32
    %dma_wait3A_301 = arith.constant 0 : i32
    %dma_wait3A_302 = tpu.memref_slice %arg22[%dma_wait3A_300, %dma_wait3A_301] : memref<10112x64xf32, #tpu.memory_space<vmem_shared>> -> memref<10112x64xf32, #tpu.memory_space<vmem_shared>>
    tpu.wait_indirect_dma semaphore(%arg21 : memref<!tpu.dma_semaphore, #tpu.memory_space<semaphore_mem>>) src(%arg13 : memref<80x64xf32, #tpu.memory_space<vmem>>) dst(%dma_wait3A_302 : memref<10112x64xf32, #tpu.memory_space<vmem_shared>>)
    %dma_wait3A_303 = arith.constant 124 : i32
    %dma_wait3A_304 = arith.constant 0 : i32
    %dma_wait3A_305 = tpu.memref_slice %arg9[%dma_wait3A_303, %dma_wait3A_304] : memref<125x80xi32, #tpu.memory_space<vmem>> -> memref<1x80xi32, #tpu.memory_space<vmem>>
    %dma_wait3A_306 = tpu.memref_squeeze %dma_wait3A_305 : memref<1x80xi32, #tpu.memory_space<vmem>> -> memref<80xi32, #tpu.memory_space<vmem>>
    %dma_wait3A_307 = arith.constant 0 : i32
    %dma_wait3A_308 = arith.constant 0 : i32
    %dma_wait3A_309 = tpu.memref_slice %arg22[%dma_wait3A_307, %dma_wait3A_308] : memref<10112x64xf32, #tpu.memory_space<vmem_shared>> -> memref<10112x64xf32, #tpu.memory_space<vmem_shared>>
    tpu.wait_indirect_dma semaphore(%arg18 : memref<!tpu.dma_semaphore, #tpu.memory_space<semaphore_mem>>) src(%arg10 : memref<80x64xf32, #tpu.memory_space<vmem>>) dst(%dma_wait3A_309 : memref<10112x64xf32, #tpu.memory_space<vmem_shared>>)
    %barrier3A_310 = arith.constant 0 : index
    tpu.barrier barrier_id(%barrier3A_310)
    %mul3A_311 = arith.constant 632 : i32
    %mul3A_312 = arith.muli %arg1, %mul3A_311 : i32
    %mul3A_313 = arith.constant 632 : i32
    %mul3A_314 = arith.muli %arg1, %mul3A_313 : i32
    "tpu.region"() ({
      %run_scoped3A = tpu.sem_alloc : memref<!tpu.dma_semaphore, #tpu.memory_space<semaphore_mem>>
      %dma_start3A_315 = arith.constant 0 : i32
      %dma_start3A_316 = arith.constant 0 : i32
      %dma_start3A_317 = tpu.memref_slice %arg6[%arg0, %dma_start3A_315, %dma_start3A_316] : memref<2x10112x128xf32, #tpu.memory_space<hbm>> -> memref<1x10112x128xf32, #tpu.memory_space<hbm>>
      %dma_start3A_318 = tpu.memref_squeeze %dma_start3A_317 : memref<1x10112x128xf32, #tpu.memory_space<hbm>> -> memref<10112x128xf32, #tpu.memory_space<hbm>>
      %dma_start3A_319 = arith.constant 64 : i32
      %dma_start3A_320 = tpu.memref_slice %dma_start3A_318[%mul3A_314, %dma_start3A_319] : memref<10112x128xf32, #tpu.memory_space<hbm>> -> memref<632x64xf32, #tpu.memory_space<hbm>>
      %dma_start3A_321 = arith.constant 0 : i32
      %dma_start3A_322 = tpu.memref_slice %arg22[%mul3A_312, %dma_start3A_321] : memref<10112x64xf32, #tpu.memory_space<vmem_shared>> -> memref<632x64xf32, #tpu.memory_space<vmem_shared>>
      tpu.enqueue_dma source(%dma_start3A_322 : memref<632x64xf32, #tpu.memory_space<vmem_shared>>) target(%dma_start3A_320 : memref<632x64xf32, #tpu.memory_space<hbm>>) target_semaphore(%run_scoped3A : memref<!tpu.dma_semaphore, #tpu.memory_space<semaphore_mem>>)
      %dma_wait3A_323 = arith.constant 0 : i32
      %dma_wait3A_324 = arith.constant 0 : i32
      %dma_wait3A_325 = tpu.memref_slice %arg6[%arg0, %dma_wait3A_323, %dma_wait3A_324] : memref<2x10112x128xf32, #tpu.memory_space<hbm>> -> memref<1x10112x128xf32, #tpu.memory_space<hbm>>
      %dma_wait3A_326 = tpu.memref_squeeze %dma_wait3A_325 : memref<1x10112x128xf32, #tpu.memory_space<hbm>> -> memref<10112x128xf32, #tpu.memory_space<hbm>>
      %dma_wait3A_327 = arith.constant 64 : i32
      %dma_wait3A_328 = tpu.memref_slice %dma_wait3A_326[%mul3A_314, %dma_wait3A_327] : memref<10112x128xf32, #tpu.memory_space<hbm>> -> memref<632x64xf32, #tpu.memory_space<hbm>>
      %dma_wait3A_329 = arith.constant 0 : i32
      %dma_wait3A_330 = tpu.memref_slice %arg22[%mul3A_312, %dma_wait3A_329] : memref<10112x64xf32, #tpu.memory_space<vmem_shared>> -> memref<632x64xf32, #tpu.memory_space<vmem_shared>>
      tpu.wait_dma2 semaphore(%run_scoped3A : memref<!tpu.dma_semaphore, #tpu.memory_space<semaphore_mem>>) src(%dma_wait3A_330 : memref<632x64xf32, #tpu.memory_space<vmem_shared>>) dst(%dma_wait3A_328 : memref<632x64xf32, #tpu.memory_space<hbm>>)
      tpu.yield
    }) : () -> ()
    return
  }
}

module attributes {stable_mosaic.version = 14 : i64} {
  func.func @_tc1_body(%arg0: i32, %arg1: memref<2x2000x8xf32, #tpu.memory_space<vmem>>, %arg2: memref<2000x128xf32, #tpu.memory_space<vmem>>, %arg3: memref<128x128xf32, #tpu.memory_space<vmem>>, %arg4: memref<2000x128xf32, #tpu.memory_space<vmem>>) attributes {dimension_semantics = [#tpu.dimension_semantics<arbitrary>], iteration_bounds = array<i64: 5>, scalar_prefetch = 0 : i64, scratch_operands = 0 : i64, tpu.core_type = #tpu.core_type<tc>, window_params = [{transform_indices = @transform_0, window_bounds = array<i64: 2, 2000, 8>}, {transform_indices = @transform_1, window_bounds = array<i64: 2000, 128>}, {pipeline_mode = #tpu.pipeline_mode<synchronous>, transform_indices = @transform_2, window_bounds = array<i64: 128, 128>}, {transform_indices = @transform_3, window_bounds = array<i64: 2000, 128>}]} {
    %get3A = arith.constant 0 : index
    %get3A_0 = arith.constant 0 : index
    %get3A_1 = arith.constant 0 : index
    %get3A_2 = vector.load %arg1[%get3A, %get3A_0, %get3A_1] : memref<2x2000x8xf32, #tpu.memory_space<vmem>>, vector<1x2000x1xf32>
    %get3A_3 = vector.shape_cast %get3A_2 : vector<1x2000x1xf32> to vector<2000x1xf32>
    %get3A_4 = arith.constant 1 : index
    %get3A_5 = arith.constant 0 : index
    %get3A_6 = arith.constant 0 : index
    %get3A_7 = vector.load %arg1[%get3A_4, %get3A_5, %get3A_6] : memref<2x2000x8xf32, #tpu.memory_space<vmem>>, vector<1x2000x1xf32>
    %get3A_8 = vector.shape_cast %get3A_7 : vector<1x2000x1xf32> to vector<2000x1xf32>
    %add3A = arith.addf %get3A_3, %get3A_8 : vector<2000x1xf32>
    %add3A_9 = arith.constant 2.000000e+00 : f32
    %add3A_10 = vector.broadcast %add3A_9 : f32 to vector<2000x1xf32>
    %add3A_11 = arith.addf %add3A, %add3A_10 : vector<2000x1xf32>
    %rsqrt3A = math.rsqrt %add3A_11 : vector<2000x1xf32>
    %get3A_12 = arith.constant 0 : index
    %get3A_13 = arith.constant 0 : index
    %get3A_14 = vector.load %arg2[%get3A_12, %get3A_13] : memref<2000x128xf32, #tpu.memory_space<vmem>>, vector<2000x128xf32>
    %get3A_15 = arith.constant 0 : index
    %get3A_16 = arith.constant 0 : index
    %get3A_17 = vector.load %arg3[%get3A_15, %get3A_16] : memref<128x128xf32, #tpu.memory_space<vmem>>, vector<128x128xf32>
    %dot_general3A = arith.constant dense<0.000000e+00> : vector<2000x128xf32>
    %dot_general3A_18 = tpu.matmul %get3A_14, %get3A_17, %dot_general3A {dimension_numbers = #tpu.dot_dimension_numbers<[1], [0], [0], [1], [0, 0, 1, 1], [], []>, transpose_lhs_hint = false} : vector<2000x128xf32>, vector<128x128xf32>, vector<2000x128xf32> -> vector<2000x128xf32>
    %mul3A = vector.broadcast %rsqrt3A : vector<2000x1xf32> to vector<2000x128xf32>
    %mul3A_19 = arith.mulf %dot_general3A_18, %mul3A : vector<2000x128xf32>
    %swap3A = arith.constant 0 : index
    %swap3A_20 = arith.constant 0 : index
    %swap3A_21 = vector.load %arg4[%swap3A, %swap3A_20] : memref<2000x128xf32, #tpu.memory_space<vmem>>, vector<2000x128xf32>
    tpu.vector_store %arg4[%swap3A, %swap3A_20], %mul3A_19 {strides = array<i32>} : memref<2000x128xf32, #tpu.memory_space<vmem>>, vector<2000x128xf32>,
    return
  }
  func.func @transform_0(%arg0: i32) -> (i32, i32, i32) {
    %c0_i32 = arith.constant 0 : i32
    %c0_i32_0 = arith.constant 0 : i32
    %c0_i32_1 = arith.constant 0 : i32
    return %c0_i32, %arg0, %c0_i32_0 : i32, i32, i32
  }
  func.func @transform_1(%arg0: i32) -> (i32, i32) {
    %c0_i32 = arith.constant 0 : i32
    %c0_i32_0 = arith.constant 0 : i32
    return %arg0, %c0_i32 : i32, i32
  }
  func.func @transform_2(%arg0: i32) -> (i32, i32) {
    %c0_i32 = arith.constant 0 : i32
    %c0_i32_0 = arith.constant 0 : i32
    %c0_i32_1 = arith.constant 0 : i32
    return %c0_i32, %c0_i32_0 : i32, i32
  }
  func.func @transform_3(%arg0: i32) -> (i32, i32) {
    %c0_i32 = arith.constant 0 : i32
    %c0_i32_0 = arith.constant 0 : i32
    return %arg0, %c0_i32 : i32, i32
  }
}

module attributes {stable_mosaic.version = 14 : i64} {
  func.func @_tc2_body(%arg0: i32, %arg1: memref<2x2000x8xf32, #tpu.memory_space<vmem>>, %arg2: memref<2x2000x128xf32, #tpu.memory_space<vmem>>, %arg3: memref<2000x128xf32, #tpu.memory_space<vmem>>, %arg4: memref<1x128xf32, #tpu.memory_space<vmem>>, %arg5: memref<1x128xf32, #tpu.memory_space<vmem>>, %arg6: memref<1x128xf32, #tpu.memory_space<vmem>>, %arg7: memref<128x128xf32, #tpu.memory_space<vmem>>, %arg8: memref<2000x128xf32, #tpu.memory_space<vmem>>) attributes {dimension_semantics = [#tpu.dimension_semantics<arbitrary>], iteration_bounds = array<i64: 5>, scalar_prefetch = 0 : i64, scratch_operands = 0 : i64, tpu.core_type = #tpu.core_type<tc>, window_params = [{transform_indices = @transform_0, window_bounds = array<i64: 2, 2000, 8>}, {transform_indices = @transform_1, window_bounds = array<i64: 2, 2000, 128>}, {transform_indices = @transform_2, window_bounds = array<i64: 2000, 128>}, {pipeline_mode = #tpu.pipeline_mode<synchronous>, transform_indices = @transform_3, window_bounds = array<i64: 1, 128>}, {pipeline_mode = #tpu.pipeline_mode<synchronous>, transform_indices = @transform_4, window_bounds = array<i64: 1, 128>}, {pipeline_mode = #tpu.pipeline_mode<synchronous>, transform_indices = @transform_5, window_bounds = array<i64: 1, 128>}, {pipeline_mode = #tpu.pipeline_mode<synchronous>, transform_indices = @transform_6, window_bounds = array<i64: 128, 128>}, {transform_indices = @transform_7, window_bounds = array<i64: 2000, 128>}]} {
    %get3A = arith.constant 0 : index
    %get3A_0 = arith.constant 0 : index
    %get3A_1 = arith.constant 0 : index
    %get3A_2 = vector.load %arg1[%get3A, %get3A_0, %get3A_1] : memref<2x2000x8xf32, #tpu.memory_space<vmem>>, vector<1x2000x1xf32>
    %get3A_3 = vector.shape_cast %get3A_2 : vector<1x2000x1xf32> to vector<2000x1xf32>
    %get3A_4 = arith.constant 1 : index
    %get3A_5 = arith.constant 0 : index
    %get3A_6 = arith.constant 0 : index
    %get3A_7 = vector.load %arg1[%get3A_4, %get3A_5, %get3A_6] : memref<2x2000x8xf32, #tpu.memory_space<vmem>>, vector<1x2000x1xf32>
    %get3A_8 = vector.shape_cast %get3A_7 : vector<1x2000x1xf32> to vector<2000x1xf32>
    %add3A = arith.addf %get3A_3, %get3A_8 : vector<2000x1xf32>
    %add3A_9 = arith.constant 2.000000e+00 : f32
    %add3A_10 = vector.broadcast %add3A_9 : f32 to vector<2000x1xf32>
    %add3A_11 = arith.addf %add3A, %add3A_10 : vector<2000x1xf32>
    %rsqrt3A = math.rsqrt %add3A_11 : vector<2000x1xf32>
    %get3A_12 = arith.constant 0 : index
    %get3A_13 = arith.constant 0 : index
    %get3A_14 = arith.constant 0 : index
    %get3A_15 = vector.load %arg2[%get3A_12, %get3A_13, %get3A_14] : memref<2x2000x128xf32, #tpu.memory_space<vmem>>, vector<1x2000x128xf32>
    %get3A_16 = vector.shape_cast %get3A_15 : vector<1x2000x128xf32> to vector<2000x128xf32>
    %get3A_17 = arith.constant 1 : index
    %get3A_18 = arith.constant 0 : index
    %get3A_19 = arith.constant 0 : index
    %get3A_20 = vector.load %arg2[%get3A_17, %get3A_18, %get3A_19] : memref<2x2000x128xf32, #tpu.memory_space<vmem>>, vector<1x2000x128xf32>
    %get3A_21 = vector.shape_cast %get3A_20 : vector<1x2000x128xf32> to vector<2000x128xf32>
    %add3A_22 = arith.addf %get3A_16, %get3A_21 : vector<2000x128xf32>
    %get3A_23 = arith.constant 0 : index
    %get3A_24 = arith.constant 0 : index
    %get3A_25 = vector.load %arg3[%get3A_23, %get3A_24] : memref<2000x128xf32, #tpu.memory_space<vmem>>, vector<2000x128xf32>
    %mul3A = arith.constant 2.000000e+00 : f32
    %mul3A_26 = vector.broadcast %mul3A : f32 to vector<2000x128xf32>
    %mul3A_27 = arith.mulf %mul3A_26, %get3A_25 : vector<2000x128xf32>
    %add3A_28 = arith.addf %add3A_22, %mul3A_27 : vector<2000x128xf32>
    %mul3A_29 = vector.broadcast %rsqrt3A : vector<2000x1xf32> to vector<2000x128xf32>
    %mul3A_30 = arith.mulf %add3A_28, %mul3A_29 : vector<2000x128xf32>
    %get3A_31 = arith.constant 0 : index
    %get3A_32 = arith.constant 0 : index
    %get3A_33 = vector.load %arg4[%get3A_31, %get3A_32] : memref<1x128xf32, #tpu.memory_space<vmem>>, vector<1x128xf32>
    %add3A_34 = vector.broadcast %get3A_33 : vector<1x128xf32> to vector<2000x128xf32>
    %add3A_35 = arith.addf %mul3A_30, %add3A_34 : vector<2000x128xf32>
    %get3A_36 = arith.constant 0 : index
    %get3A_37 = arith.constant 0 : index
    %get3A_38 = vector.load %arg5[%get3A_36, %get3A_37] : memref<1x128xf32, #tpu.memory_space<vmem>>, vector<1x128xf32>
    %get3A_39 = arith.constant 0 : index
    %get3A_40 = arith.constant 0 : index
    %get3A_41 = vector.load %arg6[%get3A_39, %get3A_40] : memref<1x128xf32, #tpu.memory_space<vmem>>, vector<1x128xf32>
    %reduce_sum3A = arith.constant dense<0.000000e+00> : vector<2000xf32>
    %reduce_sum3A_42 = vector.multi_reduction <add>, %add3A_35, %reduce_sum3A [1] : vector<2000x128xf32> to vector<2000xf32>
    %broadcast_in_dim3A = vector.shape_cast %reduce_sum3A_42 : vector<2000xf32> to vector<2000x1xf32>
    %div3A = arith.constant 1.280000e+02 : f32
    %div3A_43 = vector.broadcast %div3A : f32 to vector<2000x1xf32>
    %div3A_44 = arith.divf %broadcast_in_dim3A, %div3A_43 : vector<2000x1xf32>
    %sub3A = vector.broadcast %div3A_44 : vector<2000x1xf32> to vector<2000x128xf32>
    %sub3A_45 = arith.subf %add3A_35, %sub3A : vector<2000x128xf32>
    %integer_pow3A = arith.mulf %sub3A_45, %sub3A_45 : vector<2000x128xf32>
    %reduce_sum3A_46 = arith.constant dense<0.000000e+00> : vector<2000xf32>
    %reduce_sum3A_47 = vector.multi_reduction <add>, %integer_pow3A, %reduce_sum3A_46 [1] : vector<2000x128xf32> to vector<2000xf32>
    %broadcast_in_dim3A_48 = vector.shape_cast %reduce_sum3A_47 : vector<2000xf32> to vector<2000x1xf32>
    %div3A_49 = arith.constant 1.280000e+02 : f32
    %div3A_50 = vector.broadcast %div3A_49 : f32 to vector<2000x1xf32>
    %div3A_51 = arith.divf %broadcast_in_dim3A_48, %div3A_50 : vector<2000x1xf32>
    %sub3A_52 = vector.broadcast %div3A_44 : vector<2000x1xf32> to vector<2000x128xf32>
    %sub3A_53 = arith.subf %add3A_35, %sub3A_52 : vector<2000x128xf32>
    %add3A_54 = arith.constant 9.99999974E-6 : f32
    %add3A_55 = vector.broadcast %add3A_54 : f32 to vector<2000x1xf32>
    %add3A_56 = arith.addf %div3A_51, %add3A_55 : vector<2000x1xf32>
    %rsqrt3A_57 = math.rsqrt %add3A_56 : vector<2000x1xf32>
    %mul3A_58 = vector.broadcast %rsqrt3A_57 : vector<2000x1xf32> to vector<2000x128xf32>
    %mul3A_59 = arith.mulf %sub3A_53, %mul3A_58 : vector<2000x128xf32>
    %mul3A_60 = vector.broadcast %get3A_38 : vector<1x128xf32> to vector<2000x128xf32>
    %mul3A_61 = arith.mulf %mul3A_59, %mul3A_60 : vector<2000x128xf32>
    %add3A_62 = vector.broadcast %get3A_41 : vector<1x128xf32> to vector<2000x128xf32>
    %add3A_63 = arith.addf %mul3A_61, %add3A_62 : vector<2000x128xf32>
    %max3A = arith.constant 0.000000e+00 : f32
    %max3A_64 = vector.broadcast %max3A : f32 to vector<2000x128xf32>
    %max3A_65 = arith.maximumf %add3A_63, %max3A_64 : vector<2000x128xf32>
    %get3A_66 = arith.constant 0 : index
    %get3A_67 = arith.constant 0 : index
    %get3A_68 = vector.load %arg7[%get3A_66, %get3A_67] : memref<128x128xf32, #tpu.memory_space<vmem>>, vector<128x128xf32>
    %dot_general3A = arith.constant dense<0.000000e+00> : vector<2000x128xf32>
    %dot_general3A_69 = tpu.matmul %max3A_65, %get3A_68, %dot_general3A {dimension_numbers = #tpu.dot_dimension_numbers<[1], [0], [0], [1], [0, 0, 1, 1], [], []>, transpose_lhs_hint = false} : vector<2000x128xf32>, vector<128x128xf32>, vector<2000x128xf32> -> vector<2000x128xf32>
    %mul3A_70 = vector.broadcast %rsqrt3A : vector<2000x1xf32> to vector<2000x128xf32>
    %mul3A_71 = arith.mulf %dot_general3A_69, %mul3A_70 : vector<2000x128xf32>
    %swap3A = arith.constant 0 : index
    %swap3A_72 = arith.constant 0 : index
    %swap3A_73 = vector.load %arg8[%swap3A, %swap3A_72] : memref<2000x128xf32, #tpu.memory_space<vmem>>, vector<2000x128xf32>
    tpu.vector_store %arg8[%swap3A, %swap3A_72], %mul3A_71 {strides = array<i32>} : memref<2000x128xf32, #tpu.memory_space<vmem>>, vector<2000x128xf32>,
    return
  }
  func.func @transform_0(%arg0: i32) -> (i32, i32, i32) {
    %c0_i32 = arith.constant 0 : i32
    %c0_i32_0 = arith.constant 0 : i32
    %c0_i32_1 = arith.constant 0 : i32
    return %c0_i32, %arg0, %c0_i32_0 : i32, i32, i32
  }
  func.func @transform_1(%arg0: i32) -> (i32, i32, i32) {
    %c0_i32 = arith.constant 0 : i32
    %c0_i32_0 = arith.constant 0 : i32
    %c0_i32_1 = arith.constant 0 : i32
    return %c0_i32, %arg0, %c0_i32_0 : i32, i32, i32
  }
  func.func @transform_2(%arg0: i32) -> (i32, i32) {
    %c0_i32 = arith.constant 0 : i32
    %c0_i32_0 = arith.constant 0 : i32
    return %arg0, %c0_i32 : i32, i32
  }
  func.func @transform_3(%arg0: i32) -> (i32, i32) {
    %c0_i32 = arith.constant 0 : i32
    %c0_i32_0 = arith.constant 0 : i32
    %c0_i32_1 = arith.constant 0 : i32
    return %c0_i32, %c0_i32_0 : i32, i32
  }
  func.func @transform_4(%arg0: i32) -> (i32, i32) {
    %c0_i32 = arith.constant 0 : i32
    %c0_i32_0 = arith.constant 0 : i32
    %c0_i32_1 = arith.constant 0 : i32
    return %c0_i32, %c0_i32_0 : i32, i32
  }
  func.func @transform_5(%arg0: i32) -> (i32, i32) {
    %c0_i32 = arith.constant 0 : i32
    %c0_i32_0 = arith.constant 0 : i32
    %c0_i32_1 = arith.constant 0 : i32
    return %c0_i32, %c0_i32_0 : i32, i32
  }
  func.func @transform_6(%arg0: i32) -> (i32, i32) {
    %c0_i32 = arith.constant 0 : i32
    %c0_i32_0 = arith.constant 0 : i32
    %c0_i32_1 = arith.constant 0 : i32
    return %c0_i32, %c0_i32_0 : i32, i32
  }
  func.func @transform_7(%arg0: i32) -> (i32, i32) {
    %c0_i32 = arith.constant 0 : i32
    %c0_i32_0 = arith.constant 0 : i32
    return %arg0, %c0_i32 : i32, i32
  }
}

module attributes {stable_mosaic.version = 14 : i64} {
  func.func @_tc3_body(%arg0: i32, %arg1: memref<2x2000x8xf32, #tpu.memory_space<vmem>>, %arg2: memref<2x2000x128xf32, #tpu.memory_space<vmem>>, %arg3: memref<2000x128xf32, #tpu.memory_space<vmem>>, %arg4: memref<1x128xf32, #tpu.memory_space<vmem>>, %arg5: memref<1x128xf32, #tpu.memory_space<vmem>>, %arg6: memref<1x128xf32, #tpu.memory_space<vmem>>, %arg7: memref<128x16xf32, #tpu.memory_space<vmem>>, %arg8: memref<1x16xf32, #tpu.memory_space<vmem>>, %arg9: memref<16x128xf32, #tpu.memory_space<vmem>>, %arg10: memref<1x128xf32, #tpu.memory_space<vmem>>, %arg11: memref<2000x128xf32, #tpu.memory_space<vmem>>, %arg12: memref<2000x128xf32, #tpu.memory_space<vmem>>) attributes {dimension_semantics = [#tpu.dimension_semantics<arbitrary>], iteration_bounds = array<i64: 5>, scalar_prefetch = 0 : i64, scratch_operands = 0 : i64, tpu.core_type = #tpu.core_type<tc>, window_params = [{transform_indices = @transform_0, window_bounds = array<i64: 2, 2000, 8>}, {transform_indices = @transform_1, window_bounds = array<i64: 2, 2000, 128>}, {transform_indices = @transform_2, window_bounds = array<i64: 2000, 128>}, {pipeline_mode = #tpu.pipeline_mode<synchronous>, transform_indices = @transform_3, window_bounds = array<i64: 1, 128>}, {pipeline_mode = #tpu.pipeline_mode<synchronous>, transform_indices = @transform_4, window_bounds = array<i64: 1, 128>}, {pipeline_mode = #tpu.pipeline_mode<synchronous>, transform_indices = @transform_5, window_bounds = array<i64: 1, 128>}, {pipeline_mode = #tpu.pipeline_mode<synchronous>, transform_indices = @transform_6, window_bounds = array<i64: 128, 16>}, {pipeline_mode = #tpu.pipeline_mode<synchronous>, transform_indices = @transform_7, window_bounds = array<i64: 1, 16>}, {pipeline_mode = #tpu.pipeline_mode<synchronous>, transform_indices = @transform_8, window_bounds = array<i64: 16, 128>}, {pipeline_mode = #tpu.pipeline_mode<synchronous>, transform_indices = @transform_9, window_bounds = array<i64: 1, 128>}, {transform_indices = @transform_10, window_bounds = array<i64: 2000, 128>}, {transform_indices = @transform_11, window_bounds = array<i64: 2000, 128>}]} {
    %get3A = arith.constant 0 : index
    %get3A_0 = arith.constant 0 : index
    %get3A_1 = arith.constant 0 : index
    %get3A_2 = vector.load %arg1[%get3A, %get3A_0, %get3A_1] : memref<2x2000x8xf32, #tpu.memory_space<vmem>>, vector<1x2000x1xf32>
    %get3A_3 = vector.shape_cast %get3A_2 : vector<1x2000x1xf32> to vector<2000x1xf32>
    %get3A_4 = arith.constant 1 : index
    %get3A_5 = arith.constant 0 : index
    %get3A_6 = arith.constant 0 : index
    %get3A_7 = vector.load %arg1[%get3A_4, %get3A_5, %get3A_6] : memref<2x2000x8xf32, #tpu.memory_space<vmem>>, vector<1x2000x1xf32>
    %get3A_8 = vector.shape_cast %get3A_7 : vector<1x2000x1xf32> to vector<2000x1xf32>
    %add3A = arith.addf %get3A_3, %get3A_8 : vector<2000x1xf32>
    %add3A_9 = arith.constant 2.000000e+00 : f32
    %add3A_10 = vector.broadcast %add3A_9 : f32 to vector<2000x1xf32>
    %add3A_11 = arith.addf %add3A, %add3A_10 : vector<2000x1xf32>
    %rsqrt3A = math.rsqrt %add3A_11 : vector<2000x1xf32>
    %get3A_12 = arith.constant 0 : index
    %get3A_13 = arith.constant 0 : index
    %get3A_14 = arith.constant 0 : index
    %get3A_15 = vector.load %arg2[%get3A_12, %get3A_13, %get3A_14] : memref<2x2000x128xf32, #tpu.memory_space<vmem>>, vector<1x2000x128xf32>
    %get3A_16 = vector.shape_cast %get3A_15 : vector<1x2000x128xf32> to vector<2000x128xf32>
    %get3A_17 = arith.constant 1 : index
    %get3A_18 = arith.constant 0 : index
    %get3A_19 = arith.constant 0 : index
    %get3A_20 = vector.load %arg2[%get3A_17, %get3A_18, %get3A_19] : memref<2x2000x128xf32, #tpu.memory_space<vmem>>, vector<1x2000x128xf32>
    %get3A_21 = vector.shape_cast %get3A_20 : vector<1x2000x128xf32> to vector<2000x128xf32>
    %add3A_22 = arith.addf %get3A_16, %get3A_21 : vector<2000x128xf32>
    %get3A_23 = arith.constant 0 : index
    %get3A_24 = arith.constant 0 : index
    %get3A_25 = vector.load %arg3[%get3A_23, %get3A_24] : memref<2000x128xf32, #tpu.memory_space<vmem>>, vector<2000x128xf32>
    %mul3A = arith.constant 2.000000e+00 : f32
    %mul3A_26 = vector.broadcast %mul3A : f32 to vector<2000x128xf32>
    %mul3A_27 = arith.mulf %mul3A_26, %get3A_25 : vector<2000x128xf32>
    %add3A_28 = arith.addf %add3A_22, %mul3A_27 : vector<2000x128xf32>
    %mul3A_29 = vector.broadcast %rsqrt3A : vector<2000x1xf32> to vector<2000x128xf32>
    %mul3A_30 = arith.mulf %add3A_28, %mul3A_29 : vector<2000x128xf32>
    %get3A_31 = arith.constant 0 : index
    %get3A_32 = arith.constant 0 : index
    %get3A_33 = vector.load %arg4[%get3A_31, %get3A_32] : memref<1x128xf32, #tpu.memory_space<vmem>>, vector<1x128xf32>
    %add3A_34 = vector.broadcast %get3A_33 : vector<1x128xf32> to vector<2000x128xf32>
    %add3A_35 = arith.addf %mul3A_30, %add3A_34 : vector<2000x128xf32>
    %get3A_36 = arith.constant 0 : index
    %get3A_37 = arith.constant 0 : index
    %get3A_38 = vector.load %arg5[%get3A_36, %get3A_37] : memref<1x128xf32, #tpu.memory_space<vmem>>, vector<1x128xf32>
    %get3A_39 = arith.constant 0 : index
    %get3A_40 = arith.constant 0 : index
    %get3A_41 = vector.load %arg6[%get3A_39, %get3A_40] : memref<1x128xf32, #tpu.memory_space<vmem>>, vector<1x128xf32>
    %reduce_sum3A = arith.constant dense<0.000000e+00> : vector<2000xf32>
    %reduce_sum3A_42 = vector.multi_reduction <add>, %add3A_35, %reduce_sum3A [1] : vector<2000x128xf32> to vector<2000xf32>
    %broadcast_in_dim3A = vector.shape_cast %reduce_sum3A_42 : vector<2000xf32> to vector<2000x1xf32>
    %div3A = arith.constant 1.280000e+02 : f32
    %div3A_43 = vector.broadcast %div3A : f32 to vector<2000x1xf32>
    %div3A_44 = arith.divf %broadcast_in_dim3A, %div3A_43 : vector<2000x1xf32>
    %sub3A = vector.broadcast %div3A_44 : vector<2000x1xf32> to vector<2000x128xf32>
    %sub3A_45 = arith.subf %add3A_35, %sub3A : vector<2000x128xf32>
    %integer_pow3A = arith.mulf %sub3A_45, %sub3A_45 : vector<2000x128xf32>
    %reduce_sum3A_46 = arith.constant dense<0.000000e+00> : vector<2000xf32>
    %reduce_sum3A_47 = vector.multi_reduction <add>, %integer_pow3A, %reduce_sum3A_46 [1] : vector<2000x128xf32> to vector<2000xf32>
    %broadcast_in_dim3A_48 = vector.shape_cast %reduce_sum3A_47 : vector<2000xf32> to vector<2000x1xf32>
    %div3A_49 = arith.constant 1.280000e+02 : f32
    %div3A_50 = vector.broadcast %div3A_49 : f32 to vector<2000x1xf32>
    %div3A_51 = arith.divf %broadcast_in_dim3A_48, %div3A_50 : vector<2000x1xf32>
    %sub3A_52 = vector.broadcast %div3A_44 : vector<2000x1xf32> to vector<2000x128xf32>
    %sub3A_53 = arith.subf %add3A_35, %sub3A_52 : vector<2000x128xf32>
    %add3A_54 = arith.constant 9.99999974E-6 : f32
    %add3A_55 = vector.broadcast %add3A_54 : f32 to vector<2000x1xf32>
    %add3A_56 = arith.addf %div3A_51, %add3A_55 : vector<2000x1xf32>
    %rsqrt3A_57 = math.rsqrt %add3A_56 : vector<2000x1xf32>
    %mul3A_58 = vector.broadcast %rsqrt3A_57 : vector<2000x1xf32> to vector<2000x128xf32>
    %mul3A_59 = arith.mulf %sub3A_53, %mul3A_58 : vector<2000x128xf32>
    %mul3A_60 = vector.broadcast %get3A_38 : vector<1x128xf32> to vector<2000x128xf32>
    %mul3A_61 = arith.mulf %mul3A_59, %mul3A_60 : vector<2000x128xf32>
    %add3A_62 = vector.broadcast %get3A_41 : vector<1x128xf32> to vector<2000x128xf32>
    %add3A_63 = arith.addf %mul3A_61, %add3A_62 : vector<2000x128xf32>
    %get3A_64 = arith.constant 0 : index
    %get3A_65 = arith.constant 0 : index
    %get3A_66 = vector.load %arg7[%get3A_64, %get3A_65] : memref<128x16xf32, #tpu.memory_space<vmem>>, vector<128x16xf32>
    %dot_general3A = arith.constant dense<0.000000e+00> : vector<2000x16xf32>
    %dot_general3A_67 = tpu.matmul %add3A_63, %get3A_66, %dot_general3A {dimension_numbers = #tpu.dot_dimension_numbers<[1], [0], [0], [1], [0, 0, 1, 1], [], []>, transpose_lhs_hint = false} : vector<2000x128xf32>, vector<128x16xf32>, vector<2000x16xf32> -> vector<2000x16xf32>
    %get3A_68 = arith.constant 0 : index
    %get3A_69 = arith.constant 0 : index
    %get3A_70 = vector.load %arg8[%get3A_68, %get3A_69] : memref<1x16xf32, #tpu.memory_space<vmem>>, vector<1x16xf32>
    %add3A_71 = vector.broadcast %get3A_70 : vector<1x16xf32> to vector<2000x16xf32>
    %add3A_72 = arith.addf %dot_general3A_67, %add3A_71 : vector<2000x16xf32>
    %max3A = arith.constant 0.000000e+00 : f32
    %max3A_73 = vector.broadcast %max3A : f32 to vector<2000x16xf32>
    %max3A_74 = arith.maximumf %add3A_72, %max3A_73 : vector<2000x16xf32>
    %get3A_75 = arith.constant 0 : index
    %get3A_76 = arith.constant 0 : index
    %get3A_77 = vector.load %arg9[%get3A_75, %get3A_76] : memref<16x128xf32, #tpu.memory_space<vmem>>, vector<16x128xf32>
    %dot_general3A_78 = arith.constant dense<0.000000e+00> : vector<2000x128xf32>
    %dot_general3A_79 = tpu.matmul %max3A_74, %get3A_77, %dot_general3A_78 {dimension_numbers = #tpu.dot_dimension_numbers<[1], [0], [0], [1], [0, 0, 1, 1], [], []>, transpose_lhs_hint = false} : vector<2000x16xf32>, vector<16x128xf32>, vector<2000x128xf32> -> vector<2000x128xf32>
    %get3A_80 = arith.constant 0 : index
    %get3A_81 = arith.constant 0 : index
    %get3A_82 = vector.load %arg10[%get3A_80, %get3A_81] : memref<1x128xf32, #tpu.memory_space<vmem>>, vector<1x128xf32>
    %add3A_83 = vector.broadcast %get3A_82 : vector<1x128xf32> to vector<2000x128xf32>
    %add3A_84 = arith.addf %dot_general3A_79, %add3A_83 : vector<2000x128xf32>
    %logistic3A = arith.negf %add3A_84 : vector<2000x128xf32>
    %logistic3A_85 = math.exp %logistic3A : vector<2000x128xf32>
    %logistic3A_86 = arith.constant 1.000000e+00 : f32
    %logistic3A_87 = vector.broadcast %logistic3A_86 : f32 to vector<2000x128xf32>
    %logistic3A_88 = arith.addf %logistic3A_87, %logistic3A_85 : vector<2000x128xf32>
    %logistic3A_89 = arith.divf %logistic3A_87, %logistic3A_88 : vector<2000x128xf32>
    %mul3A_90 = arith.mulf %add3A_63, %logistic3A_89 : vector<2000x128xf32>
    %get3A_91 = arith.constant 0 : index
    %get3A_92 = arith.constant 0 : index
    %get3A_93 = vector.load %arg11[%get3A_91, %get3A_92] : memref<2000x128xf32, #tpu.memory_space<vmem>>, vector<2000x128xf32>
    %add3A_94 = arith.addf %mul3A_90, %get3A_93 : vector<2000x128xf32>
    %max3A_95 = arith.constant 0.000000e+00 : f32
    %max3A_96 = vector.broadcast %max3A_95 : f32 to vector<2000x128xf32>
    %max3A_97 = arith.maximumf %add3A_94, %max3A_96 : vector<2000x128xf32>
    %swap3A = arith.constant 0 : index
    %swap3A_98 = arith.constant 0 : index
    %swap3A_99 = vector.load %arg12[%swap3A, %swap3A_98] : memref<2000x128xf32, #tpu.memory_space<vmem>>, vector<2000x128xf32>
    tpu.vector_store %arg12[%swap3A, %swap3A_98], %max3A_97 {strides = array<i32>} : memref<2000x128xf32, #tpu.memory_space<vmem>>, vector<2000x128xf32>,
    return
  }
  func.func @transform_0(%arg0: i32) -> (i32, i32, i32) {
    %c0_i32 = arith.constant 0 : i32
    %c0_i32_0 = arith.constant 0 : i32
    %c0_i32_1 = arith.constant 0 : i32
    return %c0_i32, %arg0, %c0_i32_0 : i32, i32, i32
  }
  func.func @transform_1(%arg0: i32) -> (i32, i32, i32) {
    %c0_i32 = arith.constant 0 : i32
    %c0_i32_0 = arith.constant 0 : i32
    %c0_i32_1 = arith.constant 0 : i32
    return %c0_i32, %arg0, %c0_i32_0 : i32, i32, i32
  }
  func.func @transform_2(%arg0: i32) -> (i32, i32) {
    %c0_i32 = arith.constant 0 : i32
    %c0_i32_0 = arith.constant 0 : i32
    return %arg0, %c0_i32 : i32, i32
  }
  func.func @transform_3(%arg0: i32) -> (i32, i32) {
    %c0_i32 = arith.constant 0 : i32
    %c0_i32_0 = arith.constant 0 : i32
    %c0_i32_1 = arith.constant 0 : i32
    return %c0_i32, %c0_i32_0 : i32, i32
  }
  func.func @transform_4(%arg0: i32) -> (i32, i32) {
    %c0_i32 = arith.constant 0 : i32
    %c0_i32_0 = arith.constant 0 : i32
    %c0_i32_1 = arith.constant 0 : i32
    return %c0_i32, %c0_i32_0 : i32, i32
  }
  func.func @transform_5(%arg0: i32) -> (i32, i32) {
    %c0_i32 = arith.constant 0 : i32
    %c0_i32_0 = arith.constant 0 : i32
    %c0_i32_1 = arith.constant 0 : i32
    return %c0_i32, %c0_i32_0 : i32, i32
  }
  func.func @transform_6(%arg0: i32) -> (i32, i32) {
    %c0_i32 = arith.constant 0 : i32
    %c0_i32_0 = arith.constant 0 : i32
    %c0_i32_1 = arith.constant 0 : i32
    return %c0_i32, %c0_i32_0 : i32, i32
  }
  func.func @transform_7(%arg0: i32) -> (i32, i32) {
    %c0_i32 = arith.constant 0 : i32
    %c0_i32_0 = arith.constant 0 : i32
    %c0_i32_1 = arith.constant 0 : i32
    return %c0_i32, %c0_i32_0 : i32, i32
  }
  func.func @transform_8(%arg0: i32) -> (i32, i32) {
    %c0_i32 = arith.constant 0 : i32
    %c0_i32_0 = arith.constant 0 : i32
    %c0_i32_1 = arith.constant 0 : i32
    return %c0_i32, %c0_i32_0 : i32, i32
  }
  func.func @transform_9(%arg0: i32) -> (i32, i32) {
    %c0_i32 = arith.constant 0 : i32
    %c0_i32_0 = arith.constant 0 : i32
    %c0_i32_1 = arith.constant 0 : i32
    return %c0_i32, %c0_i32_0 : i32, i32
  }
  func.func @transform_10(%arg0: i32) -> (i32, i32) {
    %c0_i32 = arith.constant 0 : i32
    %c0_i32_0 = arith.constant 0 : i32
    return %arg0, %c0_i32 : i32, i32
  }
  func.func @transform_11(%arg0: i32) -> (i32, i32) {
    %c0_i32 = arith.constant 0 : i32
    %c0_i32_0 = arith.constant 0 : i32
    return %arg0, %c0_i32 : i32, i32
  }
}

</mosaic_0001>

<sc_bundles>
// kernel: kernel.11.cloned.1.call-start
scs
__scs_entry_jumppad:
0x0: {  	(pc) =	sbr.rel $0x88, $3  }
0x1: {  	(tag) =	ssettag $0x0;
	lr =	simm.s32 $0x1  }
0x2: {  	[smem:$0x3F93] =	sst lr;
	_ =	strace $0xD0000000  }
0x3: {  	_ = 	snop  }
0x4: {  	_ = 	snop  }
0x5: {  	_ = 	snop  }
0x6: {  	_ = 	snop  }
0x7: {  	_ = 	snop  }
__scs_overlays_trampoline_lowered:
0x8: {  	[smem:$0x3FA2] =	sst s0  }
0x9: {  	[smem:$0x3FA3] =	sst s1  }
0xa: {  	[smem:$0x3FA4] =	sst s2  }
0xb: {  	[smem:$0x3FA5] =	sst s3  }
0xc: {  	[smem:$0x3FA6] =	sst s4  }
0xd: {  	[smem:$0x3FA7] =	sst s5  }
0xe: {  	[smem:$0x3FA8] =	sst s6  }
0xf: {  	[smem:$0x3FA9] =	sst s7  }
0x10: {  	[smem:$0x3FAA] =	sst s8  }
0x11: {  	[smem:$0x3FAB] =	sst s9;
	s0 =	simm.s32 @!p0 $0x0  }
0x12: {  	s1 =	sld [smem:$0x3F91];
	s0 =	simm.s32 @p0 $0x1  }
0x13: {  	[smem:$0x3FAC] =	sst s0;
	s0 =	simm.s32 @!p1 $0x0  }
0x14: {  	s2 =	sld [smem:$0x3F90];
	s0 =	simm.s32 @p1 $0x1  }
0x15: {  	[smem:$0x3FAD] =	sst s0;
	s0 =	simm.s32 @!p2 $0x0  }
0x16: {  	s3 =	sld [smem:$0x3FDB];
	s0 =	simm.s32 @p2 $0x1  }
0x17: {  	s4 =	simm.s32 $0x1BF5;
	[smem:$0x3FAF] =	sst s0  }
0x18: {  	s0 =	sld [smem:$0x3F92];
	_ =	swait.ge [sflag:s4], $0x0  }
0x19: {  	s7 =	sld [smem:$0x3F93]  }
0x1a: {  	s8 =	sadd.s32 $0xFFFFE003, lr  }
0x1b: {  	s9 =	sadd.s32 $0xFFFFFEF7, lr;
	s5 =	simm.s32 $0xFFFFFFFF;
	p2 =	slt.u32 s8, $0xFFFFF086  }
0x1c: {  	p1 =	slt.u32 s9, $0xF7A;
	s5 =	simm.s32 @!p2 $0x0  }
0x1d: {  	s5 =	simm.s32 @p1 $0x1;
	p0 =	seq.s32 s7, s2  }
0x1e: {  	s7 =	smul.u32 @!p0 $0xF7A, s2;
	p2 =	seq.s32 @!p0 s5, $0x0  }
0x1f: {  	s9 =	smul.u32 $0xF7A, s1;
	s8 =	simm.s32 @!p0 $0x1BF5;
	p2 =	por !p2, p0  }
0x20: {  	[sflag:s8] =	ssyncset.s32 @!p0 $0xFFFFF086;
	s6 =	sadd.s32 @!p0 s3, s7;
	s7 =	simm.s32 @!p0 $0x108  }
0x21: {  	s3 =	sadd.s32 s3, s9;
	s6 =	sadd.s32 @!p0 $0x88, s6;
	s7 =	simm.s32 @p2 $0x1082  }
0x22: {  	[simem:s7], [sflag:s8] =	dma.local @!p0 [hbm:s6], $0xF7A  }
0x23: {  	s9 =	sor.u32 $0xD0000000, s2;
	s6 =	simm.s32 $0x108;
	_ =	swait.ge @!p0 [sflag:s8], $0x0  }
0x24: {  	s3 =	sadd.s32 $0x88, s3;
	s6 =	simm.s32 @!p1 $0x1082;
	[sflag:s4] =	ssyncset.s32 $0xFFFFF086  }
0x25: {  	[simem:s6], [sflag:s4] =	dma.local [hbm:s3], $0xF7A  }
0x26: {  	[smem:$0x3F93] =	sst s1;
	(tag) =	ssettag s2;
	_ =	strace s9  }
0x27: {  	s1 =	sld [smem:$0x3FA3]  }
0x28: {  	s2 =	sld [smem:$0x3FA4]  }
0x29: {  	s4 =	sld [smem:$0x3FA6]  }
0x2a: {  	p0 =	seq.s32 s5, $0x0;
	s5 =	sld [smem:$0x3FA7]  }
0x2b: {  	s6 =	sld [smem:$0x3FA8]  }
0x2c: {  	s7 =	sld [smem:$0x3FA9]  }
0x2d: {  	s3 =	simm.s32 $0x108;
	s8 =	sld [smem:$0x3FAA]  }
0x2e: {  	s3 =	simm.s32 @!p0 $0x1082;
	s9 =	sld [smem:$0x3FAB]  }
0x2f: {  	lr =	sadd.s32 s0, s3;
	s0 =	sld [smem:$0x3FA2]  }
0x30: {  	s3 =	sld [smem:$0x3FA5]  }
0x31: {  	[smem:$0x3FAE] =	sst s10  }
0x32: {  	s10 =	sld [smem:$0x3FAC];
	_ =	sdelay $0x3  }
0x33: {  	p0 =	seq.s32 s10, $0x1;
	s10 =	sld [smem:$0x3FAE];
	_ =	sdelay $0x3  }
0x34: {  	[smem:$0x3FAE] =	sst s10  }
0x35: {  	s10 =	sld [smem:$0x3FAD];
	_ =	sdelay $0x3  }
0x36: {  	p1 =	seq.s32 s10, $0x1;
	s10 =	sld [smem:$0x3FAE];
	_ =	sdelay $0x3  }
0x37: {  	[smem:$0x3FAE] =	sst s10  }
0x38: {  	s10 =	sld [smem:$0x3FAF]  }
0x39: {  	_ = 	snop;
	(pc) =	sbr.ind lr, $3  }
0x3a: {  	_ = 	snop  }
0x3b: {  	_ = 	snop  }
0x3c: {  	p2 =	seq.s32 s10, $0x1;
	s10 =	sld [smem:$0x3FAE]  }
0x3d: {  	_ =	shalt  }
0x3e: {  	_ =	shalt  }
0x3f: {  	_ =	shalt  }
0x40: {  	_ =	shalt  }
0x41: {  	_ =	shalt  }
0x42: {  	_ =	shalt  }
0x43: {  	_ =	shalt  }
0x44: {  	_ =	shalt  }
0x45: {  	_ =	shalt  }
0x46: {  	_ =	shalt  }
0x47: {  	_ =	shalt  }
0x48: {  	_ =	shalt  }
0x49: {  	_ =	shalt  }
0x4a: {  	_ =	shalt  }
0x4b: {  	_ =	shalt  }
0x4c: {  	_ =	shalt  }
0x4d: {  	_ =	shalt  }
0x4e: {  	_ =	shalt  }
0x4f: {  	_ =	shalt  }
0x50: {  	_ =	shalt  }
0x51: {  	_ =	shalt  }
0x52: {  	_ =	shalt  }
0x53: {  	_ =	shalt  }
0x54: {  	_ =	shalt  }
0x55: {  	_ =	shalt  }
0x56: {  	_ =	shalt  }
0x57: {  	_ =	shalt  }
0x58: {  	_ =	shalt  }
0x59: {  	_ =	shalt  }
0x5a: {  	_ =	shalt  }
0x5b: {  	_ =	shalt  }
0x5c: {  	_ =	shalt  }
0x5d: {  	_ =	shalt  }
0x5e: {  	_ =	shalt  }
0x5f: {  	_ =	shalt  }
0x60: {  	_ =	shalt  }
0x61: {  	_ =	shalt  }
0x62: {  	_ =	shalt  }
0x63: {  	_ =	shalt  }
0x64: {  	_ =	shalt  }
0x65: {  	_ =	shalt  }
0x66: {  	_ =	shalt  }
0x67: {  	_ =	shalt  }
0x68: {  	_ =	shalt  }
0x69: {  	_ =	shalt  }
0x6a: {  	_ =	shalt  }
0x6b: {  	_ =	shalt  }
0x6c: {  	_ =	shalt  }
0x6d: {  	_ =	shalt  }
0x6e: {  	_ =	shalt  }
0x6f: {  	_ =	shalt  }
0x70: {  	_ =	shalt  }
0x71: {  	_ =	shalt  }
0x72: {  	_ =	shalt  }
0x73: {  	_ =	shalt  }
0x74: {  	_ =	shalt  }
0x75: {  	_ =	shalt  }
0x76: {  	_ =	shalt  }
0x77: {  	_ =	shalt  }
0x78: {  	_ =	shalt  }
0x79: {  	_ =	shalt  }
0x7a: {  	_ =	shalt  }
0x7b: {  	_ =	shalt  }
0x7c: {  	_ =	shalt  }
0x7d: {  	_ =	shalt  }
0x7e: {  	_ =	shalt  }
0x7f: {  	_ =	shalt  }
0x80: {  	_ =	shalt  }
0x81: {  	_ =	shalt  }
0x82: {  	_ =	shalt  }
0x83: {  	_ =	shalt  }
0x84: {  	_ =	shalt  }
0x85: {  	_ =	shalt  }
0x86: {  	_ =	shalt  }
0x87: {  	_ =	shalt  }
.Lfunc_end0:
.L_simem_size_0:
called_computation.1_lowered:
.L_overlay_start_0:
0x88: {  	s2 =	sld [smem:$0x3FD9]  }
0x89: {  	s3 =	sld [smem:$0x3FFE];
	_ =	sdelay $0x1  }
0x8a: {  	s1 =	srdreg.scid  }
0x8b: {  	s0 =	sand.u32 $0x1, s1  }
0x8c: {  	s17 =	sshll.u32 s0, $0xA;
	s2 =	sadd.s32 s3, s2  }
0x8d: {  	s2 =	sadd.s32 s2, s17  }
0x8e: {  	[smem:$0x3FBA] =	sst s2  }
0x8f: {  	_ = 	snop  }
0x90: {  	s2 =	sld [smem:$0x3FD0];
	(tm) =	ssettm $0x1  }
0x91: {  	s18 =	sld [smem:$0x3FFB];
	_ =	sdelay $0x3  }
0x92: {  	_ =	strace s18  }
0x93: {  	s3 =	sld [smem:$0x3FFC];
	_ =	sdelay $0x3  }
0x94: {  	_ =	strace s3  }
0x95: {  	s3 =	sld [smem:$0x3FFD];
	_ =	sdelay $0x3  }
0x96: {  	_ =	strace s3  }
0x97: {  	_ =	strace $0x8FFFFFFF  }
0x98: {  	s19 =	sld [smem:$0x3FDB];
	_ =	sdelay $0x1  }
0x99: {  	s4 =	simm.s32 $_scs_section_size  }
0x9a: {  	s5 =	simm.s32 $_size__tile_overlayer_lowered;
	s6 =	simm.s32 $_tile_overlayer_lowered  }
0x9b: {  	s22 =	simm.s32 $0x1BFF;
	s21 =	sshll.u32 s6, $0x1;
	s3 =	sadd.s32 s4, s19  }
0x9c: {  	s7 =	simm.s32 $0x0;
	s20 =	sshll.u32 s5, $0x1;
	s5 =	sadd.s32 s21, s3  }
0x9d: {  	[timem:s7], [sflag:s22] =	dma.local [hbm:s5], s20  }
0x9e: {  	_ =	swait.ge [sflag:s22], s20  }
0x9f: {  	s4 =	ssub.s32 $0x0, s20;
	[sflag:s22] =	ssyncset.done $0x0  }
0xa0: {  	[sflag:s22] =	ssyncadd.s32 s4;
	_ =	sdelay $0x1  }
0xa1: {  	s23 =	simm.s32 $0x1B8B  }
0xa2: {  	_ =	swait.ge [sflag:s23], $0x1  }
0xa3: {  	[sflag:s23] =	ssyncset.done $0x0  }
0xa4: {  	s25 =	simm.s32 $0x1B8E;
	s24 =	sld [smem:$0x3FFE];
	[sflag:s23] =	ssyncadd.s32 $0xFFFFFFFF  }
0xa5: {  	s26 =	simm.s32 $execute0_lowered;
	[smem:$0x3FD2] =	sst s25  }
0xa6: {  	s5 =	sshll.u32 s26, $0x1;
	_ =	strace $0x80000049;
	[dreg:$0x1] =	wrdreg $0xFFFFFFFF  }
0xa7: {  	s28 =	simm.s32 $_size_execute0_lowered;
	s3 =	sadd.s32 s3, s5;
	[dreg:$0x0] =	wrdreg $0x0  }
0xa8: {  	s5 =	sshll.u32 s28, $0x1;
	[dreg:$0x2] =	wrdreg s3  }
0xa9: {  	[dreg:$0x3] =	wrdreg s5  }
0xaa: {  	[dreg:$0x4] =	wrdreg $0xC0  }
0xab: {  	_ =	task [dreg:s7], $0x5FFFF  }
0xac: {  	[dreg:$0x1] =	wrdreg $0xFFFFFFFF  }
0xad: {  	[dreg:$0x0] =	wrdreg $0x60  }
0xae: {  	[dreg:$0x2] =	wrdreg s2  }
0xaf: {  	[dreg:$0x3] =	wrdreg s24  }
0xb0: {  	[dreg:$0x4] =	wrdreg $0xC5300  }
0xb1: {  	[dreg:$0x5] =	wrdreg $0x9  }
0xb2: {  	_ =	task.clear_ibuf [dreg:s7], $0x6FFFF;
	_ =	strace $0x90000049  }
0xb3: {  	s29 =	simm.s32 $0x9;
	_ =	strace $0x8000004B  }
0xb4: {  	_ =	swait.ge [sflag:s29], $0x1  }
0xb5: {  	[sflag:s29] =	ssyncadd.s32 $0xFFFFFFFF  }
0xb6: {  	_ =	strace $0x9000004B  }
0xb7: {  	_ =	sfence  }
0xb8: {  	s30 =	sld [smem:$0x0];
	_ =	sdelay $0x2  }
0xb9: {  	s31 =	sshll.u32 s1, $0xD;
	s1 =	sshrl.u32 s1, $0x2  }
0xba: {  	s3 =	sand.u32 $0x4000, s31;
	s1 =	sadd.s32 s1, s30  }
0xbb: {  	s0 =	sor.u32 s3, s0;
	s1 =	sshll.u32 s1, $0x11  }
0xbc: {  	s0 =	sor.u32 s1, s0  }
0xbd: {  	s0 =	sadd.s32 $0x8F2B, s0  }
0xbe: {  	[sflag:s0] =	ssyncadd.remote.s32 $0x1  }
0xbf: {  	_ =	sfence.sel $0xFFFF  }
0xc0: {  	[dreg:$0x0] =	wrdreg $0xFFFFFFFF;
	(pc) =	sbr.abs _section_cstart, $3  }
0xc1: {  	[dreg:$0x1] =	wrdreg $0xFFFFFFFF  }
0xc2: {  	_ =	task.clear_ibuf [dreg:s7], $0x2FFFF;
	_ =	strace $0x9FFFFFFF  }
0xc3: {  	(tm) =	ssettm $0x7FFFFFFF  }
tec
execute0_lowered:
.L_overlay_start_1:
0x0: {  	(tag) =	ssettag $0x1  }
0x1: {  	s1 =	rddreg [dreg:$0x0]  }
0x2: {  	s0 =	srdreg.scid;
	s2 =	rddreg [dreg:$0x1]  }
0x3: {  	s10 =	stileid.u32;
	s3 =	rddreg [dreg:$0x2]  }
0x4: {  	s5 =	simm.s32 $0x0;
	s11 =	simm.s32 $0x9;
	s12 =	simm.s32 $0x4E20  }
0x5: {  	s15 =	simm.s32 $0x50;
	s16 =	simm.s32 $0x7530;
	s17 =	simm.s32 $0x8930  }
0x6: {  	s18 =	simm.s32 $0x1;
	s20 =	simm.s32 $0x9D30;
	s28 =	simm.s32 $0x4EC0  }
0x7: {  	s29 =	simm.s32 $0x5;
	s30 =	simm.s32 $0x4;
	s31 =	simm.s32 $0x6  }
0x8: {  	s19 =	simm.s32 $0x74E0;
	s0 =	sand.u32 $0x1, s0;
	s4 =	sshll.u32 s10, $0x1  }
0x9: {  	[smem:$0x7FF] =	sst s5;
	s21 =	smul.u32 $0x9E00, s10;
	s26 =	sshll.u32 s10, $0x6  }
0xa: {  	s5 =	simm.s32 $0x0;
	s4 =	sor.u32 s0, s4;
	_ =	strace $0x8000004A  }
0xb: {  	s6 =	smul.u32 $0x27800, s0;
	s0 =	ssub.s32 $0x2, s0;
	s13 =	sor.u32 $0x1C09, s26  }
0xc: {  	s26 =	simm.s32 $0x3;
	s4 =	smul.u32 $0x4E2, s4;
	s7 =	sshrl.u32 s21, $0x3  }
0xd: {  	s22 =	sshrl.u32 s0, $0x1;
	s24 =	sadd.s32 s21, s3;
	s21 =	simm.s32 $0x2  }
0xe: {  	s7 =	sadd.s32 s7, s2;
	s0 =	ssub.s32 s0, s22;
	s14 =	sshrl.u32 s24, $0x3  }
0xf: {  	s24 =	simm.s32 $0xB130;
	s4 =	sadd.s32 s4, s2;
	s2 =	sadd.s32 s6, s2  }
0x10: {  	s6 =	smul.u32 $0x2780, s10;
	s8 =	sadd.s32 $0x17400, s7;
	s0 =	smax.u32 s0, $0x1  }
0x11: {  	s23 =	sadd.s32 $0x3800, s4;
	s4 =	sadd.s32 $0xD600, s4;
	[dreg:$0x6] =	wrdreg s0  }
0x12: {  	s9 =	sadd.s32 $0x2B000, s2;
	s2 =	simm.s32 $0x7;
	[dreg:$0x4] =	wrdreg s23  }
0x13: {  	s0 =	simm.s32 $0x8;
	[dreg:$0x5] =	wrdreg s4;
	s25 =	sor.u32 $0x8, s6  }
0x14: {  	s23 =	simm.s32 $0x7490;
	s4 =	simm.s32 $0x10;
	s25 =	sadd.s32 s9, s25  }
.LBB2_1:
0x15: {  	s7 =	simm.s32 $0x0;
	s10 =	rddreg [dreg:$0x4]  }
0x16: {  	[tilespmem:s7], [sflag:$0x9] =	stream.linear.gather [hbm4b:s10+s7], $0x2710, $0x38;
	[tilespmem:$0x16330] =	vst v63  }
0x17: {  	_ =	swait.ge [sflag:s11], $0x2710  }
0x18: {  	[sflag:s11] =	ssyncset.done $0x0  }
0x19: {  	s22 =	rddreg [dreg:$0x5];
	[sflag:s11] =	ssyncadd.s32 $0xFFFFD8F0  }
0x1a: {  	[tilespmem:s12], [sflag:$0x9] =	stream.linear.gather [hbm4b:s22+s7], $0x2710, $0x38;
	[tilespmem:$0x16330] =	vst v63  }
0x1b: {  	_ =	swait.ge [sflag:s11], $0x2710  }
0x1c: {  	[sflag:s11] =	ssyncset.done $0x0  }
0x1d: {  	s7 =	simm.s32 $0x0;
	[sflag:s11] =	ssyncadd.s32 $0xFFFFD8F0  }
0x1e: {  	v0 =	vld [tilespmem:s7+$0x0]  }
0x1f: {  	v1 =	vld [tilespmem:s7+$0x10]  }
0x20: {  	v2 =	vld [tilespmem:s7+$0x20]  }
0x21: {  	v3 =	vld [tilespmem:s7+$0x30]  }
0x22: {  	v4 =	vld [tilespmem:s7+$0x40]  }
0x23: {  	v0 =	vshll.u32 v0, $0x1  }
0x24: {  	v1 =	vshll.u32 v1, $0x1;
	[tilespmem:s7+$0x0] =	vst v0  }
0x25: {  	v5 =	vshll.u32 v2, $0x1;
	[tilespmem:s7+$0x10] =	vst v1  }
0x26: {  	v6 =	vshll.u32 v3, $0x1;
	[tilespmem:s7+$0x20] =	vst v5  }
0x27: {  	s10 =	simm.s32 $0x50;
	v7 =	vshll.u32 v4, $0x1;
	[tilespmem:s7+$0x30] =	vst v6  }
0x28: {  	v3 =	vor.u32 $0x1, v0;
	v2 =	vld [tilespmem:s10+$0x0];
	[tilespmem:s7+$0x40] =	vst v7  }
0x29: {  	v8 =	vor.u32 $0x1, v1;
	v0 =	vld [tilespmem:s10+$0x10];
	[tilespmem:s7+$0x2710] =	vst v3  }
0x2a: {  	s22 =	simm.s32 $0x280;
	v4 =	vor.u32 $0x1, v6;
	v3 =	vor.u32 $0x1, v5;
	v5 =	vor.u32 $0x1, v7;
	v1 =	vld [tilespmem:s10+$0x20];
	[tilespmem:s7+$0x2720] =	vst v8  }
.LBB2_2:
0x2b: {  	p0 =	sne.s32 s22, $0x9B00;
	v6 =	vld [tilespmem:s10+$0x30];
	[tilespmem:s7+$0x2730] =	vst v3  }
0x2c: {  	v7 =	vld [tilespmem:s10+$0x40];
	[tilespmem:s7+$0x2740] =	vst v4  }
0x2d: {  	v2 =	vshll.u32 v2, $0x1;
	[tilespmem:s7+$0x2750] =	vst v5;
	s7 =	smov.u32 s10  }
0x2e: {  	[tilespmem:s7+$0x0] =	vst v2;
	v8 =	vor.u32 $0x1, v2;
	v0 =	vshll.u32 v0, $0x1  }
0x2f: {  	[tilespmem:s7+$0x10] =	vst v0;
	v9 =	vor.u32 $0x1, v0;
	v0 =	vshll.u32 v1, $0x1  }
.Ltmp0:
0x30: {  	[tilespmem:s7+$0x20] =	vst v0;
	v3 =	vor.u32 $0x1, v0;
	v0 =	vshll.u32 v6, $0x1;
	(pc) =	sbr.rel @p0 .LBB2_2-.Ltmp0, $4  }
0x31: {  	s10 =	sshra.s32 s22, $0x2;
	[tilespmem:s7+$0x30] =	vst v0;
	v4 =	vor.u32 $0x1, v0;
	v0 =	vshll.u32 v7, $0x1  }
0x32: {  	v2 =	vld [tilespmem:s10+$0x0];
	[tilespmem:s7+$0x40] =	vst v0;
	v5 =	vor.u32 $0x1, v0  }
0x33: {  	v0 =	vld [tilespmem:s10+$0x10];
	[tilespmem:s7+$0x2710] =	vst v8  }
0x34: {  	s22 =	sadd.s32 $0x140, s22;
	v1 =	vld [tilespmem:s10+$0x20];
	[tilespmem:s7+$0x2720] =	vst v9  }
0x35: {  	v6 =	vld [tilespmem:s10+$0x30];
	[tilespmem:s7+$0x2730] =	vst v3  }
0x36: {  	v3 =	vld [tilespmem:s10+$0x40];
	[tilespmem:s7+$0x2740] =	vst v4  }
0x37: {  	[tilespmem:s7+$0x2750] =	vst v5;
	v2 =	vshll.u32 v2, $0x1  }
0x38: {  	[tilespmem:s10+$0x0] =	vst v2;
	v0 =	vshll.u32 v0, $0x1  }
0x39: {  	v2 =	vor.u32 $0x1, v2;
	[tilespmem:s10+$0x10] =	vst v0  }
0x3a: {  	v1 =	vshll.u32 v1, $0x1;
	[tilespmem:s10+$0x2710] =	vst v2  }
0x3b: {  	v0 =	vor.u32 $0x1, v0;
	[tilespmem:s10+$0x20] =	vst v1  }
0x3c: {  	v61 =	vshll.u32 v6, $0x1;
	[tilespmem:s10+$0x2720] =	vst v0  }
0x3d: {  	v1 =	vor.u32 $0x1, v1;
	[tilespmem:s10+$0x30] =	vst v61  }
0x3e: {  	v3 =	vshll.u32 v3, $0x1;
	[tilespmem:s10+$0x2730] =	vst v1  }
0x3f: {  	v62 =	vor.u32 $0x1, v61;
	[tilespmem:s10+$0x40] =	vst v3  }
0x40: {  	v63 =	vor.u32 $0x1, v3;
	[tilespmem:s10+$0x2740] =	vst v62  }
0x41: {  	[tilespmem:s10+$0x2750] =	vst v63  }
0x42: {  	[spmem:s14], [sflag:s13] =	dma.local [hbm:s8], $0x13C0  }
0x43: {  	_ =	swait.ge [sflag:s11], $0x13C0  }
0x44: {  	[sflag:s11] =	ssyncset.done $0x0  }
0x45: {  	[sflag:s11] =	ssyncadd.s32 $0xFFFFEC40  }
0x46: {  	s22 =	simm.s32 $0x0;
	[bflag:$0x0] =	sbarrier.arrive $0xFFFF  }
0x47: {  	[tilespmem:s16], [sflag:$0x1] =	stream.indirect.gather [hbm4b:s1+s15], $0x40, s22, s15, $0xb8;
	[tilespmem:$0x16330] =	vst v63  }
0x48: {  	_ = 	snop  }
0x49: {  	[tilespmem:s17], [sflag:$0x2] =	stream.indirect.gather [hbm4b:s1+s15], $0x40, s15, s15, $0xb8;
	[tilespmem:$0x16330] =	vst v63  }
0x4a: {  	_ =	swait.ge [sflag:s18], $0x1400  }
0x4b: {  	[sflag:s18] =	ssyncset.done $0x0  }
0x4c: {  	[sflag:s18] =	ssyncadd.s32 $0xFFFFEC00  }
0x4d: {  	[spmem:s3] =	stream.indirect.scatter.add.f32 [tilespmem:s16], [sflag:$0x5], $0x40, s12, s15, $0xb8;
	[tilespmem:$0x16330] =	vst v63  }
0x4e: {  	s10 =	simm.s32 $0xA0  }
0x4f: {  	[tilespmem:s20], [sflag:$0x3] =	stream.indirect.gather [hbm4b:s1+s15], $0x40, s10, s15, $0xb8;
	[tilespmem:$0x16330] =	vst v63  }
0x50: {  	_ =	swait.ge [sflag:s21], $0x1400  }
0x51: {  	[sflag:s21] =	ssyncset.done $0x0  }
0x52: {  	s22 =	simm.s32 $0x4E70;
	[sflag:s21] =	ssyncadd.s32 $0xFFFFEC00  }
0x53: {  	[spmem:s3] =	stream.indirect.scatter.add.f32 [tilespmem:s17], [sflag:$0x6], $0x40, s22, s15, $0xb8;
	[tilespmem:$0x16330] =	vst v63  }
0x54: {  	s10 =	simm.s32 $0xF0  }
0x55: {  	[tilespmem:s24], [sflag:$0x4] =	stream.indirect.gather [hbm4b:s1+s15], $0x40, s10, s15, $0xb8;
	[tilespmem:$0x16330] =	vst v63  }
0x56: {  	_ =	swait.ge [sflag:s26], $0x1400  }
0x57: {  	[sflag:s26] =	ssyncset.done $0x0  }
0x58: {  	[sflag:s26] =	ssyncadd.s32 $0xFFFFEC00  }
0x59: {  	[spmem:s3] =	stream.indirect.scatter.add.f32 [tilespmem:s20], [sflag:$0x7], $0x40, s28, s15, $0xb8;
	[tilespmem:$0x16330] =	vst v63  }
0x5a: {  	_ =	swait.ge [sflag:s29], $0x1400  }
0x5b: {  	[sflag:s29] =	ssyncset.done $0x0  }
0x5c: {  	s22 =	simm.s32 $0x140;
	[sflag:s29] =	ssyncadd.s32 $0xFFFFEC00  }
0x5d: {  	[tilespmem:s16], [sflag:$0x1] =	stream.indirect.gather [hbm4b:s1+s15], $0x40, s22, s15, $0xb8;
	[tilespmem:$0x16330] =	vst v63  }
0x5e: {  	_ =	swait.ge [sflag:s30], $0x1400  }
0x5f: {  	[sflag:s30] =	ssyncset.done $0x0  }
0x60: {  	s10 =	simm.s32 $0x4F10;
	[sflag:s30] =	ssyncadd.s32 $0xFFFFEC00  }
0x61: {  	[spmem:s3] =	stream.indirect.scatter.add.f32 [tilespmem:s24], [sflag:$0x8], $0x40, s10, s15, $0xb8;
	[tilespmem:$0x16330] =	vst v63  }
0x62: {  	_ =	swait.ge [sflag:s31], $0x1400  }
0x63: {  	[sflag:s31] =	ssyncset.done $0x0  }
0x64: {  	s22 =	simm.s32 $0x190;
	[sflag:s31] =	ssyncadd.s32 $0xFFFFEC00  }
0x65: {  	[tilespmem:s17], [sflag:$0x2] =	stream.indirect.gather [hbm4b:s1+s15], $0x40, s22, s15, $0xb8;
	[tilespmem:$0x16330] =	vst v63  }
0x66: {  	_ =	swait.ge [sflag:s18], $0x1400  }
0x67: {  	[sflag:s18] =	ssyncset.done $0x0  }
0x68: {  	s10 =	simm.s32 $0x4F60;
	[sflag:s18] =	ssyncadd.s32 $0xFFFFEC00  }
0x69: {  	[spmem:s3] =	stream.indirect.scatter.add.f32 [tilespmem:s16], [sflag:$0x5], $0x40, s10, s15, $0xb8;
	[tilespmem:$0x16330] =	vst v63  }
0x6a: {  	_ =	swait.ge [sflag:s2], $0x1400  }
0x6b: {  	[sflag:s2] =	ssyncset.done $0x0  }
0x6c: {  	s22 =	simm.s32 $0x1E0;
	[sflag:s2] =	ssyncadd.s32 $0xFFFFEC00  }
0x6d: {  	[tilespmem:s20], [sflag:$0x3] =	stream.indirect.gather [hbm4b:s1+s15], $0x40, s22, s15, $0xb8;
	[tilespmem:$0x16330] =	vst v63  }
0x6e: {  	_ =	swait.ge [sflag:s21], $0x1400  }
0x6f: {  	[sflag:s21] =	ssyncset.done $0x0  }
0x70: {  	s10 =	simm.s32 $0x4FB0;
	[sflag:s21] =	ssyncadd.s32 $0xFFFFEC00  }
0x71: {  	[spmem:s3] =	stream.indirect.scatter.add.f32 [tilespmem:s17], [sflag:$0x6], $0x40, s10, s15, $0xb8;
	[tilespmem:$0x16330] =	vst v63  }
0x72: {  	_ =	swait.ge [sflag:s0], $0x1400  }
0x73: {  	[sflag:s0] =	ssyncset.done $0x0  }
0x74: {  	s22 =	simm.s32 $0x230;
	[sflag:s0] =	ssyncadd.s32 $0xFFFFEC00  }
0x75: {  	[tilespmem:s24], [sflag:$0x4] =	stream.indirect.gather [hbm4b:s1+s15], $0x40, s22, s15, $0xb8;
	[tilespmem:$0x16330] =	vst v63  }
0x76: {  	_ =	swait.ge [sflag:s26], $0x1400  }
0x77: {  	[sflag:s26] =	ssyncset.done $0x0  }
0x78: {  	s7 =	simm.s32 $0x500;
	s10 =	simm.s32 $0x5000;
	[sflag:s26] =	ssyncadd.s32 $0xFFFFEC00  }
.LBB2_4:
0x79: {  	[spmem:s3] =	stream.indirect.scatter.add.f32 [tilespmem:s20], [sflag:$0x7], $0x40, s10, s15, $0xb8;
	[tilespmem:$0x16330] =	vst v63  }
0x7a: {  	s10 =	smov.u32 s7  }
0x7b: {  	p0 =	sne.s32 s7, $0x9100;
	s7 =	sadd.s32 $0x500, s7;
	_ =	swait.ge [sflag:s29], $0x1400  }
0x7c: {  	s10 =	sshra.s32 s10, $0x2;
	[sflag:s29] =	ssyncset.done $0x0  }
0x7d: {  	s22 =	sadd.s32 $0x140, s10;
	[sflag:s29] =	ssyncadd.s32 $0xFFFFEC00  }
0x7e: {  	[tilespmem:s16], [sflag:$0x1] =	stream.indirect.gather [hbm4b:s1+s15], $0x40, s22, s15, $0xb8;
	[tilespmem:$0x16330] =	vst v63  }
0x7f: {  	_ =	swait.ge [sflag:s30], $0x1400  }
0x80: {  	[sflag:s30] =	ssyncset.done $0x0  }
0x81: {  	s22 =	sadd.s32 $0x4F10, s10;
	[sflag:s30] =	ssyncadd.s32 $0xFFFFEC00  }
0x82: {  	[spmem:s3] =	stream.indirect.scatter.add.f32 [tilespmem:s24], [sflag:$0x8], $0x40, s22, s15, $0xb8;
	[tilespmem:$0x16330] =	vst v63  }
0x83: {  	_ =	swait.ge [sflag:s31], $0x1400  }
0x84: {  	[sflag:s31] =	ssyncset.done $0x0  }
0x85: {  	s22 =	sadd.s32 $0x190, s10;
	[sflag:s31] =	ssyncadd.s32 $0xFFFFEC00  }
0x86: {  	[tilespmem:s17], [sflag:$0x2] =	stream.indirect.gather [hbm4b:s1+s15], $0x40, s22, s15, $0xb8;
	[tilespmem:$0x16330] =	vst v63  }
0x87: {  	_ =	swait.ge [sflag:s18], $0x1400  }
0x88: {  	[sflag:s18] =	ssyncset.done $0x0  }
0x89: {  	s22 =	sadd.s32 $0x4F60, s10;
	[sflag:s18] =	ssyncadd.s32 $0xFFFFEC00  }
0x8a: {  	[spmem:s3] =	stream.indirect.scatter.add.f32 [tilespmem:s16], [sflag:$0x5], $0x40, s22, s15, $0xb8;
	[tilespmem:$0x16330] =	vst v63  }
0x8b: {  	_ =	swait.ge [sflag:s2], $0x1400  }
0x8c: {  	[sflag:s2] =	ssyncset.done $0x0  }
0x8d: {  	s22 =	sadd.s32 $0x1E0, s10;
	[sflag:s2] =	ssyncadd.s32 $0xFFFFEC00  }
0x8e: {  	[tilespmem:s20], [sflag:$0x3] =	stream.indirect.gather [hbm4b:s1+s15], $0x40, s22, s15, $0xb8;
	[tilespmem:$0x16330] =	vst v63  }
0x8f: {  	_ =	swait.ge [sflag:s21], $0x1400  }
0x90: {  	[sflag:s21] =	ssyncset.done $0x0  }
0x91: {  	s22 =	sadd.s32 $0x4FB0, s10;
	[sflag:s21] =	ssyncadd.s32 $0xFFFFEC00  }
0x92: {  	[spmem:s3] =	stream.indirect.scatter.add.f32 [tilespmem:s17], [sflag:$0x6], $0x40, s22, s15, $0xb8;
	[tilespmem:$0x16330] =	vst v63  }
0x93: {  	_ =	swait.ge [sflag:s0], $0x1400  }
0x94: {  	[sflag:s0] =	ssyncset.done $0x0  }
.Ltmp1:
0x95: {  	s22 =	sadd.s32 $0x230, s10;
	[sflag:s0] =	ssyncadd.s32 $0xFFFFEC00;
	(pc) =	sbr.rel @p0 .LBB2_4-.Ltmp1, $4  }
0x96: {  	[tilespmem:s24], [sflag:$0x4] =	stream.indirect.gather [hbm4b:s1+s15], $0x40, s22, s15, $0xb8;
	[tilespmem:$0x16330] =	vst v63  }
0x97: {  	_ =	swait.ge [sflag:s26], $0x1400  }
0x98: {  	[sflag:s26] =	ssyncset.done $0x0  }
0x99: {  	s10 =	sadd.s32 $0x5000, s10;
	[sflag:s26] =	ssyncadd.s32 $0xFFFFEC00  }
0x9a: {  	[spmem:s3] =	stream.indirect.scatter.add.f32 [tilespmem:s20], [sflag:$0x7], $0x40, s10, s15, $0xb8;
	[tilespmem:$0x16330] =	vst v63  }
0x9b: {  	_ =	swait.ge [sflag:s29], $0x1400  }
0x9c: {  	[sflag:s29] =	ssyncset.done $0x0  }
0x9d: {  	s7 =	simm.s32 $0x26C0;
	[sflag:s29] =	ssyncadd.s32 $0xFFFFEC00  }
0x9e: {  	[tilespmem:s16], [sflag:$0x1] =	stream.indirect.gather [hbm4b:s1+s15], $0x40, s7, s15, $0xb8;
	[tilespmem:$0x16330] =	vst v63  }
0x9f: {  	_ =	swait.ge [sflag:s30], $0x1400  }
0xa0: {  	[sflag:s30] =	ssyncset.done $0x0  }
0xa1: {  	[sflag:s30] =	ssyncadd.s32 $0xFFFFEC00  }
0xa2: {  	[spmem:s3] =	stream.indirect.scatter.add.f32 [tilespmem:s24], [sflag:$0x8], $0x40, s23, s15, $0xb8;
	[tilespmem:$0x16330] =	vst v63  }
0xa3: {  	_ =	swait.ge [sflag:s18], $0x1400  }
0xa4: {  	[sflag:s18] =	ssyncset.done $0x0  }
0xa5: {  	[sflag:s18] =	ssyncadd.s32 $0xFFFFEC00  }
0xa6: {  	[spmem:s3] =	stream.indirect.scatter.add.f32 [tilespmem:s16], [sflag:$0x5], $0x40, s19, s15, $0xb8;
	[tilespmem:$0x16330] =	vst v63  }
0xa7: {  	_ =	swait.ge [sflag:s31], $0x1400  }
0xa8: {  	[sflag:s31] =	ssyncset.done $0x0  }
0xa9: {  	[sflag:s31] =	ssyncadd.s32 $0xFFFFEC00  }
0xaa: {  	_ =	swait.ge [sflag:s2], $0x1400  }
0xab: {  	[sflag:s2] =	ssyncset.done $0x0  }
0xac: {  	[sflag:s2] =	ssyncadd.s32 $0xFFFFEC00  }
0xad: {  	_ =	swait.ge [sflag:s0], $0x1400  }
0xae: {  	[sflag:s0] =	ssyncset.done $0x0  }
0xaf: {  	[sflag:s0] =	ssyncadd.s32 $0xFFFFEC00  }
0xb0: {  	_ =	swait.ge [sflag:s29], $0x1400  }
0xb1: {  	[sflag:s29] =	ssyncset.done $0x0  }
0xb2: {  	[sflag:s29] =	ssyncadd.s32 $0xFFFFEC00  }
0xb3: {  	s22 =	sadd.s32 s6, s9;
	[bflag:$0x0] =	sbarrier.arrive $0xFFFF  }
0xb4: {  	[hbm:s22@s4], [sflag:s13] =	dma.strided [spmem:s14@s0], $0x13C0, s18, $0x8   }
0xb5: {  	_ =	swait.ge [sflag:s11], $0x13C0  }
0xb6: {  	[sflag:s11] =	ssyncset.done $0x0  }
0xb7: {  	[sflag:s11] =	ssyncadd.s32 $0xFFFFEC40  }
0xb8: {  	[spmem:s14], [sflag:s13] =	dma.local [hbm:s8], $0x13C0  }
0xb9: {  	_ =	swait.ge [sflag:s11], $0x13C0  }
0xba: {  	[sflag:s11] =	ssyncset.done $0x0  }
0xbb: {  	[sflag:s11] =	ssyncadd.s32 $0xFFFFEC40  }
0xbc: {  	s10 =	simm.s32 $0x2710;
	[bflag:$0x0] =	sbarrier.arrive $0xFFFF  }
0xbd: {  	[tilespmem:s16], [sflag:$0x1] =	stream.indirect.gather [hbm4b:s1+s15], $0x40, s10, s15, $0xb8;
	[tilespmem:$0x16330] =	vst v63  }
0xbe: {  	s22 =	simm.s32 $0x2760  }
0xbf: {  	[tilespmem:s17], [sflag:$0x2] =	stream.indirect.gather [hbm4b:s1+s15], $0x40, s22, s15, $0xb8;
	[tilespmem:$0x16330] =	vst v63  }
0xc0: {  	_ =	swait.ge [sflag:s18], $0x1400  }
0xc1: {  	[sflag:s18] =	ssyncset.done $0x0  }
0xc2: {  	[sflag:s18] =	ssyncadd.s32 $0xFFFFEC00  }
0xc3: {  	[spmem:s3] =	stream.indirect.scatter.add.f32 [tilespmem:s16], [sflag:$0x5], $0x40, s12, s15, $0xb8;
	[tilespmem:$0x16330] =	vst v63  }
0xc4: {  	s10 =	simm.s32 $0x27B0  }
0xc5: {  	[tilespmem:s20], [sflag:$0x3] =	stream.indirect.gather [hbm4b:s1+s15], $0x40, s10, s15, $0xb8;
	[tilespmem:$0x16330] =	vst v63  }
0xc6: {  	_ =	swait.ge [sflag:s21], $0x1400  }
0xc7: {  	[sflag:s21] =	ssyncset.done $0x0  }
0xc8: {  	s22 =	simm.s32 $0x4E70;
	[sflag:s21] =	ssyncadd.s32 $0xFFFFEC00  }
0xc9: {  	[spmem:s3] =	stream.indirect.scatter.add.f32 [tilespmem:s17], [sflag:$0x6], $0x40, s22, s15, $0xb8;
	[tilespmem:$0x16330] =	vst v63  }
0xca: {  	s10 =	simm.s32 $0x2800  }
0xcb: {  	[tilespmem:s24], [sflag:$0x4] =	stream.indirect.gather [hbm4b:s1+s15], $0x40, s10, s15, $0xb8;
	[tilespmem:$0x16330] =	vst v63  }
0xcc: {  	_ =	swait.ge [sflag:s26], $0x1400  }
0xcd: {  	[sflag:s26] =	ssyncset.done $0x0  }
0xce: {  	[sflag:s26] =	ssyncadd.s32 $0xFFFFEC00  }
0xcf: {  	[spmem:s3] =	stream.indirect.scatter.add.f32 [tilespmem:s20], [sflag:$0x7], $0x40, s28, s15, $0xb8;
	[tilespmem:$0x16330] =	vst v63  }
0xd0: {  	_ =	swait.ge [sflag:s29], $0x1400  }
0xd1: {  	[sflag:s29] =	ssyncset.done $0x0  }
0xd2: {  	s22 =	simm.s32 $0x2850;
	[sflag:s29] =	ssyncadd.s32 $0xFFFFEC00  }
0xd3: {  	[tilespmem:s16], [sflag:$0x1] =	stream.indirect.gather [hbm4b:s1+s15], $0x40, s22, s15, $0xb8;
	[tilespmem:$0x16330] =	vst v63  }
0xd4: {  	_ =	swait.ge [sflag:s30], $0x1400  }
0xd5: {  	[sflag:s30] =	ssyncset.done $0x0  }
0xd6: {  	s10 =	simm.s32 $0x4F10;
	[sflag:s30] =	ssyncadd.s32 $0xFFFFEC00  }
0xd7: {  	[spmem:s3] =	stream.indirect.scatter.add.f32 [tilespmem:s24], [sflag:$0x8], $0x40, s10, s15, $0xb8;
	[tilespmem:$0x16330] =	vst v63  }
0xd8: {  	_ =	swait.ge [sflag:s31], $0x1400  }
0xd9: {  	[sflag:s31] =	ssyncset.done $0x0  }
0xda: {  	s22 =	simm.s32 $0x28A0;
	[sflag:s31] =	ssyncadd.s32 $0xFFFFEC00  }
0xdb: {  	[tilespmem:s17], [sflag:$0x2] =	stream.indirect.gather [hbm4b:s1+s15], $0x40, s22, s15, $0xb8;
	[tilespmem:$0x16330] =	vst v63  }
0xdc: {  	_ =	swait.ge [sflag:s18], $0x1400  }
0xdd: {  	[sflag:s18] =	ssyncset.done $0x0  }
0xde: {  	s10 =	simm.s32 $0x4F60;
	[sflag:s18] =	ssyncadd.s32 $0xFFFFEC00  }
0xdf: {  	[spmem:s3] =	stream.indirect.scatter.add.f32 [tilespmem:s16], [sflag:$0x5], $0x40, s10, s15, $0xb8;
	[tilespmem:$0x16330] =	vst v63  }
0xe0: {  	_ =	swait.ge [sflag:s2], $0x1400  }
0xe1: {  	[sflag:s2] =	ssyncset.done $0x0  }
0xe2: {  	s22 =	simm.s32 $0x28F0;
	[sflag:s2] =	ssyncadd.s32 $0xFFFFEC00  }
0xe3: {  	[tilespmem:s20], [sflag:$0x3] =	stream.indirect.gather [hbm4b:s1+s15], $0x40, s22, s15, $0xb8;
	[tilespmem:$0x16330] =	vst v63  }
0xe4: {  	_ =	swait.ge [sflag:s21], $0x1400  }
0xe5: {  	[sflag:s21] =	ssyncset.done $0x0  }
0xe6: {  	s10 =	simm.s32 $0x4FB0;
	[sflag:s21] =	ssyncadd.s32 $0xFFFFEC00  }
0xe7: {  	[spmem:s3] =	stream.indirect.scatter.add.f32 [tilespmem:s17], [sflag:$0x6], $0x40, s10, s15, $0xb8;
	[tilespmem:$0x16330] =	vst v63  }
0xe8: {  	_ =	swait.ge [sflag:s0], $0x1400  }
0xe9: {  	[sflag:s0] =	ssyncset.done $0x0  }
0xea: {  	s22 =	simm.s32 $0x2940;
	[sflag:s0] =	ssyncadd.s32 $0xFFFFEC00  }
0xeb: {  	[tilespmem:s24], [sflag:$0x4] =	stream.indirect.gather [hbm4b:s1+s15], $0x40, s22, s15, $0xb8;
	[tilespmem:$0x16330] =	vst v63  }
0xec: {  	_ =	swait.ge [sflag:s26], $0x1400  }
0xed: {  	[sflag:s26] =	ssyncset.done $0x0  }
0xee: {  	s7 =	simm.s32 $0x500;
	s10 =	simm.s32 $0x5000;
	[sflag:s26] =	ssyncadd.s32 $0xFFFFEC00  }
.LBB2_6:
0xef: {  	[spmem:s3] =	stream.indirect.scatter.add.f32 [tilespmem:s20], [sflag:$0x7], $0x40, s10, s15, $0xb8;
	[tilespmem:$0x16330] =	vst v63  }
0xf0: {  	s10 =	smov.u32 s7  }
0xf1: {  	p0 =	sne.s32 s7, $0x9100;
	s7 =	sadd.s32 $0x500, s7;
	_ =	swait.ge [sflag:s29], $0x1400  }
0xf2: {  	s10 =	sshra.s32 s10, $0x2;
	[sflag:s29] =	ssyncset.done $0x0  }
0xf3: {  	s22 =	sadd.s32 $0x2850, s10;
	[sflag:s29] =	ssyncadd.s32 $0xFFFFEC00  }
0xf4: {  	[tilespmem:s16], [sflag:$0x1] =	stream.indirect.gather [hbm4b:s1+s15], $0x40, s22, s15, $0xb8;
	[tilespmem:$0x16330] =	vst v63  }
0xf5: {  	_ =	swait.ge [sflag:s30], $0x1400  }
0xf6: {  	[sflag:s30] =	ssyncset.done $0x0  }
0xf7: {  	s22 =	sadd.s32 $0x4F10, s10;
	[sflag:s30] =	ssyncadd.s32 $0xFFFFEC00  }
0xf8: {  	[spmem:s3] =	stream.indirect.scatter.add.f32 [tilespmem:s24], [sflag:$0x8], $0x40, s22, s15, $0xb8;
	[tilespmem:$0x16330] =	vst v63  }
0xf9: {  	_ =	swait.ge [sflag:s31], $0x1400  }
0xfa: {  	[sflag:s31] =	ssyncset.done $0x0  }
0xfb: {  	s22 =	sadd.s32 $0x28A0, s10;
	[sflag:s31] =	ssyncadd.s32 $0xFFFFEC00  }
0xfc: {  	[tilespmem:s17], [sflag:$0x2] =	stream.indirect.gather [hbm4b:s1+s15], $0x40, s22, s15, $0xb8;
	[tilespmem:$0x16330] =	vst v63  }
0xfd: {  	_ =	swait.ge [sflag:s18], $0x1400  }
0xfe: {  	[sflag:s18] =	ssyncset.done $0x0  }
0xff: {  	s22 =	sadd.s32 $0x4F60, s10;
	[sflag:s18] =	ssyncadd.s32 $0xFFFFEC00  }
0x100: {  	[spmem:s3] =	stream.indirect.scatter.add.f32 [tilespmem:s16], [sflag:$0x5], $0x40, s22, s15, $0xb8;
	[tilespmem:$0x16330] =	vst v63  }
0x101: {  	_ =	swait.ge [sflag:s2], $0x1400  }
0x102: {  	[sflag:s2] =	ssyncset.done $0x0  }
0x103: {  	s22 =	sadd.s32 $0x28F0, s10;
	[sflag:s2] =	ssyncadd.s32 $0xFFFFEC00  }
0x104: {  	[tilespmem:s20], [sflag:$0x3] =	stream.indirect.gather [hbm4b:s1+s15], $0x40, s22, s15, $0xb8;
	[tilespmem:$0x16330] =	vst v63  }
0x105: {  	_ =	swait.ge [sflag:s21], $0x1400  }
0x106: {  	[sflag:s21] =	ssyncset.done $0x0  }
0x107: {  	s22 =	sadd.s32 $0x4FB0, s10;
	[sflag:s21] =	ssyncadd.s32 $0xFFFFEC00  }
0x108: {  	[spmem:s3] =	stream.indirect.scatter.add.f32 [tilespmem:s17], [sflag:$0x6], $0x40, s22, s15, $0xb8;
	[tilespmem:$0x16330] =	vst v63  }
0x109: {  	_ =	swait.ge [sflag:s0], $0x1400  }
0x10a: {  	[sflag:s0] =	ssyncset.done $0x0  }
.Ltmp2:
0x10b: {  	s22 =	sadd.s32 $0x2940, s10;
	[sflag:s0] =	ssyncadd.s32 $0xFFFFEC00;
	(pc) =	sbr.rel @p0 .LBB2_6-.Ltmp2, $4  }
0x10c: {  	[tilespmem:s24], [sflag:$0x4] =	stream.indirect.gather [hbm4b:s1+s15], $0x40, s22, s15, $0xb8;
	[tilespmem:$0x16330] =	vst v63  }
0x10d: {  	_ =	swait.ge [sflag:s26], $0x1400  }
0x10e: {  	[sflag:s26] =	ssyncset.done $0x0  }
0x10f: {  	s10 =	sadd.s32 $0x5000, s10;
	[sflag:s26] =	ssyncadd.s32 $0xFFFFEC00  }
0x110: {  	[spmem:s3] =	stream.indirect.scatter.add.f32 [tilespmem:s20], [sflag:$0x7], $0x40, s10, s15, $0xb8;
	[tilespmem:$0x16330] =	vst v63  }
0x111: {  	_ =	swait.ge [sflag:s29], $0x1400  }
0x112: {  	[sflag:s29] =	ssyncset.done $0x0  }
0x113: {  	s7 =	simm.s32 $0x4DD0;
	[sflag:s29] =	ssyncadd.s32 $0xFFFFEC00  }
0x114: {  	[tilespmem:s16], [sflag:$0x1] =	stream.indirect.gather [hbm4b:s1+s15], $0x40, s7, s15, $0xb8;
	[tilespmem:$0x16330] =	vst v63  }
0x115: {  	_ =	swait.ge [sflag:s30], $0x1400  }
0x116: {  	[sflag:s30] =	ssyncset.done $0x0  }
0x117: {  	[sflag:s30] =	ssyncadd.s32 $0xFFFFEC00  }
0x118: {  	[spmem:s3] =	stream.indirect.scatter.add.f32 [tilespmem:s24], [sflag:$0x8], $0x40, s23, s15, $0xb8;
	[tilespmem:$0x16330] =	vst v63  }
0x119: {  	_ =	swait.ge [sflag:s18], $0x1400  }
0x11a: {  	[sflag:s18] =	ssyncset.done $0x0  }
0x11b: {  	[sflag:s18] =	ssyncadd.s32 $0xFFFFEC00  }
0x11c: {  	[spmem:s3] =	stream.indirect.scatter.add.f32 [tilespmem:s16], [sflag:$0x5], $0x40, s19, s15, $0xb8;
	[tilespmem:$0x16330] =	vst v63  }
0x11d: {  	_ =	swait.ge [sflag:s31], $0x1400  }
0x11e: {  	[sflag:s31] =	ssyncset.done $0x0  }
0x11f: {  	[sflag:s31] =	ssyncadd.s32 $0xFFFFEC00  }
0x120: {  	_ =	swait.ge [sflag:s2], $0x1400  }
0x121: {  	[sflag:s2] =	ssyncset.done $0x0  }
0x122: {  	[sflag:s2] =	ssyncadd.s32 $0xFFFFEC00  }
0x123: {  	_ =	swait.ge [sflag:s0], $0x1400  }
0x124: {  	[sflag:s0] =	ssyncset.done $0x0  }
0x125: {  	[sflag:s0] =	ssyncadd.s32 $0xFFFFEC00  }
0x126: {  	_ =	swait.ge [sflag:s29], $0x1400  }
0x127: {  	[sflag:s29] =	ssyncset.done $0x0  }
0x128: {  	[sflag:s29] =	ssyncadd.s32 $0xFFFFEC00  }
0x129: {  	[bflag:$0x0] =	sbarrier.arrive $0xFFFF  }
0x12a: {  	[hbm:s25@s4], [sflag:s13] =	dma.strided [spmem:s14@s0], $0x13C0, s18, $0x8   }
0x12b: {  	_ =	swait.ge [sflag:s11], $0x13C0  }
0x12c: {  	s5 =	sadd.s32 $0x1, s5;
	s22 =	rddreg [dreg:$0x6]  }
0x12d: {  	p0 =	sne.s32 s5, s22  }
.Ltmp3:
0x12e: {  	_ = 	snop;
	(pc) =	sbr.rel @p0 .LBB2_1-.Ltmp3, $3  }
0x12f: {  	_ =	sdelay $0x1  }
0x130: {  	[sflag:s11] =	ssyncset.done $0x0  }
0x131: {  	[sflag:s11] =	ssyncadd.s32 $0xFFFFEC40  }
0x132: {  	_ =	sfence.sel $0x180000  }
0x133: {  	[bflag:$0x0] =	sbarrier.arrive $0xFFFF  }
0x134: {  	_ =	strace $0x9000004A  }
0x135: {  	s0 =	stileid.u32;
	[bflag:$0x2] =	sbarrier.arrive $0xFFFF  }
0x136: {  	p0 =	sne.s32 s0, $0x0;
	s0 =	rddreg [dreg:$0x3]  }
0x137: {  	s0 =	sadd.s32 @!p0 $0x100000, s0  }
0x138: {  	[sflag:s0] =	ssyncadd.tile.s32 @!p0 $0x1;
	_ =	shalt  }
.Lfunc_end2:
_tile_overlayer_lowered:
.L_overlay_start_2:
0x139: {  	(tag) =	ssettag $0x2  }
0x13a: {  	s0 =	rddreg [dreg:$0x0];
	s2 =	stileid.u32  }
0x13b: {  	s1 =	rddreg [dreg:$0x1];
	p0 =	sne.s32 s2, $0x0  }
0x13c: {  	s3 =	rddreg [dreg:$0x2];
	[bflag:$0x3] =	sbarrier.arrive $0xFFFF;
	s2 =	simm.s32 @!p0 $0x1C09  }
0x13d: {  	[timem:s3], [sflag:s2] =	dma.local @!p0 [hbm:s0], s1  }
0x13e: {  	s0 =	simm.s32 @!p0 $0x9  }
0x13f: {  	_ =	swait.ge @!p0 [sflag:s0], s1  }
0x140: {  	s1 =	ssub.s32 @!p0 $0x0, s1;
	[sflag:s0] =	ssyncset.done @!p0 $0x0  }
0x141: {  	[sflag:s0] =	ssyncadd.s32 @!p0 s1  }
0x142: {  	[bflag:$0x3] =	sbarrier.arrive $0xFFFF  }
0x143: {  	_ =	shalt  }

// kernel: kernel.14.cloned.1.call-start
scs
__scs_entry_jumppad:
0x0: {  	(pc) =	sbr.rel $0x88, $3  }
0x1: {  	(tag) =	ssettag $0x0;
	lr =	simm.s32 $0x1  }
0x2: {  	[smem:$0x3F93] =	sst lr;
	_ =	strace $0xD0000000  }
0x3: {  	_ = 	snop  }
0x4: {  	_ = 	snop  }
0x5: {  	_ = 	snop  }
0x6: {  	_ = 	snop  }
0x7: {  	_ = 	snop  }
__scs_overlays_trampoline_lowered:
0x8: {  	[smem:$0x3FA2] =	sst s0  }
0x9: {  	[smem:$0x3FA3] =	sst s1  }
0xa: {  	[smem:$0x3FA4] =	sst s2  }
0xb: {  	[smem:$0x3FA5] =	sst s3  }
0xc: {  	[smem:$0x3FA6] =	sst s4  }
0xd: {  	[smem:$0x3FA7] =	sst s5  }
0xe: {  	[smem:$0x3FA8] =	sst s6  }
0xf: {  	[smem:$0x3FA9] =	sst s7  }
0x10: {  	[smem:$0x3FAA] =	sst s8  }
0x11: {  	[smem:$0x3FAB] =	sst s9;
	s0 =	simm.s32 @!p0 $0x0  }
0x12: {  	s1 =	sld [smem:$0x3F91];
	s0 =	simm.s32 @p0 $0x1  }
0x13: {  	[smem:$0x3FAC] =	sst s0;
	s0 =	simm.s32 @!p1 $0x0  }
0x14: {  	s2 =	sld [smem:$0x3F90];
	s0 =	simm.s32 @p1 $0x1  }
0x15: {  	[smem:$0x3FAD] =	sst s0;
	s0 =	simm.s32 @!p2 $0x0  }
0x16: {  	s3 =	sld [smem:$0x3FDB];
	s0 =	simm.s32 @p2 $0x1  }
0x17: {  	s4 =	simm.s32 $0x1BF5;
	[smem:$0x3FAF] =	sst s0  }
0x18: {  	s0 =	sld [smem:$0x3F92];
	_ =	swait.ge [sflag:s4], $0x0  }
0x19: {  	s7 =	sld [smem:$0x3F93]  }
0x1a: {  	s8 =	sadd.s32 $0xFFFFE003, lr  }
0x1b: {  	s9 =	sadd.s32 $0xFFFFFEF7, lr;
	s5 =	simm.s32 $0xFFFFFFFF;
	p2 =	slt.u32 s8, $0xFFFFF086  }
0x1c: {  	p1 =	slt.u32 s9, $0xF7A;
	s5 =	simm.s32 @!p2 $0x0  }
0x1d: {  	s5 =	simm.s32 @p1 $0x1;
	p0 =	seq.s32 s7, s2  }
0x1e: {  	s7 =	smul.u32 @!p0 $0xF7A, s2;
	p2 =	seq.s32 @!p0 s5, $0x0  }
0x1f: {  	s9 =	smul.u32 $0xF7A, s1;
	s8 =	simm.s32 @!p0 $0x1BF5;
	p2 =	por !p2, p0  }
0x20: {  	[sflag:s8] =	ssyncset.s32 @!p0 $0xFFFFF086;
	s6 =	sadd.s32 @!p0 s3, s7;
	s7 =	simm.s32 @!p0 $0x108  }
0x21: {  	s3 =	sadd.s32 s3, s9;
	s6 =	sadd.s32 @!p0 $0x88, s6;
	s7 =	simm.s32 @p2 $0x1082  }
0x22: {  	[simem:s7], [sflag:s8] =	dma.local @!p0 [hbm:s6], $0xF7A  }
0x23: {  	s9 =	sor.u32 $0xD0000000, s2;
	s6 =	simm.s32 $0x108;
	_ =	swait.ge @!p0 [sflag:s8], $0x0  }
0x24: {  	s3 =	sadd.s32 $0x88, s3;
	s6 =	simm.s32 @!p1 $0x1082;
	[sflag:s4] =	ssyncset.s32 $0xFFFFF086  }
0x25: {  	[simem:s6], [sflag:s4] =	dma.local [hbm:s3], $0xF7A  }
0x26: {  	[smem:$0x3F93] =	sst s1;
	(tag) =	ssettag s2;
	_ =	strace s9  }
0x27: {  	s1 =	sld [smem:$0x3FA3]  }
0x28: {  	s2 =	sld [smem:$0x3FA4]  }
0x29: {  	s4 =	sld [smem:$0x3FA6]  }
0x2a: {  	p0 =	seq.s32 s5, $0x0;
	s5 =	sld [smem:$0x3FA7]  }
0x2b: {  	s6 =	sld [smem:$0x3FA8]  }
0x2c: {  	s7 =	sld [smem:$0x3FA9]  }
0x2d: {  	s3 =	simm.s32 $0x108;
	s8 =	sld [smem:$0x3FAA]  }
0x2e: {  	s3 =	simm.s32 @!p0 $0x1082;
	s9 =	sld [smem:$0x3FAB]  }
0x2f: {  	lr =	sadd.s32 s0, s3;
	s0 =	sld [smem:$0x3FA2]  }
0x30: {  	s3 =	sld [smem:$0x3FA5]  }
0x31: {  	[smem:$0x3FAE] =	sst s10  }
0x32: {  	s10 =	sld [smem:$0x3FAC];
	_ =	sdelay $0x3  }
0x33: {  	p0 =	seq.s32 s10, $0x1;
	s10 =	sld [smem:$0x3FAE];
	_ =	sdelay $0x3  }
0x34: {  	[smem:$0x3FAE] =	sst s10  }
0x35: {  	s10 =	sld [smem:$0x3FAD];
	_ =	sdelay $0x3  }
0x36: {  	p1 =	seq.s32 s10, $0x1;
	s10 =	sld [smem:$0x3FAE];
	_ =	sdelay $0x3  }
0x37: {  	[smem:$0x3FAE] =	sst s10  }
0x38: {  	s10 =	sld [smem:$0x3FAF]  }
0x39: {  	_ = 	snop;
	(pc) =	sbr.ind lr, $3  }
0x3a: {  	_ = 	snop  }
0x3b: {  	_ = 	snop  }
0x3c: {  	p2 =	seq.s32 s10, $0x1;
	s10 =	sld [smem:$0x3FAE]  }
0x3d: {  	_ =	shalt  }
0x3e: {  	_ =	shalt  }
0x3f: {  	_ =	shalt  }
0x40: {  	_ =	shalt  }
0x41: {  	_ =	shalt  }
0x42: {  	_ =	shalt  }
0x43: {  	_ =	shalt  }
0x44: {  	_ =	shalt  }
0x45: {  	_ =	shalt  }
0x46: {  	_ =	shalt  }
0x47: {  	_ =	shalt  }
0x48: {  	_ =	shalt  }
0x49: {  	_ =	shalt  }
0x4a: {  	_ =	shalt  }
0x4b: {  	_ =	shalt  }
0x4c: {  	_ =	shalt  }
0x4d: {  	_ =	shalt  }
0x4e: {  	_ =	shalt  }
0x4f: {  	_ =	shalt  }
0x50: {  	_ =	shalt  }
0x51: {  	_ =	shalt  }
0x52: {  	_ =	shalt  }
0x53: {  	_ =	shalt  }
0x54: {  	_ =	shalt  }
0x55: {  	_ =	shalt  }
0x56: {  	_ =	shalt  }
0x57: {  	_ =	shalt  }
0x58: {  	_ =	shalt  }
0x59: {  	_ =	shalt  }
0x5a: {  	_ =	shalt  }
0x5b: {  	_ =	shalt  }
0x5c: {  	_ =	shalt  }
0x5d: {  	_ =	shalt  }
0x5e: {  	_ =	shalt  }
0x5f: {  	_ =	shalt  }
0x60: {  	_ =	shalt  }
0x61: {  	_ =	shalt  }
0x62: {  	_ =	shalt  }
0x63: {  	_ =	shalt  }
0x64: {  	_ =	shalt  }
0x65: {  	_ =	shalt  }
0x66: {  	_ =	shalt  }
0x67: {  	_ =	shalt  }
0x68: {  	_ =	shalt  }
0x69: {  	_ =	shalt  }
0x6a: {  	_ =	shalt  }
0x6b: {  	_ =	shalt  }
0x6c: {  	_ =	shalt  }
0x6d: {  	_ =	shalt  }
0x6e: {  	_ =	shalt  }
0x6f: {  	_ =	shalt  }
0x70: {  	_ =	shalt  }
0x71: {  	_ =	shalt  }
0x72: {  	_ =	shalt  }
0x73: {  	_ =	shalt  }
0x74: {  	_ =	shalt  }
0x75: {  	_ =	shalt  }
0x76: {  	_ =	shalt  }
0x77: {  	_ =	shalt  }
0x78: {  	_ =	shalt  }
0x79: {  	_ =	shalt  }
0x7a: {  	_ =	shalt  }
0x7b: {  	_ =	shalt  }
0x7c: {  	_ =	shalt  }
0x7d: {  	_ =	shalt  }
0x7e: {  	_ =	shalt  }
0x7f: {  	_ =	shalt  }
0x80: {  	_ =	shalt  }
0x81: {  	_ =	shalt  }
0x82: {  	_ =	shalt  }
0x83: {  	_ =	shalt  }
0x84: {  	_ =	shalt  }
0x85: {  	_ =	shalt  }
0x86: {  	_ =	shalt  }
0x87: {  	_ =	shalt  }
.Lfunc_end0:
.L_simem_size_0:
called_computation.2_lowered:
.L_overlay_start_0:
0x88: {  	s2 =	sld [smem:$0x3FD9]  }
0x89: {  	s3 =	sld [smem:$0x3FFE];
	_ =	sdelay $0x1  }
0x8a: {  	s1 =	srdreg.scid  }
0x8b: {  	s0 =	sand.u32 $0x1, s1  }
0x8c: {  	s17 =	sshll.u32 s0, $0xA;
	s2 =	sadd.s32 s3, s2  }
0x8d: {  	s2 =	sadd.s32 s2, s17  }
0x8e: {  	[smem:$0x3FBA] =	sst s2  }
0x8f: {  	_ = 	snop  }
0x90: {  	s2 =	sld [smem:$0x3FD0];
	(tm) =	ssettm $0x1  }
0x91: {  	s18 =	sld [smem:$0x3FFB];
	_ =	sdelay $0x3  }
0x92: {  	_ =	strace s18  }
0x93: {  	s3 =	sld [smem:$0x3FFC];
	_ =	sdelay $0x3  }
0x94: {  	_ =	strace s3  }
0x95: {  	s3 =	sld [smem:$0x3FFD];
	_ =	sdelay $0x3  }
0x96: {  	_ =	strace s3  }
0x97: {  	_ =	strace $0x8FFFFFFF  }
0x98: {  	s19 =	sld [smem:$0x3FDB];
	_ =	sdelay $0x1  }
0x99: {  	s4 =	simm.s32 $_scs_section_size  }
0x9a: {  	s5 =	simm.s32 $_size__tile_overlayer_lowered;
	s6 =	simm.s32 $_tile_overlayer_lowered  }
0x9b: {  	s22 =	simm.s32 $0x1BFF;
	s21 =	sshll.u32 s6, $0x1;
	s3 =	sadd.s32 s4, s19  }
0x9c: {  	s7 =	simm.s32 $0x0;
	s20 =	sshll.u32 s5, $0x1;
	s5 =	sadd.s32 s21, s3  }
0x9d: {  	[timem:s7], [sflag:s22] =	dma.local [hbm:s5], s20  }
0x9e: {  	_ =	swait.ge [sflag:s22], s20  }
0x9f: {  	s4 =	ssub.s32 $0x0, s20;
	[sflag:s22] =	ssyncset.done $0x0  }
0xa0: {  	[sflag:s22] =	ssyncadd.s32 s4;
	_ =	sdelay $0x1  }
0xa1: {  	s23 =	simm.s32 $0x1B8B  }
0xa2: {  	_ =	swait.ge [sflag:s23], $0x1  }
0xa3: {  	[sflag:s23] =	ssyncset.done $0x0  }
0xa4: {  	s25 =	simm.s32 $0x1B8E;
	s24 =	sld [smem:$0x3FFE];
	[sflag:s23] =	ssyncadd.s32 $0xFFFFFFFF  }
0xa5: {  	s26 =	simm.s32 $execute0_lowered;
	[smem:$0x3FD2] =	sst s25  }
0xa6: {  	s5 =	sshll.u32 s26, $0x1;
	_ =	strace $0x8000004C;
	[dreg:$0x1] =	wrdreg $0xFFFFFFFF  }
0xa7: {  	s28 =	simm.s32 $_size_execute0_lowered;
	s3 =	sadd.s32 s3, s5;
	[dreg:$0x0] =	wrdreg $0x0  }
0xa8: {  	s5 =	sshll.u32 s28, $0x1;
	[dreg:$0x2] =	wrdreg s3  }
0xa9: {  	[dreg:$0x3] =	wrdreg s5  }
0xaa: {  	[dreg:$0x4] =	wrdreg $0xC0  }
0xab: {  	_ =	task [dreg:s7], $0x5FFFF  }
0xac: {  	[dreg:$0x1] =	wrdreg $0xFFFFFFFF  }
0xad: {  	[dreg:$0x0] =	wrdreg $0x60  }
0xae: {  	[dreg:$0x2] =	wrdreg s2  }
0xaf: {  	[dreg:$0x3] =	wrdreg s24  }
0xb0: {  	[dreg:$0x4] =	wrdreg $0xC5300  }
0xb1: {  	[dreg:$0x5] =	wrdreg $0x9  }
0xb2: {  	_ =	task.clear_ibuf [dreg:s7], $0x6FFFF;
	_ =	strace $0x9000004C  }
0xb3: {  	s29 =	simm.s32 $0x9;
	_ =	strace $0x8000004E  }
0xb4: {  	_ =	swait.ge [sflag:s29], $0x1  }
0xb5: {  	[sflag:s29] =	ssyncadd.s32 $0xFFFFFFFF  }
0xb6: {  	_ =	strace $0x9000004E  }
0xb7: {  	_ =	sfence  }
0xb8: {  	s30 =	sld [smem:$0x0];
	_ =	sdelay $0x2  }
0xb9: {  	s31 =	sshll.u32 s1, $0xD;
	s1 =	sshrl.u32 s1, $0x2  }
0xba: {  	s3 =	sand.u32 $0x4000, s31;
	s1 =	sadd.s32 s1, s30  }
0xbb: {  	s0 =	sor.u32 s3, s0;
	s1 =	sshll.u32 s1, $0x11  }
0xbc: {  	s0 =	sor.u32 s1, s0  }
0xbd: {  	s0 =	sadd.s32 $0x8F2B, s0  }
0xbe: {  	[sflag:s0] =	ssyncadd.remote.s32 $0x1  }
0xbf: {  	_ =	sfence.sel $0xFFFF  }
0xc0: {  	[dreg:$0x0] =	wrdreg $0xFFFFFFFF;
	(pc) =	sbr.abs _section_cstart, $3  }
0xc1: {  	[dreg:$0x1] =	wrdreg $0xFFFFFFFF  }
0xc2: {  	_ =	task.clear_ibuf [dreg:s7], $0x2FFFF;
	_ =	strace $0x9FFFFFFF  }
0xc3: {  	(tm) =	ssettm $0x7FFFFFFF  }
tec
execute0_lowered:
.L_overlay_start_1:
0x0: {  	(tag) =	ssettag $0x1  }
0x1: {  	s1 =	rddreg [dreg:$0x0]  }
0x2: {  	s0 =	srdreg.scid;
	s2 =	rddreg [dreg:$0x1]  }
0x3: {  	s10 =	stileid.u32;
	s3 =	rddreg [dreg:$0x2]  }
0x4: {  	s5 =	simm.s32 $0x0;
	s11 =	simm.s32 $0x9;
	s12 =	simm.s32 $0x4E20  }
0x5: {  	s15 =	simm.s32 $0x50;
	s16 =	simm.s32 $0x7530;
	s17 =	simm.s32 $0x8930  }
0x6: {  	s18 =	simm.s32 $0x1;
	s20 =	simm.s32 $0x9D30;
	s28 =	simm.s32 $0x4EC0  }
0x7: {  	s29 =	simm.s32 $0x5;
	s30 =	simm.s32 $0x4;
	s31 =	simm.s32 $0x6  }
0x8: {  	s19 =	simm.s32 $0x74E0;
	s0 =	sand.u32 $0x1, s0;
	s4 =	sshll.u32 s10, $0x1  }
0x9: {  	[smem:$0x7FF] =	sst s5;
	s21 =	smul.u32 $0x9E00, s10;
	s26 =	sshll.u32 s10, $0x6  }
0xa: {  	s5 =	simm.s32 $0x0;
	s4 =	sor.u32 s0, s4;
	_ =	strace $0x8000004D  }
0xb: {  	s6 =	smul.u32 $0x27800, s0;
	s0 =	ssub.s32 $0x2, s0;
	s13 =	sor.u32 $0x1C09, s26  }
0xc: {  	s26 =	simm.s32 $0x3;
	s4 =	smul.u32 $0x4E2, s4;
	s7 =	sshrl.u32 s21, $0x3  }
0xd: {  	s22 =	sshrl.u32 s0, $0x1;
	s24 =	sadd.s32 s21, s3;
	s21 =	simm.s32 $0x2  }
0xe: {  	s7 =	sadd.s32 s7, s2;
	s0 =	ssub.s32 s0, s22;
	s14 =	sshrl.u32 s24, $0x3  }
0xf: {  	s24 =	simm.s32 $0xB130;
	s4 =	sadd.s32 s4, s2;
	s2 =	sadd.s32 s6, s2  }
0x10: {  	s6 =	smul.u32 $0x2780, s10;
	s8 =	sadd.s32 $0x17400, s7;
	s0 =	smax.u32 s0, $0x1  }
0x11: {  	s23 =	sadd.s32 $0x3800, s4;
	s4 =	sadd.s32 $0xD600, s4;
	[dreg:$0x6] =	wrdreg s0  }
0x12: {  	s9 =	sadd.s32 $0x2B000, s2;
	s2 =	simm.s32 $0x7;
	[dreg:$0x4] =	wrdreg s23  }
0x13: {  	s0 =	simm.s32 $0x8;
	[dreg:$0x5] =	wrdreg s4;
	s25 =	sor.u32 $0x8, s6  }
0x14: {  	s23 =	simm.s32 $0x7490;
	s4 =	simm.s32 $0x10;
	s25 =	sadd.s32 s9, s25  }
.LBB2_1:
0x15: {  	s7 =	simm.s32 $0x0;
	s10 =	rddreg [dreg:$0x4]  }
0x16: {  	[tilespmem:s7], [sflag:$0x9] =	stream.linear.gather [hbm4b:s10+s7], $0x2710, $0x38;
	[tilespmem:$0x16330] =	vst v63  }
0x17: {  	_ =	swait.ge [sflag:s11], $0x2710  }
0x18: {  	[sflag:s11] =	ssyncset.done $0x0  }
0x19: {  	s22 =	rddreg [dreg:$0x5];
	[sflag:s11] =	ssyncadd.s32 $0xFFFFD8F0  }
0x1a: {  	[tilespmem:s12], [sflag:$0x9] =	stream.linear.gather [hbm4b:s22+s7], $0x2710, $0x38;
	[tilespmem:$0x16330] =	vst v63  }
0x1b: {  	_ =	swait.ge [sflag:s11], $0x2710  }
0x1c: {  	[sflag:s11] =	ssyncset.done $0x0  }
0x1d: {  	s7 =	simm.s32 $0x0;
	[sflag:s11] =	ssyncadd.s32 $0xFFFFD8F0  }
0x1e: {  	v0 =	vld [tilespmem:s7+$0x0]  }
0x1f: {  	v1 =	vld [tilespmem:s7+$0x10]  }
0x20: {  	v2 =	vld [tilespmem:s7+$0x20]  }
0x21: {  	v3 =	vld [tilespmem:s7+$0x30]  }
0x22: {  	v4 =	vld [tilespmem:s7+$0x40]  }
0x23: {  	v0 =	vshll.u32 v0, $0x1  }
0x24: {  	v1 =	vshll.u32 v1, $0x1;
	[tilespmem:s7+$0x0] =	vst v0  }
0x25: {  	v5 =	vshll.u32 v2, $0x1;
	[tilespmem:s7+$0x10] =	vst v1  }
0x26: {  	v6 =	vshll.u32 v3, $0x1;
	[tilespmem:s7+$0x20] =	vst v5  }
0x27: {  	s10 =	simm.s32 $0x50;
	v7 =	vshll.u32 v4, $0x1;
	[tilespmem:s7+$0x30] =	vst v6  }
0x28: {  	v3 =	vor.u32 $0x1, v0;
	v2 =	vld [tilespmem:s10+$0x0];
	[tilespmem:s7+$0x40] =	vst v7  }
0x29: {  	v8 =	vor.u32 $0x1, v1;
	v0 =	vld [tilespmem:s10+$0x10];
	[tilespmem:s7+$0x2710] =	vst v3  }
0x2a: {  	s22 =	simm.s32 $0x280;
	v4 =	vor.u32 $0x1, v6;
	v3 =	vor.u32 $0x1, v5;
	v5 =	vor.u32 $0x1, v7;
	v1 =	vld [tilespmem:s10+$0x20];
	[tilespmem:s7+$0x2720] =	vst v8  }
.LBB2_2:
0x2b: {  	p0 =	sne.s32 s22, $0x9B00;
	v6 =	vld [tilespmem:s10+$0x30];
	[tilespmem:s7+$0x2730] =	vst v3  }
0x2c: {  	v7 =	vld [tilespmem:s10+$0x40];
	[tilespmem:s7+$0x2740] =	vst v4  }
0x2d: {  	v2 =	vshll.u32 v2, $0x1;
	[tilespmem:s7+$0x2750] =	vst v5;
	s7 =	smov.u32 s10  }
0x2e: {  	[tilespmem:s7+$0x0] =	vst v2;
	v8 =	vor.u32 $0x1, v2;
	v0 =	vshll.u32 v0, $0x1  }
0x2f: {  	[tilespmem:s7+$0x10] =	vst v0;
	v9 =	vor.u32 $0x1, v0;
	v0 =	vshll.u32 v1, $0x1  }
.Ltmp0:
0x30: {  	[tilespmem:s7+$0x20] =	vst v0;
	v3 =	vor.u32 $0x1, v0;
	v0 =	vshll.u32 v6, $0x1;
	(pc) =	sbr.rel @p0 .LBB2_2-.Ltmp0, $4  }
0x31: {  	s10 =	sshra.s32 s22, $0x2;
	[tilespmem:s7+$0x30] =	vst v0;
	v4 =	vor.u32 $0x1, v0;
	v0 =	vshll.u32 v7, $0x1  }
0x32: {  	v2 =	vld [tilespmem:s10+$0x0];
	[tilespmem:s7+$0x40] =	vst v0;
	v5 =	vor.u32 $0x1, v0  }
0x33: {  	v0 =	vld [tilespmem:s10+$0x10];
	[tilespmem:s7+$0x2710] =	vst v8  }
0x34: {  	s22 =	sadd.s32 $0x140, s22;
	v1 =	vld [tilespmem:s10+$0x20];
	[tilespmem:s7+$0x2720] =	vst v9  }
0x35: {  	v6 =	vld [tilespmem:s10+$0x30];
	[tilespmem:s7+$0x2730] =	vst v3  }
0x36: {  	v3 =	vld [tilespmem:s10+$0x40];
	[tilespmem:s7+$0x2740] =	vst v4  }
0x37: {  	[tilespmem:s7+$0x2750] =	vst v5;
	v2 =	vshll.u32 v2, $0x1  }
0x38: {  	[tilespmem:s10+$0x0] =	vst v2;
	v0 =	vshll.u32 v0, $0x1  }
0x39: {  	v2 =	vor.u32 $0x1, v2;
	[tilespmem:s10+$0x10] =	vst v0  }
0x3a: {  	v1 =	vshll.u32 v1, $0x1;
	[tilespmem:s10+$0x2710] =	vst v2  }
0x3b: {  	v0 =	vor.u32 $0x1, v0;
	[tilespmem:s10+$0x20] =	vst v1  }
0x3c: {  	v61 =	vshll.u32 v6, $0x1;
	[tilespmem:s10+$0x2720] =	vst v0  }
0x3d: {  	v1 =	vor.u32 $0x1, v1;
	[tilespmem:s10+$0x30] =	vst v61  }
0x3e: {  	v3 =	vshll.u32 v3, $0x1;
	[tilespmem:s10+$0x2730] =	vst v1  }
0x3f: {  	v62 =	vor.u32 $0x1, v61;
	[tilespmem:s10+$0x40] =	vst v3  }
0x40: {  	v63 =	vor.u32 $0x1, v3;
	[tilespmem:s10+$0x2740] =	vst v62  }
0x41: {  	[tilespmem:s10+$0x2750] =	vst v63  }
0x42: {  	[spmem:s14], [sflag:s13] =	dma.local [hbm:s8], $0x13C0  }
0x43: {  	_ =	swait.ge [sflag:s11], $0x13C0  }
0x44: {  	[sflag:s11] =	ssyncset.done $0x0  }
0x45: {  	[sflag:s11] =	ssyncadd.s32 $0xFFFFEC40  }
0x46: {  	s22 =	simm.s32 $0x0;
	[bflag:$0x0] =	sbarrier.arrive $0xFFFF  }
0x47: {  	[tilespmem:s16], [sflag:$0x1] =	stream.indirect.gather [hbm4b:s1+s15], $0x40, s22, s15, $0xb8;
	[tilespmem:$0x16330] =	vst v63  }
0x48: {  	_ = 	snop  }
0x49: {  	[tilespmem:s17], [sflag:$0x2] =	stream.indirect.gather [hbm4b:s1+s15], $0x40, s15, s15, $0xb8;
	[tilespmem:$0x16330] =	vst v63  }
0x4a: {  	_ =	swait.ge [sflag:s18], $0x1400  }
0x4b: {  	[sflag:s18] =	ssyncset.done $0x0  }
0x4c: {  	[sflag:s18] =	ssyncadd.s32 $0xFFFFEC00  }
0x4d: {  	[spmem:s3] =	stream.indirect.scatter.add.f32 [tilespmem:s16], [sflag:$0x5], $0x40, s12, s15, $0xb8;
	[tilespmem:$0x16330] =	vst v63  }
0x4e: {  	s10 =	simm.s32 $0xA0  }
0x4f: {  	[tilespmem:s20], [sflag:$0x3] =	stream.indirect.gather [hbm4b:s1+s15], $0x40, s10, s15, $0xb8;
	[tilespmem:$0x16330] =	vst v63  }
0x50: {  	_ =	swait.ge [sflag:s21], $0x1400  }
0x51: {  	[sflag:s21] =	ssyncset.done $0x0  }
0x52: {  	s22 =	simm.s32 $0x4E70;
	[sflag:s21] =	ssyncadd.s32 $0xFFFFEC00  }
0x53: {  	[spmem:s3] =	stream.indirect.scatter.add.f32 [tilespmem:s17], [sflag:$0x6], $0x40, s22, s15, $0xb8;
	[tilespmem:$0x16330] =	vst v63  }
0x54: {  	s10 =	simm.s32 $0xF0  }
0x55: {  	[tilespmem:s24], [sflag:$0x4] =	stream.indirect.gather [hbm4b:s1+s15], $0x40, s10, s15, $0xb8;
	[tilespmem:$0x16330] =	vst v63  }
0x56: {  	_ =	swait.ge [sflag:s26], $0x1400  }
0x57: {  	[sflag:s26] =	ssyncset.done $0x0  }
0x58: {  	[sflag:s26] =	ssyncadd.s32 $0xFFFFEC00  }
0x59: {  	[spmem:s3] =	stream.indirect.scatter.add.f32 [tilespmem:s20], [sflag:$0x7], $0x40, s28, s15, $0xb8;
	[tilespmem:$0x16330] =	vst v63  }
0x5a: {  	_ =	swait.ge [sflag:s29], $0x1400  }
0x5b: {  	[sflag:s29] =	ssyncset.done $0x0  }
0x5c: {  	s22 =	simm.s32 $0x140;
	[sflag:s29] =	ssyncadd.s32 $0xFFFFEC00  }
0x5d: {  	[tilespmem:s16], [sflag:$0x1] =	stream.indirect.gather [hbm4b:s1+s15], $0x40, s22, s15, $0xb8;
	[tilespmem:$0x16330] =	vst v63  }
0x5e: {  	_ =	swait.ge [sflag:s30], $0x1400  }
0x5f: {  	[sflag:s30] =	ssyncset.done $0x0  }
0x60: {  	s10 =	simm.s32 $0x4F10;
	[sflag:s30] =	ssyncadd.s32 $0xFFFFEC00  }
0x61: {  	[spmem:s3] =	stream.indirect.scatter.add.f32 [tilespmem:s24], [sflag:$0x8], $0x40, s10, s15, $0xb8;
	[tilespmem:$0x16330] =	vst v63  }
0x62: {  	_ =	swait.ge [sflag:s31], $0x1400  }
0x63: {  	[sflag:s31] =	ssyncset.done $0x0  }
0x64: {  	s22 =	simm.s32 $0x190;
	[sflag:s31] =	ssyncadd.s32 $0xFFFFEC00  }
0x65: {  	[tilespmem:s17], [sflag:$0x2] =	stream.indirect.gather [hbm4b:s1+s15], $0x40, s22, s15, $0xb8;
	[tilespmem:$0x16330] =	vst v63  }
0x66: {  	_ =	swait.ge [sflag:s18], $0x1400  }
0x67: {  	[sflag:s18] =	ssyncset.done $0x0  }
0x68: {  	s10 =	simm.s32 $0x4F60;
	[sflag:s18] =	ssyncadd.s32 $0xFFFFEC00  }
0x69: {  	[spmem:s3] =	stream.indirect.scatter.add.f32 [tilespmem:s16], [sflag:$0x5], $0x40, s10, s15, $0xb8;
	[tilespmem:$0x16330] =	vst v63  }
0x6a: {  	_ =	swait.ge [sflag:s2], $0x1400  }
0x6b: {  	[sflag:s2] =	ssyncset.done $0x0  }
0x6c: {  	s22 =	simm.s32 $0x1E0;
	[sflag:s2] =	ssyncadd.s32 $0xFFFFEC00  }
0x6d: {  	[tilespmem:s20], [sflag:$0x3] =	stream.indirect.gather [hbm4b:s1+s15], $0x40, s22, s15, $0xb8;
	[tilespmem:$0x16330] =	vst v63  }
0x6e: {  	_ =	swait.ge [sflag:s21], $0x1400  }
0x6f: {  	[sflag:s21] =	ssyncset.done $0x0  }
0x70: {  	s10 =	simm.s32 $0x4FB0;
	[sflag:s21] =	ssyncadd.s32 $0xFFFFEC00  }
0x71: {  	[spmem:s3] =	stream.indirect.scatter.add.f32 [tilespmem:s17], [sflag:$0x6], $0x40, s10, s15, $0xb8;
	[tilespmem:$0x16330] =	vst v63  }
0x72: {  	_ =	swait.ge [sflag:s0], $0x1400  }
0x73: {  	[sflag:s0] =	ssyncset.done $0x0  }
0x74: {  	s22 =	simm.s32 $0x230;
	[sflag:s0] =	ssyncadd.s32 $0xFFFFEC00  }
0x75: {  	[tilespmem:s24], [sflag:$0x4] =	stream.indirect.gather [hbm4b:s1+s15], $0x40, s22, s15, $0xb8;
	[tilespmem:$0x16330] =	vst v63  }
0x76: {  	_ =	swait.ge [sflag:s26], $0x1400  }
0x77: {  	[sflag:s26] =	ssyncset.done $0x0  }
0x78: {  	s7 =	simm.s32 $0x500;
	s10 =	simm.s32 $0x5000;
	[sflag:s26] =	ssyncadd.s32 $0xFFFFEC00  }
.LBB2_4:
0x79: {  	[spmem:s3] =	stream.indirect.scatter.add.f32 [tilespmem:s20], [sflag:$0x7], $0x40, s10, s15, $0xb8;
	[tilespmem:$0x16330] =	vst v63  }
0x7a: {  	s10 =	smov.u32 s7  }
0x7b: {  	p0 =	sne.s32 s7, $0x9100;
	s7 =	sadd.s32 $0x500, s7;
	_ =	swait.ge [sflag:s29], $0x1400  }
0x7c: {  	s10 =	sshra.s32 s10, $0x2;
	[sflag:s29] =	ssyncset.done $0x0  }
0x7d: {  	s22 =	sadd.s32 $0x140, s10;
	[sflag:s29] =	ssyncadd.s32 $0xFFFFEC00  }
0x7e: {  	[tilespmem:s16], [sflag:$0x1] =	stream.indirect.gather [hbm4b:s1+s15], $0x40, s22, s15, $0xb8;
	[tilespmem:$0x16330] =	vst v63  }
0x7f: {  	_ =	swait.ge [sflag:s30], $0x1400  }
0x80: {  	[sflag:s30] =	ssyncset.done $0x0  }
0x81: {  	s22 =	sadd.s32 $0x4F10, s10;
	[sflag:s30] =	ssyncadd.s32 $0xFFFFEC00  }
0x82: {  	[spmem:s3] =	stream.indirect.scatter.add.f32 [tilespmem:s24], [sflag:$0x8], $0x40, s22, s15, $0xb8;
	[tilespmem:$0x16330] =	vst v63  }
0x83: {  	_ =	swait.ge [sflag:s31], $0x1400  }
0x84: {  	[sflag:s31] =	ssyncset.done $0x0  }
0x85: {  	s22 =	sadd.s32 $0x190, s10;
	[sflag:s31] =	ssyncadd.s32 $0xFFFFEC00  }
0x86: {  	[tilespmem:s17], [sflag:$0x2] =	stream.indirect.gather [hbm4b:s1+s15], $0x40, s22, s15, $0xb8;
	[tilespmem:$0x16330] =	vst v63  }
0x87: {  	_ =	swait.ge [sflag:s18], $0x1400  }
0x88: {  	[sflag:s18] =	ssyncset.done $0x0  }
0x89: {  	s22 =	sadd.s32 $0x4F60, s10;
	[sflag:s18] =	ssyncadd.s32 $0xFFFFEC00  }
0x8a: {  	[spmem:s3] =	stream.indirect.scatter.add.f32 [tilespmem:s16], [sflag:$0x5], $0x40, s22, s15, $0xb8;
	[tilespmem:$0x16330] =	vst v63  }
0x8b: {  	_ =	swait.ge [sflag:s2], $0x1400  }
0x8c: {  	[sflag:s2] =	ssyncset.done $0x0  }
0x8d: {  	s22 =	sadd.s32 $0x1E0, s10;
	[sflag:s2] =	ssyncadd.s32 $0xFFFFEC00  }
0x8e: {  	[tilespmem:s20], [sflag:$0x3] =	stream.indirect.gather [hbm4b:s1+s15], $0x40, s22, s15, $0xb8;
	[tilespmem:$0x16330] =	vst v63  }
0x8f: {  	_ =	swait.ge [sflag:s21], $0x1400  }
0x90: {  	[sflag:s21] =	ssyncset.done $0x0  }
0x91: {  	s22 =	sadd.s32 $0x4FB0, s10;
	[sflag:s21] =	ssyncadd.s32 $0xFFFFEC00  }
0x92: {  	[spmem:s3] =	stream.indirect.scatter.add.f32 [tilespmem:s17], [sflag:$0x6], $0x40, s22, s15, $0xb8;
	[tilespmem:$0x16330] =	vst v63  }
0x93: {  	_ =	swait.ge [sflag:s0], $0x1400  }
0x94: {  	[sflag:s0] =	ssyncset.done $0x0  }
.Ltmp1:
0x95: {  	s22 =	sadd.s32 $0x230, s10;
	[sflag:s0] =	ssyncadd.s32 $0xFFFFEC00;
	(pc) =	sbr.rel @p0 .LBB2_4-.Ltmp1, $4  }
0x96: {  	[tilespmem:s24], [sflag:$0x4] =	stream.indirect.gather [hbm4b:s1+s15], $0x40, s22, s15, $0xb8;
	[tilespmem:$0x16330] =	vst v63  }
0x97: {  	_ =	swait.ge [sflag:s26], $0x1400  }
0x98: {  	[sflag:s26] =	ssyncset.done $0x0  }
0x99: {  	s10 =	sadd.s32 $0x5000, s10;
	[sflag:s26] =	ssyncadd.s32 $0xFFFFEC00  }
0x9a: {  	[spmem:s3] =	stream.indirect.scatter.add.f32 [tilespmem:s20], [sflag:$0x7], $0x40, s10, s15, $0xb8;
	[tilespmem:$0x16330] =	vst v63  }
0x9b: {  	_ =	swait.ge [sflag:s29], $0x1400  }
0x9c: {  	[sflag:s29] =	ssyncset.done $0x0  }
0x9d: {  	s7 =	simm.s32 $0x26C0;
	[sflag:s29] =	ssyncadd.s32 $0xFFFFEC00  }
0x9e: {  	[tilespmem:s16], [sflag:$0x1] =	stream.indirect.gather [hbm4b:s1+s15], $0x40, s7, s15, $0xb8;
	[tilespmem:$0x16330] =	vst v63  }
0x9f: {  	_ =	swait.ge [sflag:s30], $0x1400  }
0xa0: {  	[sflag:s30] =	ssyncset.done $0x0  }
0xa1: {  	[sflag:s30] =	ssyncadd.s32 $0xFFFFEC00  }
0xa2: {  	[spmem:s3] =	stream.indirect.scatter.add.f32 [tilespmem:s24], [sflag:$0x8], $0x40, s23, s15, $0xb8;
	[tilespmem:$0x16330] =	vst v63  }
0xa3: {  	_ =	swait.ge [sflag:s18], $0x1400  }
0xa4: {  	[sflag:s18] =	ssyncset.done $0x0  }
0xa5: {  	[sflag:s18] =	ssyncadd.s32 $0xFFFFEC00  }
0xa6: {  	[spmem:s3] =	stream.indirect.scatter.add.f32 [tilespmem:s16], [sflag:$0x5], $0x40, s19, s15, $0xb8;
	[tilespmem:$0x16330] =	vst v63  }
0xa7: {  	_ =	swait.ge [sflag:s31], $0x1400  }
0xa8: {  	[sflag:s31] =	ssyncset.done $0x0  }
0xa9: {  	[sflag:s31] =	ssyncadd.s32 $0xFFFFEC00  }
0xaa: {  	_ =	swait.ge [sflag:s2], $0x1400  }
0xab: {  	[sflag:s2] =	ssyncset.done $0x0  }
0xac: {  	[sflag:s2] =	ssyncadd.s32 $0xFFFFEC00  }
0xad: {  	_ =	swait.ge [sflag:s0], $0x1400  }
0xae: {  	[sflag:s0] =	ssyncset.done $0x0  }
0xaf: {  	[sflag:s0] =	ssyncadd.s32 $0xFFFFEC00  }
0xb0: {  	_ =	swait.ge [sflag:s29], $0x1400  }
0xb1: {  	[sflag:s29] =	ssyncset.done $0x0  }
0xb2: {  	[sflag:s29] =	ssyncadd.s32 $0xFFFFEC00  }
0xb3: {  	s22 =	sadd.s32 s6, s9;
	[bflag:$0x0] =	sbarrier.arrive $0xFFFF  }
0xb4: {  	[hbm:s22@s4], [sflag:s13] =	dma.strided [spmem:s14@s0], $0x13C0, s18, $0x8   }
0xb5: {  	_ =	swait.ge [sflag:s11], $0x13C0  }
0xb6: {  	[sflag:s11] =	ssyncset.done $0x0  }
0xb7: {  	[sflag:s11] =	ssyncadd.s32 $0xFFFFEC40  }
0xb8: {  	[spmem:s14], [sflag:s13] =	dma.local [hbm:s8], $0x13C0  }
0xb9: {  	_ =	swait.ge [sflag:s11], $0x13C0  }
0xba: {  	[sflag:s11] =	ssyncset.done $0x0  }
0xbb: {  	[sflag:s11] =	ssyncadd.s32 $0xFFFFEC40  }
0xbc: {  	s10 =	simm.s32 $0x2710;
	[bflag:$0x0] =	sbarrier.arrive $0xFFFF  }
0xbd: {  	[tilespmem:s16], [sflag:$0x1] =	stream.indirect.gather [hbm4b:s1+s15], $0x40, s10, s15, $0xb8;
	[tilespmem:$0x16330] =	vst v63  }
0xbe: {  	s22 =	simm.s32 $0x2760  }
0xbf: {  	[tilespmem:s17], [sflag:$0x2] =	stream.indirect.gather [hbm4b:s1+s15], $0x40, s22, s15, $0xb8;
	[tilespmem:$0x16330] =	vst v63  }
0xc0: {  	_ =	swait.ge [sflag:s18], $0x1400  }
0xc1: {  	[sflag:s18] =	ssyncset.done $0x0  }
0xc2: {  	[sflag:s18] =	ssyncadd.s32 $0xFFFFEC00  }
0xc3: {  	[spmem:s3] =	stream.indirect.scatter.add.f32 [tilespmem:s16], [sflag:$0x5], $0x40, s12, s15, $0xb8;
	[tilespmem:$0x16330] =	vst v63  }
0xc4: {  	s10 =	simm.s32 $0x27B0  }
0xc5: {  	[tilespmem:s20], [sflag:$0x3] =	stream.indirect.gather [hbm4b:s1+s15], $0x40, s10, s15, $0xb8;
	[tilespmem:$0x16330] =	vst v63  }
0xc6: {  	_ =	swait.ge [sflag:s21], $0x1400  }
0xc7: {  	[sflag:s21] =	ssyncset.done $0x0  }
0xc8: {  	s22 =	simm.s32 $0x4E70;
	[sflag:s21] =	ssyncadd.s32 $0xFFFFEC00  }
0xc9: {  	[spmem:s3] =	stream.indirect.scatter.add.f32 [tilespmem:s17], [sflag:$0x6], $0x40, s22, s15, $0xb8;
	[tilespmem:$0x16330] =	vst v63  }
0xca: {  	s10 =	simm.s32 $0x2800  }
0xcb: {  	[tilespmem:s24], [sflag:$0x4] =	stream.indirect.gather [hbm4b:s1+s15], $0x40, s10, s15, $0xb8;
	[tilespmem:$0x16330] =	vst v63  }
0xcc: {  	_ =	swait.ge [sflag:s26], $0x1400  }
0xcd: {  	[sflag:s26] =	ssyncset.done $0x0  }
0xce: {  	[sflag:s26] =	ssyncadd.s32 $0xFFFFEC00  }
0xcf: {  	[spmem:s3] =	stream.indirect.scatter.add.f32 [tilespmem:s20], [sflag:$0x7], $0x40, s28, s15, $0xb8;
	[tilespmem:$0x16330] =	vst v63  }
0xd0: {  	_ =	swait.ge [sflag:s29], $0x1400  }
0xd1: {  	[sflag:s29] =	ssyncset.done $0x0  }
0xd2: {  	s22 =	simm.s32 $0x2850;
	[sflag:s29] =	ssyncadd.s32 $0xFFFFEC00  }
0xd3: {  	[tilespmem:s16], [sflag:$0x1] =	stream.indirect.gather [hbm4b:s1+s15], $0x40, s22, s15, $0xb8;
	[tilespmem:$0x16330] =	vst v63  }
0xd4: {  	_ =	swait.ge [sflag:s30], $0x1400  }
0xd5: {  	[sflag:s30] =	ssyncset.done $0x0  }
0xd6: {  	s10 =	simm.s32 $0x4F10;
	[sflag:s30] =	ssyncadd.s32 $0xFFFFEC00  }
0xd7: {  	[spmem:s3] =	stream.indirect.scatter.add.f32 [tilespmem:s24], [sflag:$0x8], $0x40, s10, s15, $0xb8;
	[tilespmem:$0x16330] =	vst v63  }
0xd8: {  	_ =	swait.ge [sflag:s31], $0x1400  }
0xd9: {  	[sflag:s31] =	ssyncset.done $0x0  }
0xda: {  	s22 =	simm.s32 $0x28A0;
	[sflag:s31] =	ssyncadd.s32 $0xFFFFEC00  }
0xdb: {  	[tilespmem:s17], [sflag:$0x2] =	stream.indirect.gather [hbm4b:s1+s15], $0x40, s22, s15, $0xb8;
	[tilespmem:$0x16330] =	vst v63  }
0xdc: {  	_ =	swait.ge [sflag:s18], $0x1400  }
0xdd: {  	[sflag:s18] =	ssyncset.done $0x0  }
0xde: {  	s10 =	simm.s32 $0x4F60;
	[sflag:s18] =	ssyncadd.s32 $0xFFFFEC00  }
0xdf: {  	[spmem:s3] =	stream.indirect.scatter.add.f32 [tilespmem:s16], [sflag:$0x5], $0x40, s10, s15, $0xb8;
	[tilespmem:$0x16330] =	vst v63  }
0xe0: {  	_ =	swait.ge [sflag:s2], $0x1400  }
0xe1: {  	[sflag:s2] =	ssyncset.done $0x0  }
0xe2: {  	s22 =	simm.s32 $0x28F0;
	[sflag:s2] =	ssyncadd.s32 $0xFFFFEC00  }
0xe3: {  	[tilespmem:s20], [sflag:$0x3] =	stream.indirect.gather [hbm4b:s1+s15], $0x40, s22, s15, $0xb8;
	[tilespmem:$0x16330] =	vst v63  }
0xe4: {  	_ =	swait.ge [sflag:s21], $0x1400  }
0xe5: {  	[sflag:s21] =	ssyncset.done $0x0  }
0xe6: {  	s10 =	simm.s32 $0x4FB0;
	[sflag:s21] =	ssyncadd.s32 $0xFFFFEC00  }
0xe7: {  	[spmem:s3] =	stream.indirect.scatter.add.f32 [tilespmem:s17], [sflag:$0x6], $0x40, s10, s15, $0xb8;
	[tilespmem:$0x16330] =	vst v63  }
0xe8: {  	_ =	swait.ge [sflag:s0], $0x1400  }
0xe9: {  	[sflag:s0] =	ssyncset.done $0x0  }
0xea: {  	s22 =	simm.s32 $0x2940;
	[sflag:s0] =	ssyncadd.s32 $0xFFFFEC00  }
0xeb: {  	[tilespmem:s24], [sflag:$0x4] =	stream.indirect.gather [hbm4b:s1+s15], $0x40, s22, s15, $0xb8;
	[tilespmem:$0x16330] =	vst v63  }
0xec: {  	_ =	swait.ge [sflag:s26], $0x1400  }
0xed: {  	[sflag:s26] =	ssyncset.done $0x0  }
0xee: {  	s7 =	simm.s32 $0x500;
	s10 =	simm.s32 $0x5000;
	[sflag:s26] =	ssyncadd.s32 $0xFFFFEC00  }
.LBB2_6:
0xef: {  	[spmem:s3] =	stream.indirect.scatter.add.f32 [tilespmem:s20], [sflag:$0x7], $0x40, s10, s15, $0xb8;
	[tilespmem:$0x16330] =	vst v63  }
0xf0: {  	s10 =	smov.u32 s7  }
0xf1: {  	p0 =	sne.s32 s7, $0x9100;
	s7 =	sadd.s32 $0x500, s7;
	_ =	swait.ge [sflag:s29], $0x1400  }
0xf2: {  	s10 =	sshra.s32 s10, $0x2;
	[sflag:s29] =	ssyncset.done $0x0  }
0xf3: {  	s22 =	sadd.s32 $0x2850, s10;
	[sflag:s29] =	ssyncadd.s32 $0xFFFFEC00  }
0xf4: {  	[tilespmem:s16], [sflag:$0x1] =	stream.indirect.gather [hbm4b:s1+s15], $0x40, s22, s15, $0xb8;
	[tilespmem:$0x16330] =	vst v63  }
0xf5: {  	_ =	swait.ge [sflag:s30], $0x1400  }
0xf6: {  	[sflag:s30] =	ssyncset.done $0x0  }
0xf7: {  	s22 =	sadd.s32 $0x4F10, s10;
	[sflag:s30] =	ssyncadd.s32 $0xFFFFEC00  }
0xf8: {  	[spmem:s3] =	stream.indirect.scatter.add.f32 [tilespmem:s24], [sflag:$0x8], $0x40, s22, s15, $0xb8;
	[tilespmem:$0x16330] =	vst v63  }
0xf9: {  	_ =	swait.ge [sflag:s31], $0x1400  }
0xfa: {  	[sflag:s31] =	ssyncset.done $0x0  }
0xfb: {  	s22 =	sadd.s32 $0x28A0, s10;
	[sflag:s31] =	ssyncadd.s32 $0xFFFFEC00  }
0xfc: {  	[tilespmem:s17], [sflag:$0x2] =	stream.indirect.gather [hbm4b:s1+s15], $0x40, s22, s15, $0xb8;
	[tilespmem:$0x16330] =	vst v63  }
0xfd: {  	_ =	swait.ge [sflag:s18], $0x1400  }
0xfe: {  	[sflag:s18] =	ssyncset.done $0x0  }
0xff: {  	s22 =	sadd.s32 $0x4F60, s10;
	[sflag:s18] =	ssyncadd.s32 $0xFFFFEC00  }
0x100: {  	[spmem:s3] =	stream.indirect.scatter.add.f32 [tilespmem:s16], [sflag:$0x5], $0x40, s22, s15, $0xb8;
	[tilespmem:$0x16330] =	vst v63  }
0x101: {  	_ =	swait.ge [sflag:s2], $0x1400  }
0x102: {  	[sflag:s2] =	ssyncset.done $0x0  }
0x103: {  	s22 =	sadd.s32 $0x28F0, s10;
	[sflag:s2] =	ssyncadd.s32 $0xFFFFEC00  }
0x104: {  	[tilespmem:s20], [sflag:$0x3] =	stream.indirect.gather [hbm4b:s1+s15], $0x40, s22, s15, $0xb8;
	[tilespmem:$0x16330] =	vst v63  }
0x105: {  	_ =	swait.ge [sflag:s21], $0x1400  }
0x106: {  	[sflag:s21] =	ssyncset.done $0x0  }
0x107: {  	s22 =	sadd.s32 $0x4FB0, s10;
	[sflag:s21] =	ssyncadd.s32 $0xFFFFEC00  }
0x108: {  	[spmem:s3] =	stream.indirect.scatter.add.f32 [tilespmem:s17], [sflag:$0x6], $0x40, s22, s15, $0xb8;
	[tilespmem:$0x16330] =	vst v63  }
0x109: {  	_ =	swait.ge [sflag:s0], $0x1400  }
0x10a: {  	[sflag:s0] =	ssyncset.done $0x0  }
.Ltmp2:
0x10b: {  	s22 =	sadd.s32 $0x2940, s10;
	[sflag:s0] =	ssyncadd.s32 $0xFFFFEC00;
	(pc) =	sbr.rel @p0 .LBB2_6-.Ltmp2, $4  }
0x10c: {  	[tilespmem:s24], [sflag:$0x4] =	stream.indirect.gather [hbm4b:s1+s15], $0x40, s22, s15, $0xb8;
	[tilespmem:$0x16330] =	vst v63  }
0x10d: {  	_ =	swait.ge [sflag:s26], $0x1400  }
0x10e: {  	[sflag:s26] =	ssyncset.done $0x0  }
0x10f: {  	s10 =	sadd.s32 $0x5000, s10;
	[sflag:s26] =	ssyncadd.s32 $0xFFFFEC00  }
0x110: {  	[spmem:s3] =	stream.indirect.scatter.add.f32 [tilespmem:s20], [sflag:$0x7], $0x40, s10, s15, $0xb8;
	[tilespmem:$0x16330] =	vst v63  }
0x111: {  	_ =	swait.ge [sflag:s29], $0x1400  }
0x112: {  	[sflag:s29] =	ssyncset.done $0x0  }
0x113: {  	s7 =	simm.s32 $0x4DD0;
	[sflag:s29] =	ssyncadd.s32 $0xFFFFEC00  }
0x114: {  	[tilespmem:s16], [sflag:$0x1] =	stream.indirect.gather [hbm4b:s1+s15], $0x40, s7, s15, $0xb8;
	[tilespmem:$0x16330] =	vst v63  }
0x115: {  	_ =	swait.ge [sflag:s30], $0x1400  }
0x116: {  	[sflag:s30] =	ssyncset.done $0x0  }
0x117: {  	[sflag:s30] =	ssyncadd.s32 $0xFFFFEC00  }
0x118: {  	[spmem:s3] =	stream.indirect.scatter.add.f32 [tilespmem:s24], [sflag:$0x8], $0x40, s23, s15, $0xb8;
	[tilespmem:$0x16330] =	vst v63  }
0x119: {  	_ =	swait.ge [sflag:s18], $0x1400  }
0x11a: {  	[sflag:s18] =	ssyncset.done $0x0  }
0x11b: {  	[sflag:s18] =	ssyncadd.s32 $0xFFFFEC00  }
0x11c: {  	[spmem:s3] =	stream.indirect.scatter.add.f32 [tilespmem:s16], [sflag:$0x5], $0x40, s19, s15, $0xb8;
	[tilespmem:$0x16330] =	vst v63  }
0x11d: {  	_ =	swait.ge [sflag:s31], $0x1400  }
0x11e: {  	[sflag:s31] =	ssyncset.done $0x0  }
0x11f: {  	[sflag:s31] =	ssyncadd.s32 $0xFFFFEC00  }
0x120: {  	_ =	swait.ge [sflag:s2], $0x1400  }
0x121: {  	[sflag:s2] =	ssyncset.done $0x0  }
0x122: {  	[sflag:s2] =	ssyncadd.s32 $0xFFFFEC00  }
0x123: {  	_ =	swait.ge [sflag:s0], $0x1400  }
0x124: {  	[sflag:s0] =	ssyncset.done $0x0  }
0x125: {  	[sflag:s0] =	ssyncadd.s32 $0xFFFFEC00  }
0x126: {  	_ =	swait.ge [sflag:s29], $0x1400  }
0x127: {  	[sflag:s29] =	ssyncset.done $0x0  }
0x128: {  	[sflag:s29] =	ssyncadd.s32 $0xFFFFEC00  }
0x129: {  	[bflag:$0x0] =	sbarrier.arrive $0xFFFF  }
0x12a: {  	[hbm:s25@s4], [sflag:s13] =	dma.strided [spmem:s14@s0], $0x13C0, s18, $0x8   }
0x12b: {  	_ =	swait.ge [sflag:s11], $0x13C0  }
0x12c: {  	s5 =	sadd.s32 $0x1, s5;
	s22 =	rddreg [dreg:$0x6]  }
0x12d: {  	p0 =	sne.s32 s5, s22  }
.Ltmp3:
0x12e: {  	_ = 	snop;
	(pc) =	sbr.rel @p0 .LBB2_1-.Ltmp3, $3  }
0x12f: {  	_ =	sdelay $0x1  }
0x130: {  	[sflag:s11] =	ssyncset.done $0x0  }
0x131: {  	[sflag:s11] =	ssyncadd.s32 $0xFFFFEC40  }
0x132: {  	_ =	sfence.sel $0x180000  }
0x133: {  	[bflag:$0x0] =	sbarrier.arrive $0xFFFF  }
0x134: {  	_ =	strace $0x9000004D  }
0x135: {  	s0 =	stileid.u32;
	[bflag:$0x2] =	sbarrier.arrive $0xFFFF  }
0x136: {  	p0 =	sne.s32 s0, $0x0;
	s0 =	rddreg [dreg:$0x3]  }
0x137: {  	s0 =	sadd.s32 @!p0 $0x100000, s0  }
0x138: {  	[sflag:s0] =	ssyncadd.tile.s32 @!p0 $0x1;
	_ =	shalt  }
.Lfunc_end2:
_tile_overlayer_lowered:
.L_overlay_start_2:
0x139: {  	(tag) =	ssettag $0x2  }
0x13a: {  	s0 =	rddreg [dreg:$0x0];
	s2 =	stileid.u32  }
0x13b: {  	s1 =	rddreg [dreg:$0x1];
	p0 =	sne.s32 s2, $0x0  }
0x13c: {  	s3 =	rddreg [dreg:$0x2];
	[bflag:$0x3] =	sbarrier.arrive $0xFFFF;
	s2 =	simm.s32 @!p0 $0x1C09  }
0x13d: {  	[timem:s3], [sflag:s2] =	dma.local @!p0 [hbm:s0], s1  }
0x13e: {  	s0 =	simm.s32 @!p0 $0x9  }
0x13f: {  	_ =	swait.ge @!p0 [sflag:s0], s1  }
0x140: {  	s1 =	ssub.s32 @!p0 $0x0, s1;
	[sflag:s0] =	ssyncset.done @!p0 $0x0  }
0x141: {  	[sflag:s0] =	ssyncadd.s32 @!p0 s1  }
0x142: {  	[bflag:$0x3] =	sbarrier.arrive $0xFFFF  }
0x143: {  	_ =	shalt  }

// kernel: kernel.8.cloned.1.call-start
scs
__scs_entry_jumppad:
0x0: {  	(pc) =	sbr.rel $0x88, $3  }
0x1: {  	(tag) =	ssettag $0x0;
	lr =	simm.s32 $0x1  }
0x2: {  	[smem:$0x3F93] =	sst lr;
	_ =	strace $0xD0000000  }
0x3: {  	_ = 	snop  }
0x4: {  	_ = 	snop  }
0x5: {  	_ = 	snop  }
0x6: {  	_ = 	snop  }
0x7: {  	_ = 	snop  }
__scs_overlays_trampoline_lowered:
0x8: {  	[smem:$0x3FA2] =	sst s0  }
0x9: {  	[smem:$0x3FA3] =	sst s1  }
0xa: {  	[smem:$0x3FA4] =	sst s2  }
0xb: {  	[smem:$0x3FA5] =	sst s3  }
0xc: {  	[smem:$0x3FA6] =	sst s4  }
0xd: {  	[smem:$0x3FA7] =	sst s5  }
0xe: {  	[smem:$0x3FA8] =	sst s6  }
0xf: {  	[smem:$0x3FA9] =	sst s7  }
0x10: {  	[smem:$0x3FAA] =	sst s8  }
0x11: {  	[smem:$0x3FAB] =	sst s9;
	s0 =	simm.s32 @!p0 $0x0  }
0x12: {  	s1 =	sld [smem:$0x3F91];
	s0 =	simm.s32 @p0 $0x1  }
0x13: {  	[smem:$0x3FAC] =	sst s0;
	s0 =	simm.s32 @!p1 $0x0  }
0x14: {  	s2 =	sld [smem:$0x3F90];
	s0 =	simm.s32 @p1 $0x1  }
0x15: {  	[smem:$0x3FAD] =	sst s0;
	s0 =	simm.s32 @!p2 $0x0  }
0x16: {  	s3 =	sld [smem:$0x3FDB];
	s0 =	simm.s32 @p2 $0x1  }
0x17: {  	s4 =	simm.s32 $0x1BF5;
	[smem:$0x3FAF] =	sst s0  }
0x18: {  	s0 =	sld [smem:$0x3F92];
	_ =	swait.ge [sflag:s4], $0x0  }
0x19: {  	s7 =	sld [smem:$0x3F93]  }
0x1a: {  	s8 =	sadd.s32 $0xFFFFE003, lr  }
0x1b: {  	s9 =	sadd.s32 $0xFFFFFEF7, lr;
	s5 =	simm.s32 $0xFFFFFFFF;
	p2 =	slt.u32 s8, $0xFFFFF086  }
0x1c: {  	p1 =	slt.u32 s9, $0xF7A;
	s5 =	simm.s32 @!p2 $0x0  }
0x1d: {  	s5 =	simm.s32 @p1 $0x1;
	p0 =	seq.s32 s7, s2  }
0x1e: {  	s7 =	smul.u32 @!p0 $0xF7A, s2;
	p2 =	seq.s32 @!p0 s5, $0x0  }
0x1f: {  	s9 =	smul.u32 $0xF7A, s1;
	s8 =	simm.s32 @!p0 $0x1BF5;
	p2 =	por !p2, p0  }
0x20: {  	[sflag:s8] =	ssyncset.s32 @!p0 $0xFFFFF086;
	s6 =	sadd.s32 @!p0 s3, s7;
	s7 =	simm.s32 @!p0 $0x108  }
0x21: {  	s3 =	sadd.s32 s3, s9;
	s6 =	sadd.s32 @!p0 $0x88, s6;
	s7 =	simm.s32 @p2 $0x1082  }
0x22: {  	[simem:s7], [sflag:s8] =	dma.local @!p0 [hbm:s6], $0xF7A  }
0x23: {  	s9 =	sor.u32 $0xD0000000, s2;
	s6 =	simm.s32 $0x108;
	_ =	swait.ge @!p0 [sflag:s8], $0x0  }
0x24: {  	s3 =	sadd.s32 $0x88, s3;
	s6 =	simm.s32 @!p1 $0x1082;
	[sflag:s4] =	ssyncset.s32 $0xFFFFF086  }
0x25: {  	[simem:s6], [sflag:s4] =	dma.local [hbm:s3], $0xF7A  }
0x26: {  	[smem:$0x3F93] =	sst s1;
	(tag) =	ssettag s2;
	_ =	strace s9  }
0x27: {  	s1 =	sld [smem:$0x3FA3]  }
0x28: {  	s2 =	sld [smem:$0x3FA4]  }
0x29: {  	s4 =	sld [smem:$0x3FA6]  }
0x2a: {  	p0 =	seq.s32 s5, $0x0;
	s5 =	sld [smem:$0x3FA7]  }
0x2b: {  	s6 =	sld [smem:$0x3FA8]  }
0x2c: {  	s7 =	sld [smem:$0x3FA9]  }
0x2d: {  	s3 =	simm.s32 $0x108;
	s8 =	sld [smem:$0x3FAA]  }
0x2e: {  	s3 =	simm.s32 @!p0 $0x1082;
	s9 =	sld [smem:$0x3FAB]  }
0x2f: {  	lr =	sadd.s32 s0, s3;
	s0 =	sld [smem:$0x3FA2]  }
0x30: {  	s3 =	sld [smem:$0x3FA5]  }
0x31: {  	[smem:$0x3FAE] =	sst s10  }
0x32: {  	s10 =	sld [smem:$0x3FAC];
	_ =	sdelay $0x3  }
0x33: {  	p0 =	seq.s32 s10, $0x1;
	s10 =	sld [smem:$0x3FAE];
	_ =	sdelay $0x3  }
0x34: {  	[smem:$0x3FAE] =	sst s10  }
0x35: {  	s10 =	sld [smem:$0x3FAD];
	_ =	sdelay $0x3  }
0x36: {  	p1 =	seq.s32 s10, $0x1;
	s10 =	sld [smem:$0x3FAE];
	_ =	sdelay $0x3  }
0x37: {  	[smem:$0x3FAE] =	sst s10  }
0x38: {  	s10 =	sld [smem:$0x3FAF]  }
0x39: {  	_ = 	snop;
	(pc) =	sbr.ind lr, $3  }
0x3a: {  	_ = 	snop  }
0x3b: {  	_ = 	snop  }
0x3c: {  	p2 =	seq.s32 s10, $0x1;
	s10 =	sld [smem:$0x3FAE]  }
0x3d: {  	_ =	shalt  }
0x3e: {  	_ =	shalt  }
0x3f: {  	_ =	shalt  }
0x40: {  	_ =	shalt  }
0x41: {  	_ =	shalt  }
0x42: {  	_ =	shalt  }
0x43: {  	_ =	shalt  }
0x44: {  	_ =	shalt  }
0x45: {  	_ =	shalt  }
0x46: {  	_ =	shalt  }
0x47: {  	_ =	shalt  }
0x48: {  	_ =	shalt  }
0x49: {  	_ =	shalt  }
0x4a: {  	_ =	shalt  }
0x4b: {  	_ =	shalt  }
0x4c: {  	_ =	shalt  }
0x4d: {  	_ =	shalt  }
0x4e: {  	_ =	shalt  }
0x4f: {  	_ =	shalt  }
0x50: {  	_ =	shalt  }
0x51: {  	_ =	shalt  }
0x52: {  	_ =	shalt  }
0x53: {  	_ =	shalt  }
0x54: {  	_ =	shalt  }
0x55: {  	_ =	shalt  }
0x56: {  	_ =	shalt  }
0x57: {  	_ =	shalt  }
0x58: {  	_ =	shalt  }
0x59: {  	_ =	shalt  }
0x5a: {  	_ =	shalt  }
0x5b: {  	_ =	shalt  }
0x5c: {  	_ =	shalt  }
0x5d: {  	_ =	shalt  }
0x5e: {  	_ =	shalt  }
0x5f: {  	_ =	shalt  }
0x60: {  	_ =	shalt  }
0x61: {  	_ =	shalt  }
0x62: {  	_ =	shalt  }
0x63: {  	_ =	shalt  }
0x64: {  	_ =	shalt  }
0x65: {  	_ =	shalt  }
0x66: {  	_ =	shalt  }
0x67: {  	_ =	shalt  }
0x68: {  	_ =	shalt  }
0x69: {  	_ =	shalt  }
0x6a: {  	_ =	shalt  }
0x6b: {  	_ =	shalt  }
0x6c: {  	_ =	shalt  }
0x6d: {  	_ =	shalt  }
0x6e: {  	_ =	shalt  }
0x6f: {  	_ =	shalt  }
0x70: {  	_ =	shalt  }
0x71: {  	_ =	shalt  }
0x72: {  	_ =	shalt  }
0x73: {  	_ =	shalt  }
0x74: {  	_ =	shalt  }
0x75: {  	_ =	shalt  }
0x76: {  	_ =	shalt  }
0x77: {  	_ =	shalt  }
0x78: {  	_ =	shalt  }
0x79: {  	_ =	shalt  }
0x7a: {  	_ =	shalt  }
0x7b: {  	_ =	shalt  }
0x7c: {  	_ =	shalt  }
0x7d: {  	_ =	shalt  }
0x7e: {  	_ =	shalt  }
0x7f: {  	_ =	shalt  }
0x80: {  	_ =	shalt  }
0x81: {  	_ =	shalt  }
0x82: {  	_ =	shalt  }
0x83: {  	_ =	shalt  }
0x84: {  	_ =	shalt  }
0x85: {  	_ =	shalt  }
0x86: {  	_ =	shalt  }
0x87: {  	_ =	shalt  }
.Lfunc_end0:
.L_simem_size_0:
called_computation_lowered:
.L_overlay_start_0:
0x88: {  	s2 =	sld [smem:$0x3FD9]  }
0x89: {  	s3 =	sld [smem:$0x3FFE];
	_ =	sdelay $0x1  }
0x8a: {  	s1 =	srdreg.scid  }
0x8b: {  	s0 =	sand.u32 $0x1, s1  }
0x8c: {  	s17 =	sshll.u32 s0, $0xA;
	s2 =	sadd.s32 s3, s2  }
0x8d: {  	s2 =	sadd.s32 s2, s17  }
0x8e: {  	[smem:$0x3FBA] =	sst s2  }
0x8f: {  	_ = 	snop  }
0x90: {  	s2 =	sld [smem:$0x3FD0];
	(tm) =	ssettm $0x1  }
0x91: {  	s18 =	sld [smem:$0x3FFB];
	_ =	sdelay $0x3  }
0x92: {  	_ =	strace s18  }
0x93: {  	s3 =	sld [smem:$0x3FFC];
	_ =	sdelay $0x3  }
0x94: {  	_ =	strace s3  }
0x95: {  	s3 =	sld [smem:$0x3FFD];
	_ =	sdelay $0x3  }
0x96: {  	_ =	strace s3  }
0x97: {  	_ =	strace $0x8FFFFFFF  }
0x98: {  	s19 =	sld [smem:$0x3FDB];
	_ =	sdelay $0x1  }
0x99: {  	s4 =	simm.s32 $_scs_section_size  }
0x9a: {  	s5 =	simm.s32 $_size__tile_overlayer_lowered;
	s6 =	simm.s32 $_tile_overlayer_lowered  }
0x9b: {  	s22 =	simm.s32 $0x1BFF;
	s21 =	sshll.u32 s6, $0x1;
	s3 =	sadd.s32 s4, s19  }
0x9c: {  	s7 =	simm.s32 $0x0;
	s20 =	sshll.u32 s5, $0x1;
	s5 =	sadd.s32 s21, s3  }
0x9d: {  	[timem:s7], [sflag:s22] =	dma.local [hbm:s5], s20  }
0x9e: {  	_ =	swait.ge [sflag:s22], s20  }
0x9f: {  	s4 =	ssub.s32 $0x0, s20;
	[sflag:s22] =	ssyncset.done $0x0  }
0xa0: {  	[sflag:s22] =	ssyncadd.s32 s4;
	_ =	sdelay $0x1  }
0xa1: {  	s23 =	simm.s32 $0x1B8B  }
0xa2: {  	_ =	swait.ge [sflag:s23], $0x1  }
0xa3: {  	[sflag:s23] =	ssyncset.done $0x0  }
0xa4: {  	s25 =	simm.s32 $0x1B8E;
	s24 =	sld [smem:$0x3FFE];
	[sflag:s23] =	ssyncadd.s32 $0xFFFFFFFF  }
0xa5: {  	s26 =	simm.s32 $execute0_lowered;
	[smem:$0x3FD2] =	sst s25  }
0xa6: {  	s5 =	sshll.u32 s26, $0x1;
	_ =	strace $0x80000046;
	[dreg:$0x1] =	wrdreg $0xFFFFFFFF  }
0xa7: {  	s28 =	simm.s32 $_size_execute0_lowered;
	s3 =	sadd.s32 s3, s5;
	[dreg:$0x0] =	wrdreg $0x0  }
0xa8: {  	s5 =	sshll.u32 s28, $0x1;
	[dreg:$0x2] =	wrdreg s3  }
0xa9: {  	[dreg:$0x3] =	wrdreg s5  }
0xaa: {  	[dreg:$0x4] =	wrdreg $0xC0  }
0xab: {  	_ =	task [dreg:s7], $0x5FFFF  }
0xac: {  	[dreg:$0x1] =	wrdreg $0xFFFFFFFF  }
0xad: {  	[dreg:$0x0] =	wrdreg $0x60  }
0xae: {  	[dreg:$0x2] =	wrdreg s24  }
0xaf: {  	[dreg:$0x3] =	wrdreg s2  }
0xb0: {  	[dreg:$0x4] =	wrdreg $0x29900  }
0xb1: {  	[dreg:$0x5] =	wrdreg $0x9  }
0xb2: {  	_ =	task.clear_ibuf [dreg:s7], $0x6FFFF;
	_ =	strace $0x90000046  }
0xb3: {  	s29 =	simm.s32 $0x9;
	_ =	strace $0x80000048  }
0xb4: {  	_ =	swait.ge [sflag:s29], $0x1  }
0xb5: {  	[sflag:s29] =	ssyncadd.s32 $0xFFFFFFFF  }
0xb6: {  	_ =	strace $0x90000048  }
0xb7: {  	_ =	sfence  }
0xb8: {  	s30 =	sld [smem:$0x0];
	_ =	sdelay $0x2  }
0xb9: {  	s31 =	sshll.u32 s1, $0xD;
	s1 =	sshrl.u32 s1, $0x2  }
0xba: {  	s3 =	sand.u32 $0x4000, s31;
	s1 =	sadd.s32 s1, s30  }
0xbb: {  	s0 =	sor.u32 s3, s0;
	s1 =	sshll.u32 s1, $0x11  }
0xbc: {  	s0 =	sor.u32 s1, s0  }
0xbd: {  	s0 =	sadd.s32 $0x8F2B, s0  }
0xbe: {  	[sflag:s0] =	ssyncadd.remote.s32 $0x1  }
0xbf: {  	_ =	sfence.sel $0xFFFF  }
0xc0: {  	[dreg:$0x0] =	wrdreg $0xFFFFFFFF;
	(pc) =	sbr.abs _section_cstart, $3  }
0xc1: {  	[dreg:$0x1] =	wrdreg $0xFFFFFFFF  }
0xc2: {  	_ =	task.clear_ibuf [dreg:s7], $0x2FFFF;
	_ =	strace $0x9FFFFFFF  }
0xc3: {  	(tm) =	ssettm $0x7FFFFFFF  }
tec
execute0_lowered:
.L_overlay_start_1:
0x0: {  	(tag) =	ssettag $0x1  }
0x1: {  	s5 =	rddreg [dreg:$0x0]  }
0x2: {  	s1 =	srdreg.scid;
	s8 =	rddreg [dreg:$0x1]  }
0x3: {  	s0 =	stileid.u32;
	s2 =	rddreg [dreg:$0x2]  }
0x4: {  	s3 =	simm.s32 $0x0;
	s6 =	sand.u32 $0x1, s1;
	s1 =	rddreg [dreg:$0x3]  }
0x5: {  	s30 =	sshll.u32 s0, $0x1;
	[smem:$0x7FF] =	sst s3;
	s7 =	smul.u32 $0x13C0, s0  }
0x6: {  	s31 =	sshll.u32 s0, $0x6;
	s4 =	sor.u32 s6, s30;
	_ =	strace $0x80000047  }
0x7: {  	s10 =	ssub.s32 $0x2, s6;
	s12 =	smul.u32 $0x2780, s6;
	s6 =	sor.u32 $0x1C01, s31  }
0x8: {  	s4 =	smul.u32 $0x4E2, s4;
	s13 =	sshrl.u32 s7, $0x3;
	s11 =	sshrl.u32 s10, $0x1  }
0x9: {  	s14 =	sadd.s32 s7, s2;
	s10 =	ssub.s32 s10, s11;
	s15 =	sadd.s32 s8, s12  }
0xa: {  	s11 =	simm.s32 $0x2710;
	s12 =	simm.s32 $0x50;
	s9 =	sadd.s32 s4, s5  }
0xb: {  	s4 =	sadd.s32 $0x19C00, s5;
	s5 =	sadd.s32 s13, s5;
	s8 =	smax.u32 s10, $0x1  }
0xc: {  	s10 =	simm.s32 $0x1;
	s13 =	sadd.s32 s13, s15;
	s5 =	sadd.s32 $0x17400, s5  }
0xd: {  	s7 =	sadd.s32 $0xD600, s9;
	s9 =	sshrl.u32 s14, $0x3;
	s14 =	simm.s32 $0x0  }
.LBB2_1:
0xe: {  	[spmem:s9], [sflag:s6] =	dma.local [hbm:s5], $0x278  }
0xf: {  	_ =	swait.ge [sflag:s10], $0x278  }
0x10: {  	[sflag:s10] =	ssyncset.done $0x0  }
0x11: {  	[sflag:s10] =	ssyncadd.s32 $0xFFFFFD88  }
0x12: {  	[tilespmem:s3], [sflag:$0x1] =	stream.linear.gather [hbm4b:s7+s3], $0x2710, $0x38;
	[tilespmem:$0x3D50] =	vst v63  }
0x13: {  	_ =	swait.ge [sflag:s10], $0x2710  }
0x14: {  	[sflag:s10] =	ssyncset.done $0x0  }
0x15: {  	[sflag:s10] =	ssyncadd.s32 $0xFFFFD8F0  }
0x16: {  	[tilespmem:s11], [sflag:$0x1] =	stream.linear.gather [hbm4b:s4+s3], $0x280, $0x38;
	[tilespmem:$0x3D50] =	vst v63  }
0x17: {  	_ =	swait.ge [sflag:s10], $0x280  }
0x18: {  	[sflag:s10] =	ssyncset.done $0x0  }
0x19: {  	[sflag:s10] =	ssyncadd.s32 $0xFFFFFD80  }
0x1a: {  	s15 =	simm.s32 $0x0;
	[bflag:$0x0] =	sbarrier.arrive $0xFFFF  }
0x1b: {  	[spmem:s2] =	stream.indirect.scatter.add.f32 [tilespmem:s11], [sflag:$0x1], $0x8, s15, s12, $0xb8;
	[tilespmem:$0x3D50] =	vst v63  }
0x1c: {  	_ =	swait.ge [sflag:s10], $0x280  }
0x1d: {  	s15 =	simm.s32 $0x140;
	[sflag:s10] =	ssyncset.done $0x0  }
.LBB2_2:
0x1e: {  	s16 =	sshra.s32 s15, $0x2;
	[sflag:s10] =	ssyncadd.s32 $0xFFFFFD80;
	p0 =	sne.s32 s15, $0x9B00  }
0x1f: {  	[spmem:s2] =	stream.indirect.scatter.add.f32 [tilespmem:s11], [sflag:$0x1], $0x8, s16, s12, $0xb8;
	[tilespmem:$0x3D50] =	vst v63  }
.Ltmp0:
0x20: {  	_ = 	snop;
	(pc) =	sbr.rel @p0 .LBB2_2-.Ltmp0, $4  }
0x21: {  	_ = 	snop  }
0x22: {  	s15 =	sadd.s32 $0x140, s15  }
0x23: {  	_ =	swait.ge [sflag:s10], $0x280  }
0x24: {  	[sflag:s10] =	ssyncset.done $0x0  }
0x25: {  	s14 =	sadd.s32 $0x1, s14  }
0x26: {  	[sflag:s10] =	ssyncadd.s32 $0xFFFFFD80;
	p0 =	sne.s32 s14, s8  }
.Ltmp1:
0x27: {  	[bflag:$0x0] =	sbarrier.arrive $0xFFFF;
	(pc) =	sbr.rel @p0 .LBB2_1-.Ltmp1, $4  }
0x28: {  	[hbm:s13], [sflag:s6] =	dma.local [spmem:s9], $0x278  }
0x29: {  	_ =	swait.ge [sflag:s10], $0x278  }
0x2a: {  	[sflag:s10] =	ssyncset.done $0x0  }
0x2b: {  	[sflag:s10] =	ssyncadd.s32 $0xFFFFFD88  }
0x2c: {  	_ =	sfence.sel $0x180000  }
0x2d: {  	[bflag:$0x0] =	sbarrier.arrive $0xFFFF  }
0x2e: {  	p0 =	sne.s32 s0, $0x0;
	_ =	strace $0x90000047  }
0x2f: {  	s0 =	sadd.s32 @!p0 $0x100000, s1;
	[bflag:$0x2] =	sbarrier.arrive $0xFFFF  }
0x30: {  	[sflag:s0] =	ssyncadd.tile.s32 @!p0 $0x1;
	_ =	shalt  }
.Lfunc_end2:
_tile_overlayer_lowered:
.L_overlay_start_2:
0x31: {  	(tag) =	ssettag $0x2  }
0x32: {  	s0 =	rddreg [dreg:$0x0];
	s2 =	stileid.u32  }
0x33: {  	s1 =	rddreg [dreg:$0x1];
	p0 =	sne.s32 s2, $0x0  }
0x34: {  	s3 =	rddreg [dreg:$0x2];
	[bflag:$0x3] =	sbarrier.arrive $0xFFFF;
	s2 =	simm.s32 @!p0 $0x1C01  }
0x35: {  	[timem:s3], [sflag:s2] =	dma.local @!p0 [hbm:s0], s1  }
0x36: {  	s0 =	simm.s32 @!p0 $0x1  }
0x37: {  	_ =	swait.ge @!p0 [sflag:s0], s1  }
0x38: {  	s1 =	ssub.s32 @!p0 $0x0, s1;
	[sflag:s0] =	ssyncset.done @!p0 $0x0  }
0x39: {  	[sflag:s0] =	ssyncadd.s32 @!p0 s1  }
0x3a: {  	[bflag:$0x3] =	sbarrier.arrive $0xFFFF  }
0x3b: {  	_ =	shalt  }

</sc_bundles>
